<compile_context>
chip_gen: v7x
topology: tpu7x:2x2x1
jax: 0.10.2.dev20260603
libtpu: 0.0.44.dev20260713+nightly
codegen_flags: <defaults>
</compile_context>

<pallas_src>
import functools

import jax
import jax.numpy as jnp
from jax import lax
from jax.experimental import pallas as pl
from jax.experimental.pallas import tpu as pltpu
from jax.experimental.pallas import tpu_sc as plsc

_NUM_ENTITIES = 100000
_NUM_PREDICATES = 100
_EMBED_DIM = 32
_BUDGET = 1024

_TBL_SIZE = 1 << 21
_TBL_ROWS = _TBL_SIZE // 16

_NC = 2
_NS = 16
_NW = _NC * _NS


def _i32(x):
    return jnp.asarray(x, jnp.int32)


def _table_body(ent_ref, ents_ref, rel_ref, known_ref, out_ref):
    es = ents_ref[...]
    e = ent_ref[...]
    g = es[:, None, :] * e[None, :, :]
    g2 = g.reshape(16 * 128, 32)
    t = lax.dot_general(
        g2, rel_ref[...], (((1,), (1,)), ((), ())),
        preferred_element_type=jnp.float32,
        precision=lax.Precision.HIGHEST)
    sig = jax.nn.sigmoid(t)
    lane_p = lax.broadcasted_iota(jnp.int32, t.shape, 1)
    force_one = (known_ref[...] != 0) | (lane_p == 0)
    out_ref[...] = jnp.where(force_one, jnp.float32(1.0), sig)


def _build_table(ent128, rel128, known32):
    return pl.pallas_call(
        _table_body,
        grid=(8,),
        in_specs=[
            pl.BlockSpec((128, 32), lambda i: (_i32(0), _i32(0))),
            pl.BlockSpec((16, 32), lambda i: (_i32(i), _i32(0))),
            pl.BlockSpec((128, 32), lambda i: (_i32(0), _i32(0))),
            pl.BlockSpec((2048, 128), lambda i: (_i32(i), _i32(0))),
        ],
        out_specs=pl.BlockSpec((2048, 128), lambda i: (_i32(i), _i32(0))),
        out_shape=jax.ShapeDtypeStruct((16384, 128), jnp.float32),
    )(ent128, ent128, rel128, known32)


_GPW = (16 * 8192) // _NW
_CHUNK = 128
_STEPS = _GPW // _CHUNK


def _conf_body(body_hbm, tbl_hbm, mask_hbm, conf_hbm,
               body_v, rowidx_v, col_v, rows_v, mask_v, conf_v, sem):
    wid = (lax.axis_index("s").astype(jnp.int32) * jnp.int32(_NC)
           + lax.axis_index("c").astype(jnp.int32))
    lanes = lax.iota(jnp.int32, 16)

    def step(i, carry):
        i = i.astype(jnp.int32)
        gbase = wid * jnp.int32(_GPW) + i * jnp.int32(_CHUNK)
        pltpu.sync_copy(
            body_hbm.at[pl.ds(gbase * jnp.int32(12), _CHUNK * 12)], body_v)
        pltpu.sync_copy(mask_hbm.at[pl.ds(gbase, _CHUNK)], mask_v)
        for m in range(4):
            for j in range(8):
                a = (j * 16 + lanes) * 12 + m * 3
                p = plsc.load_gather(body_v, [a])
                s = plsc.load_gather(body_v, [a + 1])
                o = plsc.load_gather(body_v, [a + 2])
                rowidx_v[m, pl.ds(j * 16, 16)] = s * 128 + o
                col_v[m, pl.ds(j * 16, 16)] = p
        copies = [
            pltpu.async_copy(tbl_hbm.at[rowidx_v.at[jnp.int32(m)]],
                             rows_v.at[jnp.int32(m)], sem)
            for m in range(4)
        ]
        for cp in copies:
            cp.wait()
        for j in range(8):
            acc = mask_v[pl.ds(j * 16, 16)]
            slot = j * 16 + lanes
            for m in range(4):
                colv = col_v[m, pl.ds(j * 16, 16)]
                mm = jnp.full((16,), m, jnp.int32)
                sc = plsc.load_gather(rows_v, [mm, slot, colv])
                acc = acc * sc
            conf_v[pl.ds(i * jnp.int32(_CHUNK) + jnp.int32(j * 16), 16)] = acc
        return carry

    lax.fori_loop(jnp.int32(0), jnp.int32(_STEPS), step, jnp.int32(0))
    pltpu.sync_copy(conf_v, conf_hbm.at[pl.ds(wid * jnp.int32(_GPW), _GPW)])


def _compute_conf(body_flat, tbl_rows, mask_f):
    kfn = functools.partial(
        pl.kernel,
        mesh=plsc.VectorSubcoreMesh(core_axis_name="c", subcore_axis_name="s"),
        compiler_params=pltpu.CompilerParams(needs_layout_passes=False),
        out_type=jax.ShapeDtypeStruct((16 * 8192,), jnp.float32),
        scratch_types=[
            pltpu.VMEM((_CHUNK * 12,), jnp.int32),
            pltpu.VMEM((4, _CHUNK), jnp.int32),
            pltpu.VMEM((4, _CHUNK), jnp.int32),
            pltpu.VMEM((4, _CHUNK, 128), jnp.float32),
            pltpu.VMEM((_CHUNK,), jnp.float32),
            pltpu.VMEM((_GPW,), jnp.float32),
            pltpu.SemaphoreType.DMA,
        ],
    )(_conf_body)
    return kfn(body_flat, tbl_rows, mask_f)


def _known_bitmap(fact_hashes, fp_hashes):
    hashes = jnp.concatenate([fact_hashes, fp_hashes])
    ht = hashes.dtype
    esq = jnp.asarray(_NUM_ENTITIES, ht) * jnp.asarray(_NUM_ENTITIES, ht)
    rmax = jnp.int32(_NUM_PREDICATES * _NUM_ENTITIES)
    if ht == jnp.int64:
        p32 = jnp.clip(
            jnp.round(hashes.astype(jnp.float32) * jnp.float32(1e-10))
            .astype(jnp.int32), 0, _NUM_PREDICATES - 1)
        rem = hashes - p32.astype(ht) * esq
        valid = (rem >= 0) & (rem < rmax.astype(ht))
    else:
        p32 = jnp.arange(_NUM_PREDICATES, dtype=jnp.int32)[:, None]
        rem = hashes[None, :] - p32.astype(ht) * esq
        valid = (rem >= 0) & (rem < rmax.astype(ht))
    rem32 = rem.astype(jnp.int32)
    s = rem32 // jnp.int32(_NUM_ENTITIES)
    o = rem32 % jnp.int32(_NUM_ENTITIES)
    valid = valid & (s < _NUM_PREDICATES) & (o < _NUM_PREDICATES)
    c = s * 16384 + o * 128 + p32
    c = jnp.where(valid, c, _TBL_SIZE)
    bm = jnp.zeros((_TBL_SIZE,), jnp.bool_).at[c.reshape(-1)].set(
        True, mode="drop")
    return bm.astype(jnp.int32).reshape(16384, 128)


def kernel(body, mask, rule_idx, ent_emb, rel_emb, fact_hashes, fp_hashes):
    B, tG, M, _ = body.shape
    body32 = body.astype(jnp.int32).reshape(-1)
    mask_f = mask.astype(jnp.float32).reshape(-1)

    known32 = _known_bitmap(fact_hashes, fp_hashes)
    ent128 = ent_emb[:128].astype(jnp.float32)
    rel128 = jnp.zeros((128, _EMBED_DIM), jnp.float32).at[:_NUM_PREDICATES].set(
        rel_emb.astype(jnp.float32))

    tbl = _build_table(ent128, rel128, known32)

    conf = _compute_conf(body32, tbl, mask_f).reshape(B, tG)

    top_conf, top_idx = jax.lax.top_k(conf, _BUDGET)
    body_out = jnp.take_along_axis(body, top_idx[:, :, None, None], axis=1)
    mask_out = jnp.take_along_axis(mask, top_idx, axis=1)
    rule_out = jnp.take_along_axis(rule_idx, top_idx, axis=1)
    return body_out, mask_out, rule_out, top_conf

# --- scband reference (transcript-rebuilt; emitter-appended) ---
"""Pipeline reference for scband-soft-scorer-27144193311411 (READ-ONLY COPY).

The authoritative reference and input builder live on the scoring server;
editing this copy changes nothing except your own understanding.
"""

import jax, jax.numpy as jnp
import numpy as np
jax.config.update("jax_enable_x64", True)

PADDING_IDX = 0
NUM_ENTITIES = 100000
NUM_PREDICATES = 100
EMBED_DIM = 32
OUTPUT_BUDGET = 1024


def _in_sorted(h, sorted_hashes):
    # membership test of h in a sorted 1-D hash array (stand-in for FactIndex.exists / check_in_fp_global)
    pos = jnp.searchsorted(sorted_hashes, h)
    pos = jnp.clip(pos, 0, sorted_hashes.shape[0] - 1)
    return jnp.take(sorted_hashes, pos) == h


def setup_inputs(seed: int = 0) -> dict:
    key = jax.random.key(seed)
    k1, k2, k3, k4, k5, k6, k7 = jax.random.split(key, 7)
    B, tG, M = 16, 8192, 4
    body = jax.random.randint(k1, (B, tG, M, 3), 0, NUM_PREDICATES, dtype=jnp.int64)
    mask = jax.random.randint(k2, (B, tG), 0, 2, dtype=jnp.int64).astype(bool)
    rule_idx = jax.random.randint(k3, (B, tG), 0, 64, dtype=jnp.int64)
    # learned KGE parameters (DistMult-style): entity + relation embedding tables
    ent_emb = jax.random.normal(k4, (NUM_ENTITIES, EMBED_DIM), dtype=jnp.float32) * 0.1
    rel_emb = jax.random.normal(k5, (NUM_PREDICATES, EMBED_DIM), dtype=jnp.float32) * 0.1
    # precomputed sorted hash buffers: known facts and forward-chaining fixpoint (_fp_global_hashes)
    hmax = NUM_PREDICATES * NUM_ENTITIES * NUM_ENTITIES
    fact_hashes = jnp.sort(jax.random.randint(k6, (50000,), 0, hmax, dtype=jnp.int64))
    fp_hashes = jnp.sort(jax.random.randint(k7, (20000,), 0, hmax, dtype=jnp.int64))
    return {"body": body, "mask": mask, "rule_idx": rule_idx, "ent_emb": ent_emb, "rel_emb": rel_emb, "fact_hashes": fact_hashes, "fp_hashes": fp_hashes}


def reference(body, mask, rule_idx, ent_emb, rel_emb, fact_hashes, fp_hashes):
    B, tG, M, _ = body.shape
    body_active = body[..., 0] != PADDING_IDX
    flat = body.reshape(-1, 3)
    # hash each (p, s, o) atom: p*E*E + s*E + o
    h = flat[:, 0] * (NUM_ENTITIES * NUM_ENTITIES) + flat[:, 1] * NUM_ENTITIES + flat[:, 2]
    is_fact = _in_sorted(h, fact_hashes).reshape(B, tG, M)
    in_fp_global = _in_sorted(h, fp_hashes).reshape(B, tG, M)
    is_known = is_fact | in_fp_global
    # mode='kge': soft = sigmoid(kge.score_atoms(p, s, o)) with DistMult scoring
    p = jnp.take(rel_emb, flat[:, 0], axis=0)
    s = jnp.take(ent_emb, flat[:, 1], axis=0)
    o = jnp.take(ent_emb, flat[:, 2], axis=0)
    soft = jax.nn.sigmoid(jnp.sum(p * s * o, axis=-1)).reshape(B, tG, M)
    atom_scores = jnp.where(is_known, jnp.ones_like(soft), soft)
    atom_scores = jnp.where(body_active, atom_scores, jnp.ones_like(atom_scores))
    conf = jnp.prod(atom_scores, axis=-1) * mask.astype(jnp.float32)
    # _topk_select: keep output_budget best groundings per batch row
    top_conf, top_idx = jax.lax.top_k(conf, OUTPUT_BUDGET)
    body_out = jnp.take_along_axis(body, top_idx[:, :, None, None], axis=1)
    mask_out = jnp.take_along_axis(mask, top_idx, axis=1)
    rule_out = jnp.take_along_axis(rule_idx, top_idx, axis=1)
    return body_out, mask_out, rule_out, top_conf

if __name__ == "__main__":
    import jax
    _d = setup_inputs()
    print(jax.jit(kernel)(*tuple(_d.values())))

</pallas_src>

<mosaic_0001>
#map = affine_map<(d0, d1) -> (0)>
#map1 = affine_map<(d0, d1) -> (0, 0)>
module attributes {stable_mosaic.version = 14 : i64} {
  func.func @_conf_body(%arg0: i32, %arg1: i32, %arg2: memref<1572864xi32, #tpu.memory_space<hbm>>, %arg3: memref<16384x128xf32, #tpu.memory_space<hbm>>, %arg4: memref<131072xf32, #tpu.memory_space<hbm>>, %arg5: memref<131072xf32, #tpu.memory_space<hbm>>, %arg6: memref<1536xi32, #tpu.memory_space<vmem>>, %arg7: memref<4x128xi32, #tpu.memory_space<vmem>>, %arg8: memref<4x128xi32, #tpu.memory_space<vmem>>, %arg9: memref<4x128x128xf32, #tpu.memory_space<vmem>>, %arg10: memref<128xf32, #tpu.memory_space<vmem>>, %arg11: memref<4096xf32, #tpu.memory_space<vmem>>, %arg12: memref<!tpu.dma_semaphore, #tpu.memory_space<semaphore_mem>>) attributes {dimension_semantics = [#tpu.dimension_semantics<core_parallel>, #tpu.dimension_semantics<subcore_parallel>], iteration_bounds = array<i64: 2, 16>, scalar_prefetch = 0 : i64, scratch_operands = 7 : i64, tpu.core_type = #tpu.core_type<sc_vector_subcore>, window_params = [{transform_indices = #map}, {transform_indices = #map1}, {transform_indices = #map}, {transform_indices = #map}]} {
    %mul3A = arith.constant 2 : i32
    %mul3A_0 = arith.muli %arg1, %mul3A : i32
    %add3A = arith.addi %mul3A_0, %arg0 : i32
    %iota3A = tpu.iota {dimensions = array<i32: 0>} : vector<16xi32>
    %while3A = arith.constant 0 : i32
    %while3A_1 = arith.constant 0 : i32
    %while3A_2 = arith.constant 32 : i32
    %while3A_3 = arith.subi %while3A_2, %while3A_1 : i32
    %while3A_4 = arith.addi %while3A_1, %while3A_3 : i32
    %while3A_5 = arith.constant 1 : i32
    %while3A_6 = arith.divsi %while3A_3, %while3A_5 : i32
    %while3A_7 = arith.muli %while3A_6, %while3A_5 : i32
    %while3A_8 = arith.addi %while3A_1, %while3A_7 : i32
    %while3A_9 = arith.constant 1 : i32
    scf.for %while3A_13 = %while3A_1 to %while3A_8 step %while3A_9  : i32 {
      %mul3A_14 = arith.constant 4096 : i32
      %mul3A_15 = arith.muli %add3A, %mul3A_14 : i32
      %mul3A_16 = arith.constant 128 : i32
      %mul3A_17 = arith.muli %while3A_13, %mul3A_16 : i32
      %add3A_18 = arith.addi %mul3A_15, %mul3A_17 : i32
      %mul3A_19 = arith.constant 12 : i32
      %mul3A_20 = arith.muli %add3A_18, %mul3A_19 : i32
      "tpu.region"() ({
        %run_scoped3A = tpu.sem_alloc : memref<!tpu.dma_semaphore, #tpu.memory_space<semaphore_mem>>
        %dma_start3A_1415 = tpu.memref_slice %arg2[%mul3A_20] : memref<1572864xi32, #tpu.memory_space<hbm>> -> memref<1536xi32, #tpu.memory_space<hbm>>
        %dma_start3A_1416 = tpu.memref_slice %arg2[%mul3A_20] : memref<1572864xi32, #tpu.memory_space<hbm>> -> memref<1536xi32, #tpu.memory_space<hbm>>
        tpu.enqueue_dma source(%dma_start3A_1416 : memref<1536xi32, #tpu.memory_space<hbm>>) target(%arg6 : memref<1536xi32, #tpu.memory_space<vmem>>) target_semaphore(%run_scoped3A : memref<!tpu.dma_semaphore, #tpu.memory_space<semaphore_mem>>)
        %dma_wait3A_1417 = tpu.memref_slice %arg2[%mul3A_20] : memref<1572864xi32, #tpu.memory_space<hbm>> -> memref<1536xi32, #tpu.memory_space<hbm>>
        %dma_wait3A_1418 = tpu.memref_slice %arg2[%mul3A_20] : memref<1572864xi32, #tpu.memory_space<hbm>> -> memref<1536xi32, #tpu.memory_space<hbm>>
        tpu.wait_dma2 semaphore(%run_scoped3A : memref<!tpu.dma_semaphore, #tpu.memory_space<semaphore_mem>>) src(%dma_wait3A_1418 : memref<1536xi32, #tpu.memory_space<hbm>>) dst(%arg6 : memref<1536xi32, #tpu.memory_space<vmem>>)
        tpu.yield
      }) : () -> ()
      "tpu.region"() ({
        %run_scoped3A = tpu.sem_alloc : memref<!tpu.dma_semaphore, #tpu.memory_space<semaphore_mem>>
        %dma_start3A_1415 = tpu.memref_slice %arg4[%add3A_18] : memref<131072xf32, #tpu.memory_space<hbm>> -> memref<128xf32, #tpu.memory_space<hbm>>
        %dma_start3A_1416 = tpu.memref_slice %arg4[%add3A_18] : memref<131072xf32, #tpu.memory_space<hbm>> -> memref<128xf32, #tpu.memory_space<hbm>>
        tpu.enqueue_dma source(%dma_start3A_1416 : memref<128xf32, #tpu.memory_space<hbm>>) target(%arg10 : memref<128xf32, #tpu.memory_space<vmem>>) target_semaphore(%run_scoped3A : memref<!tpu.dma_semaphore, #tpu.memory_space<semaphore_mem>>)
        %dma_wait3A_1417 = tpu.memref_slice %arg4[%add3A_18] : memref<131072xf32, #tpu.memory_space<hbm>> -> memref<128xf32, #tpu.memory_space<hbm>>
        %dma_wait3A_1418 = tpu.memref_slice %arg4[%add3A_18] : memref<131072xf32, #tpu.memory_space<hbm>> -> memref<128xf32, #tpu.memory_space<hbm>>
        tpu.wait_dma2 semaphore(%run_scoped3A : memref<!tpu.dma_semaphore, #tpu.memory_space<semaphore_mem>>) src(%dma_wait3A_1418 : memref<128xf32, #tpu.memory_space<hbm>>) dst(%arg10 : memref<128xf32, #tpu.memory_space<vmem>>)
        tpu.yield
      }) : () -> ()
      %add3A_21 = arith.constant 0 : i32
      %add3A_22 = vector.broadcast %add3A_21 : i32 to vector<16xi32>
      %add3A_23 = arith.addi %add3A_22, %iota3A : vector<16xi32>
      %mul3A_24 = arith.constant 12 : i32
      %mul3A_25 = vector.broadcast %mul3A_24 : i32 to vector<16xi32>
      %mul3A_26 = arith.muli %add3A_23, %mul3A_25 : vector<16xi32>
      %add3A_27 = arith.constant 0 : i32
      %add3A_28 = vector.broadcast %add3A_27 : i32 to vector<16xi32>
      %add3A_29 = arith.addi %mul3A_26, %add3A_28 : vector<16xi32>
      %gather3A = tpu.vector_load_idx %arg6[%add3A_29] : memref<1536xi32, #tpu.memory_space<vmem>>[vector<16xi32>], vector<16xi32>,
      %add3A_30 = arith.constant 1 : i32
      %add3A_31 = vector.broadcast %add3A_30 : i32 to vector<16xi32>
      %add3A_32 = arith.addi %add3A_29, %add3A_31 : vector<16xi32>
      %gather3A_33 = tpu.vector_load_idx %arg6[%add3A_32] : memref<1536xi32, #tpu.memory_space<vmem>>[vector<16xi32>], vector<16xi32>,
      %add3A_34 = arith.constant 2 : i32
      %add3A_35 = vector.broadcast %add3A_34 : i32 to vector<16xi32>
      %add3A_36 = arith.addi %add3A_29, %add3A_35 : vector<16xi32>
      %gather3A_37 = tpu.vector_load_idx %arg6[%add3A_36] : memref<1536xi32, #tpu.memory_space<vmem>>[vector<16xi32>], vector<16xi32>,
      %mul3A_38 = arith.constant 128 : i32
      %mul3A_39 = vector.broadcast %mul3A_38 : i32 to vector<16xi32>
      %mul3A_40 = arith.muli %gather3A_33, %mul3A_39 : vector<16xi32>
      %add3A_41 = arith.addi %mul3A_40, %gather3A_37 : vector<16xi32>
      %swap3A = arith.constant 0 : i64
      %swap3A_42 = arith.index_cast %swap3A : i64 to index
      %swap3A_43 = arith.constant 0 : index
      %swap3A_44 = tpu.vector_load %arg7[%swap3A_42, %swap3A_43] {strides = array<i32>} : memref<4x128xi32, #tpu.memory_space<vmem>>, vector<16xi32>,
      tpu.vector_store %arg7[%swap3A_42, %swap3A_43], %add3A_41 {strides = array<i32>} : memref<4x128xi32, #tpu.memory_space<vmem>>, vector<16xi32>,
      %swap3A_45 = arith.constant 0 : i64
      %swap3A_46 = arith.index_cast %swap3A_45 : i64 to index
      %swap3A_47 = arith.constant 0 : index
      %swap3A_48 = tpu.vector_load %arg8[%swap3A_46, %swap3A_47] {strides = array<i32>} : memref<4x128xi32, #tpu.memory_space<vmem>>, vector<16xi32>,
      tpu.vector_store %arg8[%swap3A_46, %swap3A_47], %gather3A {strides = array<i32>} : memref<4x128xi32, #tpu.memory_space<vmem>>, vector<16xi32>,
      %add3A_49 = arith.constant 16 : i32
      %add3A_50 = vector.broadcast %add3A_49 : i32 to vector<16xi32>
      %add3A_51 = arith.addi %add3A_50, %iota3A : vector<16xi32>
      %mul3A_52 = arith.constant 12 : i32
      %mul3A_53 = vector.broadcast %mul3A_52 : i32 to vector<16xi32>
      %mul3A_54 = arith.muli %add3A_51, %mul3A_53 : vector<16xi32>
      %add3A_55 = arith.constant 0 : i32
      %add3A_56 = vector.broadcast %add3A_55 : i32 to vector<16xi32>
      %add3A_57 = arith.addi %mul3A_54, %add3A_56 : vector<16xi32>
      %gather3A_58 = tpu.vector_load_idx %arg6[%add3A_57] : memref<1536xi32, #tpu.memory_space<vmem>>[vector<16xi32>], vector<16xi32>,
      %add3A_59 = arith.constant 1 : i32
      %add3A_60 = vector.broadcast %add3A_59 : i32 to vector<16xi32>
      %add3A_61 = arith.addi %add3A_57, %add3A_60 : vector<16xi32>
      %gather3A_62 = tpu.vector_load_idx %arg6[%add3A_61] : memref<1536xi32, #tpu.memory_space<vmem>>[vector<16xi32>], vector<16xi32>,
      %add3A_63 = arith.constant 2 : i32
      %add3A_64 = vector.broadcast %add3A_63 : i32 to vector<16xi32>
      %add3A_65 = arith.addi %add3A_57, %add3A_64 : vector<16xi32>
      %gather3A_66 = tpu.vector_load_idx %arg6[%add3A_65] : memref<1536xi32, #tpu.memory_space<vmem>>[vector<16xi32>], vector<16xi32>,
      %mul3A_67 = arith.constant 128 : i32
      %mul3A_68 = vector.broadcast %mul3A_67 : i32 to vector<16xi32>
      %mul3A_69 = arith.muli %gather3A_62, %mul3A_68 : vector<16xi32>
      %add3A_70 = arith.addi %mul3A_69, %gather3A_66 : vector<16xi32>
      %swap3A_71 = arith.constant 0 : i64
      %swap3A_72 = arith.index_cast %swap3A_71 : i64 to index
      %swap3A_73 = arith.constant 16 : index
      %swap3A_74 = tpu.vector_load %arg7[%swap3A_72, %swap3A_73] {strides = array<i32>} : memref<4x128xi32, #tpu.memory_space<vmem>>, vector<16xi32>,
      tpu.vector_store %arg7[%swap3A_72, %swap3A_73], %add3A_70 {strides = array<i32>} : memref<4x128xi32, #tpu.memory_space<vmem>>, vector<16xi32>,
      %swap3A_75 = arith.constant 0 : i64
      %swap3A_76 = arith.index_cast %swap3A_75 : i64 to index
      %swap3A_77 = arith.constant 16 : index
      %swap3A_78 = tpu.vector_load %arg8[%swap3A_76, %swap3A_77] {strides = array<i32>} : memref<4x128xi32, #tpu.memory_space<vmem>>, vector<16xi32>,
      tpu.vector_store %arg8[%swap3A_76, %swap3A_77], %gather3A_58 {strides = array<i32>} : memref<4x128xi32, #tpu.memory_space<vmem>>, vector<16xi32>,
      %add3A_79 = arith.constant 32 : i32
      %add3A_80 = vector.broadcast %add3A_79 : i32 to vector<16xi32>
      %add3A_81 = arith.addi %add3A_80, %iota3A : vector<16xi32>
      %mul3A_82 = arith.constant 12 : i32
      %mul3A_83 = vector.broadcast %mul3A_82 : i32 to vector<16xi32>
      %mul3A_84 = arith.muli %add3A_81, %mul3A_83 : vector<16xi32>
      %add3A_85 = arith.constant 0 : i32
      %add3A_86 = vector.broadcast %add3A_85 : i32 to vector<16xi32>
      %add3A_87 = arith.addi %mul3A_84, %add3A_86 : vector<16xi32>
      %gather3A_88 = tpu.vector_load_idx %arg6[%add3A_87] : memref<1536xi32, #tpu.memory_space<vmem>>[vector<16xi32>], vector<16xi32>,
      %add3A_89 = arith.constant 1 : i32
      %add3A_90 = vector.broadcast %add3A_89 : i32 to vector<16xi32>
      %add3A_91 = arith.addi %add3A_87, %add3A_90 : vector<16xi32>
      %gather3A_92 = tpu.vector_load_idx %arg6[%add3A_91] : memref<1536xi32, #tpu.memory_space<vmem>>[vector<16xi32>], vector<16xi32>,
      %add3A_93 = arith.constant 2 : i32
      %add3A_94 = vector.broadcast %add3A_93 : i32 to vector<16xi32>
      %add3A_95 = arith.addi %add3A_87, %add3A_94 : vector<16xi32>
      %gather3A_96 = tpu.vector_load_idx %arg6[%add3A_95] : memref<1536xi32, #tpu.memory_space<vmem>>[vector<16xi32>], vector<16xi32>,
      %mul3A_97 = arith.constant 128 : i32
      %mul3A_98 = vector.broadcast %mul3A_97 : i32 to vector<16xi32>
      %mul3A_99 = arith.muli %gather3A_92, %mul3A_98 : vector<16xi32>
      %add3A_100 = arith.addi %mul3A_99, %gather3A_96 : vector<16xi32>
      %swap3A_101 = arith.constant 0 : i64
      %swap3A_102 = arith.index_cast %swap3A_101 : i64 to index
      %swap3A_103 = arith.constant 32 : index
      %swap3A_104 = tpu.vector_load %arg7[%swap3A_102, %swap3A_103] {strides = array<i32>} : memref<4x128xi32, #tpu.memory_space<vmem>>, vector<16xi32>,
      tpu.vector_store %arg7[%swap3A_102, %swap3A_103], %add3A_100 {strides = array<i32>} : memref<4x128xi32, #tpu.memory_space<vmem>>, vector<16xi32>,
      %swap3A_105 = arith.constant 0 : i64
      %swap3A_106 = arith.index_cast %swap3A_105 : i64 to index
      %swap3A_107 = arith.constant 32 : index
      %swap3A_108 = tpu.vector_load %arg8[%swap3A_106, %swap3A_107] {strides = array<i32>} : memref<4x128xi32, #tpu.memory_space<vmem>>, vector<16xi32>,
      tpu.vector_store %arg8[%swap3A_106, %swap3A_107], %gather3A_88 {strides = array<i32>} : memref<4x128xi32, #tpu.memory_space<vmem>>, vector<16xi32>,
      %add3A_109 = arith.constant 48 : i32
      %add3A_110 = vector.broadcast %add3A_109 : i32 to vector<16xi32>
      %add3A_111 = arith.addi %add3A_110, %iota3A : vector<16xi32>
      %mul3A_112 = arith.constant 12 : i32
      %mul3A_113 = vector.broadcast %mul3A_112 : i32 to vector<16xi32>
      %mul3A_114 = arith.muli %add3A_111, %mul3A_113 : vector<16xi32>
      %add3A_115 = arith.constant 0 : i32
      %add3A_116 = vector.broadcast %add3A_115 : i32 to vector<16xi32>
      %add3A_117 = arith.addi %mul3A_114, %add3A_116 : vector<16xi32>
      %gather3A_118 = tpu.vector_load_idx %arg6[%add3A_117] : memref<1536xi32, #tpu.memory_space<vmem>>[vector<16xi32>], vector<16xi32>,
      %add3A_119 = arith.constant 1 : i32
      %add3A_120 = vector.broadcast %add3A_119 : i32 to vector<16xi32>
      %add3A_121 = arith.addi %add3A_117, %add3A_120 : vector<16xi32>
      %gather3A_122 = tpu.vector_load_idx %arg6[%add3A_121] : memref<1536xi32, #tpu.memory_space<vmem>>[vector<16xi32>], vector<16xi32>,
      %add3A_123 = arith.constant 2 : i32
      %add3A_124 = vector.broadcast %add3A_123 : i32 to vector<16xi32>
      %add3A_125 = arith.addi %add3A_117, %add3A_124 : vector<16xi32>
      %gather3A_126 = tpu.vector_load_idx %arg6[%add3A_125] : memref<1536xi32, #tpu.memory_space<vmem>>[vector<16xi32>], vector<16xi32>,
      %mul3A_127 = arith.constant 128 : i32
      %mul3A_128 = vector.broadcast %mul3A_127 : i32 to vector<16xi32>
      %mul3A_129 = arith.muli %gather3A_122, %mul3A_128 : vector<16xi32>
      %add3A_130 = arith.addi %mul3A_129, %gather3A_126 : vector<16xi32>
      %swap3A_131 = arith.constant 0 : i64
      %swap3A_132 = arith.index_cast %swap3A_131 : i64 to index
      %swap3A_133 = arith.constant 48 : index
      %swap3A_134 = tpu.vector_load %arg7[%swap3A_132, %swap3A_133] {strides = array<i32>} : memref<4x128xi32, #tpu.memory_space<vmem>>, vector<16xi32>,
      tpu.vector_store %arg7[%swap3A_132, %swap3A_133], %add3A_130 {strides = array<i32>} : memref<4x128xi32, #tpu.memory_space<vmem>>, vector<16xi32>,
      %swap3A_135 = arith.constant 0 : i64
      %swap3A_136 = arith.index_cast %swap3A_135 : i64 to index
      %swap3A_137 = arith.constant 48 : index
      %swap3A_138 = tpu.vector_load %arg8[%swap3A_136, %swap3A_137] {strides = array<i32>} : memref<4x128xi32, #tpu.memory_space<vmem>>, vector<16xi32>,
      tpu.vector_store %arg8[%swap3A_136, %swap3A_137], %gather3A_118 {strides = array<i32>} : memref<4x128xi32, #tpu.memory_space<vmem>>, vector<16xi32>,
      %add3A_139 = arith.constant 64 : i32
      %add3A_140 = vector.broadcast %add3A_139 : i32 to vector<16xi32>
      %add3A_141 = arith.addi %add3A_140, %iota3A : vector<16xi32>
      %mul3A_142 = arith.constant 12 : i32
      %mul3A_143 = vector.broadcast %mul3A_142 : i32 to vector<16xi32>
      %mul3A_144 = arith.muli %add3A_141, %mul3A_143 : vector<16xi32>
      %add3A_145 = arith.constant 0 : i32
      %add3A_146 = vector.broadcast %add3A_145 : i32 to vector<16xi32>
      %add3A_147 = arith.addi %mul3A_144, %add3A_146 : vector<16xi32>
      %gather3A_148 = tpu.vector_load_idx %arg6[%add3A_147] : memref<1536xi32, #tpu.memory_space<vmem>>[vector<16xi32>], vector<16xi32>,
      %add3A_149 = arith.constant 1 : i32
      %add3A_150 = vector.broadcast %add3A_149 : i32 to vector<16xi32>
      %add3A_151 = arith.addi %add3A_147, %add3A_150 : vector<16xi32>
      %gather3A_152 = tpu.vector_load_idx %arg6[%add3A_151] : memref<1536xi32, #tpu.memory_space<vmem>>[vector<16xi32>], vector<16xi32>,
      %add3A_153 = arith.constant 2 : i32
      %add3A_154 = vector.broadcast %add3A_153 : i32 to vector<16xi32>
      %add3A_155 = arith.addi %add3A_147, %add3A_154 : vector<16xi32>
      %gather3A_156 = tpu.vector_load_idx %arg6[%add3A_155] : memref<1536xi32, #tpu.memory_space<vmem>>[vector<16xi32>], vector<16xi32>,
      %mul3A_157 = arith.constant 128 : i32
      %mul3A_158 = vector.broadcast %mul3A_157 : i32 to vector<16xi32>
      %mul3A_159 = arith.muli %gather3A_152, %mul3A_158 : vector<16xi32>
      %add3A_160 = arith.addi %mul3A_159, %gather3A_156 : vector<16xi32>
      %swap3A_161 = arith.constant 0 : i64
      %swap3A_162 = arith.index_cast %swap3A_161 : i64 to index
      %swap3A_163 = arith.constant 64 : index
      %swap3A_164 = tpu.vector_load %arg7[%swap3A_162, %swap3A_163] {strides = array<i32>} : memref<4x128xi32, #tpu.memory_space<vmem>>, vector<16xi32>,
      tpu.vector_store %arg7[%swap3A_162, %swap3A_163], %add3A_160 {strides = array<i32>} : memref<4x128xi32, #tpu.memory_space<vmem>>, vector<16xi32>,
      %swap3A_165 = arith.constant 0 : i64
      %swap3A_166 = arith.index_cast %swap3A_165 : i64 to index
      %swap3A_167 = arith.constant 64 : index
      %swap3A_168 = tpu.vector_load %arg8[%swap3A_166, %swap3A_167] {strides = array<i32>} : memref<4x128xi32, #tpu.memory_space<vmem>>, vector<16xi32>,
      tpu.vector_store %arg8[%swap3A_166, %swap3A_167], %gather3A_148 {strides = array<i32>} : memref<4x128xi32, #tpu.memory_space<vmem>>, vector<16xi32>,
      %add3A_169 = arith.constant 80 : i32
      %add3A_170 = vector.broadcast %add3A_169 : i32 to vector<16xi32>
      %add3A_171 = arith.addi %add3A_170, %iota3A : vector<16xi32>
      %mul3A_172 = arith.constant 12 : i32
      %mul3A_173 = vector.broadcast %mul3A_172 : i32 to vector<16xi32>
      %mul3A_174 = arith.muli %add3A_171, %mul3A_173 : vector<16xi32>
      %add3A_175 = arith.constant 0 : i32
      %add3A_176 = vector.broadcast %add3A_175 : i32 to vector<16xi32>
      %add3A_177 = arith.addi %mul3A_174, %add3A_176 : vector<16xi32>
      %gather3A_178 = tpu.vector_load_idx %arg6[%add3A_177] : memref<1536xi32, #tpu.memory_space<vmem>>[vector<16xi32>], vector<16xi32>,
      %add3A_179 = arith.constant 1 : i32
      %add3A_180 = vector.broadcast %add3A_179 : i32 to vector<16xi32>
      %add3A_181 = arith.addi %add3A_177, %add3A_180 : vector<16xi32>
      %gather3A_182 = tpu.vector_load_idx %arg6[%add3A_181] : memref<1536xi32, #tpu.memory_space<vmem>>[vector<16xi32>], vector<16xi32>,
      %add3A_183 = arith.constant 2 : i32
      %add3A_184 = vector.broadcast %add3A_183 : i32 to vector<16xi32>
      %add3A_185 = arith.addi %add3A_177, %add3A_184 : vector<16xi32>
      %gather3A_186 = tpu.vector_load_idx %arg6[%add3A_185] : memref<1536xi32, #tpu.memory_space<vmem>>[vector<16xi32>], vector<16xi32>,
      %mul3A_187 = arith.constant 128 : i32
      %mul3A_188 = vector.broadcast %mul3A_187 : i32 to vector<16xi32>
      %mul3A_189 = arith.muli %gather3A_182, %mul3A_188 : vector<16xi32>
      %add3A_190 = arith.addi %mul3A_189, %gather3A_186 : vector<16xi32>
      %swap3A_191 = arith.constant 0 : i64
      %swap3A_192 = arith.index_cast %swap3A_191 : i64 to index
      %swap3A_193 = arith.constant 80 : index
      %swap3A_194 = tpu.vector_load %arg7[%swap3A_192, %swap3A_193] {strides = array<i32>} : memref<4x128xi32, #tpu.memory_space<vmem>>, vector<16xi32>,
      tpu.vector_store %arg7[%swap3A_192, %swap3A_193], %add3A_190 {strides = array<i32>} : memref<4x128xi32, #tpu.memory_space<vmem>>, vector<16xi32>,
      %swap3A_195 = arith.constant 0 : i64
      %swap3A_196 = arith.index_cast %swap3A_195 : i64 to index
      %swap3A_197 = arith.constant 80 : index
      %swap3A_198 = tpu.vector_load %arg8[%swap3A_196, %swap3A_197] {strides = array<i32>} : memref<4x128xi32, #tpu.memory_space<vmem>>, vector<16xi32>,
      tpu.vector_store %arg8[%swap3A_196, %swap3A_197], %gather3A_178 {strides = array<i32>} : memref<4x128xi32, #tpu.memory_space<vmem>>, vector<16xi32>,
      %add3A_199 = arith.constant 96 : i32
      %add3A_200 = vector.broadcast %add3A_199 : i32 to vector<16xi32>
      %add3A_201 = arith.addi %add3A_200, %iota3A : vector<16xi32>
      %mul3A_202 = arith.constant 12 : i32
      %mul3A_203 = vector.broadcast %mul3A_202 : i32 to vector<16xi32>
      %mul3A_204 = arith.muli %add3A_201, %mul3A_203 : vector<16xi32>
      %add3A_205 = arith.constant 0 : i32
      %add3A_206 = vector.broadcast %add3A_205 : i32 to vector<16xi32>
      %add3A_207 = arith.addi %mul3A_204, %add3A_206 : vector<16xi32>
      %gather3A_208 = tpu.vector_load_idx %arg6[%add3A_207] : memref<1536xi32, #tpu.memory_space<vmem>>[vector<16xi32>], vector<16xi32>,
      %add3A_209 = arith.constant 1 : i32
      %add3A_210 = vector.broadcast %add3A_209 : i32 to vector<16xi32>
      %add3A_211 = arith.addi %add3A_207, %add3A_210 : vector<16xi32>
      %gather3A_212 = tpu.vector_load_idx %arg6[%add3A_211] : memref<1536xi32, #tpu.memory_space<vmem>>[vector<16xi32>], vector<16xi32>,
      %add3A_213 = arith.constant 2 : i32
      %add3A_214 = vector.broadcast %add3A_213 : i32 to vector<16xi32>
      %add3A_215 = arith.addi %add3A_207, %add3A_214 : vector<16xi32>
      %gather3A_216 = tpu.vector_load_idx %arg6[%add3A_215] : memref<1536xi32, #tpu.memory_space<vmem>>[vector<16xi32>], vector<16xi32>,
      %mul3A_217 = arith.constant 128 : i32
      %mul3A_218 = vector.broadcast %mul3A_217 : i32 to vector<16xi32>
      %mul3A_219 = arith.muli %gather3A_212, %mul3A_218 : vector<16xi32>
      %add3A_220 = arith.addi %mul3A_219, %gather3A_216 : vector<16xi32>
      %swap3A_221 = arith.constant 0 : i64
      %swap3A_222 = arith.index_cast %swap3A_221 : i64 to index
      %swap3A_223 = arith.constant 96 : index
      %swap3A_224 = tpu.vector_load %arg7[%swap3A_222, %swap3A_223] {strides = array<i32>} : memref<4x128xi32, #tpu.memory_space<vmem>>, vector<16xi32>,
      tpu.vector_store %arg7[%swap3A_222, %swap3A_223], %add3A_220 {strides = array<i32>} : memref<4x128xi32, #tpu.memory_space<vmem>>, vector<16xi32>,
      %swap3A_225 = arith.constant 0 : i64
      %swap3A_226 = arith.index_cast %swap3A_225 : i64 to index
      %swap3A_227 = arith.constant 96 : index
      %swap3A_228 = tpu.vector_load %arg8[%swap3A_226, %swap3A_227] {strides = array<i32>} : memref<4x128xi32, #tpu.memory_space<vmem>>, vector<16xi32>,
      tpu.vector_store %arg8[%swap3A_226, %swap3A_227], %gather3A_208 {strides = array<i32>} : memref<4x128xi32, #tpu.memory_space<vmem>>, vector<16xi32>,
      %add3A_229 = arith.constant 112 : i32
      %add3A_230 = vector.broadcast %add3A_229 : i32 to vector<16xi32>
      %add3A_231 = arith.addi %add3A_230, %iota3A : vector<16xi32>
      %mul3A_232 = arith.constant 12 : i32
      %mul3A_233 = vector.broadcast %mul3A_232 : i32 to vector<16xi32>
      %mul3A_234 = arith.muli %add3A_231, %mul3A_233 : vector<16xi32>
      %add3A_235 = arith.constant 0 : i32
      %add3A_236 = vector.broadcast %add3A_235 : i32 to vector<16xi32>
      %add3A_237 = arith.addi %mul3A_234, %add3A_236 : vector<16xi32>
      %gather3A_238 = tpu.vector_load_idx %arg6[%add3A_237] : memref<1536xi32, #tpu.memory_space<vmem>>[vector<16xi32>], vector<16xi32>,
      %add3A_239 = arith.constant 1 : i32
      %add3A_240 = vector.broadcast %add3A_239 : i32 to vector<16xi32>
      %add3A_241 = arith.addi %add3A_237, %add3A_240 : vector<16xi32>
      %gather3A_242 = tpu.vector_load_idx %arg6[%add3A_241] : memref<1536xi32, #tpu.memory_space<vmem>>[vector<16xi32>], vector<16xi32>,
      %add3A_243 = arith.constant 2 : i32
      %add3A_244 = vector.broadcast %add3A_243 : i32 to vector<16xi32>
      %add3A_245 = arith.addi %add3A_237, %add3A_244 : vector<16xi32>
      %gather3A_246 = tpu.vector_load_idx %arg6[%add3A_245] : memref<1536xi32, #tpu.memory_space<vmem>>[vector<16xi32>], vector<16xi32>,
      %mul3A_247 = arith.constant 128 : i32
      %mul3A_248 = vector.broadcast %mul3A_247 : i32 to vector<16xi32>
      %mul3A_249 = arith.muli %gather3A_242, %mul3A_248 : vector<16xi32>
      %add3A_250 = arith.addi %mul3A_249, %gather3A_246 : vector<16xi32>
      %swap3A_251 = arith.constant 0 : i64
      %swap3A_252 = arith.index_cast %swap3A_251 : i64 to index
      %swap3A_253 = arith.constant 112 : index
      %swap3A_254 = tpu.vector_load %arg7[%swap3A_252, %swap3A_253] {strides = array<i32>} : memref<4x128xi32, #tpu.memory_space<vmem>>, vector<16xi32>,
      tpu.vector_store %arg7[%swap3A_252, %swap3A_253], %add3A_250 {strides = array<i32>} : memref<4x128xi32, #tpu.memory_space<vmem>>, vector<16xi32>,
      %swap3A_255 = arith.constant 0 : i64
      %swap3A_256 = arith.index_cast %swap3A_255 : i64 to index
      %swap3A_257 = arith.constant 112 : index
      %swap3A_258 = tpu.vector_load %arg8[%swap3A_256, %swap3A_257] {strides = array<i32>} : memref<4x128xi32, #tpu.memory_space<vmem>>, vector<16xi32>,
      tpu.vector_store %arg8[%swap3A_256, %swap3A_257], %gather3A_238 {strides = array<i32>} : memref<4x128xi32, #tpu.memory_space<vmem>>, vector<16xi32>,
      %add3A_259 = arith.constant 0 : i32
      %add3A_260 = vector.broadcast %add3A_259 : i32 to vector<16xi32>
      %add3A_261 = arith.addi %add3A_260, %iota3A : vector<16xi32>
      %mul3A_262 = arith.constant 12 : i32
      %mul3A_263 = vector.broadcast %mul3A_262 : i32 to vector<16xi32>
      %mul3A_264 = arith.muli %add3A_261, %mul3A_263 : vector<16xi32>
      %add3A_265 = arith.constant 3 : i32
      %add3A_266 = vector.broadcast %add3A_265 : i32 to vector<16xi32>
      %add3A_267 = arith.addi %mul3A_264, %add3A_266 : vector<16xi32>
      %gather3A_268 = tpu.vector_load_idx %arg6[%add3A_267] : memref<1536xi32, #tpu.memory_space<vmem>>[vector<16xi32>], vector<16xi32>,
      %add3A_269 = arith.constant 1 : i32
      %add3A_270 = vector.broadcast %add3A_269 : i32 to vector<16xi32>
      %add3A_271 = arith.addi %add3A_267, %add3A_270 : vector<16xi32>
      %gather3A_272 = tpu.vector_load_idx %arg6[%add3A_271] : memref<1536xi32, #tpu.memory_space<vmem>>[vector<16xi32>], vector<16xi32>,
      %add3A_273 = arith.constant 2 : i32
      %add3A_274 = vector.broadcast %add3A_273 : i32 to vector<16xi32>
      %add3A_275 = arith.addi %add3A_267, %add3A_274 : vector<16xi32>
      %gather3A_276 = tpu.vector_load_idx %arg6[%add3A_275] : memref<1536xi32, #tpu.memory_space<vmem>>[vector<16xi32>], vector<16xi32>,
      %mul3A_277 = arith.constant 128 : i32
      %mul3A_278 = vector.broadcast %mul3A_277 : i32 to vector<16xi32>
      %mul3A_279 = arith.muli %gather3A_272, %mul3A_278 : vector<16xi32>
      %add3A_280 = arith.addi %mul3A_279, %gather3A_276 : vector<16xi32>
      %swap3A_281 = arith.constant 1 : i64
      %swap3A_282 = arith.index_cast %swap3A_281 : i64 to index
      %swap3A_283 = arith.constant 0 : index
      %swap3A_284 = tpu.vector_load %arg7[%swap3A_282, %swap3A_283] {strides = array<i32>} : memref<4x128xi32, #tpu.memory_space<vmem>>, vector<16xi32>,
      tpu.vector_store %arg7[%swap3A_282, %swap3A_283], %add3A_280 {strides = array<i32>} : memref<4x128xi32, #tpu.memory_space<vmem>>, vector<16xi32>,
      %swap3A_285 = arith.constant 1 : i64
      %swap3A_286 = arith.index_cast %swap3A_285 : i64 to index
      %swap3A_287 = arith.constant 0 : index
      %swap3A_288 = tpu.vector_load %arg8[%swap3A_286, %swap3A_287] {strides = array<i32>} : memref<4x128xi32, #tpu.memory_space<vmem>>, vector<16xi32>,
      tpu.vector_store %arg8[%swap3A_286, %swap3A_287], %gather3A_268 {strides = array<i32>} : memref<4x128xi32, #tpu.memory_space<vmem>>, vector<16xi32>,
      %add3A_289 = arith.constant 16 : i32
      %add3A_290 = vector.broadcast %add3A_289 : i32 to vector<16xi32>
      %add3A_291 = arith.addi %add3A_290, %iota3A : vector<16xi32>
      %mul3A_292 = arith.constant 12 : i32
      %mul3A_293 = vector.broadcast %mul3A_292 : i32 to vector<16xi32>
      %mul3A_294 = arith.muli %add3A_291, %mul3A_293 : vector<16xi32>
      %add3A_295 = arith.constant 3 : i32
      %add3A_296 = vector.broadcast %add3A_295 : i32 to vector<16xi32>
      %add3A_297 = arith.addi %mul3A_294, %add3A_296 : vector<16xi32>
      %gather3A_298 = tpu.vector_load_idx %arg6[%add3A_297] : memref<1536xi32, #tpu.memory_space<vmem>>[vector<16xi32>], vector<16xi32>,
      %add3A_299 = arith.constant 1 : i32
      %add3A_300 = vector.broadcast %add3A_299 : i32 to vector<16xi32>
      %add3A_301 = arith.addi %add3A_297, %add3A_300 : vector<16xi32>
      %gather3A_302 = tpu.vector_load_idx %arg6[%add3A_301] : memref<1536xi32, #tpu.memory_space<vmem>>[vector<16xi32>], vector<16xi32>,
      %add3A_303 = arith.constant 2 : i32
      %add3A_304 = vector.broadcast %add3A_303 : i32 to vector<16xi32>
      %add3A_305 = arith.addi %add3A_297, %add3A_304 : vector<16xi32>
      %gather3A_306 = tpu.vector_load_idx %arg6[%add3A_305] : memref<1536xi32, #tpu.memory_space<vmem>>[vector<16xi32>], vector<16xi32>,
      %mul3A_307 = arith.constant 128 : i32
      %mul3A_308 = vector.broadcast %mul3A_307 : i32 to vector<16xi32>
      %mul3A_309 = arith.muli %gather3A_302, %mul3A_308 : vector<16xi32>
      %add3A_310 = arith.addi %mul3A_309, %gather3A_306 : vector<16xi32>
      %swap3A_311 = arith.constant 1 : i64
      %swap3A_312 = arith.index_cast %swap3A_311 : i64 to index
      %swap3A_313 = arith.constant 16 : index
      %swap3A_314 = tpu.vector_load %arg7[%swap3A_312, %swap3A_313] {strides = array<i32>} : memref<4x128xi32, #tpu.memory_space<vmem>>, vector<16xi32>,
      tpu.vector_store %arg7[%swap3A_312, %swap3A_313], %add3A_310 {strides = array<i32>} : memref<4x128xi32, #tpu.memory_space<vmem>>, vector<16xi32>,
      %swap3A_315 = arith.constant 1 : i64
      %swap3A_316 = arith.index_cast %swap3A_315 : i64 to index
      %swap3A_317 = arith.constant 16 : index
      %swap3A_318 = tpu.vector_load %arg8[%swap3A_316, %swap3A_317] {strides = array<i32>} : memref<4x128xi32, #tpu.memory_space<vmem>>, vector<16xi32>,
      tpu.vector_store %arg8[%swap3A_316, %swap3A_317], %gather3A_298 {strides = array<i32>} : memref<4x128xi32, #tpu.memory_space<vmem>>, vector<16xi32>,
      %add3A_319 = arith.constant 32 : i32
      %add3A_320 = vector.broadcast %add3A_319 : i32 to vector<16xi32>
      %add3A_321 = arith.addi %add3A_320, %iota3A : vector<16xi32>
      %mul3A_322 = arith.constant 12 : i32
      %mul3A_323 = vector.broadcast %mul3A_322 : i32 to vector<16xi32>
      %mul3A_324 = arith.muli %add3A_321, %mul3A_323 : vector<16xi32>
      %add3A_325 = arith.constant 3 : i32
      %add3A_326 = vector.broadcast %add3A_325 : i32 to vector<16xi32>
      %add3A_327 = arith.addi %mul3A_324, %add3A_326 : vector<16xi32>
      %gather3A_328 = tpu.vector_load_idx %arg6[%add3A_327] : memref<1536xi32, #tpu.memory_space<vmem>>[vector<16xi32>], vector<16xi32>,
      %add3A_329 = arith.constant 1 : i32
      %add3A_330 = vector.broadcast %add3A_329 : i32 to vector<16xi32>
      %add3A_331 = arith.addi %add3A_327, %add3A_330 : vector<16xi32>
      %gather3A_332 = tpu.vector_load_idx %arg6[%add3A_331] : memref<1536xi32, #tpu.memory_space<vmem>>[vector<16xi32>], vector<16xi32>,
      %add3A_333 = arith.constant 2 : i32
      %add3A_334 = vector.broadcast %add3A_333 : i32 to vector<16xi32>
      %add3A_335 = arith.addi %add3A_327, %add3A_334 : vector<16xi32>
      %gather3A_336 = tpu.vector_load_idx %arg6[%add3A_335] : memref<1536xi32, #tpu.memory_space<vmem>>[vector<16xi32>], vector<16xi32>,
      %mul3A_337 = arith.constant 128 : i32
      %mul3A_338 = vector.broadcast %mul3A_337 : i32 to vector<16xi32>
      %mul3A_339 = arith.muli %gather3A_332, %mul3A_338 : vector<16xi32>
      %add3A_340 = arith.addi %mul3A_339, %gather3A_336 : vector<16xi32>
      %swap3A_341 = arith.constant 1 : i64
      %swap3A_342 = arith.index_cast %swap3A_341 : i64 to index
      %swap3A_343 = arith.constant 32 : index
      %swap3A_344 = tpu.vector_load %arg7[%swap3A_342, %swap3A_343] {strides = array<i32>} : memref<4x128xi32, #tpu.memory_space<vmem>>, vector<16xi32>,
      tpu.vector_store %arg7[%swap3A_342, %swap3A_343], %add3A_340 {strides = array<i32>} : memref<4x128xi32, #tpu.memory_space<vmem>>, vector<16xi32>,
      %swap3A_345 = arith.constant 1 : i64
      %swap3A_346 = arith.index_cast %swap3A_345 : i64 to index
      %swap3A_347 = arith.constant 32 : index
      %swap3A_348 = tpu.vector_load %arg8[%swap3A_346, %swap3A_347] {strides = array<i32>} : memref<4x128xi32, #tpu.memory_space<vmem>>, vector<16xi32>,
      tpu.vector_store %arg8[%swap3A_346, %swap3A_347], %gather3A_328 {strides = array<i32>} : memref<4x128xi32, #tpu.memory_space<vmem>>, vector<16xi32>,
      %add3A_349 = arith.constant 48 : i32
      %add3A_350 = vector.broadcast %add3A_349 : i32 to vector<16xi32>
      %add3A_351 = arith.addi %add3A_350, %iota3A : vector<16xi32>
      %mul3A_352 = arith.constant 12 : i32
      %mul3A_353 = vector.broadcast %mul3A_352 : i32 to vector<16xi32>
      %mul3A_354 = arith.muli %add3A_351, %mul3A_353 : vector<16xi32>
      %add3A_355 = arith.constant 3 : i32
      %add3A_356 = vector.broadcast %add3A_355 : i32 to vector<16xi32>
      %add3A_357 = arith.addi %mul3A_354, %add3A_356 : vector<16xi32>
      %gather3A_358 = tpu.vector_load_idx %arg6[%add3A_357] : memref<1536xi32, #tpu.memory_space<vmem>>[vector<16xi32>], vector<16xi32>,
      %add3A_359 = arith.constant 1 : i32
      %add3A_360 = vector.broadcast %add3A_359 : i32 to vector<16xi32>
      %add3A_361 = arith.addi %add3A_357, %add3A_360 : vector<16xi32>
      %gather3A_362 = tpu.vector_load_idx %arg6[%add3A_361] : memref<1536xi32, #tpu.memory_space<vmem>>[vector<16xi32>], vector<16xi32>,
      %add3A_363 = arith.constant 2 : i32
      %add3A_364 = vector.broadcast %add3A_363 : i32 to vector<16xi32>
      %add3A_365 = arith.addi %add3A_357, %add3A_364 : vector<16xi32>
      %gather3A_366 = tpu.vector_load_idx %arg6[%add3A_365] : memref<1536xi32, #tpu.memory_space<vmem>>[vector<16xi32>], vector<16xi32>,
      %mul3A_367 = arith.constant 128 : i32
      %mul3A_368 = vector.broadcast %mul3A_367 : i32 to vector<16xi32>
      %mul3A_369 = arith.muli %gather3A_362, %mul3A_368 : vector<16xi32>
      %add3A_370 = arith.addi %mul3A_369, %gather3A_366 : vector<16xi32>
      %swap3A_371 = arith.constant 1 : i64
      %swap3A_372 = arith.index_cast %swap3A_371 : i64 to index
      %swap3A_373 = arith.constant 48 : index
      %swap3A_374 = tpu.vector_load %arg7[%swap3A_372, %swap3A_373] {strides = array<i32>} : memref<4x128xi32, #tpu.memory_space<vmem>>, vector<16xi32>,
      tpu.vector_store %arg7[%swap3A_372, %swap3A_373], %add3A_370 {strides = array<i32>} : memref<4x128xi32, #tpu.memory_space<vmem>>, vector<16xi32>,
      %swap3A_375 = arith.constant 1 : i64
      %swap3A_376 = arith.index_cast %swap3A_375 : i64 to index
      %swap3A_377 = arith.constant 48 : index
      %swap3A_378 = tpu.vector_load %arg8[%swap3A_376, %swap3A_377] {strides = array<i32>} : memref<4x128xi32, #tpu.memory_space<vmem>>, vector<16xi32>,
      tpu.vector_store %arg8[%swap3A_376, %swap3A_377], %gather3A_358 {strides = array<i32>} : memref<4x128xi32, #tpu.memory_space<vmem>>, vector<16xi32>,
      %add3A_379 = arith.constant 64 : i32
      %add3A_380 = vector.broadcast %add3A_379 : i32 to vector<16xi32>
      %add3A_381 = arith.addi %add3A_380, %iota3A : vector<16xi32>
      %mul3A_382 = arith.constant 12 : i32
      %mul3A_383 = vector.broadcast %mul3A_382 : i32 to vector<16xi32>
      %mul3A_384 = arith.muli %add3A_381, %mul3A_383 : vector<16xi32>
      %add3A_385 = arith.constant 3 : i32
      %add3A_386 = vector.broadcast %add3A_385 : i32 to vector<16xi32>
      %add3A_387 = arith.addi %mul3A_384, %add3A_386 : vector<16xi32>
      %gather3A_388 = tpu.vector_load_idx %arg6[%add3A_387] : memref<1536xi32, #tpu.memory_space<vmem>>[vector<16xi32>], vector<16xi32>,
      %add3A_389 = arith.constant 1 : i32
      %add3A_390 = vector.broadcast %add3A_389 : i32 to vector<16xi32>
      %add3A_391 = arith.addi %add3A_387, %add3A_390 : vector<16xi32>
      %gather3A_392 = tpu.vector_load_idx %arg6[%add3A_391] : memref<1536xi32, #tpu.memory_space<vmem>>[vector<16xi32>], vector<16xi32>,
      %add3A_393 = arith.constant 2 : i32
      %add3A_394 = vector.broadcast %add3A_393 : i32 to vector<16xi32>
      %add3A_395 = arith.addi %add3A_387, %add3A_394 : vector<16xi32>
      %gather3A_396 = tpu.vector_load_idx %arg6[%add3A_395] : memref<1536xi32, #tpu.memory_space<vmem>>[vector<16xi32>], vector<16xi32>,
      %mul3A_397 = arith.constant 128 : i32
      %mul3A_398 = vector.broadcast %mul3A_397 : i32 to vector<16xi32>
      %mul3A_399 = arith.muli %gather3A_392, %mul3A_398 : vector<16xi32>
      %add3A_400 = arith.addi %mul3A_399, %gather3A_396 : vector<16xi32>
      %swap3A_401 = arith.constant 1 : i64
      %swap3A_402 = arith.index_cast %swap3A_401 : i64 to index
      %swap3A_403 = arith.constant 64 : index
      %swap3A_404 = tpu.vector_load %arg7[%swap3A_402, %swap3A_403] {strides = array<i32>} : memref<4x128xi32, #tpu.memory_space<vmem>>, vector<16xi32>,
      tpu.vector_store %arg7[%swap3A_402, %swap3A_403], %add3A_400 {strides = array<i32>} : memref<4x128xi32, #tpu.memory_space<vmem>>, vector<16xi32>,
      %swap3A_405 = arith.constant 1 : i64
      %swap3A_406 = arith.index_cast %swap3A_405 : i64 to index
      %swap3A_407 = arith.constant 64 : index
      %swap3A_408 = tpu.vector_load %arg8[%swap3A_406, %swap3A_407] {strides = array<i32>} : memref<4x128xi32, #tpu.memory_space<vmem>>, vector<16xi32>,
      tpu.vector_store %arg8[%swap3A_406, %swap3A_407], %gather3A_388 {strides = array<i32>} : memref<4x128xi32, #tpu.memory_space<vmem>>, vector<16xi32>,
      %add3A_409 = arith.constant 80 : i32
      %add3A_410 = vector.broadcast %add3A_409 : i32 to vector<16xi32>
      %add3A_411 = arith.addi %add3A_410, %iota3A : vector<16xi32>
      %mul3A_412 = arith.constant 12 : i32
      %mul3A_413 = vector.broadcast %mul3A_412 : i32 to vector<16xi32>
      %mul3A_414 = arith.muli %add3A_411, %mul3A_413 : vector<16xi32>
      %add3A_415 = arith.constant 3 : i32
      %add3A_416 = vector.broadcast %add3A_415 : i32 to vector<16xi32>
      %add3A_417 = arith.addi %mul3A_414, %add3A_416 : vector<16xi32>
      %gather3A_418 = tpu.vector_load_idx %arg6[%add3A_417] : memref<1536xi32, #tpu.memory_space<vmem>>[vector<16xi32>], vector<16xi32>,
      %add3A_419 = arith.constant 1 : i32
      %add3A_420 = vector.broadcast %add3A_419 : i32 to vector<16xi32>
      %add3A_421 = arith.addi %add3A_417, %add3A_420 : vector<16xi32>
      %gather3A_422 = tpu.vector_load_idx %arg6[%add3A_421] : memref<1536xi32, #tpu.memory_space<vmem>>[vector<16xi32>], vector<16xi32>,
      %add3A_423 = arith.constant 2 : i32
      %add3A_424 = vector.broadcast %add3A_423 : i32 to vector<16xi32>
      %add3A_425 = arith.addi %add3A_417, %add3A_424 : vector<16xi32>
      %gather3A_426 = tpu.vector_load_idx %arg6[%add3A_425] : memref<1536xi32, #tpu.memory_space<vmem>>[vector<16xi32>], vector<16xi32>,
      %mul3A_427 = arith.constant 128 : i32
      %mul3A_428 = vector.broadcast %mul3A_427 : i32 to vector<16xi32>
      %mul3A_429 = arith.muli %gather3A_422, %mul3A_428 : vector<16xi32>
      %add3A_430 = arith.addi %mul3A_429, %gather3A_426 : vector<16xi32>
      %swap3A_431 = arith.constant 1 : i64
      %swap3A_432 = arith.index_cast %swap3A_431 : i64 to index
      %swap3A_433 = arith.constant 80 : index
      %swap3A_434 = tpu.vector_load %arg7[%swap3A_432, %swap3A_433] {strides = array<i32>} : memref<4x128xi32, #tpu.memory_space<vmem>>, vector<16xi32>,
      tpu.vector_store %arg7[%swap3A_432, %swap3A_433], %add3A_430 {strides = array<i32>} : memref<4x128xi32, #tpu.memory_space<vmem>>, vector<16xi32>,
      %swap3A_435 = arith.constant 1 : i64
      %swap3A_436 = arith.index_cast %swap3A_435 : i64 to index
      %swap3A_437 = arith.constant 80 : index
      %swap3A_438 = tpu.vector_load %arg8[%swap3A_436, %swap3A_437] {strides = array<i32>} : memref<4x128xi32, #tpu.memory_space<vmem>>, vector<16xi32>,
      tpu.vector_store %arg8[%swap3A_436, %swap3A_437], %gather3A_418 {strides = array<i32>} : memref<4x128xi32, #tpu.memory_space<vmem>>, vector<16xi32>,
      %add3A_439 = arith.constant 96 : i32
      %add3A_440 = vector.broadcast %add3A_439 : i32 to vector<16xi32>
      %add3A_441 = arith.addi %add3A_440, %iota3A : vector<16xi32>
      %mul3A_442 = arith.constant 12 : i32
      %mul3A_443 = vector.broadcast %mul3A_442 : i32 to vector<16xi32>
      %mul3A_444 = arith.muli %add3A_441, %mul3A_443 : vector<16xi32>
      %add3A_445 = arith.constant 3 : i32
      %add3A_446 = vector.broadcast %add3A_445 : i32 to vector<16xi32>
      %add3A_447 = arith.addi %mul3A_444, %add3A_446 : vector<16xi32>
      %gather3A_448 = tpu.vector_load_idx %arg6[%add3A_447] : memref<1536xi32, #tpu.memory_space<vmem>>[vector<16xi32>], vector<16xi32>,
      %add3A_449 = arith.constant 1 : i32
      %add3A_450 = vector.broadcast %add3A_449 : i32 to vector<16xi32>
      %add3A_451 = arith.addi %add3A_447, %add3A_450 : vector<16xi32>
      %gather3A_452 = tpu.vector_load_idx %arg6[%add3A_451] : memref<1536xi32, #tpu.memory_space<vmem>>[vector<16xi32>], vector<16xi32>,
      %add3A_453 = arith.constant 2 : i32
      %add3A_454 = vector.broadcast %add3A_453 : i32 to vector<16xi32>
      %add3A_455 = arith.addi %add3A_447, %add3A_454 : vector<16xi32>
      %gather3A_456 = tpu.vector_load_idx %arg6[%add3A_455] : memref<1536xi32, #tpu.memory_space<vmem>>[vector<16xi32>], vector<16xi32>,
      %mul3A_457 = arith.constant 128 : i32
      %mul3A_458 = vector.broadcast %mul3A_457 : i32 to vector<16xi32>
      %mul3A_459 = arith.muli %gather3A_452, %mul3A_458 : vector<16xi32>
      %add3A_460 = arith.addi %mul3A_459, %gather3A_456 : vector<16xi32>
      %swap3A_461 = arith.constant 1 : i64
      %swap3A_462 = arith.index_cast %swap3A_461 : i64 to index
      %swap3A_463 = arith.constant 96 : index
      %swap3A_464 = tpu.vector_load %arg7[%swap3A_462, %swap3A_463] {strides = array<i32>} : memref<4x128xi32, #tpu.memory_space<vmem>>, vector<16xi32>,
      tpu.vector_store %arg7[%swap3A_462, %swap3A_463], %add3A_460 {strides = array<i32>} : memref<4x128xi32, #tpu.memory_space<vmem>>, vector<16xi32>,
      %swap3A_465 = arith.constant 1 : i64
      %swap3A_466 = arith.index_cast %swap3A_465 : i64 to index
      %swap3A_467 = arith.constant 96 : index
      %swap3A_468 = tpu.vector_load %arg8[%swap3A_466, %swap3A_467] {strides = array<i32>} : memref<4x128xi32, #tpu.memory_space<vmem>>, vector<16xi32>,
      tpu.vector_store %arg8[%swap3A_466, %swap3A_467], %gather3A_448 {strides = array<i32>} : memref<4x128xi32, #tpu.memory_space<vmem>>, vector<16xi32>,
      %add3A_469 = arith.constant 112 : i32
      %add3A_470 = vector.broadcast %add3A_469 : i32 to vector<16xi32>
      %add3A_471 = arith.addi %add3A_470, %iota3A : vector<16xi32>
      %mul3A_472 = arith.constant 12 : i32
      %mul3A_473 = vector.broadcast %mul3A_472 : i32 to vector<16xi32>
      %mul3A_474 = arith.muli %add3A_471, %mul3A_473 : vector<16xi32>
      %add3A_475 = arith.constant 3 : i32
      %add3A_476 = vector.broadcast %add3A_475 : i32 to vector<16xi32>
      %add3A_477 = arith.addi %mul3A_474, %add3A_476 : vector<16xi32>
      %gather3A_478 = tpu.vector_load_idx %arg6[%add3A_477] : memref<1536xi32, #tpu.memory_space<vmem>>[vector<16xi32>], vector<16xi32>,
      %add3A_479 = arith.constant 1 : i32
      %add3A_480 = vector.broadcast %add3A_479 : i32 to vector<16xi32>
      %add3A_481 = arith.addi %add3A_477, %add3A_480 : vector<16xi32>
      %gather3A_482 = tpu.vector_load_idx %arg6[%add3A_481] : memref<1536xi32, #tpu.memory_space<vmem>>[vector<16xi32>], vector<16xi32>,
      %add3A_483 = arith.constant 2 : i32
      %add3A_484 = vector.broadcast %add3A_483 : i32 to vector<16xi32>
      %add3A_485 = arith.addi %add3A_477, %add3A_484 : vector<16xi32>
      %gather3A_486 = tpu.vector_load_idx %arg6[%add3A_485] : memref<1536xi32, #tpu.memory_space<vmem>>[vector<16xi32>], vector<16xi32>,
      %mul3A_487 = arith.constant 128 : i32
      %mul3A_488 = vector.broadcast %mul3A_487 : i32 to vector<16xi32>
      %mul3A_489 = arith.muli %gather3A_482, %mul3A_488 : vector<16xi32>
      %add3A_490 = arith.addi %mul3A_489, %gather3A_486 : vector<16xi32>
      %swap3A_491 = arith.constant 1 : i64
      %swap3A_492 = arith.index_cast %swap3A_491 : i64 to index
      %swap3A_493 = arith.constant 112 : index
      %swap3A_494 = tpu.vector_load %arg7[%swap3A_492, %swap3A_493] {strides = array<i32>} : memref<4x128xi32, #tpu.memory_space<vmem>>, vector<16xi32>,
      tpu.vector_store %arg7[%swap3A_492, %swap3A_493], %add3A_490 {strides = array<i32>} : memref<4x128xi32, #tpu.memory_space<vmem>>, vector<16xi32>,
      %swap3A_495 = arith.constant 1 : i64
      %swap3A_496 = arith.index_cast %swap3A_495 : i64 to index
      %swap3A_497 = arith.constant 112 : index
      %swap3A_498 = tpu.vector_load %arg8[%swap3A_496, %swap3A_497] {strides = array<i32>} : memref<4x128xi32, #tpu.memory_space<vmem>>, vector<16xi32>,
      tpu.vector_store %arg8[%swap3A_496, %swap3A_497], %gather3A_478 {strides = array<i32>} : memref<4x128xi32, #tpu.memory_space<vmem>>, vector<16xi32>,
      %add3A_499 = arith.constant 0 : i32
      %add3A_500 = vector.broadcast %add3A_499 : i32 to vector<16xi32>
      %add3A_501 = arith.addi %add3A_500, %iota3A : vector<16xi32>
      %mul3A_502 = arith.constant 12 : i32
      %mul3A_503 = vector.broadcast %mul3A_502 : i32 to vector<16xi32>
      %mul3A_504 = arith.muli %add3A_501, %mul3A_503 : vector<16xi32>
      %add3A_505 = arith.constant 6 : i32
      %add3A_506 = vector.broadcast %add3A_505 : i32 to vector<16xi32>
      %add3A_507 = arith.addi %mul3A_504, %add3A_506 : vector<16xi32>
      %gather3A_508 = tpu.vector_load_idx %arg6[%add3A_507] : memref<1536xi32, #tpu.memory_space<vmem>>[vector<16xi32>], vector<16xi32>,
      %add3A_509 = arith.constant 1 : i32
      %add3A_510 = vector.broadcast %add3A_509 : i32 to vector<16xi32>
      %add3A_511 = arith.addi %add3A_507, %add3A_510 : vector<16xi32>
      %gather3A_512 = tpu.vector_load_idx %arg6[%add3A_511] : memref<1536xi32, #tpu.memory_space<vmem>>[vector<16xi32>], vector<16xi32>,
      %add3A_513 = arith.constant 2 : i32
      %add3A_514 = vector.broadcast %add3A_513 : i32 to vector<16xi32>
      %add3A_515 = arith.addi %add3A_507, %add3A_514 : vector<16xi32>
      %gather3A_516 = tpu.vector_load_idx %arg6[%add3A_515] : memref<1536xi32, #tpu.memory_space<vmem>>[vector<16xi32>], vector<16xi32>,
      %mul3A_517 = arith.constant 128 : i32
      %mul3A_518 = vector.broadcast %mul3A_517 : i32 to vector<16xi32>
      %mul3A_519 = arith.muli %gather3A_512, %mul3A_518 : vector<16xi32>
      %add3A_520 = arith.addi %mul3A_519, %gather3A_516 : vector<16xi32>
      %swap3A_521 = arith.constant 2 : i64
      %swap3A_522 = arith.index_cast %swap3A_521 : i64 to index
      %swap3A_523 = arith.constant 0 : index
      %swap3A_524 = tpu.vector_load %arg7[%swap3A_522, %swap3A_523] {strides = array<i32>} : memref<4x128xi32, #tpu.memory_space<vmem>>, vector<16xi32>,
      tpu.vector_store %arg7[%swap3A_522, %swap3A_523], %add3A_520 {strides = array<i32>} : memref<4x128xi32, #tpu.memory_space<vmem>>, vector<16xi32>,
      %swap3A_525 = arith.constant 2 : i64
      %swap3A_526 = arith.index_cast %swap3A_525 : i64 to index
      %swap3A_527 = arith.constant 0 : index
      %swap3A_528 = tpu.vector_load %arg8[%swap3A_526, %swap3A_527] {strides = array<i32>} : memref<4x128xi32, #tpu.memory_space<vmem>>, vector<16xi32>,
      tpu.vector_store %arg8[%swap3A_526, %swap3A_527], %gather3A_508 {strides = array<i32>} : memref<4x128xi32, #tpu.memory_space<vmem>>, vector<16xi32>,
      %add3A_529 = arith.constant 16 : i32
      %add3A_530 = vector.broadcast %add3A_529 : i32 to vector<16xi32>
      %add3A_531 = arith.addi %add3A_530, %iota3A : vector<16xi32>
      %mul3A_532 = arith.constant 12 : i32
      %mul3A_533 = vector.broadcast %mul3A_532 : i32 to vector<16xi32>
      %mul3A_534 = arith.muli %add3A_531, %mul3A_533 : vector<16xi32>
      %add3A_535 = arith.constant 6 : i32
      %add3A_536 = vector.broadcast %add3A_535 : i32 to vector<16xi32>
      %add3A_537 = arith.addi %mul3A_534, %add3A_536 : vector<16xi32>
      %gather3A_538 = tpu.vector_load_idx %arg6[%add3A_537] : memref<1536xi32, #tpu.memory_space<vmem>>[vector<16xi32>], vector<16xi32>,
      %add3A_539 = arith.constant 1 : i32
      %add3A_540 = vector.broadcast %add3A_539 : i32 to vector<16xi32>
      %add3A_541 = arith.addi %add3A_537, %add3A_540 : vector<16xi32>
      %gather3A_542 = tpu.vector_load_idx %arg6[%add3A_541] : memref<1536xi32, #tpu.memory_space<vmem>>[vector<16xi32>], vector<16xi32>,
      %add3A_543 = arith.constant 2 : i32
      %add3A_544 = vector.broadcast %add3A_543 : i32 to vector<16xi32>
      %add3A_545 = arith.addi %add3A_537, %add3A_544 : vector<16xi32>
      %gather3A_546 = tpu.vector_load_idx %arg6[%add3A_545] : memref<1536xi32, #tpu.memory_space<vmem>>[vector<16xi32>], vector<16xi32>,
      %mul3A_547 = arith.constant 128 : i32
      %mul3A_548 = vector.broadcast %mul3A_547 : i32 to vector<16xi32>
      %mul3A_549 = arith.muli %gather3A_542, %mul3A_548 : vector<16xi32>
      %add3A_550 = arith.addi %mul3A_549, %gather3A_546 : vector<16xi32>
      %swap3A_551 = arith.constant 2 : i64
      %swap3A_552 = arith.index_cast %swap3A_551 : i64 to index
      %swap3A_553 = arith.constant 16 : index
      %swap3A_554 = tpu.vector_load %arg7[%swap3A_552, %swap3A_553] {strides = array<i32>} : memref<4x128xi32, #tpu.memory_space<vmem>>, vector<16xi32>,
      tpu.vector_store %arg7[%swap3A_552, %swap3A_553], %add3A_550 {strides = array<i32>} : memref<4x128xi32, #tpu.memory_space<vmem>>, vector<16xi32>,
      %swap3A_555 = arith.constant 2 : i64
      %swap3A_556 = arith.index_cast %swap3A_555 : i64 to index
      %swap3A_557 = arith.constant 16 : index
      %swap3A_558 = tpu.vector_load %arg8[%swap3A_556, %swap3A_557] {strides = array<i32>} : memref<4x128xi32, #tpu.memory_space<vmem>>, vector<16xi32>,
      tpu.vector_store %arg8[%swap3A_556, %swap3A_557], %gather3A_538 {strides = array<i32>} : memref<4x128xi32, #tpu.memory_space<vmem>>, vector<16xi32>,
      %add3A_559 = arith.constant 32 : i32
      %add3A_560 = vector.broadcast %add3A_559 : i32 to vector<16xi32>
      %add3A_561 = arith.addi %add3A_560, %iota3A : vector<16xi32>
      %mul3A_562 = arith.constant 12 : i32
      %mul3A_563 = vector.broadcast %mul3A_562 : i32 to vector<16xi32>
      %mul3A_564 = arith.muli %add3A_561, %mul3A_563 : vector<16xi32>
      %add3A_565 = arith.constant 6 : i32
      %add3A_566 = vector.broadcast %add3A_565 : i32 to vector<16xi32>
      %add3A_567 = arith.addi %mul3A_564, %add3A_566 : vector<16xi32>
      %gather3A_568 = tpu.vector_load_idx %arg6[%add3A_567] : memref<1536xi32, #tpu.memory_space<vmem>>[vector<16xi32>], vector<16xi32>,
      %add3A_569 = arith.constant 1 : i32
      %add3A_570 = vector.broadcast %add3A_569 : i32 to vector<16xi32>
      %add3A_571 = arith.addi %add3A_567, %add3A_570 : vector<16xi32>
      %gather3A_572 = tpu.vector_load_idx %arg6[%add3A_571] : memref<1536xi32, #tpu.memory_space<vmem>>[vector<16xi32>], vector<16xi32>,
      %add3A_573 = arith.constant 2 : i32
      %add3A_574 = vector.broadcast %add3A_573 : i32 to vector<16xi32>
      %add3A_575 = arith.addi %add3A_567, %add3A_574 : vector<16xi32>
      %gather3A_576 = tpu.vector_load_idx %arg6[%add3A_575] : memref<1536xi32, #tpu.memory_space<vmem>>[vector<16xi32>], vector<16xi32>,
      %mul3A_577 = arith.constant 128 : i32
      %mul3A_578 = vector.broadcast %mul3A_577 : i32 to vector<16xi32>
      %mul3A_579 = arith.muli %gather3A_572, %mul3A_578 : vector<16xi32>
      %add3A_580 = arith.addi %mul3A_579, %gather3A_576 : vector<16xi32>
      %swap3A_581 = arith.constant 2 : i64
      %swap3A_582 = arith.index_cast %swap3A_581 : i64 to index
      %swap3A_583 = arith.constant 32 : index
      %swap3A_584 = tpu.vector_load %arg7[%swap3A_582, %swap3A_583] {strides = array<i32>} : memref<4x128xi32, #tpu.memory_space<vmem>>, vector<16xi32>,
      tpu.vector_store %arg7[%swap3A_582, %swap3A_583], %add3A_580 {strides = array<i32>} : memref<4x128xi32, #tpu.memory_space<vmem>>, vector<16xi32>,
      %swap3A_585 = arith.constant 2 : i64
      %swap3A_586 = arith.index_cast %swap3A_585 : i64 to index
      %swap3A_587 = arith.constant 32 : index
      %swap3A_588 = tpu.vector_load %arg8[%swap3A_586, %swap3A_587] {strides = array<i32>} : memref<4x128xi32, #tpu.memory_space<vmem>>, vector<16xi32>,
      tpu.vector_store %arg8[%swap3A_586, %swap3A_587], %gather3A_568 {strides = array<i32>} : memref<4x128xi32, #tpu.memory_space<vmem>>, vector<16xi32>,
      %add3A_589 = arith.constant 48 : i32
      %add3A_590 = vector.broadcast %add3A_589 : i32 to vector<16xi32>
      %add3A_591 = arith.addi %add3A_590, %iota3A : vector<16xi32>
      %mul3A_592 = arith.constant 12 : i32
      %mul3A_593 = vector.broadcast %mul3A_592 : i32 to vector<16xi32>
      %mul3A_594 = arith.muli %add3A_591, %mul3A_593 : vector<16xi32>
      %add3A_595 = arith.constant 6 : i32
      %add3A_596 = vector.broadcast %add3A_595 : i32 to vector<16xi32>
      %add3A_597 = arith.addi %mul3A_594, %add3A_596 : vector<16xi32>
      %gather3A_598 = tpu.vector_load_idx %arg6[%add3A_597] : memref<1536xi32, #tpu.memory_space<vmem>>[vector<16xi32>], vector<16xi32>,
      %add3A_599 = arith.constant 1 : i32
      %add3A_600 = vector.broadcast %add3A_599 : i32 to vector<16xi32>
      %add3A_601 = arith.addi %add3A_597, %add3A_600 : vector<16xi32>
      %gather3A_602 = tpu.vector_load_idx %arg6[%add3A_601] : memref<1536xi32, #tpu.memory_space<vmem>>[vector<16xi32>], vector<16xi32>,
      %add3A_603 = arith.constant 2 : i32
      %add3A_604 = vector.broadcast %add3A_603 : i32 to vector<16xi32>
      %add3A_605 = arith.addi %add3A_597, %add3A_604 : vector<16xi32>
      %gather3A_606 = tpu.vector_load_idx %arg6[%add3A_605] : memref<1536xi32, #tpu.memory_space<vmem>>[vector<16xi32>], vector<16xi32>,
      %mul3A_607 = arith.constant 128 : i32
      %mul3A_608 = vector.broadcast %mul3A_607 : i32 to vector<16xi32>
      %mul3A_609 = arith.muli %gather3A_602, %mul3A_608 : vector<16xi32>
      %add3A_610 = arith.addi %mul3A_609, %gather3A_606 : vector<16xi32>
      %swap3A_611 = arith.constant 2 : i64
      %swap3A_612 = arith.index_cast %swap3A_611 : i64 to index
      %swap3A_613 = arith.constant 48 : index
      %swap3A_614 = tpu.vector_load %arg7[%swap3A_612, %swap3A_613] {strides = array<i32>} : memref<4x128xi32, #tpu.memory_space<vmem>>, vector<16xi32>,
      tpu.vector_store %arg7[%swap3A_612, %swap3A_613], %add3A_610 {strides = array<i32>} : memref<4x128xi32, #tpu.memory_space<vmem>>, vector<16xi32>,
      %swap3A_615 = arith.constant 2 : i64
      %swap3A_616 = arith.index_cast %swap3A_615 : i64 to index
      %swap3A_617 = arith.constant 48 : index
      %swap3A_618 = tpu.vector_load %arg8[%swap3A_616, %swap3A_617] {strides = array<i32>} : memref<4x128xi32, #tpu.memory_space<vmem>>, vector<16xi32>,
      tpu.vector_store %arg8[%swap3A_616, %swap3A_617], %gather3A_598 {strides = array<i32>} : memref<4x128xi32, #tpu.memory_space<vmem>>, vector<16xi32>,
      %add3A_619 = arith.constant 64 : i32
      %add3A_620 = vector.broadcast %add3A_619 : i32 to vector<16xi32>
      %add3A_621 = arith.addi %add3A_620, %iota3A : vector<16xi32>
      %mul3A_622 = arith.constant 12 : i32
      %mul3A_623 = vector.broadcast %mul3A_622 : i32 to vector<16xi32>
      %mul3A_624 = arith.muli %add3A_621, %mul3A_623 : vector<16xi32>
      %add3A_625 = arith.constant 6 : i32
      %add3A_626 = vector.broadcast %add3A_625 : i32 to vector<16xi32>
      %add3A_627 = arith.addi %mul3A_624, %add3A_626 : vector<16xi32>
      %gather3A_628 = tpu.vector_load_idx %arg6[%add3A_627] : memref<1536xi32, #tpu.memory_space<vmem>>[vector<16xi32>], vector<16xi32>,
      %add3A_629 = arith.constant 1 : i32
      %add3A_630 = vector.broadcast %add3A_629 : i32 to vector<16xi32>
      %add3A_631 = arith.addi %add3A_627, %add3A_630 : vector<16xi32>
      %gather3A_632 = tpu.vector_load_idx %arg6[%add3A_631] : memref<1536xi32, #tpu.memory_space<vmem>>[vector<16xi32>], vector<16xi32>,
      %add3A_633 = arith.constant 2 : i32
      %add3A_634 = vector.broadcast %add3A_633 : i32 to vector<16xi32>
      %add3A_635 = arith.addi %add3A_627, %add3A_634 : vector<16xi32>
      %gather3A_636 = tpu.vector_load_idx %arg6[%add3A_635] : memref<1536xi32, #tpu.memory_space<vmem>>[vector<16xi32>], vector<16xi32>,
      %mul3A_637 = arith.constant 128 : i32
      %mul3A_638 = vector.broadcast %mul3A_637 : i32 to vector<16xi32>
      %mul3A_639 = arith.muli %gather3A_632, %mul3A_638 : vector<16xi32>
      %add3A_640 = arith.addi %mul3A_639, %gather3A_636 : vector<16xi32>
      %swap3A_641 = arith.constant 2 : i64
      %swap3A_642 = arith.index_cast %swap3A_641 : i64 to index
      %swap3A_643 = arith.constant 64 : index
      %swap3A_644 = tpu.vector_load %arg7[%swap3A_642, %swap3A_643] {strides = array<i32>} : memref<4x128xi32, #tpu.memory_space<vmem>>, vector<16xi32>,
      tpu.vector_store %arg7[%swap3A_642, %swap3A_643], %add3A_640 {strides = array<i32>} : memref<4x128xi32, #tpu.memory_space<vmem>>, vector<16xi32>,
      %swap3A_645 = arith.constant 2 : i64
      %swap3A_646 = arith.index_cast %swap3A_645 : i64 to index
      %swap3A_647 = arith.constant 64 : index
      %swap3A_648 = tpu.vector_load %arg8[%swap3A_646, %swap3A_647] {strides = array<i32>} : memref<4x128xi32, #tpu.memory_space<vmem>>, vector<16xi32>,
      tpu.vector_store %arg8[%swap3A_646, %swap3A_647], %gather3A_628 {strides = array<i32>} : memref<4x128xi32, #tpu.memory_space<vmem>>, vector<16xi32>,
      %add3A_649 = arith.constant 80 : i32
      %add3A_650 = vector.broadcast %add3A_649 : i32 to vector<16xi32>
      %add3A_651 = arith.addi %add3A_650, %iota3A : vector<16xi32>
      %mul3A_652 = arith.constant 12 : i32
      %mul3A_653 = vector.broadcast %mul3A_652 : i32 to vector<16xi32>
      %mul3A_654 = arith.muli %add3A_651, %mul3A_653 : vector<16xi32>
      %add3A_655 = arith.constant 6 : i32
      %add3A_656 = vector.broadcast %add3A_655 : i32 to vector<16xi32>
      %add3A_657 = arith.addi %mul3A_654, %add3A_656 : vector<16xi32>
      %gather3A_658 = tpu.vector_load_idx %arg6[%add3A_657] : memref<1536xi32, #tpu.memory_space<vmem>>[vector<16xi32>], vector<16xi32>,
      %add3A_659 = arith.constant 1 : i32
      %add3A_660 = vector.broadcast %add3A_659 : i32 to vector<16xi32>
      %add3A_661 = arith.addi %add3A_657, %add3A_660 : vector<16xi32>
      %gather3A_662 = tpu.vector_load_idx %arg6[%add3A_661] : memref<1536xi32, #tpu.memory_space<vmem>>[vector<16xi32>], vector<16xi32>,
      %add3A_663 = arith.constant 2 : i32
      %add3A_664 = vector.broadcast %add3A_663 : i32 to vector<16xi32>
      %add3A_665 = arith.addi %add3A_657, %add3A_664 : vector<16xi32>
      %gather3A_666 = tpu.vector_load_idx %arg6[%add3A_665] : memref<1536xi32, #tpu.memory_space<vmem>>[vector<16xi32>], vector<16xi32>,
      %mul3A_667 = arith.constant 128 : i32
      %mul3A_668 = vector.broadcast %mul3A_667 : i32 to vector<16xi32>
      %mul3A_669 = arith.muli %gather3A_662, %mul3A_668 : vector<16xi32>
      %add3A_670 = arith.addi %mul3A_669, %gather3A_666 : vector<16xi32>
      %swap3A_671 = arith.constant 2 : i64
      %swap3A_672 = arith.index_cast %swap3A_671 : i64 to index
      %swap3A_673 = arith.constant 80 : index
      %swap3A_674 = tpu.vector_load %arg7[%swap3A_672, %swap3A_673] {strides = array<i32>} : memref<4x128xi32, #tpu.memory_space<vmem>>, vector<16xi32>,
      tpu.vector_store %arg7[%swap3A_672, %swap3A_673], %add3A_670 {strides = array<i32>} : memref<4x128xi32, #tpu.memory_space<vmem>>, vector<16xi32>,
      %swap3A_675 = arith.constant 2 : i64
      %swap3A_676 = arith.index_cast %swap3A_675 : i64 to index
      %swap3A_677 = arith.constant 80 : index
      %swap3A_678 = tpu.vector_load %arg8[%swap3A_676, %swap3A_677] {strides = array<i32>} : memref<4x128xi32, #tpu.memory_space<vmem>>, vector<16xi32>,
      tpu.vector_store %arg8[%swap3A_676, %swap3A_677], %gather3A_658 {strides = array<i32>} : memref<4x128xi32, #tpu.memory_space<vmem>>, vector<16xi32>,
      %add3A_679 = arith.constant 96 : i32
      %add3A_680 = vector.broadcast %add3A_679 : i32 to vector<16xi32>
      %add3A_681 = arith.addi %add3A_680, %iota3A : vector<16xi32>
      %mul3A_682 = arith.constant 12 : i32
      %mul3A_683 = vector.broadcast %mul3A_682 : i32 to vector<16xi32>
      %mul3A_684 = arith.muli %add3A_681, %mul3A_683 : vector<16xi32>
      %add3A_685 = arith.constant 6 : i32
      %add3A_686 = vector.broadcast %add3A_685 : i32 to vector<16xi32>
      %add3A_687 = arith.addi %mul3A_684, %add3A_686 : vector<16xi32>
      %gather3A_688 = tpu.vector_load_idx %arg6[%add3A_687] : memref<1536xi32, #tpu.memory_space<vmem>>[vector<16xi32>], vector<16xi32>,
      %add3A_689 = arith.constant 1 : i32
      %add3A_690 = vector.broadcast %add3A_689 : i32 to vector<16xi32>
      %add3A_691 = arith.addi %add3A_687, %add3A_690 : vector<16xi32>
      %gather3A_692 = tpu.vector_load_idx %arg6[%add3A_691] : memref<1536xi32, #tpu.memory_space<vmem>>[vector<16xi32>], vector<16xi32>,
      %add3A_693 = arith.constant 2 : i32
      %add3A_694 = vector.broadcast %add3A_693 : i32 to vector<16xi32>
      %add3A_695 = arith.addi %add3A_687, %add3A_694 : vector<16xi32>
      %gather3A_696 = tpu.vector_load_idx %arg6[%add3A_695] : memref<1536xi32, #tpu.memory_space<vmem>>[vector<16xi32>], vector<16xi32>,
      %mul3A_697 = arith.constant 128 : i32
      %mul3A_698 = vector.broadcast %mul3A_697 : i32 to vector<16xi32>
      %mul3A_699 = arith.muli %gather3A_692, %mul3A_698 : vector<16xi32>
      %add3A_700 = arith.addi %mul3A_699, %gather3A_696 : vector<16xi32>
      %swap3A_701 = arith.constant 2 : i64
      %swap3A_702 = arith.index_cast %swap3A_701 : i64 to index
      %swap3A_703 = arith.constant 96 : index
      %swap3A_704 = tpu.vector_load %arg7[%swap3A_702, %swap3A_703] {strides = array<i32>} : memref<4x128xi32, #tpu.memory_space<vmem>>, vector<16xi32>,
      tpu.vector_store %arg7[%swap3A_702, %swap3A_703], %add3A_700 {strides = array<i32>} : memref<4x128xi32, #tpu.memory_space<vmem>>, vector<16xi32>,
      %swap3A_705 = arith.constant 2 : i64
      %swap3A_706 = arith.index_cast %swap3A_705 : i64 to index
      %swap3A_707 = arith.constant 96 : index
      %swap3A_708 = tpu.vector_load %arg8[%swap3A_706, %swap3A_707] {strides = array<i32>} : memref<4x128xi32, #tpu.memory_space<vmem>>, vector<16xi32>,
      tpu.vector_store %arg8[%swap3A_706, %swap3A_707], %gather3A_688 {strides = array<i32>} : memref<4x128xi32, #tpu.memory_space<vmem>>, vector<16xi32>,
      %add3A_709 = arith.constant 112 : i32
      %add3A_710 = vector.broadcast %add3A_709 : i32 to vector<16xi32>
      %add3A_711 = arith.addi %add3A_710, %iota3A : vector<16xi32>
      %mul3A_712 = arith.constant 12 : i32
      %mul3A_713 = vector.broadcast %mul3A_712 : i32 to vector<16xi32>
      %mul3A_714 = arith.muli %add3A_711, %mul3A_713 : vector<16xi32>
      %add3A_715 = arith.constant 6 : i32
      %add3A_716 = vector.broadcast %add3A_715 : i32 to vector<16xi32>
      %add3A_717 = arith.addi %mul3A_714, %add3A_716 : vector<16xi32>
      %gather3A_718 = tpu.vector_load_idx %arg6[%add3A_717] : memref<1536xi32, #tpu.memory_space<vmem>>[vector<16xi32>], vector<16xi32>,
      %add3A_719 = arith.constant 1 : i32
      %add3A_720 = vector.broadcast %add3A_719 : i32 to vector<16xi32>
      %add3A_721 = arith.addi %add3A_717, %add3A_720 : vector<16xi32>
      %gather3A_722 = tpu.vector_load_idx %arg6[%add3A_721] : memref<1536xi32, #tpu.memory_space<vmem>>[vector<16xi32>], vector<16xi32>,
      %add3A_723 = arith.constant 2 : i32
      %add3A_724 = vector.broadcast %add3A_723 : i32 to vector<16xi32>
      %add3A_725 = arith.addi %add3A_717, %add3A_724 : vector<16xi32>
      %gather3A_726 = tpu.vector_load_idx %arg6[%add3A_725] : memref<1536xi32, #tpu.memory_space<vmem>>[vector<16xi32>], vector<16xi32>,
      %mul3A_727 = arith.constant 128 : i32
      %mul3A_728 = vector.broadcast %mul3A_727 : i32 to vector<16xi32>
      %mul3A_729 = arith.muli %gather3A_722, %mul3A_728 : vector<16xi32>
      %add3A_730 = arith.addi %mul3A_729, %gather3A_726 : vector<16xi32>
      %swap3A_731 = arith.constant 2 : i64
      %swap3A_732 = arith.index_cast %swap3A_731 : i64 to index
      %swap3A_733 = arith.constant 112 : index
      %swap3A_734 = tpu.vector_load %arg7[%swap3A_732, %swap3A_733] {strides = array<i32>} : memref<4x128xi32, #tpu.memory_space<vmem>>, vector<16xi32>,
      tpu.vector_store %arg7[%swap3A_732, %swap3A_733], %add3A_730 {strides = array<i32>} : memref<4x128xi32, #tpu.memory_space<vmem>>, vector<16xi32>,
      %swap3A_735 = arith.constant 2 : i64
      %swap3A_736 = arith.index_cast %swap3A_735 : i64 to index
      %swap3A_737 = arith.constant 112 : index
      %swap3A_738 = tpu.vector_load %arg8[%swap3A_736, %swap3A_737] {strides = array<i32>} : memref<4x128xi32, #tpu.memory_space<vmem>>, vector<16xi32>,
      tpu.vector_store %arg8[%swap3A_736, %swap3A_737], %gather3A_718 {strides = array<i32>} : memref<4x128xi32, #tpu.memory_space<vmem>>, vector<16xi32>,
      %add3A_739 = arith.constant 0 : i32
      %add3A_740 = vector.broadcast %add3A_739 : i32 to vector<16xi32>
      %add3A_741 = arith.addi %add3A_740, %iota3A : vector<16xi32>
      %mul3A_742 = arith.constant 12 : i32
      %mul3A_743 = vector.broadcast %mul3A_742 : i32 to vector<16xi32>
      %mul3A_744 = arith.muli %add3A_741, %mul3A_743 : vector<16xi32>
      %add3A_745 = arith.constant 9 : i32
      %add3A_746 = vector.broadcast %add3A_745 : i32 to vector<16xi32>
      %add3A_747 = arith.addi %mul3A_744, %add3A_746 : vector<16xi32>
      %gather3A_748 = tpu.vector_load_idx %arg6[%add3A_747] : memref<1536xi32, #tpu.memory_space<vmem>>[vector<16xi32>], vector<16xi32>,
      %add3A_749 = arith.constant 1 : i32
      %add3A_750 = vector.broadcast %add3A_749 : i32 to vector<16xi32>
      %add3A_751 = arith.addi %add3A_747, %add3A_750 : vector<16xi32>
      %gather3A_752 = tpu.vector_load_idx %arg6[%add3A_751] : memref<1536xi32, #tpu.memory_space<vmem>>[vector<16xi32>], vector<16xi32>,
      %add3A_753 = arith.constant 2 : i32
      %add3A_754 = vector.broadcast %add3A_753 : i32 to vector<16xi32>
      %add3A_755 = arith.addi %add3A_747, %add3A_754 : vector<16xi32>
      %gather3A_756 = tpu.vector_load_idx %arg6[%add3A_755] : memref<1536xi32, #tpu.memory_space<vmem>>[vector<16xi32>], vector<16xi32>,
      %mul3A_757 = arith.constant 128 : i32
      %mul3A_758 = vector.broadcast %mul3A_757 : i32 to vector<16xi32>
      %mul3A_759 = arith.muli %gather3A_752, %mul3A_758 : vector<16xi32>
      %add3A_760 = arith.addi %mul3A_759, %gather3A_756 : vector<16xi32>
      %swap3A_761 = arith.constant 3 : i64
      %swap3A_762 = arith.index_cast %swap3A_761 : i64 to index
      %swap3A_763 = arith.constant 0 : index
      %swap3A_764 = tpu.vector_load %arg7[%swap3A_762, %swap3A_763] {strides = array<i32>} : memref<4x128xi32, #tpu.memory_space<vmem>>, vector<16xi32>,
      tpu.vector_store %arg7[%swap3A_762, %swap3A_763], %add3A_760 {strides = array<i32>} : memref<4x128xi32, #tpu.memory_space<vmem>>, vector<16xi32>,
      %swap3A_765 = arith.constant 3 : i64
      %swap3A_766 = arith.index_cast %swap3A_765 : i64 to index
      %swap3A_767 = arith.constant 0 : index
      %swap3A_768 = tpu.vector_load %arg8[%swap3A_766, %swap3A_767] {strides = array<i32>} : memref<4x128xi32, #tpu.memory_space<vmem>>, vector<16xi32>,
      tpu.vector_store %arg8[%swap3A_766, %swap3A_767], %gather3A_748 {strides = array<i32>} : memref<4x128xi32, #tpu.memory_space<vmem>>, vector<16xi32>,
      %add3A_769 = arith.constant 16 : i32
      %add3A_770 = vector.broadcast %add3A_769 : i32 to vector<16xi32>
      %add3A_771 = arith.addi %add3A_770, %iota3A : vector<16xi32>
      %mul3A_772 = arith.constant 12 : i32
      %mul3A_773 = vector.broadcast %mul3A_772 : i32 to vector<16xi32>
      %mul3A_774 = arith.muli %add3A_771, %mul3A_773 : vector<16xi32>
      %add3A_775 = arith.constant 9 : i32
      %add3A_776 = vector.broadcast %add3A_775 : i32 to vector<16xi32>
      %add3A_777 = arith.addi %mul3A_774, %add3A_776 : vector<16xi32>
      %gather3A_778 = tpu.vector_load_idx %arg6[%add3A_777] : memref<1536xi32, #tpu.memory_space<vmem>>[vector<16xi32>], vector<16xi32>,
      %add3A_779 = arith.constant 1 : i32
      %add3A_780 = vector.broadcast %add3A_779 : i32 to vector<16xi32>
      %add3A_781 = arith.addi %add3A_777, %add3A_780 : vector<16xi32>
      %gather3A_782 = tpu.vector_load_idx %arg6[%add3A_781] : memref<1536xi32, #tpu.memory_space<vmem>>[vector<16xi32>], vector<16xi32>,
      %add3A_783 = arith.constant 2 : i32
      %add3A_784 = vector.broadcast %add3A_783 : i32 to vector<16xi32>
      %add3A_785 = arith.addi %add3A_777, %add3A_784 : vector<16xi32>
      %gather3A_786 = tpu.vector_load_idx %arg6[%add3A_785] : memref<1536xi32, #tpu.memory_space<vmem>>[vector<16xi32>], vector<16xi32>,
      %mul3A_787 = arith.constant 128 : i32
      %mul3A_788 = vector.broadcast %mul3A_787 : i32 to vector<16xi32>
      %mul3A_789 = arith.muli %gather3A_782, %mul3A_788 : vector<16xi32>
      %add3A_790 = arith.addi %mul3A_789, %gather3A_786 : vector<16xi32>
      %swap3A_791 = arith.constant 3 : i64
      %swap3A_792 = arith.index_cast %swap3A_791 : i64 to index
      %swap3A_793 = arith.constant 16 : index
      %swap3A_794 = tpu.vector_load %arg7[%swap3A_792, %swap3A_793] {strides = array<i32>} : memref<4x128xi32, #tpu.memory_space<vmem>>, vector<16xi32>,
      tpu.vector_store %arg7[%swap3A_792, %swap3A_793], %add3A_790 {strides = array<i32>} : memref<4x128xi32, #tpu.memory_space<vmem>>, vector<16xi32>,
      %swap3A_795 = arith.constant 3 : i64
      %swap3A_796 = arith.index_cast %swap3A_795 : i64 to index
      %swap3A_797 = arith.constant 16 : index
      %swap3A_798 = tpu.vector_load %arg8[%swap3A_796, %swap3A_797] {strides = array<i32>} : memref<4x128xi32, #tpu.memory_space<vmem>>, vector<16xi32>,
      tpu.vector_store %arg8[%swap3A_796, %swap3A_797], %gather3A_778 {strides = array<i32>} : memref<4x128xi32, #tpu.memory_space<vmem>>, vector<16xi32>,
      %add3A_799 = arith.constant 32 : i32
      %add3A_800 = vector.broadcast %add3A_799 : i32 to vector<16xi32>
      %add3A_801 = arith.addi %add3A_800, %iota3A : vector<16xi32>
      %mul3A_802 = arith.constant 12 : i32
      %mul3A_803 = vector.broadcast %mul3A_802 : i32 to vector<16xi32>
      %mul3A_804 = arith.muli %add3A_801, %mul3A_803 : vector<16xi32>
      %add3A_805 = arith.constant 9 : i32
      %add3A_806 = vector.broadcast %add3A_805 : i32 to vector<16xi32>
      %add3A_807 = arith.addi %mul3A_804, %add3A_806 : vector<16xi32>
      %gather3A_808 = tpu.vector_load_idx %arg6[%add3A_807] : memref<1536xi32, #tpu.memory_space<vmem>>[vector<16xi32>], vector<16xi32>,
      %add3A_809 = arith.constant 1 : i32
      %add3A_810 = vector.broadcast %add3A_809 : i32 to vector<16xi32>
      %add3A_811 = arith.addi %add3A_807, %add3A_810 : vector<16xi32>
      %gather3A_812 = tpu.vector_load_idx %arg6[%add3A_811] : memref<1536xi32, #tpu.memory_space<vmem>>[vector<16xi32>], vector<16xi32>,
      %add3A_813 = arith.constant 2 : i32
      %add3A_814 = vector.broadcast %add3A_813 : i32 to vector<16xi32>
      %add3A_815 = arith.addi %add3A_807, %add3A_814 : vector<16xi32>
      %gather3A_816 = tpu.vector_load_idx %arg6[%add3A_815] : memref<1536xi32, #tpu.memory_space<vmem>>[vector<16xi32>], vector<16xi32>,
      %mul3A_817 = arith.constant 128 : i32
      %mul3A_818 = vector.broadcast %mul3A_817 : i32 to vector<16xi32>
      %mul3A_819 = arith.muli %gather3A_812, %mul3A_818 : vector<16xi32>
      %add3A_820 = arith.addi %mul3A_819, %gather3A_816 : vector<16xi32>
      %swap3A_821 = arith.constant 3 : i64
      %swap3A_822 = arith.index_cast %swap3A_821 : i64 to index
      %swap3A_823 = arith.constant 32 : index
      %swap3A_824 = tpu.vector_load %arg7[%swap3A_822, %swap3A_823] {strides = array<i32>} : memref<4x128xi32, #tpu.memory_space<vmem>>, vector<16xi32>,
      tpu.vector_store %arg7[%swap3A_822, %swap3A_823], %add3A_820 {strides = array<i32>} : memref<4x128xi32, #tpu.memory_space<vmem>>, vector<16xi32>,
      %swap3A_825 = arith.constant 3 : i64
      %swap3A_826 = arith.index_cast %swap3A_825 : i64 to index
      %swap3A_827 = arith.constant 32 : index
      %swap3A_828 = tpu.vector_load %arg8[%swap3A_826, %swap3A_827] {strides = array<i32>} : memref<4x128xi32, #tpu.memory_space<vmem>>, vector<16xi32>,
      tpu.vector_store %arg8[%swap3A_826, %swap3A_827], %gather3A_808 {strides = array<i32>} : memref<4x128xi32, #tpu.memory_space<vmem>>, vector<16xi32>,
      %add3A_829 = arith.constant 48 : i32
      %add3A_830 = vector.broadcast %add3A_829 : i32 to vector<16xi32>
      %add3A_831 = arith.addi %add3A_830, %iota3A : vector<16xi32>
      %mul3A_832 = arith.constant 12 : i32
      %mul3A_833 = vector.broadcast %mul3A_832 : i32 to vector<16xi32>
      %mul3A_834 = arith.muli %add3A_831, %mul3A_833 : vector<16xi32>
      %add3A_835 = arith.constant 9 : i32
      %add3A_836 = vector.broadcast %add3A_835 : i32 to vector<16xi32>
      %add3A_837 = arith.addi %mul3A_834, %add3A_836 : vector<16xi32>
      %gather3A_838 = tpu.vector_load_idx %arg6[%add3A_837] : memref<1536xi32, #tpu.memory_space<vmem>>[vector<16xi32>], vector<16xi32>,
      %add3A_839 = arith.constant 1 : i32
      %add3A_840 = vector.broadcast %add3A_839 : i32 to vector<16xi32>
      %add3A_841 = arith.addi %add3A_837, %add3A_840 : vector<16xi32>
      %gather3A_842 = tpu.vector_load_idx %arg6[%add3A_841] : memref<1536xi32, #tpu.memory_space<vmem>>[vector<16xi32>], vector<16xi32>,
      %add3A_843 = arith.constant 2 : i32
      %add3A_844 = vector.broadcast %add3A_843 : i32 to vector<16xi32>
      %add3A_845 = arith.addi %add3A_837, %add3A_844 : vector<16xi32>
      %gather3A_846 = tpu.vector_load_idx %arg6[%add3A_845] : memref<1536xi32, #tpu.memory_space<vmem>>[vector<16xi32>], vector<16xi32>,
      %mul3A_847 = arith.constant 128 : i32
      %mul3A_848 = vector.broadcast %mul3A_847 : i32 to vector<16xi32>
      %mul3A_849 = arith.muli %gather3A_842, %mul3A_848 : vector<16xi32>
      %add3A_850 = arith.addi %mul3A_849, %gather3A_846 : vector<16xi32>
      %swap3A_851 = arith.constant 3 : i64
      %swap3A_852 = arith.index_cast %swap3A_851 : i64 to index
      %swap3A_853 = arith.constant 48 : index
      %swap3A_854 = tpu.vector_load %arg7[%swap3A_852, %swap3A_853] {strides = array<i32>} : memref<4x128xi32, #tpu.memory_space<vmem>>, vector<16xi32>,
      tpu.vector_store %arg7[%swap3A_852, %swap3A_853], %add3A_850 {strides = array<i32>} : memref<4x128xi32, #tpu.memory_space<vmem>>, vector<16xi32>,
      %swap3A_855 = arith.constant 3 : i64
      %swap3A_856 = arith.index_cast %swap3A_855 : i64 to index
      %swap3A_857 = arith.constant 48 : index
      %swap3A_858 = tpu.vector_load %arg8[%swap3A_856, %swap3A_857] {strides = array<i32>} : memref<4x128xi32, #tpu.memory_space<vmem>>, vector<16xi32>,
      tpu.vector_store %arg8[%swap3A_856, %swap3A_857], %gather3A_838 {strides = array<i32>} : memref<4x128xi32, #tpu.memory_space<vmem>>, vector<16xi32>,
      %add3A_859 = arith.constant 64 : i32
      %add3A_860 = vector.broadcast %add3A_859 : i32 to vector<16xi32>
      %add3A_861 = arith.addi %add3A_860, %iota3A : vector<16xi32>
      %mul3A_862 = arith.constant 12 : i32
      %mul3A_863 = vector.broadcast %mul3A_862 : i32 to vector<16xi32>
      %mul3A_864 = arith.muli %add3A_861, %mul3A_863 : vector<16xi32>
      %add3A_865 = arith.constant 9 : i32
      %add3A_866 = vector.broadcast %add3A_865 : i32 to vector<16xi32>
      %add3A_867 = arith.addi %mul3A_864, %add3A_866 : vector<16xi32>
      %gather3A_868 = tpu.vector_load_idx %arg6[%add3A_867] : memref<1536xi32, #tpu.memory_space<vmem>>[vector<16xi32>], vector<16xi32>,
      %add3A_869 = arith.constant 1 : i32
      %add3A_870 = vector.broadcast %add3A_869 : i32 to vector<16xi32>
      %add3A_871 = arith.addi %add3A_867, %add3A_870 : vector<16xi32>
      %gather3A_872 = tpu.vector_load_idx %arg6[%add3A_871] : memref<1536xi32, #tpu.memory_space<vmem>>[vector<16xi32>], vector<16xi32>,
      %add3A_873 = arith.constant 2 : i32
      %add3A_874 = vector.broadcast %add3A_873 : i32 to vector<16xi32>
      %add3A_875 = arith.addi %add3A_867, %add3A_874 : vector<16xi32>
      %gather3A_876 = tpu.vector_load_idx %arg6[%add3A_875] : memref<1536xi32, #tpu.memory_space<vmem>>[vector<16xi32>], vector<16xi32>,
      %mul3A_877 = arith.constant 128 : i32
      %mul3A_878 = vector.broadcast %mul3A_877 : i32 to vector<16xi32>
      %mul3A_879 = arith.muli %gather3A_872, %mul3A_878 : vector<16xi32>
      %add3A_880 = arith.addi %mul3A_879, %gather3A_876 : vector<16xi32>
      %swap3A_881 = arith.constant 3 : i64
      %swap3A_882 = arith.index_cast %swap3A_881 : i64 to index
      %swap3A_883 = arith.constant 64 : index
      %swap3A_884 = tpu.vector_load %arg7[%swap3A_882, %swap3A_883] {strides = array<i32>} : memref<4x128xi32, #tpu.memory_space<vmem>>, vector<16xi32>,
      tpu.vector_store %arg7[%swap3A_882, %swap3A_883], %add3A_880 {strides = array<i32>} : memref<4x128xi32, #tpu.memory_space<vmem>>, vector<16xi32>,
      %swap3A_885 = arith.constant 3 : i64
      %swap3A_886 = arith.index_cast %swap3A_885 : i64 to index
      %swap3A_887 = arith.constant 64 : index
      %swap3A_888 = tpu.vector_load %arg8[%swap3A_886, %swap3A_887] {strides = array<i32>} : memref<4x128xi32, #tpu.memory_space<vmem>>, vector<16xi32>,
      tpu.vector_store %arg8[%swap3A_886, %swap3A_887], %gather3A_868 {strides = array<i32>} : memref<4x128xi32, #tpu.memory_space<vmem>>, vector<16xi32>,
      %add3A_889 = arith.constant 80 : i32
      %add3A_890 = vector.broadcast %add3A_889 : i32 to vector<16xi32>
      %add3A_891 = arith.addi %add3A_890, %iota3A : vector<16xi32>
      %mul3A_892 = arith.constant 12 : i32
      %mul3A_893 = vector.broadcast %mul3A_892 : i32 to vector<16xi32>
      %mul3A_894 = arith.muli %add3A_891, %mul3A_893 : vector<16xi32>
      %add3A_895 = arith.constant 9 : i32
      %add3A_896 = vector.broadcast %add3A_895 : i32 to vector<16xi32>
      %add3A_897 = arith.addi %mul3A_894, %add3A_896 : vector<16xi32>
      %gather3A_898 = tpu.vector_load_idx %arg6[%add3A_897] : memref<1536xi32, #tpu.memory_space<vmem>>[vector<16xi32>], vector<16xi32>,
      %add3A_899 = arith.constant 1 : i32
      %add3A_900 = vector.broadcast %add3A_899 : i32 to vector<16xi32>
      %add3A_901 = arith.addi %add3A_897, %add3A_900 : vector<16xi32>
      %gather3A_902 = tpu.vector_load_idx %arg6[%add3A_901] : memref<1536xi32, #tpu.memory_space<vmem>>[vector<16xi32>], vector<16xi32>,
      %add3A_903 = arith.constant 2 : i32
      %add3A_904 = vector.broadcast %add3A_903 : i32 to vector<16xi32>
      %add3A_905 = arith.addi %add3A_897, %add3A_904 : vector<16xi32>
      %gather3A_906 = tpu.vector_load_idx %arg6[%add3A_905] : memref<1536xi32, #tpu.memory_space<vmem>>[vector<16xi32>], vector<16xi32>,
      %mul3A_907 = arith.constant 128 : i32
      %mul3A_908 = vector.broadcast %mul3A_907 : i32 to vector<16xi32>
      %mul3A_909 = arith.muli %gather3A_902, %mul3A_908 : vector<16xi32>
      %add3A_910 = arith.addi %mul3A_909, %gather3A_906 : vector<16xi32>
      %swap3A_911 = arith.constant 3 : i64
      %swap3A_912 = arith.index_cast %swap3A_911 : i64 to index
      %swap3A_913 = arith.constant 80 : index
      %swap3A_914 = tpu.vector_load %arg7[%swap3A_912, %swap3A_913] {strides = array<i32>} : memref<4x128xi32, #tpu.memory_space<vmem>>, vector<16xi32>,
      tpu.vector_store %arg7[%swap3A_912, %swap3A_913], %add3A_910 {strides = array<i32>} : memref<4x128xi32, #tpu.memory_space<vmem>>, vector<16xi32>,
      %swap3A_915 = arith.constant 3 : i64
      %swap3A_916 = arith.index_cast %swap3A_915 : i64 to index
      %swap3A_917 = arith.constant 80 : index
      %swap3A_918 = tpu.vector_load %arg8[%swap3A_916, %swap3A_917] {strides = array<i32>} : memref<4x128xi32, #tpu.memory_space<vmem>>, vector<16xi32>,
      tpu.vector_store %arg8[%swap3A_916, %swap3A_917], %gather3A_898 {strides = array<i32>} : memref<4x128xi32, #tpu.memory_space<vmem>>, vector<16xi32>,
      %add3A_919 = arith.constant 96 : i32
      %add3A_920 = vector.broadcast %add3A_919 : i32 to vector<16xi32>
      %add3A_921 = arith.addi %add3A_920, %iota3A : vector<16xi32>
      %mul3A_922 = arith.constant 12 : i32
      %mul3A_923 = vector.broadcast %mul3A_922 : i32 to vector<16xi32>
      %mul3A_924 = arith.muli %add3A_921, %mul3A_923 : vector<16xi32>
      %add3A_925 = arith.constant 9 : i32
      %add3A_926 = vector.broadcast %add3A_925 : i32 to vector<16xi32>
      %add3A_927 = arith.addi %mul3A_924, %add3A_926 : vector<16xi32>
      %gather3A_928 = tpu.vector_load_idx %arg6[%add3A_927] : memref<1536xi32, #tpu.memory_space<vmem>>[vector<16xi32>], vector<16xi32>,
      %add3A_929 = arith.constant 1 : i32
      %add3A_930 = vector.broadcast %add3A_929 : i32 to vector<16xi32>
      %add3A_931 = arith.addi %add3A_927, %add3A_930 : vector<16xi32>
      %gather3A_932 = tpu.vector_load_idx %arg6[%add3A_931] : memref<1536xi32, #tpu.memory_space<vmem>>[vector<16xi32>], vector<16xi32>,
      %add3A_933 = arith.constant 2 : i32
      %add3A_934 = vector.broadcast %add3A_933 : i32 to vector<16xi32>
      %add3A_935 = arith.addi %add3A_927, %add3A_934 : vector<16xi32>
      %gather3A_936 = tpu.vector_load_idx %arg6[%add3A_935] : memref<1536xi32, #tpu.memory_space<vmem>>[vector<16xi32>], vector<16xi32>,
      %mul3A_937 = arith.constant 128 : i32
      %mul3A_938 = vector.broadcast %mul3A_937 : i32 to vector<16xi32>
      %mul3A_939 = arith.muli %gather3A_932, %mul3A_938 : vector<16xi32>
      %add3A_940 = arith.addi %mul3A_939, %gather3A_936 : vector<16xi32>
      %swap3A_941 = arith.constant 3 : i64
      %swap3A_942 = arith.index_cast %swap3A_941 : i64 to index
      %swap3A_943 = arith.constant 96 : index
      %swap3A_944 = tpu.vector_load %arg7[%swap3A_942, %swap3A_943] {strides = array<i32>} : memref<4x128xi32, #tpu.memory_space<vmem>>, vector<16xi32>,
      tpu.vector_store %arg7[%swap3A_942, %swap3A_943], %add3A_940 {strides = array<i32>} : memref<4x128xi32, #tpu.memory_space<vmem>>, vector<16xi32>,
      %swap3A_945 = arith.constant 3 : i64
      %swap3A_946 = arith.index_cast %swap3A_945 : i64 to index
      %swap3A_947 = arith.constant 96 : index
      %swap3A_948 = tpu.vector_load %arg8[%swap3A_946, %swap3A_947] {strides = array<i32>} : memref<4x128xi32, #tpu.memory_space<vmem>>, vector<16xi32>,
      tpu.vector_store %arg8[%swap3A_946, %swap3A_947], %gather3A_928 {strides = array<i32>} : memref<4x128xi32, #tpu.memory_space<vmem>>, vector<16xi32>,
      %add3A_949 = arith.constant 112 : i32
      %add3A_950 = vector.broadcast %add3A_949 : i32 to vector<16xi32>
      %add3A_951 = arith.addi %add3A_950, %iota3A : vector<16xi32>
      %mul3A_952 = arith.constant 12 : i32
      %mul3A_953 = vector.broadcast %mul3A_952 : i32 to vector<16xi32>
      %mul3A_954 = arith.muli %add3A_951, %mul3A_953 : vector<16xi32>
      %add3A_955 = arith.constant 9 : i32
      %add3A_956 = vector.broadcast %add3A_955 : i32 to vector<16xi32>
      %add3A_957 = arith.addi %mul3A_954, %add3A_956 : vector<16xi32>
      %gather3A_958 = tpu.vector_load_idx %arg6[%add3A_957] : memref<1536xi32, #tpu.memory_space<vmem>>[vector<16xi32>], vector<16xi32>,
      %add3A_959 = arith.constant 1 : i32
      %add3A_960 = vector.broadcast %add3A_959 : i32 to vector<16xi32>
      %add3A_961 = arith.addi %add3A_957, %add3A_960 : vector<16xi32>
      %gather3A_962 = tpu.vector_load_idx %arg6[%add3A_961] : memref<1536xi32, #tpu.memory_space<vmem>>[vector<16xi32>], vector<16xi32>,
      %add3A_963 = arith.constant 2 : i32
      %add3A_964 = vector.broadcast %add3A_963 : i32 to vector<16xi32>
      %add3A_965 = arith.addi %add3A_957, %add3A_964 : vector<16xi32>
      %gather3A_966 = tpu.vector_load_idx %arg6[%add3A_965] : memref<1536xi32, #tpu.memory_space<vmem>>[vector<16xi32>], vector<16xi32>,
      %mul3A_967 = arith.constant 128 : i32
      %mul3A_968 = vector.broadcast %mul3A_967 : i32 to vector<16xi32>
      %mul3A_969 = arith.muli %gather3A_962, %mul3A_968 : vector<16xi32>
      %add3A_970 = arith.addi %mul3A_969, %gather3A_966 : vector<16xi32>
      %swap3A_971 = arith.constant 3 : i64
      %swap3A_972 = arith.index_cast %swap3A_971 : i64 to index
      %swap3A_973 = arith.constant 112 : index
      %swap3A_974 = tpu.vector_load %arg7[%swap3A_972, %swap3A_973] {strides = array<i32>} : memref<4x128xi32, #tpu.memory_space<vmem>>, vector<16xi32>,
      tpu.vector_store %arg7[%swap3A_972, %swap3A_973], %add3A_970 {strides = array<i32>} : memref<4x128xi32, #tpu.memory_space<vmem>>, vector<16xi32>,
      %swap3A_975 = arith.constant 3 : i64
      %swap3A_976 = arith.index_cast %swap3A_975 : i64 to index
      %swap3A_977 = arith.constant 112 : index
      %swap3A_978 = tpu.vector_load %arg8[%swap3A_976, %swap3A_977] {strides = array<i32>} : memref<4x128xi32, #tpu.memory_space<vmem>>, vector<16xi32>,
      tpu.vector_store %arg8[%swap3A_976, %swap3A_977], %gather3A_958 {strides = array<i32>} : memref<4x128xi32, #tpu.memory_space<vmem>>, vector<16xi32>,
      %dma_start3A = arith.constant 0 : i32
      %dma_start3A_979 = arith.constant 0 : i32
      %dma_start3A_980 = arith.constant 0 : i32
      %dma_start3A_981 = arith.constant 0 : i32
      %dma_start3A_982 = tpu.memref_slice %arg9[%dma_start3A_979, %dma_start3A_980, %dma_start3A_981] : memref<4x128x128xf32, #tpu.memory_space<vmem>> -> memref<1x128x128xf32, #tpu.memory_space<vmem>>
      %dma_start3A_983 = tpu.memref_squeeze %dma_start3A_982 : memref<1x128x128xf32, #tpu.memory_space<vmem>> -> memref<128x128xf32, #tpu.memory_space<vmem>>
      %dma_start3A_984 = arith.constant 0 : i32
      %dma_start3A_985 = tpu.memref_slice %arg7[%dma_start3A, %dma_start3A_984] : memref<4x128xi32, #tpu.memory_space<vmem>> -> memref<1x128xi32, #tpu.memory_space<vmem>>
      %dma_start3A_986 = tpu.memref_squeeze %dma_start3A_985 : memref<1x128xi32, #tpu.memory_space<vmem>> -> memref<128xi32, #tpu.memory_space<vmem>>
      %dma_start3A_987 = arith.constant 0 : i32
      %dma_start3A_988 = arith.constant 0 : i32
      %dma_start3A_989 = tpu.memref_slice %arg3[%dma_start3A_987, %dma_start3A_988] : memref<16384x128xf32, #tpu.memory_space<hbm>> -> memref<16384x128xf32, #tpu.memory_space<hbm>>
      tpu.enqueue_indirect_dma source(%dma_start3A_989 : memref<16384x128xf32, #tpu.memory_space<hbm>>) target(%dma_start3A_983 : memref<128x128xf32, #tpu.memory_space<vmem>>) offsets(%dma_start3A_986 : memref<128xi32, #tpu.memory_space<vmem>>) semaphore(%arg12 : memref<!tpu.dma_semaphore, #tpu.memory_space<semaphore_mem>>)
      %dma_start3A_990 = arith.constant 1 : i32
      %dma_start3A_991 = arith.constant 1 : i32
      %dma_start3A_992 = arith.constant 0 : i32
      %dma_start3A_993 = arith.constant 0 : i32
      %dma_start3A_994 = tpu.memref_slice %arg9[%dma_start3A_991, %dma_start3A_992, %dma_start3A_993] : memref<4x128x128xf32, #tpu.memory_space<vmem>> -> memref<1x128x128xf32, #tpu.memory_space<vmem>>
      %dma_start3A_995 = tpu.memref_squeeze %dma_start3A_994 : memref<1x128x128xf32, #tpu.memory_space<vmem>> -> memref<128x128xf32, #tpu.memory_space<vmem>>
      %dma_start3A_996 = arith.constant 0 : i32
      %dma_start3A_997 = tpu.memref_slice %arg7[%dma_start3A_990, %dma_start3A_996] : memref<4x128xi32, #tpu.memory_space<vmem>> -> memref<1x128xi32, #tpu.memory_space<vmem>>
      %dma_start3A_998 = tpu.memref_squeeze %dma_start3A_997 : memref<1x128xi32, #tpu.memory_space<vmem>> -> memref<128xi32, #tpu.memory_space<vmem>>
      %dma_start3A_999 = arith.constant 0 : i32
      %dma_start3A_1000 = arith.constant 0 : i32
      %dma_start3A_1001 = tpu.memref_slice %arg3[%dma_start3A_999, %dma_start3A_1000] : memref<16384x128xf32, #tpu.memory_space<hbm>> -> memref<16384x128xf32, #tpu.memory_space<hbm>>
      tpu.enqueue_indirect_dma source(%dma_start3A_1001 : memref<16384x128xf32, #tpu.memory_space<hbm>>) target(%dma_start3A_995 : memref<128x128xf32, #tpu.memory_space<vmem>>) offsets(%dma_start3A_998 : memref<128xi32, #tpu.memory_space<vmem>>) semaphore(%arg12 : memref<!tpu.dma_semaphore, #tpu.memory_space<semaphore_mem>>)
      %dma_start3A_1002 = arith.constant 2 : i32
      %dma_start3A_1003 = arith.constant 2 : i32
      %dma_start3A_1004 = arith.constant 0 : i32
      %dma_start3A_1005 = arith.constant 0 : i32
      %dma_start3A_1006 = tpu.memref_slice %arg9[%dma_start3A_1003, %dma_start3A_1004, %dma_start3A_1005] : memref<4x128x128xf32, #tpu.memory_space<vmem>> -> memref<1x128x128xf32, #tpu.memory_space<vmem>>
      %dma_start3A_1007 = tpu.memref_squeeze %dma_start3A_1006 : memref<1x128x128xf32, #tpu.memory_space<vmem>> -> memref<128x128xf32, #tpu.memory_space<vmem>>
      %dma_start3A_1008 = arith.constant 0 : i32
      %dma_start3A_1009 = tpu.memref_slice %arg7[%dma_start3A_1002, %dma_start3A_1008] : memref<4x128xi32, #tpu.memory_space<vmem>> -> memref<1x128xi32, #tpu.memory_space<vmem>>
      %dma_start3A_1010 = tpu.memref_squeeze %dma_start3A_1009 : memref<1x128xi32, #tpu.memory_space<vmem>> -> memref<128xi32, #tpu.memory_space<vmem>>
      %dma_start3A_1011 = arith.constant 0 : i32
      %dma_start3A_1012 = arith.constant 0 : i32
      %dma_start3A_1013 = tpu.memref_slice %arg3[%dma_start3A_1011, %dma_start3A_1012] : memref<16384x128xf32, #tpu.memory_space<hbm>> -> memref<16384x128xf32, #tpu.memory_space<hbm>>
      tpu.enqueue_indirect_dma source(%dma_start3A_1013 : memref<16384x128xf32, #tpu.memory_space<hbm>>) target(%dma_start3A_1007 : memref<128x128xf32, #tpu.memory_space<vmem>>) offsets(%dma_start3A_1010 : memref<128xi32, #tpu.memory_space<vmem>>) semaphore(%arg12 : memref<!tpu.dma_semaphore, #tpu.memory_space<semaphore_mem>>)
      %dma_start3A_1014 = arith.constant 3 : i32
      %dma_start3A_1015 = arith.constant 3 : i32
      %dma_start3A_1016 = arith.constant 0 : i32
      %dma_start3A_1017 = arith.constant 0 : i32
      %dma_start3A_1018 = tpu.memref_slice %arg9[%dma_start3A_1015, %dma_start3A_1016, %dma_start3A_1017] : memref<4x128x128xf32, #tpu.memory_space<vmem>> -> memref<1x128x128xf32, #tpu.memory_space<vmem>>
      %dma_start3A_1019 = tpu.memref_squeeze %dma_start3A_1018 : memref<1x128x128xf32, #tpu.memory_space<vmem>> -> memref<128x128xf32, #tpu.memory_space<vmem>>
      %dma_start3A_1020 = arith.constant 0 : i32
      %dma_start3A_1021 = tpu.memref_slice %arg7[%dma_start3A_1014, %dma_start3A_1020] : memref<4x128xi32, #tpu.memory_space<vmem>> -> memref<1x128xi32, #tpu.memory_space<vmem>>
      %dma_start3A_1022 = tpu.memref_squeeze %dma_start3A_1021 : memref<1x128xi32, #tpu.memory_space<vmem>> -> memref<128xi32, #tpu.memory_space<vmem>>
      %dma_start3A_1023 = arith.constant 0 : i32
      %dma_start3A_1024 = arith.constant 0 : i32
      %dma_start3A_1025 = tpu.memref_slice %arg3[%dma_start3A_1023, %dma_start3A_1024] : memref<16384x128xf32, #tpu.memory_space<hbm>> -> memref<16384x128xf32, #tpu.memory_space<hbm>>
      tpu.enqueue_indirect_dma source(%dma_start3A_1025 : memref<16384x128xf32, #tpu.memory_space<hbm>>) target(%dma_start3A_1019 : memref<128x128xf32, #tpu.memory_space<vmem>>) offsets(%dma_start3A_1022 : memref<128xi32, #tpu.memory_space<vmem>>) semaphore(%arg12 : memref<!tpu.dma_semaphore, #tpu.memory_space<semaphore_mem>>)
      %dma_wait3A = arith.constant 0 : i32
      %dma_wait3A_1026 = arith.constant 0 : i32
      %dma_wait3A_1027 = arith.constant 0 : i32
      %dma_wait3A_1028 = arith.constant 0 : i32
      %dma_wait3A_1029 = tpu.memref_slice %arg9[%dma_wait3A_1026, %dma_wait3A_1027, %dma_wait3A_1028] : memref<4x128x128xf32, #tpu.memory_space<vmem>> -> memref<1x128x128xf32, #tpu.memory_space<vmem>>
      %dma_wait3A_1030 = tpu.memref_squeeze %dma_wait3A_1029 : memref<1x128x128xf32, #tpu.memory_space<vmem>> -> memref<128x128xf32, #tpu.memory_space<vmem>>
      %dma_wait3A_1031 = arith.constant 0 : i32
      %dma_wait3A_1032 = tpu.memref_slice %arg7[%dma_wait3A, %dma_wait3A_1031] : memref<4x128xi32, #tpu.memory_space<vmem>> -> memref<1x128xi32, #tpu.memory_space<vmem>>
      %dma_wait3A_1033 = tpu.memref_squeeze %dma_wait3A_1032 : memref<1x128xi32, #tpu.memory_space<vmem>> -> memref<128xi32, #tpu.memory_space<vmem>>
      %dma_wait3A_1034 = arith.constant 0 : i32
      %dma_wait3A_1035 = arith.constant 0 : i32
      %dma_wait3A_1036 = tpu.memref_slice %arg3[%dma_wait3A_1034, %dma_wait3A_1035] : memref<16384x128xf32, #tpu.memory_space<hbm>> -> memref<16384x128xf32, #tpu.memory_space<hbm>>
      tpu.wait_indirect_dma semaphore(%arg12 : memref<!tpu.dma_semaphore, #tpu.memory_space<semaphore_mem>>) src(%dma_wait3A_1036 : memref<16384x128xf32, #tpu.memory_space<hbm>>) dst(%dma_wait3A_1030 : memref<128x128xf32, #tpu.memory_space<vmem>>)
      %dma_wait3A_1037 = arith.constant 1 : i32
      %dma_wait3A_1038 = arith.constant 1 : i32
      %dma_wait3A_1039 = arith.constant 0 : i32
      %dma_wait3A_1040 = arith.constant 0 : i32
      %dma_wait3A_1041 = tpu.memref_slice %arg9[%dma_wait3A_1038, %dma_wait3A_1039, %dma_wait3A_1040] : memref<4x128x128xf32, #tpu.memory_space<vmem>> -> memref<1x128x128xf32, #tpu.memory_space<vmem>>
      %dma_wait3A_1042 = tpu.memref_squeeze %dma_wait3A_1041 : memref<1x128x128xf32, #tpu.memory_space<vmem>> -> memref<128x128xf32, #tpu.memory_space<vmem>>
      %dma_wait3A_1043 = arith.constant 0 : i32
      %dma_wait3A_1044 = tpu.memref_slice %arg7[%dma_wait3A_1037, %dma_wait3A_1043] : memref<4x128xi32, #tpu.memory_space<vmem>> -> memref<1x128xi32, #tpu.memory_space<vmem>>
      %dma_wait3A_1045 = tpu.memref_squeeze %dma_wait3A_1044 : memref<1x128xi32, #tpu.memory_space<vmem>> -> memref<128xi32, #tpu.memory_space<vmem>>
      %dma_wait3A_1046 = arith.constant 0 : i32
      %dma_wait3A_1047 = arith.constant 0 : i32
      %dma_wait3A_1048 = tpu.memref_slice %arg3[%dma_wait3A_1046, %dma_wait3A_1047] : memref<16384x128xf32, #tpu.memory_space<hbm>> -> memref<16384x128xf32, #tpu.memory_space<hbm>>
      tpu.wait_indirect_dma semaphore(%arg12 : memref<!tpu.dma_semaphore, #tpu.memory_space<semaphore_mem>>) src(%dma_wait3A_1048 : memref<16384x128xf32, #tpu.memory_space<hbm>>) dst(%dma_wait3A_1042 : memref<128x128xf32, #tpu.memory_space<vmem>>)
      %dma_wait3A_1049 = arith.constant 2 : i32
      %dma_wait3A_1050 = arith.constant 2 : i32
      %dma_wait3A_1051 = arith.constant 0 : i32
      %dma_wait3A_1052 = arith.constant 0 : i32
      %dma_wait3A_1053 = tpu.memref_slice %arg9[%dma_wait3A_1050, %dma_wait3A_1051, %dma_wait3A_1052] : memref<4x128x128xf32, #tpu.memory_space<vmem>> -> memref<1x128x128xf32, #tpu.memory_space<vmem>>
      %dma_wait3A_1054 = tpu.memref_squeeze %dma_wait3A_1053 : memref<1x128x128xf32, #tpu.memory_space<vmem>> -> memref<128x128xf32, #tpu.memory_space<vmem>>
      %dma_wait3A_1055 = arith.constant 0 : i32
      %dma_wait3A_1056 = tpu.memref_slice %arg7[%dma_wait3A_1049, %dma_wait3A_1055] : memref<4x128xi32, #tpu.memory_space<vmem>> -> memref<1x128xi32, #tpu.memory_space<vmem>>
      %dma_wait3A_1057 = tpu.memref_squeeze %dma_wait3A_1056 : memref<1x128xi32, #tpu.memory_space<vmem>> -> memref<128xi32, #tpu.memory_space<vmem>>
      %dma_wait3A_1058 = arith.constant 0 : i32
      %dma_wait3A_1059 = arith.constant 0 : i32
      %dma_wait3A_1060 = tpu.memref_slice %arg3[%dma_wait3A_1058, %dma_wait3A_1059] : memref<16384x128xf32, #tpu.memory_space<hbm>> -> memref<16384x128xf32, #tpu.memory_space<hbm>>
      tpu.wait_indirect_dma semaphore(%arg12 : memref<!tpu.dma_semaphore, #tpu.memory_space<semaphore_mem>>) src(%dma_wait3A_1060 : memref<16384x128xf32, #tpu.memory_space<hbm>>) dst(%dma_wait3A_1054 : memref<128x128xf32, #tpu.memory_space<vmem>>)
      %dma_wait3A_1061 = arith.constant 3 : i32
      %dma_wait3A_1062 = arith.constant 3 : i32
      %dma_wait3A_1063 = arith.constant 0 : i32
      %dma_wait3A_1064 = arith.constant 0 : i32
      %dma_wait3A_1065 = tpu.memref_slice %arg9[%dma_wait3A_1062, %dma_wait3A_1063, %dma_wait3A_1064] : memref<4x128x128xf32, #tpu.memory_space<vmem>> -> memref<1x128x128xf32, #tpu.memory_space<vmem>>
      %dma_wait3A_1066 = tpu.memref_squeeze %dma_wait3A_1065 : memref<1x128x128xf32, #tpu.memory_space<vmem>> -> memref<128x128xf32, #tpu.memory_space<vmem>>
      %dma_wait3A_1067 = arith.constant 0 : i32
      %dma_wait3A_1068 = tpu.memref_slice %arg7[%dma_wait3A_1061, %dma_wait3A_1067] : memref<4x128xi32, #tpu.memory_space<vmem>> -> memref<1x128xi32, #tpu.memory_space<vmem>>
      %dma_wait3A_1069 = tpu.memref_squeeze %dma_wait3A_1068 : memref<1x128xi32, #tpu.memory_space<vmem>> -> memref<128xi32, #tpu.memory_space<vmem>>
      %dma_wait3A_1070 = arith.constant 0 : i32
      %dma_wait3A_1071 = arith.constant 0 : i32
      %dma_wait3A_1072 = tpu.memref_slice %arg3[%dma_wait3A_1070, %dma_wait3A_1071] : memref<16384x128xf32, #tpu.memory_space<hbm>> -> memref<16384x128xf32, #tpu.memory_space<hbm>>
      tpu.wait_indirect_dma semaphore(%arg12 : memref<!tpu.dma_semaphore, #tpu.memory_space<semaphore_mem>>) src(%dma_wait3A_1072 : memref<16384x128xf32, #tpu.memory_space<hbm>>) dst(%dma_wait3A_1066 : memref<128x128xf32, #tpu.memory_space<vmem>>)
      %get3A = arith.constant 0 : index
      %get3A_1073 = tpu.vector_load %arg10[%get3A] {strides = array<i32>} : memref<128xf32, #tpu.memory_space<vmem>>, vector<16xf32>,
      %add3A_1074 = arith.constant 0 : i32
      %add3A_1075 = vector.broadcast %add3A_1074 : i32 to vector<16xi32>
      %add3A_1076 = arith.addi %add3A_1075, %iota3A : vector<16xi32>
      %get3A_1077 = arith.constant 0 : i64
      %get3A_1078 = arith.index_cast %get3A_1077 : i64 to index
      %get3A_1079 = arith.constant 0 : index
      %get3A_1080 = tpu.vector_load %arg8[%get3A_1078, %get3A_1079] {strides = array<i32>} : memref<4x128xi32, #tpu.memory_space<vmem>>, vector<16xi32>,
      %broadcast_in_dim3A = arith.constant 0 : i32
      %broadcast_in_dim3A_1081 = vector.broadcast %broadcast_in_dim3A : i32 to vector<16xi32>
      %gather3A_1082 = tpu.vector_load_idx %arg9[%broadcast_in_dim3A_1081, %add3A_1076, %get3A_1080] : memref<4x128x128xf32, #tpu.memory_space<vmem>>[vector<16xi32>, vector<16xi32>, vector<16xi32>], vector<16xf32>,
      %mul3A_1083 = arith.mulf %get3A_1073, %gather3A_1082 : vector<16xf32>
      %get3A_1084 = arith.constant 1 : i64
      %get3A_1085 = arith.index_cast %get3A_1084 : i64 to index
      %get3A_1086 = arith.constant 0 : index
      %get3A_1087 = tpu.vector_load %arg8[%get3A_1085, %get3A_1086] {strides = array<i32>} : memref<4x128xi32, #tpu.memory_space<vmem>>, vector<16xi32>,
      %broadcast_in_dim3A_1088 = arith.constant 1 : i32
      %broadcast_in_dim3A_1089 = vector.broadcast %broadcast_in_dim3A_1088 : i32 to vector<16xi32>
      %gather3A_1090 = tpu.vector_load_idx %arg9[%broadcast_in_dim3A_1089, %add3A_1076, %get3A_1087] : memref<4x128x128xf32, #tpu.memory_space<vmem>>[vector<16xi32>, vector<16xi32>, vector<16xi32>], vector<16xf32>,
      %mul3A_1091 = arith.mulf %mul3A_1083, %gather3A_1090 : vector<16xf32>
      %get3A_1092 = arith.constant 2 : i64
      %get3A_1093 = arith.index_cast %get3A_1092 : i64 to index
      %get3A_1094 = arith.constant 0 : index
      %get3A_1095 = tpu.vector_load %arg8[%get3A_1093, %get3A_1094] {strides = array<i32>} : memref<4x128xi32, #tpu.memory_space<vmem>>, vector<16xi32>,
      %broadcast_in_dim3A_1096 = arith.constant 2 : i32
      %broadcast_in_dim3A_1097 = vector.broadcast %broadcast_in_dim3A_1096 : i32 to vector<16xi32>
      %gather3A_1098 = tpu.vector_load_idx %arg9[%broadcast_in_dim3A_1097, %add3A_1076, %get3A_1095] : memref<4x128x128xf32, #tpu.memory_space<vmem>>[vector<16xi32>, vector<16xi32>, vector<16xi32>], vector<16xf32>,
      %mul3A_1099 = arith.mulf %mul3A_1091, %gather3A_1098 : vector<16xf32>
      %get3A_1100 = arith.constant 3 : i64
      %get3A_1101 = arith.index_cast %get3A_1100 : i64 to index
      %get3A_1102 = arith.constant 0 : index
      %get3A_1103 = tpu.vector_load %arg8[%get3A_1101, %get3A_1102] {strides = array<i32>} : memref<4x128xi32, #tpu.memory_space<vmem>>, vector<16xi32>,
      %broadcast_in_dim3A_1104 = arith.constant 3 : i32
      %broadcast_in_dim3A_1105 = vector.broadcast %broadcast_in_dim3A_1104 : i32 to vector<16xi32>
      %gather3A_1106 = tpu.vector_load_idx %arg9[%broadcast_in_dim3A_1105, %add3A_1076, %get3A_1103] : memref<4x128x128xf32, #tpu.memory_space<vmem>>[vector<16xi32>, vector<16xi32>, vector<16xi32>], vector<16xf32>,
      %mul3A_1107 = arith.mulf %mul3A_1099, %gather3A_1106 : vector<16xf32>
      %mul3A_1108 = arith.constant 128 : i32
      %mul3A_1109 = arith.muli %while3A_13, %mul3A_1108 : i32
      %add3A_1110 = arith.constant 0 : i32
      %add3A_1111 = arith.addi %mul3A_1109, %add3A_1110 : i32
      %swap3A_1112 = arith.index_cast %add3A_1111 : i32 to index
      %swap3A_1113 = tpu.vector_load %arg11[%swap3A_1112] {strides = array<i32>} : memref<4096xf32, #tpu.memory_space<vmem>>, vector<16xf32>,
      tpu.vector_store %arg11[%swap3A_1112], %mul3A_1107 {strides = array<i32>} : memref<4096xf32, #tpu.memory_space<vmem>>, vector<16xf32>,
      %get3A_1114 = arith.constant 16 : index
      %get3A_1115 = tpu.vector_load %arg10[%get3A_1114] {strides = array<i32>} : memref<128xf32, #tpu.memory_space<vmem>>, vector<16xf32>,
      %add3A_1116 = arith.constant 16 : i32
      %add3A_1117 = vector.broadcast %add3A_1116 : i32 to vector<16xi32>
      %add3A_1118 = arith.addi %add3A_1117, %iota3A : vector<16xi32>
      %get3A_1119 = arith.constant 0 : i64
      %get3A_1120 = arith.index_cast %get3A_1119 : i64 to index
      %get3A_1121 = arith.constant 16 : index
      %get3A_1122 = tpu.vector_load %arg8[%get3A_1120, %get3A_1121] {strides = array<i32>} : memref<4x128xi32, #tpu.memory_space<vmem>>, vector<16xi32>,
      %broadcast_in_dim3A_1123 = arith.constant 0 : i32
      %broadcast_in_dim3A_1124 = vector.broadcast %broadcast_in_dim3A_1123 : i32 to vector<16xi32>
      %gather3A_1125 = tpu.vector_load_idx %arg9[%broadcast_in_dim3A_1124, %add3A_1118, %get3A_1122] : memref<4x128x128xf32, #tpu.memory_space<vmem>>[vector<16xi32>, vector<16xi32>, vector<16xi32>], vector<16xf32>,
      %mul3A_1126 = arith.mulf %get3A_1115, %gather3A_1125 : vector<16xf32>
      %get3A_1127 = arith.constant 1 : i64
      %get3A_1128 = arith.index_cast %get3A_1127 : i64 to index
      %get3A_1129 = arith.constant 16 : index
      %get3A_1130 = tpu.vector_load %arg8[%get3A_1128, %get3A_1129] {strides = array<i32>} : memref<4x128xi32, #tpu.memory_space<vmem>>, vector<16xi32>,
      %broadcast_in_dim3A_1131 = arith.constant 1 : i32
      %broadcast_in_dim3A_1132 = vector.broadcast %broadcast_in_dim3A_1131 : i32 to vector<16xi32>
      %gather3A_1133 = tpu.vector_load_idx %arg9[%broadcast_in_dim3A_1132, %add3A_1118, %get3A_1130] : memref<4x128x128xf32, #tpu.memory_space<vmem>>[vector<16xi32>, vector<16xi32>, vector<16xi32>], vector<16xf32>,
      %mul3A_1134 = arith.mulf %mul3A_1126, %gather3A_1133 : vector<16xf32>
      %get3A_1135 = arith.constant 2 : i64
      %get3A_1136 = arith.index_cast %get3A_1135 : i64 to index
      %get3A_1137 = arith.constant 16 : index
      %get3A_1138 = tpu.vector_load %arg8[%get3A_1136, %get3A_1137] {strides = array<i32>} : memref<4x128xi32, #tpu.memory_space<vmem>>, vector<16xi32>,
      %broadcast_in_dim3A_1139 = arith.constant 2 : i32
      %broadcast_in_dim3A_1140 = vector.broadcast %broadcast_in_dim3A_1139 : i32 to vector<16xi32>
      %gather3A_1141 = tpu.vector_load_idx %arg9[%broadcast_in_dim3A_1140, %add3A_1118, %get3A_1138] : memref<4x128x128xf32, #tpu.memory_space<vmem>>[vector<16xi32>, vector<16xi32>, vector<16xi32>], vector<16xf32>,
      %mul3A_1142 = arith.mulf %mul3A_1134, %gather3A_1141 : vector<16xf32>
      %get3A_1143 = arith.constant 3 : i64
      %get3A_1144 = arith.index_cast %get3A_1143 : i64 to index
      %get3A_1145 = arith.constant 16 : index
      %get3A_1146 = tpu.vector_load %arg8[%get3A_1144, %get3A_1145] {strides = array<i32>} : memref<4x128xi32, #tpu.memory_space<vmem>>, vector<16xi32>,
      %broadcast_in_dim3A_1147 = arith.constant 3 : i32
      %broadcast_in_dim3A_1148 = vector.broadcast %broadcast_in_dim3A_1147 : i32 to vector<16xi32>
      %gather3A_1149 = tpu.vector_load_idx %arg9[%broadcast_in_dim3A_1148, %add3A_1118, %get3A_1146] : memref<4x128x128xf32, #tpu.memory_space<vmem>>[vector<16xi32>, vector<16xi32>, vector<16xi32>], vector<16xf32>,
      %mul3A_1150 = arith.mulf %mul3A_1142, %gather3A_1149 : vector<16xf32>
      %mul3A_1151 = arith.constant 128 : i32
      %mul3A_1152 = arith.muli %while3A_13, %mul3A_1151 : i32
      %add3A_1153 = arith.constant 16 : i32
      %add3A_1154 = arith.addi %mul3A_1152, %add3A_1153 : i32
      %swap3A_1155 = arith.index_cast %add3A_1154 : i32 to index
      %swap3A_1156 = tpu.vector_load %arg11[%swap3A_1155] {strides = array<i32>} : memref<4096xf32, #tpu.memory_space<vmem>>, vector<16xf32>,
      tpu.vector_store %arg11[%swap3A_1155], %mul3A_1150 {strides = array<i32>} : memref<4096xf32, #tpu.memory_space<vmem>>, vector<16xf32>,
      %get3A_1157 = arith.constant 32 : index
      %get3A_1158 = tpu.vector_load %arg10[%get3A_1157] {strides = array<i32>} : memref<128xf32, #tpu.memory_space<vmem>>, vector<16xf32>,
      %add3A_1159 = arith.constant 32 : i32
      %add3A_1160 = vector.broadcast %add3A_1159 : i32 to vector<16xi32>
      %add3A_1161 = arith.addi %add3A_1160, %iota3A : vector<16xi32>
      %get3A_1162 = arith.constant 0 : i64
      %get3A_1163 = arith.index_cast %get3A_1162 : i64 to index
      %get3A_1164 = arith.constant 32 : index
      %get3A_1165 = tpu.vector_load %arg8[%get3A_1163, %get3A_1164] {strides = array<i32>} : memref<4x128xi32, #tpu.memory_space<vmem>>, vector<16xi32>,
      %broadcast_in_dim3A_1166 = arith.constant 0 : i32
      %broadcast_in_dim3A_1167 = vector.broadcast %broadcast_in_dim3A_1166 : i32 to vector<16xi32>
      %gather3A_1168 = tpu.vector_load_idx %arg9[%broadcast_in_dim3A_1167, %add3A_1161, %get3A_1165] : memref<4x128x128xf32, #tpu.memory_space<vmem>>[vector<16xi32>, vector<16xi32>, vector<16xi32>], vector<16xf32>,
      %mul3A_1169 = arith.mulf %get3A_1158, %gather3A_1168 : vector<16xf32>
      %get3A_1170 = arith.constant 1 : i64
      %get3A_1171 = arith.index_cast %get3A_1170 : i64 to index
      %get3A_1172 = arith.constant 32 : index
      %get3A_1173 = tpu.vector_load %arg8[%get3A_1171, %get3A_1172] {strides = array<i32>} : memref<4x128xi32, #tpu.memory_space<vmem>>, vector<16xi32>,
      %broadcast_in_dim3A_1174 = arith.constant 1 : i32
      %broadcast_in_dim3A_1175 = vector.broadcast %broadcast_in_dim3A_1174 : i32 to vector<16xi32>
      %gather3A_1176 = tpu.vector_load_idx %arg9[%broadcast_in_dim3A_1175, %add3A_1161, %get3A_1173] : memref<4x128x128xf32, #tpu.memory_space<vmem>>[vector<16xi32>, vector<16xi32>, vector<16xi32>], vector<16xf32>,
      %mul3A_1177 = arith.mulf %mul3A_1169, %gather3A_1176 : vector<16xf32>
      %get3A_1178 = arith.constant 2 : i64
      %get3A_1179 = arith.index_cast %get3A_1178 : i64 to index
      %get3A_1180 = arith.constant 32 : index
      %get3A_1181 = tpu.vector_load %arg8[%get3A_1179, %get3A_1180] {strides = array<i32>} : memref<4x128xi32, #tpu.memory_space<vmem>>, vector<16xi32>,
      %broadcast_in_dim3A_1182 = arith.constant 2 : i32
      %broadcast_in_dim3A_1183 = vector.broadcast %broadcast_in_dim3A_1182 : i32 to vector<16xi32>
      %gather3A_1184 = tpu.vector_load_idx %arg9[%broadcast_in_dim3A_1183, %add3A_1161, %get3A_1181] : memref<4x128x128xf32, #tpu.memory_space<vmem>>[vector<16xi32>, vector<16xi32>, vector<16xi32>], vector<16xf32>,
      %mul3A_1185 = arith.mulf %mul3A_1177, %gather3A_1184 : vector<16xf32>
      %get3A_1186 = arith.constant 3 : i64
      %get3A_1187 = arith.index_cast %get3A_1186 : i64 to index
      %get3A_1188 = arith.constant 32 : index
      %get3A_1189 = tpu.vector_load %arg8[%get3A_1187, %get3A_1188] {strides = array<i32>} : memref<4x128xi32, #tpu.memory_space<vmem>>, vector<16xi32>,
      %broadcast_in_dim3A_1190 = arith.constant 3 : i32
      %broadcast_in_dim3A_1191 = vector.broadcast %broadcast_in_dim3A_1190 : i32 to vector<16xi32>
      %gather3A_1192 = tpu.vector_load_idx %arg9[%broadcast_in_dim3A_1191, %add3A_1161, %get3A_1189] : memref<4x128x128xf32, #tpu.memory_space<vmem>>[vector<16xi32>, vector<16xi32>, vector<16xi32>], vector<16xf32>,
      %mul3A_1193 = arith.mulf %mul3A_1185, %gather3A_1192 : vector<16xf32>
      %mul3A_1194 = arith.constant 128 : i32
      %mul3A_1195 = arith.muli %while3A_13, %mul3A_1194 : i32
      %add3A_1196 = arith.constant 32 : i32
      %add3A_1197 = arith.addi %mul3A_1195, %add3A_1196 : i32
      %swap3A_1198 = arith.index_cast %add3A_1197 : i32 to index
      %swap3A_1199 = tpu.vector_load %arg11[%swap3A_1198] {strides = array<i32>} : memref<4096xf32, #tpu.memory_space<vmem>>, vector<16xf32>,
      tpu.vector_store %arg11[%swap3A_1198], %mul3A_1193 {strides = array<i32>} : memref<4096xf32, #tpu.memory_space<vmem>>, vector<16xf32>,
      %get3A_1200 = arith.constant 48 : index
      %get3A_1201 = tpu.vector_load %arg10[%get3A_1200] {strides = array<i32>} : memref<128xf32, #tpu.memory_space<vmem>>, vector<16xf32>,
      %add3A_1202 = arith.constant 48 : i32
      %add3A_1203 = vector.broadcast %add3A_1202 : i32 to vector<16xi32>
      %add3A_1204 = arith.addi %add3A_1203, %iota3A : vector<16xi32>
      %get3A_1205 = arith.constant 0 : i64
      %get3A_1206 = arith.index_cast %get3A_1205 : i64 to index
      %get3A_1207 = arith.constant 48 : index
      %get3A_1208 = tpu.vector_load %arg8[%get3A_1206, %get3A_1207] {strides = array<i32>} : memref<4x128xi32, #tpu.memory_space<vmem>>, vector<16xi32>,
      %broadcast_in_dim3A_1209 = arith.constant 0 : i32
      %broadcast_in_dim3A_1210 = vector.broadcast %broadcast_in_dim3A_1209 : i32 to vector<16xi32>
      %gather3A_1211 = tpu.vector_load_idx %arg9[%broadcast_in_dim3A_1210, %add3A_1204, %get3A_1208] : memref<4x128x128xf32, #tpu.memory_space<vmem>>[vector<16xi32>, vector<16xi32>, vector<16xi32>], vector<16xf32>,
      %mul3A_1212 = arith.mulf %get3A_1201, %gather3A_1211 : vector<16xf32>
      %get3A_1213 = arith.constant 1 : i64
      %get3A_1214 = arith.index_cast %get3A_1213 : i64 to index
      %get3A_1215 = arith.constant 48 : index
      %get3A_1216 = tpu.vector_load %arg8[%get3A_1214, %get3A_1215] {strides = array<i32>} : memref<4x128xi32, #tpu.memory_space<vmem>>, vector<16xi32>,
      %broadcast_in_dim3A_1217 = arith.constant 1 : i32
      %broadcast_in_dim3A_1218 = vector.broadcast %broadcast_in_dim3A_1217 : i32 to vector<16xi32>
      %gather3A_1219 = tpu.vector_load_idx %arg9[%broadcast_in_dim3A_1218, %add3A_1204, %get3A_1216] : memref<4x128x128xf32, #tpu.memory_space<vmem>>[vector<16xi32>, vector<16xi32>, vector<16xi32>], vector<16xf32>,
      %mul3A_1220 = arith.mulf %mul3A_1212, %gather3A_1219 : vector<16xf32>
      %get3A_1221 = arith.constant 2 : i64
      %get3A_1222 = arith.index_cast %get3A_1221 : i64 to index
      %get3A_1223 = arith.constant 48 : index
      %get3A_1224 = tpu.vector_load %arg8[%get3A_1222, %get3A_1223] {strides = array<i32>} : memref<4x128xi32, #tpu.memory_space<vmem>>, vector<16xi32>,
      %broadcast_in_dim3A_1225 = arith.constant 2 : i32
      %broadcast_in_dim3A_1226 = vector.broadcast %broadcast_in_dim3A_1225 : i32 to vector<16xi32>
      %gather3A_1227 = tpu.vector_load_idx %arg9[%broadcast_in_dim3A_1226, %add3A_1204, %get3A_1224] : memref<4x128x128xf32, #tpu.memory_space<vmem>>[vector<16xi32>, vector<16xi32>, vector<16xi32>], vector<16xf32>,
      %mul3A_1228 = arith.mulf %mul3A_1220, %gather3A_1227 : vector<16xf32>
      %get3A_1229 = arith.constant 3 : i64
      %get3A_1230 = arith.index_cast %get3A_1229 : i64 to index
      %get3A_1231 = arith.constant 48 : index
      %get3A_1232 = tpu.vector_load %arg8[%get3A_1230, %get3A_1231] {strides = array<i32>} : memref<4x128xi32, #tpu.memory_space<vmem>>, vector<16xi32>,
      %broadcast_in_dim3A_1233 = arith.constant 3 : i32
      %broadcast_in_dim3A_1234 = vector.broadcast %broadcast_in_dim3A_1233 : i32 to vector<16xi32>
      %gather3A_1235 = tpu.vector_load_idx %arg9[%broadcast_in_dim3A_1234, %add3A_1204, %get3A_1232] : memref<4x128x128xf32, #tpu.memory_space<vmem>>[vector<16xi32>, vector<16xi32>, vector<16xi32>], vector<16xf32>,
      %mul3A_1236 = arith.mulf %mul3A_1228, %gather3A_1235 : vector<16xf32>
      %mul3A_1237 = arith.constant 128 : i32
      %mul3A_1238 = arith.muli %while3A_13, %mul3A_1237 : i32
      %add3A_1239 = arith.constant 48 : i32
      %add3A_1240 = arith.addi %mul3A_1238, %add3A_1239 : i32
      %swap3A_1241 = arith.index_cast %add3A_1240 : i32 to index
      %swap3A_1242 = tpu.vector_load %arg11[%swap3A_1241] {strides = array<i32>} : memref<4096xf32, #tpu.memory_space<vmem>>, vector<16xf32>,
      tpu.vector_store %arg11[%swap3A_1241], %mul3A_1236 {strides = array<i32>} : memref<4096xf32, #tpu.memory_space<vmem>>, vector<16xf32>,
      %get3A_1243 = arith.constant 64 : index
      %get3A_1244 = tpu.vector_load %arg10[%get3A_1243] {strides = array<i32>} : memref<128xf32, #tpu.memory_space<vmem>>, vector<16xf32>,
      %add3A_1245 = arith.constant 64 : i32
      %add3A_1246 = vector.broadcast %add3A_1245 : i32 to vector<16xi32>
      %add3A_1247 = arith.addi %add3A_1246, %iota3A : vector<16xi32>
      %get3A_1248 = arith.constant 0 : i64
      %get3A_1249 = arith.index_cast %get3A_1248 : i64 to index
      %get3A_1250 = arith.constant 64 : index
      %get3A_1251 = tpu.vector_load %arg8[%get3A_1249, %get3A_1250] {strides = array<i32>} : memref<4x128xi32, #tpu.memory_space<vmem>>, vector<16xi32>,
      %broadcast_in_dim3A_1252 = arith.constant 0 : i32
      %broadcast_in_dim3A_1253 = vector.broadcast %broadcast_in_dim3A_1252 : i32 to vector<16xi32>
      %gather3A_1254 = tpu.vector_load_idx %arg9[%broadcast_in_dim3A_1253, %add3A_1247, %get3A_1251] : memref<4x128x128xf32, #tpu.memory_space<vmem>>[vector<16xi32>, vector<16xi32>, vector<16xi32>], vector<16xf32>,
      %mul3A_1255 = arith.mulf %get3A_1244, %gather3A_1254 : vector<16xf32>
      %get3A_1256 = arith.constant 1 : i64
      %get3A_1257 = arith.index_cast %get3A_1256 : i64 to index
      %get3A_1258 = arith.constant 64 : index
      %get3A_1259 = tpu.vector_load %arg8[%get3A_1257, %get3A_1258] {strides = array<i32>} : memref<4x128xi32, #tpu.memory_space<vmem>>, vector<16xi32>,
      %broadcast_in_dim3A_1260 = arith.constant 1 : i32
      %broadcast_in_dim3A_1261 = vector.broadcast %broadcast_in_dim3A_1260 : i32 to vector<16xi32>
      %gather3A_1262 = tpu.vector_load_idx %arg9[%broadcast_in_dim3A_1261, %add3A_1247, %get3A_1259] : memref<4x128x128xf32, #tpu.memory_space<vmem>>[vector<16xi32>, vector<16xi32>, vector<16xi32>], vector<16xf32>,
      %mul3A_1263 = arith.mulf %mul3A_1255, %gather3A_1262 : vector<16xf32>
      %get3A_1264 = arith.constant 2 : i64
      %get3A_1265 = arith.index_cast %get3A_1264 : i64 to index
      %get3A_1266 = arith.constant 64 : index
      %get3A_1267 = tpu.vector_load %arg8[%get3A_1265, %get3A_1266] {strides = array<i32>} : memref<4x128xi32, #tpu.memory_space<vmem>>, vector<16xi32>,
      %broadcast_in_dim3A_1268 = arith.constant 2 : i32
      %broadcast_in_dim3A_1269 = vector.broadcast %broadcast_in_dim3A_1268 : i32 to vector<16xi32>
      %gather3A_1270 = tpu.vector_load_idx %arg9[%broadcast_in_dim3A_1269, %add3A_1247, %get3A_1267] : memref<4x128x128xf32, #tpu.memory_space<vmem>>[vector<16xi32>, vector<16xi32>, vector<16xi32>], vector<16xf32>,
      %mul3A_1271 = arith.mulf %mul3A_1263, %gather3A_1270 : vector<16xf32>
      %get3A_1272 = arith.constant 3 : i64
      %get3A_1273 = arith.index_cast %get3A_1272 : i64 to index
      %get3A_1274 = arith.constant 64 : index
      %get3A_1275 = tpu.vector_load %arg8[%get3A_1273, %get3A_1274] {strides = array<i32>} : memref<4x128xi32, #tpu.memory_space<vmem>>, vector<16xi32>,
      %broadcast_in_dim3A_1276 = arith.constant 3 : i32
      %broadcast_in_dim3A_1277 = vector.broadcast %broadcast_in_dim3A_1276 : i32 to vector<16xi32>
      %gather3A_1278 = tpu.vector_load_idx %arg9[%broadcast_in_dim3A_1277, %add3A_1247, %get3A_1275] : memref<4x128x128xf32, #tpu.memory_space<vmem>>[vector<16xi32>, vector<16xi32>, vector<16xi32>], vector<16xf32>,
      %mul3A_1279 = arith.mulf %mul3A_1271, %gather3A_1278 : vector<16xf32>
      %mul3A_1280 = arith.constant 128 : i32
      %mul3A_1281 = arith.muli %while3A_13, %mul3A_1280 : i32
      %add3A_1282 = arith.constant 64 : i32
      %add3A_1283 = arith.addi %mul3A_1281, %add3A_1282 : i32
      %swap3A_1284 = arith.index_cast %add3A_1283 : i32 to index
      %swap3A_1285 = tpu.vector_load %arg11[%swap3A_1284] {strides = array<i32>} : memref<4096xf32, #tpu.memory_space<vmem>>, vector<16xf32>,
      tpu.vector_store %arg11[%swap3A_1284], %mul3A_1279 {strides = array<i32>} : memref<4096xf32, #tpu.memory_space<vmem>>, vector<16xf32>,
      %get3A_1286 = arith.constant 80 : index
      %get3A_1287 = tpu.vector_load %arg10[%get3A_1286] {strides = array<i32>} : memref<128xf32, #tpu.memory_space<vmem>>, vector<16xf32>,
      %add3A_1288 = arith.constant 80 : i32
      %add3A_1289 = vector.broadcast %add3A_1288 : i32 to vector<16xi32>
      %add3A_1290 = arith.addi %add3A_1289, %iota3A : vector<16xi32>
      %get3A_1291 = arith.constant 0 : i64
      %get3A_1292 = arith.index_cast %get3A_1291 : i64 to index
      %get3A_1293 = arith.constant 80 : index
      %get3A_1294 = tpu.vector_load %arg8[%get3A_1292, %get3A_1293] {strides = array<i32>} : memref<4x128xi32, #tpu.memory_space<vmem>>, vector<16xi32>,
      %broadcast_in_dim3A_1295 = arith.constant 0 : i32
      %broadcast_in_dim3A_1296 = vector.broadcast %broadcast_in_dim3A_1295 : i32 to vector<16xi32>
      %gather3A_1297 = tpu.vector_load_idx %arg9[%broadcast_in_dim3A_1296, %add3A_1290, %get3A_1294] : memref<4x128x128xf32, #tpu.memory_space<vmem>>[vector<16xi32>, vector<16xi32>, vector<16xi32>], vector<16xf32>,
      %mul3A_1298 = arith.mulf %get3A_1287, %gather3A_1297 : vector<16xf32>
      %get3A_1299 = arith.constant 1 : i64
      %get3A_1300 = arith.index_cast %get3A_1299 : i64 to index
      %get3A_1301 = arith.constant 80 : index
      %get3A_1302 = tpu.vector_load %arg8[%get3A_1300, %get3A_1301] {strides = array<i32>} : memref<4x128xi32, #tpu.memory_space<vmem>>, vector<16xi32>,
      %broadcast_in_dim3A_1303 = arith.constant 1 : i32
      %broadcast_in_dim3A_1304 = vector.broadcast %broadcast_in_dim3A_1303 : i32 to vector<16xi32>
      %gather3A_1305 = tpu.vector_load_idx %arg9[%broadcast_in_dim3A_1304, %add3A_1290, %get3A_1302] : memref<4x128x128xf32, #tpu.memory_space<vmem>>[vector<16xi32>, vector<16xi32>, vector<16xi32>], vector<16xf32>,
      %mul3A_1306 = arith.mulf %mul3A_1298, %gather3A_1305 : vector<16xf32>
      %get3A_1307 = arith.constant 2 : i64
      %get3A_1308 = arith.index_cast %get3A_1307 : i64 to index
      %get3A_1309 = arith.constant 80 : index
      %get3A_1310 = tpu.vector_load %arg8[%get3A_1308, %get3A_1309] {strides = array<i32>} : memref<4x128xi32, #tpu.memory_space<vmem>>, vector<16xi32>,
      %broadcast_in_dim3A_1311 = arith.constant 2 : i32
      %broadcast_in_dim3A_1312 = vector.broadcast %broadcast_in_dim3A_1311 : i32 to vector<16xi32>
      %gather3A_1313 = tpu.vector_load_idx %arg9[%broadcast_in_dim3A_1312, %add3A_1290, %get3A_1310] : memref<4x128x128xf32, #tpu.memory_space<vmem>>[vector<16xi32>, vector<16xi32>, vector<16xi32>], vector<16xf32>,
      %mul3A_1314 = arith.mulf %mul3A_1306, %gather3A_1313 : vector<16xf32>
      %get3A_1315 = arith.constant 3 : i64
      %get3A_1316 = arith.index_cast %get3A_1315 : i64 to index
      %get3A_1317 = arith.constant 80 : index
      %get3A_1318 = tpu.vector_load %arg8[%get3A_1316, %get3A_1317] {strides = array<i32>} : memref<4x128xi32, #tpu.memory_space<vmem>>, vector<16xi32>,
      %broadcast_in_dim3A_1319 = arith.constant 3 : i32
      %broadcast_in_dim3A_1320 = vector.broadcast %broadcast_in_dim3A_1319 : i32 to vector<16xi32>
      %gather3A_1321 = tpu.vector_load_idx %arg9[%broadcast_in_dim3A_1320, %add3A_1290, %get3A_1318] : memref<4x128x128xf32, #tpu.memory_space<vmem>>[vector<16xi32>, vector<16xi32>, vector<16xi32>], vector<16xf32>,
      %mul3A_1322 = arith.mulf %mul3A_1314, %gather3A_1321 : vector<16xf32>
      %mul3A_1323 = arith.constant 128 : i32
      %mul3A_1324 = arith.muli %while3A_13, %mul3A_1323 : i32
      %add3A_1325 = arith.constant 80 : i32
      %add3A_1326 = arith.addi %mul3A_1324, %add3A_1325 : i32
      %swap3A_1327 = arith.index_cast %add3A_1326 : i32 to index
      %swap3A_1328 = tpu.vector_load %arg11[%swap3A_1327] {strides = array<i32>} : memref<4096xf32, #tpu.memory_space<vmem>>, vector<16xf32>,
      tpu.vector_store %arg11[%swap3A_1327], %mul3A_1322 {strides = array<i32>} : memref<4096xf32, #tpu.memory_space<vmem>>, vector<16xf32>,
      %get3A_1329 = arith.constant 96 : index
      %get3A_1330 = tpu.vector_load %arg10[%get3A_1329] {strides = array<i32>} : memref<128xf32, #tpu.memory_space<vmem>>, vector<16xf32>,
      %add3A_1331 = arith.constant 96 : i32
      %add3A_1332 = vector.broadcast %add3A_1331 : i32 to vector<16xi32>
      %add3A_1333 = arith.addi %add3A_1332, %iota3A : vector<16xi32>
      %get3A_1334 = arith.constant 0 : i64
      %get3A_1335 = arith.index_cast %get3A_1334 : i64 to index
      %get3A_1336 = arith.constant 96 : index
      %get3A_1337 = tpu.vector_load %arg8[%get3A_1335, %get3A_1336] {strides = array<i32>} : memref<4x128xi32, #tpu.memory_space<vmem>>, vector<16xi32>,
      %broadcast_in_dim3A_1338 = arith.constant 0 : i32
      %broadcast_in_dim3A_1339 = vector.broadcast %broadcast_in_dim3A_1338 : i32 to vector<16xi32>
      %gather3A_1340 = tpu.vector_load_idx %arg9[%broadcast_in_dim3A_1339, %add3A_1333, %get3A_1337] : memref<4x128x128xf32, #tpu.memory_space<vmem>>[vector<16xi32>, vector<16xi32>, vector<16xi32>], vector<16xf32>,
      %mul3A_1341 = arith.mulf %get3A_1330, %gather3A_1340 : vector<16xf32>
      %get3A_1342 = arith.constant 1 : i64
      %get3A_1343 = arith.index_cast %get3A_1342 : i64 to index
      %get3A_1344 = arith.constant 96 : index
      %get3A_1345 = tpu.vector_load %arg8[%get3A_1343, %get3A_1344] {strides = array<i32>} : memref<4x128xi32, #tpu.memory_space<vmem>>, vector<16xi32>,
      %broadcast_in_dim3A_1346 = arith.constant 1 : i32
      %broadcast_in_dim3A_1347 = vector.broadcast %broadcast_in_dim3A_1346 : i32 to vector<16xi32>
      %gather3A_1348 = tpu.vector_load_idx %arg9[%broadcast_in_dim3A_1347, %add3A_1333, %get3A_1345] : memref<4x128x128xf32, #tpu.memory_space<vmem>>[vector<16xi32>, vector<16xi32>, vector<16xi32>], vector<16xf32>,
      %mul3A_1349 = arith.mulf %mul3A_1341, %gather3A_1348 : vector<16xf32>
      %get3A_1350 = arith.constant 2 : i64
      %get3A_1351 = arith.index_cast %get3A_1350 : i64 to index
      %get3A_1352 = arith.constant 96 : index
      %get3A_1353 = tpu.vector_load %arg8[%get3A_1351, %get3A_1352] {strides = array<i32>} : memref<4x128xi32, #tpu.memory_space<vmem>>, vector<16xi32>,
      %broadcast_in_dim3A_1354 = arith.constant 2 : i32
      %broadcast_in_dim3A_1355 = vector.broadcast %broadcast_in_dim3A_1354 : i32 to vector<16xi32>
      %gather3A_1356 = tpu.vector_load_idx %arg9[%broadcast_in_dim3A_1355, %add3A_1333, %get3A_1353] : memref<4x128x128xf32, #tpu.memory_space<vmem>>[vector<16xi32>, vector<16xi32>, vector<16xi32>], vector<16xf32>,
      %mul3A_1357 = arith.mulf %mul3A_1349, %gather3A_1356 : vector<16xf32>
      %get3A_1358 = arith.constant 3 : i64
      %get3A_1359 = arith.index_cast %get3A_1358 : i64 to index
      %get3A_1360 = arith.constant 96 : index
      %get3A_1361 = tpu.vector_load %arg8[%get3A_1359, %get3A_1360] {strides = array<i32>} : memref<4x128xi32, #tpu.memory_space<vmem>>, vector<16xi32>,
      %broadcast_in_dim3A_1362 = arith.constant 3 : i32
      %broadcast_in_dim3A_1363 = vector.broadcast %broadcast_in_dim3A_1362 : i32 to vector<16xi32>
      %gather3A_1364 = tpu.vector_load_idx %arg9[%broadcast_in_dim3A_1363, %add3A_1333, %get3A_1361] : memref<4x128x128xf32, #tpu.memory_space<vmem>>[vector<16xi32>, vector<16xi32>, vector<16xi32>], vector<16xf32>,
      %mul3A_1365 = arith.mulf %mul3A_1357, %gather3A_1364 : vector<16xf32>
      %mul3A_1366 = arith.constant 128 : i32
      %mul3A_1367 = arith.muli %while3A_13, %mul3A_1366 : i32
      %add3A_1368 = arith.constant 96 : i32
      %add3A_1369 = arith.addi %mul3A_1367, %add3A_1368 : i32
      %swap3A_1370 = arith.index_cast %add3A_1369 : i32 to index
      %swap3A_1371 = tpu.vector_load %arg11[%swap3A_1370] {strides = array<i32>} : memref<4096xf32, #tpu.memory_space<vmem>>, vector<16xf32>,
      tpu.vector_store %arg11[%swap3A_1370], %mul3A_1365 {strides = array<i32>} : memref<4096xf32, #tpu.memory_space<vmem>>, vector<16xf32>,
      %get3A_1372 = arith.constant 112 : index
      %get3A_1373 = tpu.vector_load %arg10[%get3A_1372] {strides = array<i32>} : memref<128xf32, #tpu.memory_space<vmem>>, vector<16xf32>,
      %add3A_1374 = arith.constant 112 : i32
      %add3A_1375 = vector.broadcast %add3A_1374 : i32 to vector<16xi32>
      %add3A_1376 = arith.addi %add3A_1375, %iota3A : vector<16xi32>
      %get3A_1377 = arith.constant 0 : i64
      %get3A_1378 = arith.index_cast %get3A_1377 : i64 to index
      %get3A_1379 = arith.constant 112 : index
      %get3A_1380 = tpu.vector_load %arg8[%get3A_1378, %get3A_1379] {strides = array<i32>} : memref<4x128xi32, #tpu.memory_space<vmem>>, vector<16xi32>,
      %broadcast_in_dim3A_1381 = arith.constant 0 : i32
      %broadcast_in_dim3A_1382 = vector.broadcast %broadcast_in_dim3A_1381 : i32 to vector<16xi32>
      %gather3A_1383 = tpu.vector_load_idx %arg9[%broadcast_in_dim3A_1382, %add3A_1376, %get3A_1380] : memref<4x128x128xf32, #tpu.memory_space<vmem>>[vector<16xi32>, vector<16xi32>, vector<16xi32>], vector<16xf32>,
      %mul3A_1384 = arith.mulf %get3A_1373, %gather3A_1383 : vector<16xf32>
      %get3A_1385 = arith.constant 1 : i64
      %get3A_1386 = arith.index_cast %get3A_1385 : i64 to index
      %get3A_1387 = arith.constant 112 : index
      %get3A_1388 = tpu.vector_load %arg8[%get3A_1386, %get3A_1387] {strides = array<i32>} : memref<4x128xi32, #tpu.memory_space<vmem>>, vector<16xi32>,
      %broadcast_in_dim3A_1389 = arith.constant 1 : i32
      %broadcast_in_dim3A_1390 = vector.broadcast %broadcast_in_dim3A_1389 : i32 to vector<16xi32>
      %gather3A_1391 = tpu.vector_load_idx %arg9[%broadcast_in_dim3A_1390, %add3A_1376, %get3A_1388] : memref<4x128x128xf32, #tpu.memory_space<vmem>>[vector<16xi32>, vector<16xi32>, vector<16xi32>], vector<16xf32>,
      %mul3A_1392 = arith.mulf %mul3A_1384, %gather3A_1391 : vector<16xf32>
      %get3A_1393 = arith.constant 2 : i64
      %get3A_1394 = arith.index_cast %get3A_1393 : i64 to index
      %get3A_1395 = arith.constant 112 : index
      %get3A_1396 = tpu.vector_load %arg8[%get3A_1394, %get3A_1395] {strides = array<i32>} : memref<4x128xi32, #tpu.memory_space<vmem>>, vector<16xi32>,
      %broadcast_in_dim3A_1397 = arith.constant 2 : i32
      %broadcast_in_dim3A_1398 = vector.broadcast %broadcast_in_dim3A_1397 : i32 to vector<16xi32>
      %gather3A_1399 = tpu.vector_load_idx %arg9[%broadcast_in_dim3A_1398, %add3A_1376, %get3A_1396] : memref<4x128x128xf32, #tpu.memory_space<vmem>>[vector<16xi32>, vector<16xi32>, vector<16xi32>], vector<16xf32>,
      %mul3A_1400 = arith.mulf %mul3A_1392, %gather3A_1399 : vector<16xf32>
      %get3A_1401 = arith.constant 3 : i64
      %get3A_1402 = arith.index_cast %get3A_1401 : i64 to index
      %get3A_1403 = arith.constant 112 : index
      %get3A_1404 = tpu.vector_load %arg8[%get3A_1402, %get3A_1403] {strides = array<i32>} : memref<4x128xi32, #tpu.memory_space<vmem>>, vector<16xi32>,
      %broadcast_in_dim3A_1405 = arith.constant 3 : i32
      %broadcast_in_dim3A_1406 = vector.broadcast %broadcast_in_dim3A_1405 : i32 to vector<16xi32>
      %gather3A_1407 = tpu.vector_load_idx %arg9[%broadcast_in_dim3A_1406, %add3A_1376, %get3A_1404] : memref<4x128x128xf32, #tpu.memory_space<vmem>>[vector<16xi32>, vector<16xi32>, vector<16xi32>], vector<16xf32>,
      %mul3A_1408 = arith.mulf %mul3A_1400, %gather3A_1407 : vector<16xf32>
      %mul3A_1409 = arith.constant 128 : i32
      %mul3A_1410 = arith.muli %while3A_13, %mul3A_1409 : i32
      %add3A_1411 = arith.constant 112 : i32
      %add3A_1412 = arith.addi %mul3A_1410, %add3A_1411 : i32
      %swap3A_1413 = arith.index_cast %add3A_1412 : i32 to index
      %swap3A_1414 = tpu.vector_load %arg11[%swap3A_1413] {strides = array<i32>} : memref<4096xf32, #tpu.memory_space<vmem>>, vector<16xf32>,
      tpu.vector_store %arg11[%swap3A_1413], %mul3A_1408 {strides = array<i32>} : memref<4096xf32, #tpu.memory_space<vmem>>, vector<16xf32>,
    }
    %while3A_10 = arith.constant 1 : i32
    scf.for %while3A_13 = %while3A_8 to %while3A_4 step %while3A_10  : i32 {
      %mul3A_14 = arith.constant 4096 : i32
      %mul3A_15 = arith.muli %add3A, %mul3A_14 : i32
      %mul3A_16 = arith.constant 128 : i32
      %mul3A_17 = arith.muli %while3A_13, %mul3A_16 : i32
      %add3A_18 = arith.addi %mul3A_15, %mul3A_17 : i32
      %mul3A_19 = arith.constant 12 : i32
      %mul3A_20 = arith.muli %add3A_18, %mul3A_19 : i32
      "tpu.region"() ({
        %run_scoped3A = tpu.sem_alloc : memref<!tpu.dma_semaphore, #tpu.memory_space<semaphore_mem>>
        %dma_start3A_1415 = tpu.memref_slice %arg2[%mul3A_20] : memref<1572864xi32, #tpu.memory_space<hbm>> -> memref<1536xi32, #tpu.memory_space<hbm>>
        %dma_start3A_1416 = tpu.memref_slice %arg2[%mul3A_20] : memref<1572864xi32, #tpu.memory_space<hbm>> -> memref<1536xi32, #tpu.memory_space<hbm>>
        tpu.enqueue_dma source(%dma_start3A_1416 : memref<1536xi32, #tpu.memory_space<hbm>>) target(%arg6 : memref<1536xi32, #tpu.memory_space<vmem>>) target_semaphore(%run_scoped3A : memref<!tpu.dma_semaphore, #tpu.memory_space<semaphore_mem>>)
        %dma_wait3A_1417 = tpu.memref_slice %arg2[%mul3A_20] : memref<1572864xi32, #tpu.memory_space<hbm>> -> memref<1536xi32, #tpu.memory_space<hbm>>
        %dma_wait3A_1418 = tpu.memref_slice %arg2[%mul3A_20] : memref<1572864xi32, #tpu.memory_space<hbm>> -> memref<1536xi32, #tpu.memory_space<hbm>>
        tpu.wait_dma2 semaphore(%run_scoped3A : memref<!tpu.dma_semaphore, #tpu.memory_space<semaphore_mem>>) src(%dma_wait3A_1418 : memref<1536xi32, #tpu.memory_space<hbm>>) dst(%arg6 : memref<1536xi32, #tpu.memory_space<vmem>>)
        tpu.yield
      }) : () -> ()
      "tpu.region"() ({
        %run_scoped3A = tpu.sem_alloc : memref<!tpu.dma_semaphore, #tpu.memory_space<semaphore_mem>>
        %dma_start3A_1415 = tpu.memref_slice %arg4[%add3A_18] : memref<131072xf32, #tpu.memory_space<hbm>> -> memref<128xf32, #tpu.memory_space<hbm>>
        %dma_start3A_1416 = tpu.memref_slice %arg4[%add3A_18] : memref<131072xf32, #tpu.memory_space<hbm>> -> memref<128xf32, #tpu.memory_space<hbm>>
        tpu.enqueue_dma source(%dma_start3A_1416 : memref<128xf32, #tpu.memory_space<hbm>>) target(%arg10 : memref<128xf32, #tpu.memory_space<vmem>>) target_semaphore(%run_scoped3A : memref<!tpu.dma_semaphore, #tpu.memory_space<semaphore_mem>>)
        %dma_wait3A_1417 = tpu.memref_slice %arg4[%add3A_18] : memref<131072xf32, #tpu.memory_space<hbm>> -> memref<128xf32, #tpu.memory_space<hbm>>
        %dma_wait3A_1418 = tpu.memref_slice %arg4[%add3A_18] : memref<131072xf32, #tpu.memory_space<hbm>> -> memref<128xf32, #tpu.memory_space<hbm>>
        tpu.wait_dma2 semaphore(%run_scoped3A : memref<!tpu.dma_semaphore, #tpu.memory_space<semaphore_mem>>) src(%dma_wait3A_1418 : memref<128xf32, #tpu.memory_space<hbm>>) dst(%arg10 : memref<128xf32, #tpu.memory_space<vmem>>)
        tpu.yield
      }) : () -> ()
      %add3A_21 = arith.constant 0 : i32
      %add3A_22 = vector.broadcast %add3A_21 : i32 to vector<16xi32>
      %add3A_23 = arith.addi %add3A_22, %iota3A : vector<16xi32>
      %mul3A_24 = arith.constant 12 : i32
      %mul3A_25 = vector.broadcast %mul3A_24 : i32 to vector<16xi32>
      %mul3A_26 = arith.muli %add3A_23, %mul3A_25 : vector<16xi32>
      %add3A_27 = arith.constant 0 : i32
      %add3A_28 = vector.broadcast %add3A_27 : i32 to vector<16xi32>
      %add3A_29 = arith.addi %mul3A_26, %add3A_28 : vector<16xi32>
      %gather3A = tpu.vector_load_idx %arg6[%add3A_29] : memref<1536xi32, #tpu.memory_space<vmem>>[vector<16xi32>], vector<16xi32>,
      %add3A_30 = arith.constant 1 : i32
      %add3A_31 = vector.broadcast %add3A_30 : i32 to vector<16xi32>
      %add3A_32 = arith.addi %add3A_29, %add3A_31 : vector<16xi32>
      %gather3A_33 = tpu.vector_load_idx %arg6[%add3A_32] : memref<1536xi32, #tpu.memory_space<vmem>>[vector<16xi32>], vector<16xi32>,
      %add3A_34 = arith.constant 2 : i32
      %add3A_35 = vector.broadcast %add3A_34 : i32 to vector<16xi32>
      %add3A_36 = arith.addi %add3A_29, %add3A_35 : vector<16xi32>
      %gather3A_37 = tpu.vector_load_idx %arg6[%add3A_36] : memref<1536xi32, #tpu.memory_space<vmem>>[vector<16xi32>], vector<16xi32>,
      %mul3A_38 = arith.constant 128 : i32
      %mul3A_39 = vector.broadcast %mul3A_38 : i32 to vector<16xi32>
      %mul3A_40 = arith.muli %gather3A_33, %mul3A_39 : vector<16xi32>
      %add3A_41 = arith.addi %mul3A_40, %gather3A_37 : vector<16xi32>
      %swap3A = arith.constant 0 : i64
      %swap3A_42 = arith.index_cast %swap3A : i64 to index
      %swap3A_43 = arith.constant 0 : index
      %swap3A_44 = tpu.vector_load %arg7[%swap3A_42, %swap3A_43] {strides = array<i32>} : memref<4x128xi32, #tpu.memory_space<vmem>>, vector<16xi32>,
      tpu.vector_store %arg7[%swap3A_42, %swap3A_43], %add3A_41 {strides = array<i32>} : memref<4x128xi32, #tpu.memory_space<vmem>>, vector<16xi32>,
      %swap3A_45 = arith.constant 0 : i64
      %swap3A_46 = arith.index_cast %swap3A_45 : i64 to index
      %swap3A_47 = arith.constant 0 : index
      %swap3A_48 = tpu.vector_load %arg8[%swap3A_46, %swap3A_47] {strides = array<i32>} : memref<4x128xi32, #tpu.memory_space<vmem>>, vector<16xi32>,
      tpu.vector_store %arg8[%swap3A_46, %swap3A_47], %gather3A {strides = array<i32>} : memref<4x128xi32, #tpu.memory_space<vmem>>, vector<16xi32>,
      %add3A_49 = arith.constant 16 : i32
      %add3A_50 = vector.broadcast %add3A_49 : i32 to vector<16xi32>
      %add3A_51 = arith.addi %add3A_50, %iota3A : vector<16xi32>
      %mul3A_52 = arith.constant 12 : i32
      %mul3A_53 = vector.broadcast %mul3A_52 : i32 to vector<16xi32>
      %mul3A_54 = arith.muli %add3A_51, %mul3A_53 : vector<16xi32>
      %add3A_55 = arith.constant 0 : i32
      %add3A_56 = vector.broadcast %add3A_55 : i32 to vector<16xi32>
      %add3A_57 = arith.addi %mul3A_54, %add3A_56 : vector<16xi32>
      %gather3A_58 = tpu.vector_load_idx %arg6[%add3A_57] : memref<1536xi32, #tpu.memory_space<vmem>>[vector<16xi32>], vector<16xi32>,
      %add3A_59 = arith.constant 1 : i32
      %add3A_60 = vector.broadcast %add3A_59 : i32 to vector<16xi32>
      %add3A_61 = arith.addi %add3A_57, %add3A_60 : vector<16xi32>
      %gather3A_62 = tpu.vector_load_idx %arg6[%add3A_61] : memref<1536xi32, #tpu.memory_space<vmem>>[vector<16xi32>], vector<16xi32>,
      %add3A_63 = arith.constant 2 : i32
      %add3A_64 = vector.broadcast %add3A_63 : i32 to vector<16xi32>
      %add3A_65 = arith.addi %add3A_57, %add3A_64 : vector<16xi32>
      %gather3A_66 = tpu.vector_load_idx %arg6[%add3A_65] : memref<1536xi32, #tpu.memory_space<vmem>>[vector<16xi32>], vector<16xi32>,
      %mul3A_67 = arith.constant 128 : i32
      %mul3A_68 = vector.broadcast %mul3A_67 : i32 to vector<16xi32>
      %mul3A_69 = arith.muli %gather3A_62, %mul3A_68 : vector<16xi32>
      %add3A_70 = arith.addi %mul3A_69, %gather3A_66 : vector<16xi32>
      %swap3A_71 = arith.constant 0 : i64
      %swap3A_72 = arith.index_cast %swap3A_71 : i64 to index
      %swap3A_73 = arith.constant 16 : index
      %swap3A_74 = tpu.vector_load %arg7[%swap3A_72, %swap3A_73] {strides = array<i32>} : memref<4x128xi32, #tpu.memory_space<vmem>>, vector<16xi32>,
      tpu.vector_store %arg7[%swap3A_72, %swap3A_73], %add3A_70 {strides = array<i32>} : memref<4x128xi32, #tpu.memory_space<vmem>>, vector<16xi32>,
      %swap3A_75 = arith.constant 0 : i64
      %swap3A_76 = arith.index_cast %swap3A_75 : i64 to index
      %swap3A_77 = arith.constant 16 : index
      %swap3A_78 = tpu.vector_load %arg8[%swap3A_76, %swap3A_77] {strides = array<i32>} : memref<4x128xi32, #tpu.memory_space<vmem>>, vector<16xi32>,
      tpu.vector_store %arg8[%swap3A_76, %swap3A_77], %gather3A_58 {strides = array<i32>} : memref<4x128xi32, #tpu.memory_space<vmem>>, vector<16xi32>,
      %add3A_79 = arith.constant 32 : i32
      %add3A_80 = vector.broadcast %add3A_79 : i32 to vector<16xi32>
      %add3A_81 = arith.addi %add3A_80, %iota3A : vector<16xi32>
      %mul3A_82 = arith.constant 12 : i32
      %mul3A_83 = vector.broadcast %mul3A_82 : i32 to vector<16xi32>
      %mul3A_84 = arith.muli %add3A_81, %mul3A_83 : vector<16xi32>
      %add3A_85 = arith.constant 0 : i32
      %add3A_86 = vector.broadcast %add3A_85 : i32 to vector<16xi32>
      %add3A_87 = arith.addi %mul3A_84, %add3A_86 : vector<16xi32>
      %gather3A_88 = tpu.vector_load_idx %arg6[%add3A_87] : memref<1536xi32, #tpu.memory_space<vmem>>[vector<16xi32>], vector<16xi32>,
      %add3A_89 = arith.constant 1 : i32
      %add3A_90 = vector.broadcast %add3A_89 : i32 to vector<16xi32>
      %add3A_91 = arith.addi %add3A_87, %add3A_90 : vector<16xi32>
      %gather3A_92 = tpu.vector_load_idx %arg6[%add3A_91] : memref<1536xi32, #tpu.memory_space<vmem>>[vector<16xi32>], vector<16xi32>,
      %add3A_93 = arith.constant 2 : i32
      %add3A_94 = vector.broadcast %add3A_93 : i32 to vector<16xi32>
      %add3A_95 = arith.addi %add3A_87, %add3A_94 : vector<16xi32>
      %gather3A_96 = tpu.vector_load_idx %arg6[%add3A_95] : memref<1536xi32, #tpu.memory_space<vmem>>[vector<16xi32>], vector<16xi32>,
      %mul3A_97 = arith.constant 128 : i32
      %mul3A_98 = vector.broadcast %mul3A_97 : i32 to vector<16xi32>
      %mul3A_99 = arith.muli %gather3A_92, %mul3A_98 : vector<16xi32>
      %add3A_100 = arith.addi %mul3A_99, %gather3A_96 : vector<16xi32>
      %swap3A_101 = arith.constant 0 : i64
      %swap3A_102 = arith.index_cast %swap3A_101 : i64 to index
      %swap3A_103 = arith.constant 32 : index
      %swap3A_104 = tpu.vector_load %arg7[%swap3A_102, %swap3A_103] {strides = array<i32>} : memref<4x128xi32, #tpu.memory_space<vmem>>, vector<16xi32>,
      tpu.vector_store %arg7[%swap3A_102, %swap3A_103], %add3A_100 {strides = array<i32>} : memref<4x128xi32, #tpu.memory_space<vmem>>, vector<16xi32>,
      %swap3A_105 = arith.constant 0 : i64
      %swap3A_106 = arith.index_cast %swap3A_105 : i64 to index
      %swap3A_107 = arith.constant 32 : index
      %swap3A_108 = tpu.vector_load %arg8[%swap3A_106, %swap3A_107] {strides = array<i32>} : memref<4x128xi32, #tpu.memory_space<vmem>>, vector<16xi32>,
      tpu.vector_store %arg8[%swap3A_106, %swap3A_107], %gather3A_88 {strides = array<i32>} : memref<4x128xi32, #tpu.memory_space<vmem>>, vector<16xi32>,
      %add3A_109 = arith.constant 48 : i32
      %add3A_110 = vector.broadcast %add3A_109 : i32 to vector<16xi32>
      %add3A_111 = arith.addi %add3A_110, %iota3A : vector<16xi32>
      %mul3A_112 = arith.constant 12 : i32
      %mul3A_113 = vector.broadcast %mul3A_112 : i32 to vector<16xi32>
      %mul3A_114 = arith.muli %add3A_111, %mul3A_113 : vector<16xi32>
      %add3A_115 = arith.constant 0 : i32
      %add3A_116 = vector.broadcast %add3A_115 : i32 to vector<16xi32>
      %add3A_117 = arith.addi %mul3A_114, %add3A_116 : vector<16xi32>
      %gather3A_118 = tpu.vector_load_idx %arg6[%add3A_117] : memref<1536xi32, #tpu.memory_space<vmem>>[vector<16xi32>], vector<16xi32>,
      %add3A_119 = arith.constant 1 : i32
      %add3A_120 = vector.broadcast %add3A_119 : i32 to vector<16xi32>
      %add3A_121 = arith.addi %add3A_117, %add3A_120 : vector<16xi32>
      %gather3A_122 = tpu.vector_load_idx %arg6[%add3A_121] : memref<1536xi32, #tpu.memory_space<vmem>>[vector<16xi32>], vector<16xi32>,
      %add3A_123 = arith.constant 2 : i32
      %add3A_124 = vector.broadcast %add3A_123 : i32 to vector<16xi32>
      %add3A_125 = arith.addi %add3A_117, %add3A_124 : vector<16xi32>
      %gather3A_126 = tpu.vector_load_idx %arg6[%add3A_125] : memref<1536xi32, #tpu.memory_space<vmem>>[vector<16xi32>], vector<16xi32>,
      %mul3A_127 = arith.constant 128 : i32
      %mul3A_128 = vector.broadcast %mul3A_127 : i32 to vector<16xi32>
      %mul3A_129 = arith.muli %gather3A_122, %mul3A_128 : vector<16xi32>
      %add3A_130 = arith.addi %mul3A_129, %gather3A_126 : vector<16xi32>
      %swap3A_131 = arith.constant 0 : i64
      %swap3A_132 = arith.index_cast %swap3A_131 : i64 to index
      %swap3A_133 = arith.constant 48 : index
      %swap3A_134 = tpu.vector_load %arg7[%swap3A_132, %swap3A_133] {strides = array<i32>} : memref<4x128xi32, #tpu.memory_space<vmem>>, vector<16xi32>,
      tpu.vector_store %arg7[%swap3A_132, %swap3A_133], %add3A_130 {strides = array<i32>} : memref<4x128xi32, #tpu.memory_space<vmem>>, vector<16xi32>,
      %swap3A_135 = arith.constant 0 : i64
      %swap3A_136 = arith.index_cast %swap3A_135 : i64 to index
      %swap3A_137 = arith.constant 48 : index
      %swap3A_138 = tpu.vector_load %arg8[%swap3A_136, %swap3A_137] {strides = array<i32>} : memref<4x128xi32, #tpu.memory_space<vmem>>, vector<16xi32>,
      tpu.vector_store %arg8[%swap3A_136, %swap3A_137], %gather3A_118 {strides = array<i32>} : memref<4x128xi32, #tpu.memory_space<vmem>>, vector<16xi32>,
      %add3A_139 = arith.constant 64 : i32
      %add3A_140 = vector.broadcast %add3A_139 : i32 to vector<16xi32>
      %add3A_141 = arith.addi %add3A_140, %iota3A : vector<16xi32>
      %mul3A_142 = arith.constant 12 : i32
      %mul3A_143 = vector.broadcast %mul3A_142 : i32 to vector<16xi32>
      %mul3A_144 = arith.muli %add3A_141, %mul3A_143 : vector<16xi32>
      %add3A_145 = arith.constant 0 : i32
      %add3A_146 = vector.broadcast %add3A_145 : i32 to vector<16xi32>
      %add3A_147 = arith.addi %mul3A_144, %add3A_146 : vector<16xi32>
      %gather3A_148 = tpu.vector_load_idx %arg6[%add3A_147] : memref<1536xi32, #tpu.memory_space<vmem>>[vector<16xi32>], vector<16xi32>,
      %add3A_149 = arith.constant 1 : i32
      %add3A_150 = vector.broadcast %add3A_149 : i32 to vector<16xi32>
      %add3A_151 = arith.addi %add3A_147, %add3A_150 : vector<16xi32>
      %gather3A_152 = tpu.vector_load_idx %arg6[%add3A_151] : memref<1536xi32, #tpu.memory_space<vmem>>[vector<16xi32>], vector<16xi32>,
      %add3A_153 = arith.constant 2 : i32
      %add3A_154 = vector.broadcast %add3A_153 : i32 to vector<16xi32>
      %add3A_155 = arith.addi %add3A_147, %add3A_154 : vector<16xi32>
      %gather3A_156 = tpu.vector_load_idx %arg6[%add3A_155] : memref<1536xi32, #tpu.memory_space<vmem>>[vector<16xi32>], vector<16xi32>,
      %mul3A_157 = arith.constant 128 : i32
      %mul3A_158 = vector.broadcast %mul3A_157 : i32 to vector<16xi32>
      %mul3A_159 = arith.muli %gather3A_152, %mul3A_158 : vector<16xi32>
      %add3A_160 = arith.addi %mul3A_159, %gather3A_156 : vector<16xi32>
      %swap3A_161 = arith.constant 0 : i64
      %swap3A_162 = arith.index_cast %swap3A_161 : i64 to index
      %swap3A_163 = arith.constant 64 : index
      %swap3A_164 = tpu.vector_load %arg7[%swap3A_162, %swap3A_163] {strides = array<i32>} : memref<4x128xi32, #tpu.memory_space<vmem>>, vector<16xi32>,
      tpu.vector_store %arg7[%swap3A_162, %swap3A_163], %add3A_160 {strides = array<i32>} : memref<4x128xi32, #tpu.memory_space<vmem>>, vector<16xi32>,
      %swap3A_165 = arith.constant 0 : i64
      %swap3A_166 = arith.index_cast %swap3A_165 : i64 to index
      %swap3A_167 = arith.constant 64 : index
      %swap3A_168 = tpu.vector_load %arg8[%swap3A_166, %swap3A_167] {strides = array<i32>} : memref<4x128xi32, #tpu.memory_space<vmem>>, vector<16xi32>,
      tpu.vector_store %arg8[%swap3A_166, %swap3A_167], %gather3A_148 {strides = array<i32>} : memref<4x128xi32, #tpu.memory_space<vmem>>, vector<16xi32>,
      %add3A_169 = arith.constant 80 : i32
      %add3A_170 = vector.broadcast %add3A_169 : i32 to vector<16xi32>
      %add3A_171 = arith.addi %add3A_170, %iota3A : vector<16xi32>
      %mul3A_172 = arith.constant 12 : i32
      %mul3A_173 = vector.broadcast %mul3A_172 : i32 to vector<16xi32>
      %mul3A_174 = arith.muli %add3A_171, %mul3A_173 : vector<16xi32>
      %add3A_175 = arith.constant 0 : i32
      %add3A_176 = vector.broadcast %add3A_175 : i32 to vector<16xi32>
      %add3A_177 = arith.addi %mul3A_174, %add3A_176 : vector<16xi32>
      %gather3A_178 = tpu.vector_load_idx %arg6[%add3A_177] : memref<1536xi32, #tpu.memory_space<vmem>>[vector<16xi32>], vector<16xi32>,
      %add3A_179 = arith.constant 1 : i32
      %add3A_180 = vector.broadcast %add3A_179 : i32 to vector<16xi32>
      %add3A_181 = arith.addi %add3A_177, %add3A_180 : vector<16xi32>
      %gather3A_182 = tpu.vector_load_idx %arg6[%add3A_181] : memref<1536xi32, #tpu.memory_space<vmem>>[vector<16xi32>], vector<16xi32>,
      %add3A_183 = arith.constant 2 : i32
      %add3A_184 = vector.broadcast %add3A_183 : i32 to vector<16xi32>
      %add3A_185 = arith.addi %add3A_177, %add3A_184 : vector<16xi32>
      %gather3A_186 = tpu.vector_load_idx %arg6[%add3A_185] : memref<1536xi32, #tpu.memory_space<vmem>>[vector<16xi32>], vector<16xi32>,
      %mul3A_187 = arith.constant 128 : i32
      %mul3A_188 = vector.broadcast %mul3A_187 : i32 to vector<16xi32>
      %mul3A_189 = arith.muli %gather3A_182, %mul3A_188 : vector<16xi32>
      %add3A_190 = arith.addi %mul3A_189, %gather3A_186 : vector<16xi32>
      %swap3A_191 = arith.constant 0 : i64
      %swap3A_192 = arith.index_cast %swap3A_191 : i64 to index
      %swap3A_193 = arith.constant 80 : index
      %swap3A_194 = tpu.vector_load %arg7[%swap3A_192, %swap3A_193] {strides = array<i32>} : memref<4x128xi32, #tpu.memory_space<vmem>>, vector<16xi32>,
      tpu.vector_store %arg7[%swap3A_192, %swap3A_193], %add3A_190 {strides = array<i32>} : memref<4x128xi32, #tpu.memory_space<vmem>>, vector<16xi32>,
      %swap3A_195 = arith.constant 0 : i64
      %swap3A_196 = arith.index_cast %swap3A_195 : i64 to index
      %swap3A_197 = arith.constant 80 : index
      %swap3A_198 = tpu.vector_load %arg8[%swap3A_196, %swap3A_197] {strides = array<i32>} : memref<4x128xi32, #tpu.memory_space<vmem>>, vector<16xi32>,
      tpu.vector_store %arg8[%swap3A_196, %swap3A_197], %gather3A_178 {strides = array<i32>} : memref<4x128xi32, #tpu.memory_space<vmem>>, vector<16xi32>,
      %add3A_199 = arith.constant 96 : i32
      %add3A_200 = vector.broadcast %add3A_199 : i32 to vector<16xi32>
      %add3A_201 = arith.addi %add3A_200, %iota3A : vector<16xi32>
      %mul3A_202 = arith.constant 12 : i32
      %mul3A_203 = vector.broadcast %mul3A_202 : i32 to vector<16xi32>
      %mul3A_204 = arith.muli %add3A_201, %mul3A_203 : vector<16xi32>
      %add3A_205 = arith.constant 0 : i32
      %add3A_206 = vector.broadcast %add3A_205 : i32 to vector<16xi32>
      %add3A_207 = arith.addi %mul3A_204, %add3A_206 : vector<16xi32>
      %gather3A_208 = tpu.vector_load_idx %arg6[%add3A_207] : memref<1536xi32, #tpu.memory_space<vmem>>[vector<16xi32>], vector<16xi32>,
      %add3A_209 = arith.constant 1 : i32
      %add3A_210 = vector.broadcast %add3A_209 : i32 to vector<16xi32>
      %add3A_211 = arith.addi %add3A_207, %add3A_210 : vector<16xi32>
      %gather3A_212 = tpu.vector_load_idx %arg6[%add3A_211] : memref<1536xi32, #tpu.memory_space<vmem>>[vector<16xi32>], vector<16xi32>,
      %add3A_213 = arith.constant 2 : i32
      %add3A_214 = vector.broadcast %add3A_213 : i32 to vector<16xi32>
      %add3A_215 = arith.addi %add3A_207, %add3A_214 : vector<16xi32>
      %gather3A_216 = tpu.vector_load_idx %arg6[%add3A_215] : memref<1536xi32, #tpu.memory_space<vmem>>[vector<16xi32>], vector<16xi32>,
      %mul3A_217 = arith.constant 128 : i32
      %mul3A_218 = vector.broadcast %mul3A_217 : i32 to vector<16xi32>
      %mul3A_219 = arith.muli %gather3A_212, %mul3A_218 : vector<16xi32>
      %add3A_220 = arith.addi %mul3A_219, %gather3A_216 : vector<16xi32>
      %swap3A_221 = arith.constant 0 : i64
      %swap3A_222 = arith.index_cast %swap3A_221 : i64 to index
      %swap3A_223 = arith.constant 96 : index
      %swap3A_224 = tpu.vector_load %arg7[%swap3A_222, %swap3A_223] {strides = array<i32>} : memref<4x128xi32, #tpu.memory_space<vmem>>, vector<16xi32>,
      tpu.vector_store %arg7[%swap3A_222, %swap3A_223], %add3A_220 {strides = array<i32>} : memref<4x128xi32, #tpu.memory_space<vmem>>, vector<16xi32>,
      %swap3A_225 = arith.constant 0 : i64
      %swap3A_226 = arith.index_cast %swap3A_225 : i64 to index
      %swap3A_227 = arith.constant 96 : index
      %swap3A_228 = tpu.vector_load %arg8[%swap3A_226, %swap3A_227] {strides = array<i32>} : memref<4x128xi32, #tpu.memory_space<vmem>>, vector<16xi32>,
      tpu.vector_store %arg8[%swap3A_226, %swap3A_227], %gather3A_208 {strides = array<i32>} : memref<4x128xi32, #tpu.memory_space<vmem>>, vector<16xi32>,
      %add3A_229 = arith.constant 112 : i32
      %add3A_230 = vector.broadcast %add3A_229 : i32 to vector<16xi32>
      %add3A_231 = arith.addi %add3A_230, %iota3A : vector<16xi32>
      %mul3A_232 = arith.constant 12 : i32
      %mul3A_233 = vector.broadcast %mul3A_232 : i32 to vector<16xi32>
      %mul3A_234 = arith.muli %add3A_231, %mul3A_233 : vector<16xi32>
      %add3A_235 = arith.constant 0 : i32
      %add3A_236 = vector.broadcast %add3A_235 : i32 to vector<16xi32>
      %add3A_237 = arith.addi %mul3A_234, %add3A_236 : vector<16xi32>
      %gather3A_238 = tpu.vector_load_idx %arg6[%add3A_237] : memref<1536xi32, #tpu.memory_space<vmem>>[vector<16xi32>], vector<16xi32>,
      %add3A_239 = arith.constant 1 : i32
      %add3A_240 = vector.broadcast %add3A_239 : i32 to vector<16xi32>
      %add3A_241 = arith.addi %add3A_237, %add3A_240 : vector<16xi32>
      %gather3A_242 = tpu.vector_load_idx %arg6[%add3A_241] : memref<1536xi32, #tpu.memory_space<vmem>>[vector<16xi32>], vector<16xi32>,
      %add3A_243 = arith.constant 2 : i32
      %add3A_244 = vector.broadcast %add3A_243 : i32 to vector<16xi32>
      %add3A_245 = arith.addi %add3A_237, %add3A_244 : vector<16xi32>
      %gather3A_246 = tpu.vector_load_idx %arg6[%add3A_245] : memref<1536xi32, #tpu.memory_space<vmem>>[vector<16xi32>], vector<16xi32>,
      %mul3A_247 = arith.constant 128 : i32
      %mul3A_248 = vector.broadcast %mul3A_247 : i32 to vector<16xi32>
      %mul3A_249 = arith.muli %gather3A_242, %mul3A_248 : vector<16xi32>
      %add3A_250 = arith.addi %mul3A_249, %gather3A_246 : vector<16xi32>
      %swap3A_251 = arith.constant 0 : i64
      %swap3A_252 = arith.index_cast %swap3A_251 : i64 to index
      %swap3A_253 = arith.constant 112 : index
      %swap3A_254 = tpu.vector_load %arg7[%swap3A_252, %swap3A_253] {strides = array<i32>} : memref<4x128xi32, #tpu.memory_space<vmem>>, vector<16xi32>,
      tpu.vector_store %arg7[%swap3A_252, %swap3A_253], %add3A_250 {strides = array<i32>} : memref<4x128xi32, #tpu.memory_space<vmem>>, vector<16xi32>,
      %swap3A_255 = arith.constant 0 : i64
      %swap3A_256 = arith.index_cast %swap3A_255 : i64 to index
      %swap3A_257 = arith.constant 112 : index
      %swap3A_258 = tpu.vector_load %arg8[%swap3A_256, %swap3A_257] {strides = array<i32>} : memref<4x128xi32, #tpu.memory_space<vmem>>, vector<16xi32>,
      tpu.vector_store %arg8[%swap3A_256, %swap3A_257], %gather3A_238 {strides = array<i32>} : memref<4x128xi32, #tpu.memory_space<vmem>>, vector<16xi32>,
      %add3A_259 = arith.constant 0 : i32
      %add3A_260 = vector.broadcast %add3A_259 : i32 to vector<16xi32>
      %add3A_261 = arith.addi %add3A_260, %iota3A : vector<16xi32>
      %mul3A_262 = arith.constant 12 : i32
      %mul3A_263 = vector.broadcast %mul3A_262 : i32 to vector<16xi32>
      %mul3A_264 = arith.muli %add3A_261, %mul3A_263 : vector<16xi32>
      %add3A_265 = arith.constant 3 : i32
      %add3A_266 = vector.broadcast %add3A_265 : i32 to vector<16xi32>
      %add3A_267 = arith.addi %mul3A_264, %add3A_266 : vector<16xi32>
      %gather3A_268 = tpu.vector_load_idx %arg6[%add3A_267] : memref<1536xi32, #tpu.memory_space<vmem>>[vector<16xi32>], vector<16xi32>,
      %add3A_269 = arith.constant 1 : i32
      %add3A_270 = vector.broadcast %add3A_269 : i32 to vector<16xi32>
      %add3A_271 = arith.addi %add3A_267, %add3A_270 : vector<16xi32>
      %gather3A_272 = tpu.vector_load_idx %arg6[%add3A_271] : memref<1536xi32, #tpu.memory_space<vmem>>[vector<16xi32>], vector<16xi32>,
      %add3A_273 = arith.constant 2 : i32
      %add3A_274 = vector.broadcast %add3A_273 : i32 to vector<16xi32>
      %add3A_275 = arith.addi %add3A_267, %add3A_274 : vector<16xi32>
      %gather3A_276 = tpu.vector_load_idx %arg6[%add3A_275] : memref<1536xi32, #tpu.memory_space<vmem>>[vector<16xi32>], vector<16xi32>,
      %mul3A_277 = arith.constant 128 : i32
      %mul3A_278 = vector.broadcast %mul3A_277 : i32 to vector<16xi32>
      %mul3A_279 = arith.muli %gather3A_272, %mul3A_278 : vector<16xi32>
      %add3A_280 = arith.addi %mul3A_279, %gather3A_276 : vector<16xi32>
      %swap3A_281 = arith.constant 1 : i64
      %swap3A_282 = arith.index_cast %swap3A_281 : i64 to index
      %swap3A_283 = arith.constant 0 : index
      %swap3A_284 = tpu.vector_load %arg7[%swap3A_282, %swap3A_283] {strides = array<i32>} : memref<4x128xi32, #tpu.memory_space<vmem>>, vector<16xi32>,
      tpu.vector_store %arg7[%swap3A_282, %swap3A_283], %add3A_280 {strides = array<i32>} : memref<4x128xi32, #tpu.memory_space<vmem>>, vector<16xi32>,
      %swap3A_285 = arith.constant 1 : i64
      %swap3A_286 = arith.index_cast %swap3A_285 : i64 to index
      %swap3A_287 = arith.constant 0 : index
      %swap3A_288 = tpu.vector_load %arg8[%swap3A_286, %swap3A_287] {strides = array<i32>} : memref<4x128xi32, #tpu.memory_space<vmem>>, vector<16xi32>,
      tpu.vector_store %arg8[%swap3A_286, %swap3A_287], %gather3A_268 {strides = array<i32>} : memref<4x128xi32, #tpu.memory_space<vmem>>, vector<16xi32>,
      %add3A_289 = arith.constant 16 : i32
      %add3A_290 = vector.broadcast %add3A_289 : i32 to vector<16xi32>
      %add3A_291 = arith.addi %add3A_290, %iota3A : vector<16xi32>
      %mul3A_292 = arith.constant 12 : i32
      %mul3A_293 = vector.broadcast %mul3A_292 : i32 to vector<16xi32>
      %mul3A_294 = arith.muli %add3A_291, %mul3A_293 : vector<16xi32>
      %add3A_295 = arith.constant 3 : i32
      %add3A_296 = vector.broadcast %add3A_295 : i32 to vector<16xi32>
      %add3A_297 = arith.addi %mul3A_294, %add3A_296 : vector<16xi32>
      %gather3A_298 = tpu.vector_load_idx %arg6[%add3A_297] : memref<1536xi32, #tpu.memory_space<vmem>>[vector<16xi32>], vector<16xi32>,
      %add3A_299 = arith.constant 1 : i32
      %add3A_300 = vector.broadcast %add3A_299 : i32 to vector<16xi32>
      %add3A_301 = arith.addi %add3A_297, %add3A_300 : vector<16xi32>
      %gather3A_302 = tpu.vector_load_idx %arg6[%add3A_301] : memref<1536xi32, #tpu.memory_space<vmem>>[vector<16xi32>], vector<16xi32>,
      %add3A_303 = arith.constant 2 : i32
      %add3A_304 = vector.broadcast %add3A_303 : i32 to vector<16xi32>
      %add3A_305 = arith.addi %add3A_297, %add3A_304 : vector<16xi32>
      %gather3A_306 = tpu.vector_load_idx %arg6[%add3A_305] : memref<1536xi32, #tpu.memory_space<vmem>>[vector<16xi32>], vector<16xi32>,
      %mul3A_307 = arith.constant 128 : i32
      %mul3A_308 = vector.broadcast %mul3A_307 : i32 to vector<16xi32>
      %mul3A_309 = arith.muli %gather3A_302, %mul3A_308 : vector<16xi32>
      %add3A_310 = arith.addi %mul3A_309, %gather3A_306 : vector<16xi32>
      %swap3A_311 = arith.constant 1 : i64
      %swap3A_312 = arith.index_cast %swap3A_311 : i64 to index
      %swap3A_313 = arith.constant 16 : index
      %swap3A_314 = tpu.vector_load %arg7[%swap3A_312, %swap3A_313] {strides = array<i32>} : memref<4x128xi32, #tpu.memory_space<vmem>>, vector<16xi32>,
      tpu.vector_store %arg7[%swap3A_312, %swap3A_313], %add3A_310 {strides = array<i32>} : memref<4x128xi32, #tpu.memory_space<vmem>>, vector<16xi32>,
      %swap3A_315 = arith.constant 1 : i64
      %swap3A_316 = arith.index_cast %swap3A_315 : i64 to index
      %swap3A_317 = arith.constant 16 : index
      %swap3A_318 = tpu.vector_load %arg8[%swap3A_316, %swap3A_317] {strides = array<i32>} : memref<4x128xi32, #tpu.memory_space<vmem>>, vector<16xi32>,
      tpu.vector_store %arg8[%swap3A_316, %swap3A_317], %gather3A_298 {strides = array<i32>} : memref<4x128xi32, #tpu.memory_space<vmem>>, vector<16xi32>,
      %add3A_319 = arith.constant 32 : i32
      %add3A_320 = vector.broadcast %add3A_319 : i32 to vector<16xi32>
      %add3A_321 = arith.addi %add3A_320, %iota3A : vector<16xi32>
      %mul3A_322 = arith.constant 12 : i32
      %mul3A_323 = vector.broadcast %mul3A_322 : i32 to vector<16xi32>
      %mul3A_324 = arith.muli %add3A_321, %mul3A_323 : vector<16xi32>
      %add3A_325 = arith.constant 3 : i32
      %add3A_326 = vector.broadcast %add3A_325 : i32 to vector<16xi32>
      %add3A_327 = arith.addi %mul3A_324, %add3A_326 : vector<16xi32>
      %gather3A_328 = tpu.vector_load_idx %arg6[%add3A_327] : memref<1536xi32, #tpu.memory_space<vmem>>[vector<16xi32>], vector<16xi32>,
      %add3A_329 = arith.constant 1 : i32
      %add3A_330 = vector.broadcast %add3A_329 : i32 to vector<16xi32>
      %add3A_331 = arith.addi %add3A_327, %add3A_330 : vector<16xi32>
      %gather3A_332 = tpu.vector_load_idx %arg6[%add3A_331] : memref<1536xi32, #tpu.memory_space<vmem>>[vector<16xi32>], vector<16xi32>,
      %add3A_333 = arith.constant 2 : i32
      %add3A_334 = vector.broadcast %add3A_333 : i32 to vector<16xi32>
      %add3A_335 = arith.addi %add3A_327, %add3A_334 : vector<16xi32>
      %gather3A_336 = tpu.vector_load_idx %arg6[%add3A_335] : memref<1536xi32, #tpu.memory_space<vmem>>[vector<16xi32>], vector<16xi32>,
      %mul3A_337 = arith.constant 128 : i32
      %mul3A_338 = vector.broadcast %mul3A_337 : i32 to vector<16xi32>
      %mul3A_339 = arith.muli %gather3A_332, %mul3A_338 : vector<16xi32>
      %add3A_340 = arith.addi %mul3A_339, %gather3A_336 : vector<16xi32>
      %swap3A_341 = arith.constant 1 : i64
      %swap3A_342 = arith.index_cast %swap3A_341 : i64 to index
      %swap3A_343 = arith.constant 32 : index
      %swap3A_344 = tpu.vector_load %arg7[%swap3A_342, %swap3A_343] {strides = array<i32>} : memref<4x128xi32, #tpu.memory_space<vmem>>, vector<16xi32>,
      tpu.vector_store %arg7[%swap3A_342, %swap3A_343], %add3A_340 {strides = array<i32>} : memref<4x128xi32, #tpu.memory_space<vmem>>, vector<16xi32>,
      %swap3A_345 = arith.constant 1 : i64
      %swap3A_346 = arith.index_cast %swap3A_345 : i64 to index
      %swap3A_347 = arith.constant 32 : index
      %swap3A_348 = tpu.vector_load %arg8[%swap3A_346, %swap3A_347] {strides = array<i32>} : memref<4x128xi32, #tpu.memory_space<vmem>>, vector<16xi32>,
      tpu.vector_store %arg8[%swap3A_346, %swap3A_347], %gather3A_328 {strides = array<i32>} : memref<4x128xi32, #tpu.memory_space<vmem>>, vector<16xi32>,
      %add3A_349 = arith.constant 48 : i32
      %add3A_350 = vector.broadcast %add3A_349 : i32 to vector<16xi32>
      %add3A_351 = arith.addi %add3A_350, %iota3A : vector<16xi32>
      %mul3A_352 = arith.constant 12 : i32
      %mul3A_353 = vector.broadcast %mul3A_352 : i32 to vector<16xi32>
      %mul3A_354 = arith.muli %add3A_351, %mul3A_353 : vector<16xi32>
      %add3A_355 = arith.constant 3 : i32
      %add3A_356 = vector.broadcast %add3A_355 : i32 to vector<16xi32>
      %add3A_357 = arith.addi %mul3A_354, %add3A_356 : vector<16xi32>
      %gather3A_358 = tpu.vector_load_idx %arg6[%add3A_357] : memref<1536xi32, #tpu.memory_space<vmem>>[vector<16xi32>], vector<16xi32>,
      %add3A_359 = arith.constant 1 : i32
      %add3A_360 = vector.broadcast %add3A_359 : i32 to vector<16xi32>
      %add3A_361 = arith.addi %add3A_357, %add3A_360 : vector<16xi32>
      %gather3A_362 = tpu.vector_load_idx %arg6[%add3A_361] : memref<1536xi32, #tpu.memory_space<vmem>>[vector<16xi32>], vector<16xi32>,
      %add3A_363 = arith.constant 2 : i32
      %add3A_364 = vector.broadcast %add3A_363 : i32 to vector<16xi32>
      %add3A_365 = arith.addi %add3A_357, %add3A_364 : vector<16xi32>
      %gather3A_366 = tpu.vector_load_idx %arg6[%add3A_365] : memref<1536xi32, #tpu.memory_space<vmem>>[vector<16xi32>], vector<16xi32>,
      %mul3A_367 = arith.constant 128 : i32
      %mul3A_368 = vector.broadcast %mul3A_367 : i32 to vector<16xi32>
      %mul3A_369 = arith.muli %gather3A_362, %mul3A_368 : vector<16xi32>
      %add3A_370 = arith.addi %mul3A_369, %gather3A_366 : vector<16xi32>
      %swap3A_371 = arith.constant 1 : i64
      %swap3A_372 = arith.index_cast %swap3A_371 : i64 to index
      %swap3A_373 = arith.constant 48 : index
      %swap3A_374 = tpu.vector_load %arg7[%swap3A_372, %swap3A_373] {strides = array<i32>} : memref<4x128xi32, #tpu.memory_space<vmem>>, vector<16xi32>,
      tpu.vector_store %arg7[%swap3A_372, %swap3A_373], %add3A_370 {strides = array<i32>} : memref<4x128xi32, #tpu.memory_space<vmem>>, vector<16xi32>,
      %swap3A_375 = arith.constant 1 : i64
      %swap3A_376 = arith.index_cast %swap3A_375 : i64 to index
      %swap3A_377 = arith.constant 48 : index
      %swap3A_378 = tpu.vector_load %arg8[%swap3A_376, %swap3A_377] {strides = array<i32>} : memref<4x128xi32, #tpu.memory_space<vmem>>, vector<16xi32>,
      tpu.vector_store %arg8[%swap3A_376, %swap3A_377], %gather3A_358 {strides = array<i32>} : memref<4x128xi32, #tpu.memory_space<vmem>>, vector<16xi32>,
      %add3A_379 = arith.constant 64 : i32
      %add3A_380 = vector.broadcast %add3A_379 : i32 to vector<16xi32>
      %add3A_381 = arith.addi %add3A_380, %iota3A : vector<16xi32>
      %mul3A_382 = arith.constant 12 : i32
      %mul3A_383 = vector.broadcast %mul3A_382 : i32 to vector<16xi32>
      %mul3A_384 = arith.muli %add3A_381, %mul3A_383 : vector<16xi32>
      %add3A_385 = arith.constant 3 : i32
      %add3A_386 = vector.broadcast %add3A_385 : i32 to vector<16xi32>
      %add3A_387 = arith.addi %mul3A_384, %add3A_386 : vector<16xi32>
      %gather3A_388 = tpu.vector_load_idx %arg6[%add3A_387] : memref<1536xi32, #tpu.memory_space<vmem>>[vector<16xi32>], vector<16xi32>,
      %add3A_389 = arith.constant 1 : i32
      %add3A_390 = vector.broadcast %add3A_389 : i32 to vector<16xi32>
      %add3A_391 = arith.addi %add3A_387, %add3A_390 : vector<16xi32>
      %gather3A_392 = tpu.vector_load_idx %arg6[%add3A_391] : memref<1536xi32, #tpu.memory_space<vmem>>[vector<16xi32>], vector<16xi32>,
      %add3A_393 = arith.constant 2 : i32
      %add3A_394 = vector.broadcast %add3A_393 : i32 to vector<16xi32>
      %add3A_395 = arith.addi %add3A_387, %add3A_394 : vector<16xi32>
      %gather3A_396 = tpu.vector_load_idx %arg6[%add3A_395] : memref<1536xi32, #tpu.memory_space<vmem>>[vector<16xi32>], vector<16xi32>,
      %mul3A_397 = arith.constant 128 : i32
      %mul3A_398 = vector.broadcast %mul3A_397 : i32 to vector<16xi32>
      %mul3A_399 = arith.muli %gather3A_392, %mul3A_398 : vector<16xi32>
      %add3A_400 = arith.addi %mul3A_399, %gather3A_396 : vector<16xi32>
      %swap3A_401 = arith.constant 1 : i64
      %swap3A_402 = arith.index_cast %swap3A_401 : i64 to index
      %swap3A_403 = arith.constant 64 : index
      %swap3A_404 = tpu.vector_load %arg7[%swap3A_402, %swap3A_403] {strides = array<i32>} : memref<4x128xi32, #tpu.memory_space<vmem>>, vector<16xi32>,
      tpu.vector_store %arg7[%swap3A_402, %swap3A_403], %add3A_400 {strides = array<i32>} : memref<4x128xi32, #tpu.memory_space<vmem>>, vector<16xi32>,
      %swap3A_405 = arith.constant 1 : i64
      %swap3A_406 = arith.index_cast %swap3A_405 : i64 to index
      %swap3A_407 = arith.constant 64 : index
      %swap3A_408 = tpu.vector_load %arg8[%swap3A_406, %swap3A_407] {strides = array<i32>} : memref<4x128xi32, #tpu.memory_space<vmem>>, vector<16xi32>,
      tpu.vector_store %arg8[%swap3A_406, %swap3A_407], %gather3A_388 {strides = array<i32>} : memref<4x128xi32, #tpu.memory_space<vmem>>, vector<16xi32>,
      %add3A_409 = arith.constant 80 : i32
      %add3A_410 = vector.broadcast %add3A_409 : i32 to vector<16xi32>
      %add3A_411 = arith.addi %add3A_410, %iota3A : vector<16xi32>
      %mul3A_412 = arith.constant 12 : i32
      %mul3A_413 = vector.broadcast %mul3A_412 : i32 to vector<16xi32>
      %mul3A_414 = arith.muli %add3A_411, %mul3A_413 : vector<16xi32>
      %add3A_415 = arith.constant 3 : i32
      %add3A_416 = vector.broadcast %add3A_415 : i32 to vector<16xi32>
      %add3A_417 = arith.addi %mul3A_414, %add3A_416 : vector<16xi32>
      %gather3A_418 = tpu.vector_load_idx %arg6[%add3A_417] : memref<1536xi32, #tpu.memory_space<vmem>>[vector<16xi32>], vector<16xi32>,
      %add3A_419 = arith.constant 1 : i32
      %add3A_420 = vector.broadcast %add3A_419 : i32 to vector<16xi32>
      %add3A_421 = arith.addi %add3A_417, %add3A_420 : vector<16xi32>
      %gather3A_422 = tpu.vector_load_idx %arg6[%add3A_421] : memref<1536xi32, #tpu.memory_space<vmem>>[vector<16xi32>], vector<16xi32>,
      %add3A_423 = arith.constant 2 : i32
      %add3A_424 = vector.broadcast %add3A_423 : i32 to vector<16xi32>
      %add3A_425 = arith.addi %add3A_417, %add3A_424 : vector<16xi32>
      %gather3A_426 = tpu.vector_load_idx %arg6[%add3A_425] : memref<1536xi32, #tpu.memory_space<vmem>>[vector<16xi32>], vector<16xi32>,
      %mul3A_427 = arith.constant 128 : i32
      %mul3A_428 = vector.broadcast %mul3A_427 : i32 to vector<16xi32>
      %mul3A_429 = arith.muli %gather3A_422, %mul3A_428 : vector<16xi32>
      %add3A_430 = arith.addi %mul3A_429, %gather3A_426 : vector<16xi32>
      %swap3A_431 = arith.constant 1 : i64
      %swap3A_432 = arith.index_cast %swap3A_431 : i64 to index
      %swap3A_433 = arith.constant 80 : index
      %swap3A_434 = tpu.vector_load %arg7[%swap3A_432, %swap3A_433] {strides = array<i32>} : memref<4x128xi32, #tpu.memory_space<vmem>>, vector<16xi32>,
      tpu.vector_store %arg7[%swap3A_432, %swap3A_433], %add3A_430 {strides = array<i32>} : memref<4x128xi32, #tpu.memory_space<vmem>>, vector<16xi32>,
      %swap3A_435 = arith.constant 1 : i64
      %swap3A_436 = arith.index_cast %swap3A_435 : i64 to index
      %swap3A_437 = arith.constant 80 : index
      %swap3A_438 = tpu.vector_load %arg8[%swap3A_436, %swap3A_437] {strides = array<i32>} : memref<4x128xi32, #tpu.memory_space<vmem>>, vector<16xi32>,
      tpu.vector_store %arg8[%swap3A_436, %swap3A_437], %gather3A_418 {strides = array<i32>} : memref<4x128xi32, #tpu.memory_space<vmem>>, vector<16xi32>,
      %add3A_439 = arith.constant 96 : i32
      %add3A_440 = vector.broadcast %add3A_439 : i32 to vector<16xi32>
      %add3A_441 = arith.addi %add3A_440, %iota3A : vector<16xi32>
      %mul3A_442 = arith.constant 12 : i32
      %mul3A_443 = vector.broadcast %mul3A_442 : i32 to vector<16xi32>
      %mul3A_444 = arith.muli %add3A_441, %mul3A_443 : vector<16xi32>
      %add3A_445 = arith.constant 3 : i32
      %add3A_446 = vector.broadcast %add3A_445 : i32 to vector<16xi32>
      %add3A_447 = arith.addi %mul3A_444, %add3A_446 : vector<16xi32>
      %gather3A_448 = tpu.vector_load_idx %arg6[%add3A_447] : memref<1536xi32, #tpu.memory_space<vmem>>[vector<16xi32>], vector<16xi32>,
      %add3A_449 = arith.constant 1 : i32
      %add3A_450 = vector.broadcast %add3A_449 : i32 to vector<16xi32>
      %add3A_451 = arith.addi %add3A_447, %add3A_450 : vector<16xi32>
      %gather3A_452 = tpu.vector_load_idx %arg6[%add3A_451] : memref<1536xi32, #tpu.memory_space<vmem>>[vector<16xi32>], vector<16xi32>,
      %add3A_453 = arith.constant 2 : i32
      %add3A_454 = vector.broadcast %add3A_453 : i32 to vector<16xi32>
      %add3A_455 = arith.addi %add3A_447, %add3A_454 : vector<16xi32>
      %gather3A_456 = tpu.vector_load_idx %arg6[%add3A_455] : memref<1536xi32, #tpu.memory_space<vmem>>[vector<16xi32>], vector<16xi32>,
      %mul3A_457 = arith.constant 128 : i32
      %mul3A_458 = vector.broadcast %mul3A_457 : i32 to vector<16xi32>
      %mul3A_459 = arith.muli %gather3A_452, %mul3A_458 : vector<16xi32>
      %add3A_460 = arith.addi %mul3A_459, %gather3A_456 : vector<16xi32>
      %swap3A_461 = arith.constant 1 : i64
      %swap3A_462 = arith.index_cast %swap3A_461 : i64 to index
      %swap3A_463 = arith.constant 96 : index
      %swap3A_464 = tpu.vector_load %arg7[%swap3A_462, %swap3A_463] {strides = array<i32>} : memref<4x128xi32, #tpu.memory_space<vmem>>, vector<16xi32>,
      tpu.vector_store %arg7[%swap3A_462, %swap3A_463], %add3A_460 {strides = array<i32>} : memref<4x128xi32, #tpu.memory_space<vmem>>, vector<16xi32>,
      %swap3A_465 = arith.constant 1 : i64
      %swap3A_466 = arith.index_cast %swap3A_465 : i64 to index
      %swap3A_467 = arith.constant 96 : index
      %swap3A_468 = tpu.vector_load %arg8[%swap3A_466, %swap3A_467] {strides = array<i32>} : memref<4x128xi32, #tpu.memory_space<vmem>>, vector<16xi32>,
      tpu.vector_store %arg8[%swap3A_466, %swap3A_467], %gather3A_448 {strides = array<i32>} : memref<4x128xi32, #tpu.memory_space<vmem>>, vector<16xi32>,
      %add3A_469 = arith.constant 112 : i32
      %add3A_470 = vector.broadcast %add3A_469 : i32 to vector<16xi32>
      %add3A_471 = arith.addi %add3A_470, %iota3A : vector<16xi32>
      %mul3A_472 = arith.constant 12 : i32
      %mul3A_473 = vector.broadcast %mul3A_472 : i32 to vector<16xi32>
      %mul3A_474 = arith.muli %add3A_471, %mul3A_473 : vector<16xi32>
      %add3A_475 = arith.constant 3 : i32
      %add3A_476 = vector.broadcast %add3A_475 : i32 to vector<16xi32>
      %add3A_477 = arith.addi %mul3A_474, %add3A_476 : vector<16xi32>
      %gather3A_478 = tpu.vector_load_idx %arg6[%add3A_477] : memref<1536xi32, #tpu.memory_space<vmem>>[vector<16xi32>], vector<16xi32>,
      %add3A_479 = arith.constant 1 : i32
      %add3A_480 = vector.broadcast %add3A_479 : i32 to vector<16xi32>
      %add3A_481 = arith.addi %add3A_477, %add3A_480 : vector<16xi32>
      %gather3A_482 = tpu.vector_load_idx %arg6[%add3A_481] : memref<1536xi32, #tpu.memory_space<vmem>>[vector<16xi32>], vector<16xi32>,
      %add3A_483 = arith.constant 2 : i32
      %add3A_484 = vector.broadcast %add3A_483 : i32 to vector<16xi32>
      %add3A_485 = arith.addi %add3A_477, %add3A_484 : vector<16xi32>
      %gather3A_486 = tpu.vector_load_idx %arg6[%add3A_485] : memref<1536xi32, #tpu.memory_space<vmem>>[vector<16xi32>], vector<16xi32>,
      %mul3A_487 = arith.constant 128 : i32
      %mul3A_488 = vector.broadcast %mul3A_487 : i32 to vector<16xi32>
      %mul3A_489 = arith.muli %gather3A_482, %mul3A_488 : vector<16xi32>
      %add3A_490 = arith.addi %mul3A_489, %gather3A_486 : vector<16xi32>
      %swap3A_491 = arith.constant 1 : i64
      %swap3A_492 = arith.index_cast %swap3A_491 : i64 to index
      %swap3A_493 = arith.constant 112 : index
      %swap3A_494 = tpu.vector_load %arg7[%swap3A_492, %swap3A_493] {strides = array<i32>} : memref<4x128xi32, #tpu.memory_space<vmem>>, vector<16xi32>,
      tpu.vector_store %arg7[%swap3A_492, %swap3A_493], %add3A_490 {strides = array<i32>} : memref<4x128xi32, #tpu.memory_space<vmem>>, vector<16xi32>,
      %swap3A_495 = arith.constant 1 : i64
      %swap3A_496 = arith.index_cast %swap3A_495 : i64 to index
      %swap3A_497 = arith.constant 112 : index
      %swap3A_498 = tpu.vector_load %arg8[%swap3A_496, %swap3A_497] {strides = array<i32>} : memref<4x128xi32, #tpu.memory_space<vmem>>, vector<16xi32>,
      tpu.vector_store %arg8[%swap3A_496, %swap3A_497], %gather3A_478 {strides = array<i32>} : memref<4x128xi32, #tpu.memory_space<vmem>>, vector<16xi32>,
      %add3A_499 = arith.constant 0 : i32
      %add3A_500 = vector.broadcast %add3A_499 : i32 to vector<16xi32>
      %add3A_501 = arith.addi %add3A_500, %iota3A : vector<16xi32>
      %mul3A_502 = arith.constant 12 : i32
      %mul3A_503 = vector.broadcast %mul3A_502 : i32 to vector<16xi32>
      %mul3A_504 = arith.muli %add3A_501, %mul3A_503 : vector<16xi32>
      %add3A_505 = arith.constant 6 : i32
      %add3A_506 = vector.broadcast %add3A_505 : i32 to vector<16xi32>
      %add3A_507 = arith.addi %mul3A_504, %add3A_506 : vector<16xi32>
      %gather3A_508 = tpu.vector_load_idx %arg6[%add3A_507] : memref<1536xi32, #tpu.memory_space<vmem>>[vector<16xi32>], vector<16xi32>,
      %add3A_509 = arith.constant 1 : i32
      %add3A_510 = vector.broadcast %add3A_509 : i32 to vector<16xi32>
      %add3A_511 = arith.addi %add3A_507, %add3A_510 : vector<16xi32>
      %gather3A_512 = tpu.vector_load_idx %arg6[%add3A_511] : memref<1536xi32, #tpu.memory_space<vmem>>[vector<16xi32>], vector<16xi32>,
      %add3A_513 = arith.constant 2 : i32
      %add3A_514 = vector.broadcast %add3A_513 : i32 to vector<16xi32>
      %add3A_515 = arith.addi %add3A_507, %add3A_514 : vector<16xi32>
      %gather3A_516 = tpu.vector_load_idx %arg6[%add3A_515] : memref<1536xi32, #tpu.memory_space<vmem>>[vector<16xi32>], vector<16xi32>,
      %mul3A_517 = arith.constant 128 : i32
      %mul3A_518 = vector.broadcast %mul3A_517 : i32 to vector<16xi32>
      %mul3A_519 = arith.muli %gather3A_512, %mul3A_518 : vector<16xi32>
      %add3A_520 = arith.addi %mul3A_519, %gather3A_516 : vector<16xi32>
      %swap3A_521 = arith.constant 2 : i64
      %swap3A_522 = arith.index_cast %swap3A_521 : i64 to index
      %swap3A_523 = arith.constant 0 : index
      %swap3A_524 = tpu.vector_load %arg7[%swap3A_522, %swap3A_523] {strides = array<i32>} : memref<4x128xi32, #tpu.memory_space<vmem>>, vector<16xi32>,
      tpu.vector_store %arg7[%swap3A_522, %swap3A_523], %add3A_520 {strides = array<i32>} : memref<4x128xi32, #tpu.memory_space<vmem>>, vector<16xi32>,
      %swap3A_525 = arith.constant 2 : i64
      %swap3A_526 = arith.index_cast %swap3A_525 : i64 to index
      %swap3A_527 = arith.constant 0 : index
      %swap3A_528 = tpu.vector_load %arg8[%swap3A_526, %swap3A_527] {strides = array<i32>} : memref<4x128xi32, #tpu.memory_space<vmem>>, vector<16xi32>,
      tpu.vector_store %arg8[%swap3A_526, %swap3A_527], %gather3A_508 {strides = array<i32>} : memref<4x128xi32, #tpu.memory_space<vmem>>, vector<16xi32>,
      %add3A_529 = arith.constant 16 : i32
      %add3A_530 = vector.broadcast %add3A_529 : i32 to vector<16xi32>
      %add3A_531 = arith.addi %add3A_530, %iota3A : vector<16xi32>
      %mul3A_532 = arith.constant 12 : i32
      %mul3A_533 = vector.broadcast %mul3A_532 : i32 to vector<16xi32>
      %mul3A_534 = arith.muli %add3A_531, %mul3A_533 : vector<16xi32>
      %add3A_535 = arith.constant 6 : i32
      %add3A_536 = vector.broadcast %add3A_535 : i32 to vector<16xi32>
      %add3A_537 = arith.addi %mul3A_534, %add3A_536 : vector<16xi32>
      %gather3A_538 = tpu.vector_load_idx %arg6[%add3A_537] : memref<1536xi32, #tpu.memory_space<vmem>>[vector<16xi32>], vector<16xi32>,
      %add3A_539 = arith.constant 1 : i32
      %add3A_540 = vector.broadcast %add3A_539 : i32 to vector<16xi32>
      %add3A_541 = arith.addi %add3A_537, %add3A_540 : vector<16xi32>
      %gather3A_542 = tpu.vector_load_idx %arg6[%add3A_541] : memref<1536xi32, #tpu.memory_space<vmem>>[vector<16xi32>], vector<16xi32>,
      %add3A_543 = arith.constant 2 : i32
      %add3A_544 = vector.broadcast %add3A_543 : i32 to vector<16xi32>
      %add3A_545 = arith.addi %add3A_537, %add3A_544 : vector<16xi32>
      %gather3A_546 = tpu.vector_load_idx %arg6[%add3A_545] : memref<1536xi32, #tpu.memory_space<vmem>>[vector<16xi32>], vector<16xi32>,
      %mul3A_547 = arith.constant 128 : i32
      %mul3A_548 = vector.broadcast %mul3A_547 : i32 to vector<16xi32>
      %mul3A_549 = arith.muli %gather3A_542, %mul3A_548 : vector<16xi32>
      %add3A_550 = arith.addi %mul3A_549, %gather3A_546 : vector<16xi32>
      %swap3A_551 = arith.constant 2 : i64
      %swap3A_552 = arith.index_cast %swap3A_551 : i64 to index
      %swap3A_553 = arith.constant 16 : index
      %swap3A_554 = tpu.vector_load %arg7[%swap3A_552, %swap3A_553] {strides = array<i32>} : memref<4x128xi32, #tpu.memory_space<vmem>>, vector<16xi32>,
      tpu.vector_store %arg7[%swap3A_552, %swap3A_553], %add3A_550 {strides = array<i32>} : memref<4x128xi32, #tpu.memory_space<vmem>>, vector<16xi32>,
      %swap3A_555 = arith.constant 2 : i64
      %swap3A_556 = arith.index_cast %swap3A_555 : i64 to index
      %swap3A_557 = arith.constant 16 : index
      %swap3A_558 = tpu.vector_load %arg8[%swap3A_556, %swap3A_557] {strides = array<i32>} : memref<4x128xi32, #tpu.memory_space<vmem>>, vector<16xi32>,
      tpu.vector_store %arg8[%swap3A_556, %swap3A_557], %gather3A_538 {strides = array<i32>} : memref<4x128xi32, #tpu.memory_space<vmem>>, vector<16xi32>,
      %add3A_559 = arith.constant 32 : i32
      %add3A_560 = vector.broadcast %add3A_559 : i32 to vector<16xi32>
      %add3A_561 = arith.addi %add3A_560, %iota3A : vector<16xi32>
      %mul3A_562 = arith.constant 12 : i32
      %mul3A_563 = vector.broadcast %mul3A_562 : i32 to vector<16xi32>
      %mul3A_564 = arith.muli %add3A_561, %mul3A_563 : vector<16xi32>
      %add3A_565 = arith.constant 6 : i32
      %add3A_566 = vector.broadcast %add3A_565 : i32 to vector<16xi32>
      %add3A_567 = arith.addi %mul3A_564, %add3A_566 : vector<16xi32>
      %gather3A_568 = tpu.vector_load_idx %arg6[%add3A_567] : memref<1536xi32, #tpu.memory_space<vmem>>[vector<16xi32>], vector<16xi32>,
      %add3A_569 = arith.constant 1 : i32
      %add3A_570 = vector.broadcast %add3A_569 : i32 to vector<16xi32>
      %add3A_571 = arith.addi %add3A_567, %add3A_570 : vector<16xi32>
      %gather3A_572 = tpu.vector_load_idx %arg6[%add3A_571] : memref<1536xi32, #tpu.memory_space<vmem>>[vector<16xi32>], vector<16xi32>,
      %add3A_573 = arith.constant 2 : i32
      %add3A_574 = vector.broadcast %add3A_573 : i32 to vector<16xi32>
      %add3A_575 = arith.addi %add3A_567, %add3A_574 : vector<16xi32>
      %gather3A_576 = tpu.vector_load_idx %arg6[%add3A_575] : memref<1536xi32, #tpu.memory_space<vmem>>[vector<16xi32>], vector<16xi32>,
      %mul3A_577 = arith.constant 128 : i32
      %mul3A_578 = vector.broadcast %mul3A_577 : i32 to vector<16xi32>
      %mul3A_579 = arith.muli %gather3A_572, %mul3A_578 : vector<16xi32>
      %add3A_580 = arith.addi %mul3A_579, %gather3A_576 : vector<16xi32>
      %swap3A_581 = arith.constant 2 : i64
      %swap3A_582 = arith.index_cast %swap3A_581 : i64 to index
      %swap3A_583 = arith.constant 32 : index
      %swap3A_584 = tpu.vector_load %arg7[%swap3A_582, %swap3A_583] {strides = array<i32>} : memref<4x128xi32, #tpu.memory_space<vmem>>, vector<16xi32>,
      tpu.vector_store %arg7[%swap3A_582, %swap3A_583], %add3A_580 {strides = array<i32>} : memref<4x128xi32, #tpu.memory_space<vmem>>, vector<16xi32>,
      %swap3A_585 = arith.constant 2 : i64
      %swap3A_586 = arith.index_cast %swap3A_585 : i64 to index
      %swap3A_587 = arith.constant 32 : index
      %swap3A_588 = tpu.vector_load %arg8[%swap3A_586, %swap3A_587] {strides = array<i32>} : memref<4x128xi32, #tpu.memory_space<vmem>>, vector<16xi32>,
      tpu.vector_store %arg8[%swap3A_586, %swap3A_587], %gather3A_568 {strides = array<i32>} : memref<4x128xi32, #tpu.memory_space<vmem>>, vector<16xi32>,
      %add3A_589 = arith.constant 48 : i32
      %add3A_590 = vector.broadcast %add3A_589 : i32 to vector<16xi32>
      %add3A_591 = arith.addi %add3A_590, %iota3A : vector<16xi32>
      %mul3A_592 = arith.constant 12 : i32
      %mul3A_593 = vector.broadcast %mul3A_592 : i32 to vector<16xi32>
      %mul3A_594 = arith.muli %add3A_591, %mul3A_593 : vector<16xi32>
      %add3A_595 = arith.constant 6 : i32
      %add3A_596 = vector.broadcast %add3A_595 : i32 to vector<16xi32>
      %add3A_597 = arith.addi %mul3A_594, %add3A_596 : vector<16xi32>
      %gather3A_598 = tpu.vector_load_idx %arg6[%add3A_597] : memref<1536xi32, #tpu.memory_space<vmem>>[vector<16xi32>], vector<16xi32>,
      %add3A_599 = arith.constant 1 : i32
      %add3A_600 = vector.broadcast %add3A_599 : i32 to vector<16xi32>
      %add3A_601 = arith.addi %add3A_597, %add3A_600 : vector<16xi32>
      %gather3A_602 = tpu.vector_load_idx %arg6[%add3A_601] : memref<1536xi32, #tpu.memory_space<vmem>>[vector<16xi32>], vector<16xi32>,
      %add3A_603 = arith.constant 2 : i32
      %add3A_604 = vector.broadcast %add3A_603 : i32 to vector<16xi32>
      %add3A_605 = arith.addi %add3A_597, %add3A_604 : vector<16xi32>
      %gather3A_606 = tpu.vector_load_idx %arg6[%add3A_605] : memref<1536xi32, #tpu.memory_space<vmem>>[vector<16xi32>], vector<16xi32>,
      %mul3A_607 = arith.constant 128 : i32
      %mul3A_608 = vector.broadcast %mul3A_607 : i32 to vector<16xi32>
      %mul3A_609 = arith.muli %gather3A_602, %mul3A_608 : vector<16xi32>
      %add3A_610 = arith.addi %mul3A_609, %gather3A_606 : vector<16xi32>
      %swap3A_611 = arith.constant 2 : i64
      %swap3A_612 = arith.index_cast %swap3A_611 : i64 to index
      %swap3A_613 = arith.constant 48 : index
      %swap3A_614 = tpu.vector_load %arg7[%swap3A_612, %swap3A_613] {strides = array<i32>} : memref<4x128xi32, #tpu.memory_space<vmem>>, vector<16xi32>,
      tpu.vector_store %arg7[%swap3A_612, %swap3A_613], %add3A_610 {strides = array<i32>} : memref<4x128xi32, #tpu.memory_space<vmem>>, vector<16xi32>,
      %swap3A_615 = arith.constant 2 : i64
      %swap3A_616 = arith.index_cast %swap3A_615 : i64 to index
      %swap3A_617 = arith.constant 48 : index
      %swap3A_618 = tpu.vector_load %arg8[%swap3A_616, %swap3A_617] {strides = array<i32>} : memref<4x128xi32, #tpu.memory_space<vmem>>, vector<16xi32>,
      tpu.vector_store %arg8[%swap3A_616, %swap3A_617], %gather3A_598 {strides = array<i32>} : memref<4x128xi32, #tpu.memory_space<vmem>>, vector<16xi32>,
      %add3A_619 = arith.constant 64 : i32
      %add3A_620 = vector.broadcast %add3A_619 : i32 to vector<16xi32>
      %add3A_621 = arith.addi %add3A_620, %iota3A : vector<16xi32>
      %mul3A_622 = arith.constant 12 : i32
      %mul3A_623 = vector.broadcast %mul3A_622 : i32 to vector<16xi32>
      %mul3A_624 = arith.muli %add3A_621, %mul3A_623 : vector<16xi32>
      %add3A_625 = arith.constant 6 : i32
      %add3A_626 = vector.broadcast %add3A_625 : i32 to vector<16xi32>
      %add3A_627 = arith.addi %mul3A_624, %add3A_626 : vector<16xi32>
      %gather3A_628 = tpu.vector_load_idx %arg6[%add3A_627] : memref<1536xi32, #tpu.memory_space<vmem>>[vector<16xi32>], vector<16xi32>,
      %add3A_629 = arith.constant 1 : i32
      %add3A_630 = vector.broadcast %add3A_629 : i32 to vector<16xi32>
      %add3A_631 = arith.addi %add3A_627, %add3A_630 : vector<16xi32>
      %gather3A_632 = tpu.vector_load_idx %arg6[%add3A_631] : memref<1536xi32, #tpu.memory_space<vmem>>[vector<16xi32>], vector<16xi32>,
      %add3A_633 = arith.constant 2 : i32
      %add3A_634 = vector.broadcast %add3A_633 : i32 to vector<16xi32>
      %add3A_635 = arith.addi %add3A_627, %add3A_634 : vector<16xi32>
      %gather3A_636 = tpu.vector_load_idx %arg6[%add3A_635] : memref<1536xi32, #tpu.memory_space<vmem>>[vector<16xi32>], vector<16xi32>,
      %mul3A_637 = arith.constant 128 : i32
      %mul3A_638 = vector.broadcast %mul3A_637 : i32 to vector<16xi32>
      %mul3A_639 = arith.muli %gather3A_632, %mul3A_638 : vector<16xi32>
      %add3A_640 = arith.addi %mul3A_639, %gather3A_636 : vector<16xi32>
      %swap3A_641 = arith.constant 2 : i64
      %swap3A_642 = arith.index_cast %swap3A_641 : i64 to index
      %swap3A_643 = arith.constant 64 : index
      %swap3A_644 = tpu.vector_load %arg7[%swap3A_642, %swap3A_643] {strides = array<i32>} : memref<4x128xi32, #tpu.memory_space<vmem>>, vector<16xi32>,
      tpu.vector_store %arg7[%swap3A_642, %swap3A_643], %add3A_640 {strides = array<i32>} : memref<4x128xi32, #tpu.memory_space<vmem>>, vector<16xi32>,
      %swap3A_645 = arith.constant 2 : i64
      %swap3A_646 = arith.index_cast %swap3A_645 : i64 to index
      %swap3A_647 = arith.constant 64 : index
      %swap3A_648 = tpu.vector_load %arg8[%swap3A_646, %swap3A_647] {strides = array<i32>} : memref<4x128xi32, #tpu.memory_space<vmem>>, vector<16xi32>,
      tpu.vector_store %arg8[%swap3A_646, %swap3A_647], %gather3A_628 {strides = array<i32>} : memref<4x128xi32, #tpu.memory_space<vmem>>, vector<16xi32>,
      %add3A_649 = arith.constant 80 : i32
      %add3A_650 = vector.broadcast %add3A_649 : i32 to vector<16xi32>
      %add3A_651 = arith.addi %add3A_650, %iota3A : vector<16xi32>
      %mul3A_652 = arith.constant 12 : i32
      %mul3A_653 = vector.broadcast %mul3A_652 : i32 to vector<16xi32>
      %mul3A_654 = arith.muli %add3A_651, %mul3A_653 : vector<16xi32>
      %add3A_655 = arith.constant 6 : i32
      %add3A_656 = vector.broadcast %add3A_655 : i32 to vector<16xi32>
      %add3A_657 = arith.addi %mul3A_654, %add3A_656 : vector<16xi32>
      %gather3A_658 = tpu.vector_load_idx %arg6[%add3A_657] : memref<1536xi32, #tpu.memory_space<vmem>>[vector<16xi32>], vector<16xi32>,
      %add3A_659 = arith.constant 1 : i32
      %add3A_660 = vector.broadcast %add3A_659 : i32 to vector<16xi32>
      %add3A_661 = arith.addi %add3A_657, %add3A_660 : vector<16xi32>
      %gather3A_662 = tpu.vector_load_idx %arg6[%add3A_661] : memref<1536xi32, #tpu.memory_space<vmem>>[vector<16xi32>], vector<16xi32>,
      %add3A_663 = arith.constant 2 : i32
      %add3A_664 = vector.broadcast %add3A_663 : i32 to vector<16xi32>
      %add3A_665 = arith.addi %add3A_657, %add3A_664 : vector<16xi32>
      %gather3A_666 = tpu.vector_load_idx %arg6[%add3A_665] : memref<1536xi32, #tpu.memory_space<vmem>>[vector<16xi32>], vector<16xi32>,
      %mul3A_667 = arith.constant 128 : i32
      %mul3A_668 = vector.broadcast %mul3A_667 : i32 to vector<16xi32>
      %mul3A_669 = arith.muli %gather3A_662, %mul3A_668 : vector<16xi32>
      %add3A_670 = arith.addi %mul3A_669, %gather3A_666 : vector<16xi32>
      %swap3A_671 = arith.constant 2 : i64
      %swap3A_672 = arith.index_cast %swap3A_671 : i64 to index
      %swap3A_673 = arith.constant 80 : index
      %swap3A_674 = tpu.vector_load %arg7[%swap3A_672, %swap3A_673] {strides = array<i32>} : memref<4x128xi32, #tpu.memory_space<vmem>>, vector<16xi32>,
      tpu.vector_store %arg7[%swap3A_672, %swap3A_673], %add3A_670 {strides = array<i32>} : memref<4x128xi32, #tpu.memory_space<vmem>>, vector<16xi32>,
      %swap3A_675 = arith.constant 2 : i64
      %swap3A_676 = arith.index_cast %swap3A_675 : i64 to index
      %swap3A_677 = arith.constant 80 : index
      %swap3A_678 = tpu.vector_load %arg8[%swap3A_676, %swap3A_677] {strides = array<i32>} : memref<4x128xi32, #tpu.memory_space<vmem>>, vector<16xi32>,
      tpu.vector_store %arg8[%swap3A_676, %swap3A_677], %gather3A_658 {strides = array<i32>} : memref<4x128xi32, #tpu.memory_space<vmem>>, vector<16xi32>,
      %add3A_679 = arith.constant 96 : i32
      %add3A_680 = vector.broadcast %add3A_679 : i32 to vector<16xi32>
      %add3A_681 = arith.addi %add3A_680, %iota3A : vector<16xi32>
      %mul3A_682 = arith.constant 12 : i32
      %mul3A_683 = vector.broadcast %mul3A_682 : i32 to vector<16xi32>
      %mul3A_684 = arith.muli %add3A_681, %mul3A_683 : vector<16xi32>
      %add3A_685 = arith.constant 6 : i32
      %add3A_686 = vector.broadcast %add3A_685 : i32 to vector<16xi32>
      %add3A_687 = arith.addi %mul3A_684, %add3A_686 : vector<16xi32>
      %gather3A_688 = tpu.vector_load_idx %arg6[%add3A_687] : memref<1536xi32, #tpu.memory_space<vmem>>[vector<16xi32>], vector<16xi32>,
      %add3A_689 = arith.constant 1 : i32
      %add3A_690 = vector.broadcast %add3A_689 : i32 to vector<16xi32>
      %add3A_691 = arith.addi %add3A_687, %add3A_690 : vector<16xi32>
      %gather3A_692 = tpu.vector_load_idx %arg6[%add3A_691] : memref<1536xi32, #tpu.memory_space<vmem>>[vector<16xi32>], vector<16xi32>,
      %add3A_693 = arith.constant 2 : i32
      %add3A_694 = vector.broadcast %add3A_693 : i32 to vector<16xi32>
      %add3A_695 = arith.addi %add3A_687, %add3A_694 : vector<16xi32>
      %gather3A_696 = tpu.vector_load_idx %arg6[%add3A_695] : memref<1536xi32, #tpu.memory_space<vmem>>[vector<16xi32>], vector<16xi32>,
      %mul3A_697 = arith.constant 128 : i32
      %mul3A_698 = vector.broadcast %mul3A_697 : i32 to vector<16xi32>
      %mul3A_699 = arith.muli %gather3A_692, %mul3A_698 : vector<16xi32>
      %add3A_700 = arith.addi %mul3A_699, %gather3A_696 : vector<16xi32>
      %swap3A_701 = arith.constant 2 : i64
      %swap3A_702 = arith.index_cast %swap3A_701 : i64 to index
      %swap3A_703 = arith.constant 96 : index
      %swap3A_704 = tpu.vector_load %arg7[%swap3A_702, %swap3A_703] {strides = array<i32>} : memref<4x128xi32, #tpu.memory_space<vmem>>, vector<16xi32>,
      tpu.vector_store %arg7[%swap3A_702, %swap3A_703], %add3A_700 {strides = array<i32>} : memref<4x128xi32, #tpu.memory_space<vmem>>, vector<16xi32>,
      %swap3A_705 = arith.constant 2 : i64
      %swap3A_706 = arith.index_cast %swap3A_705 : i64 to index
      %swap3A_707 = arith.constant 96 : index
      %swap3A_708 = tpu.vector_load %arg8[%swap3A_706, %swap3A_707] {strides = array<i32>} : memref<4x128xi32, #tpu.memory_space<vmem>>, vector<16xi32>,
      tpu.vector_store %arg8[%swap3A_706, %swap3A_707], %gather3A_688 {strides = array<i32>} : memref<4x128xi32, #tpu.memory_space<vmem>>, vector<16xi32>,
      %add3A_709 = arith.constant 112 : i32
      %add3A_710 = vector.broadcast %add3A_709 : i32 to vector<16xi32>
      %add3A_711 = arith.addi %add3A_710, %iota3A : vector<16xi32>
      %mul3A_712 = arith.constant 12 : i32
      %mul3A_713 = vector.broadcast %mul3A_712 : i32 to vector<16xi32>
      %mul3A_714 = arith.muli %add3A_711, %mul3A_713 : vector<16xi32>
      %add3A_715 = arith.constant 6 : i32
      %add3A_716 = vector.broadcast %add3A_715 : i32 to vector<16xi32>
      %add3A_717 = arith.addi %mul3A_714, %add3A_716 : vector<16xi32>
      %gather3A_718 = tpu.vector_load_idx %arg6[%add3A_717] : memref<1536xi32, #tpu.memory_space<vmem>>[vector<16xi32>], vector<16xi32>,
      %add3A_719 = arith.constant 1 : i32
      %add3A_720 = vector.broadcast %add3A_719 : i32 to vector<16xi32>
      %add3A_721 = arith.addi %add3A_717, %add3A_720 : vector<16xi32>
      %gather3A_722 = tpu.vector_load_idx %arg6[%add3A_721] : memref<1536xi32, #tpu.memory_space<vmem>>[vector<16xi32>], vector<16xi32>,
      %add3A_723 = arith.constant 2 : i32
      %add3A_724 = vector.broadcast %add3A_723 : i32 to vector<16xi32>
      %add3A_725 = arith.addi %add3A_717, %add3A_724 : vector<16xi32>
      %gather3A_726 = tpu.vector_load_idx %arg6[%add3A_725] : memref<1536xi32, #tpu.memory_space<vmem>>[vector<16xi32>], vector<16xi32>,
      %mul3A_727 = arith.constant 128 : i32
      %mul3A_728 = vector.broadcast %mul3A_727 : i32 to vector<16xi32>
      %mul3A_729 = arith.muli %gather3A_722, %mul3A_728 : vector<16xi32>
      %add3A_730 = arith.addi %mul3A_729, %gather3A_726 : vector<16xi32>
      %swap3A_731 = arith.constant 2 : i64
      %swap3A_732 = arith.index_cast %swap3A_731 : i64 to index
      %swap3A_733 = arith.constant 112 : index
      %swap3A_734 = tpu.vector_load %arg7[%swap3A_732, %swap3A_733] {strides = array<i32>} : memref<4x128xi32, #tpu.memory_space<vmem>>, vector<16xi32>,
      tpu.vector_store %arg7[%swap3A_732, %swap3A_733], %add3A_730 {strides = array<i32>} : memref<4x128xi32, #tpu.memory_space<vmem>>, vector<16xi32>,
      %swap3A_735 = arith.constant 2 : i64
      %swap3A_736 = arith.index_cast %swap3A_735 : i64 to index
      %swap3A_737 = arith.constant 112 : index
      %swap3A_738 = tpu.vector_load %arg8[%swap3A_736, %swap3A_737] {strides = array<i32>} : memref<4x128xi32, #tpu.memory_space<vmem>>, vector<16xi32>,
      tpu.vector_store %arg8[%swap3A_736, %swap3A_737], %gather3A_718 {strides = array<i32>} : memref<4x128xi32, #tpu.memory_space<vmem>>, vector<16xi32>,
      %add3A_739 = arith.constant 0 : i32
      %add3A_740 = vector.broadcast %add3A_739 : i32 to vector<16xi32>
      %add3A_741 = arith.addi %add3A_740, %iota3A : vector<16xi32>
      %mul3A_742 = arith.constant 12 : i32
      %mul3A_743 = vector.broadcast %mul3A_742 : i32 to vector<16xi32>
      %mul3A_744 = arith.muli %add3A_741, %mul3A_743 : vector<16xi32>
      %add3A_745 = arith.constant 9 : i32
      %add3A_746 = vector.broadcast %add3A_745 : i32 to vector<16xi32>
      %add3A_747 = arith.addi %mul3A_744, %add3A_746 : vector<16xi32>
      %gather3A_748 = tpu.vector_load_idx %arg6[%add3A_747] : memref<1536xi32, #tpu.memory_space<vmem>>[vector<16xi32>], vector<16xi32>,
      %add3A_749 = arith.constant 1 : i32
      %add3A_750 = vector.broadcast %add3A_749 : i32 to vector<16xi32>
      %add3A_751 = arith.addi %add3A_747, %add3A_750 : vector<16xi32>
      %gather3A_752 = tpu.vector_load_idx %arg6[%add3A_751] : memref<1536xi32, #tpu.memory_space<vmem>>[vector<16xi32>], vector<16xi32>,
      %add3A_753 = arith.constant 2 : i32
      %add3A_754 = vector.broadcast %add3A_753 : i32 to vector<16xi32>
      %add3A_755 = arith.addi %add3A_747, %add3A_754 : vector<16xi32>
      %gather3A_756 = tpu.vector_load_idx %arg6[%add3A_755] : memref<1536xi32, #tpu.memory_space<vmem>>[vector<16xi32>], vector<16xi32>,
      %mul3A_757 = arith.constant 128 : i32
      %mul3A_758 = vector.broadcast %mul3A_757 : i32 to vector<16xi32>
      %mul3A_759 = arith.muli %gather3A_752, %mul3A_758 : vector<16xi32>
      %add3A_760 = arith.addi %mul3A_759, %gather3A_756 : vector<16xi32>
      %swap3A_761 = arith.constant 3 : i64
      %swap3A_762 = arith.index_cast %swap3A_761 : i64 to index
      %swap3A_763 = arith.constant 0 : index
      %swap3A_764 = tpu.vector_load %arg7[%swap3A_762, %swap3A_763] {strides = array<i32>} : memref<4x128xi32, #tpu.memory_space<vmem>>, vector<16xi32>,
      tpu.vector_store %arg7[%swap3A_762, %swap3A_763], %add3A_760 {strides = array<i32>} : memref<4x128xi32, #tpu.memory_space<vmem>>, vector<16xi32>,
      %swap3A_765 = arith.constant 3 : i64
      %swap3A_766 = arith.index_cast %swap3A_765 : i64 to index
      %swap3A_767 = arith.constant 0 : index
      %swap3A_768 = tpu.vector_load %arg8[%swap3A_766, %swap3A_767] {strides = array<i32>} : memref<4x128xi32, #tpu.memory_space<vmem>>, vector<16xi32>,
      tpu.vector_store %arg8[%swap3A_766, %swap3A_767], %gather3A_748 {strides = array<i32>} : memref<4x128xi32, #tpu.memory_space<vmem>>, vector<16xi32>,
      %add3A_769 = arith.constant 16 : i32
      %add3A_770 = vector.broadcast %add3A_769 : i32 to vector<16xi32>
      %add3A_771 = arith.addi %add3A_770, %iota3A : vector<16xi32>
      %mul3A_772 = arith.constant 12 : i32
      %mul3A_773 = vector.broadcast %mul3A_772 : i32 to vector<16xi32>
      %mul3A_774 = arith.muli %add3A_771, %mul3A_773 : vector<16xi32>
      %add3A_775 = arith.constant 9 : i32
      %add3A_776 = vector.broadcast %add3A_775 : i32 to vector<16xi32>
      %add3A_777 = arith.addi %mul3A_774, %add3A_776 : vector<16xi32>
      %gather3A_778 = tpu.vector_load_idx %arg6[%add3A_777] : memref<1536xi32, #tpu.memory_space<vmem>>[vector<16xi32>], vector<16xi32>,
      %add3A_779 = arith.constant 1 : i32
      %add3A_780 = vector.broadcast %add3A_779 : i32 to vector<16xi32>
      %add3A_781 = arith.addi %add3A_777, %add3A_780 : vector<16xi32>
      %gather3A_782 = tpu.vector_load_idx %arg6[%add3A_781] : memref<1536xi32, #tpu.memory_space<vmem>>[vector<16xi32>], vector<16xi32>,
      %add3A_783 = arith.constant 2 : i32
      %add3A_784 = vector.broadcast %add3A_783 : i32 to vector<16xi32>
      %add3A_785 = arith.addi %add3A_777, %add3A_784 : vector<16xi32>
      %gather3A_786 = tpu.vector_load_idx %arg6[%add3A_785] : memref<1536xi32, #tpu.memory_space<vmem>>[vector<16xi32>], vector<16xi32>,
      %mul3A_787 = arith.constant 128 : i32
      %mul3A_788 = vector.broadcast %mul3A_787 : i32 to vector<16xi32>
      %mul3A_789 = arith.muli %gather3A_782, %mul3A_788 : vector<16xi32>
      %add3A_790 = arith.addi %mul3A_789, %gather3A_786 : vector<16xi32>
      %swap3A_791 = arith.constant 3 : i64
      %swap3A_792 = arith.index_cast %swap3A_791 : i64 to index
      %swap3A_793 = arith.constant 16 : index
      %swap3A_794 = tpu.vector_load %arg7[%swap3A_792, %swap3A_793] {strides = array<i32>} : memref<4x128xi32, #tpu.memory_space<vmem>>, vector<16xi32>,
      tpu.vector_store %arg7[%swap3A_792, %swap3A_793], %add3A_790 {strides = array<i32>} : memref<4x128xi32, #tpu.memory_space<vmem>>, vector<16xi32>,
      %swap3A_795 = arith.constant 3 : i64
      %swap3A_796 = arith.index_cast %swap3A_795 : i64 to index
      %swap3A_797 = arith.constant 16 : index
      %swap3A_798 = tpu.vector_load %arg8[%swap3A_796, %swap3A_797] {strides = array<i32>} : memref<4x128xi32, #tpu.memory_space<vmem>>, vector<16xi32>,
      tpu.vector_store %arg8[%swap3A_796, %swap3A_797], %gather3A_778 {strides = array<i32>} : memref<4x128xi32, #tpu.memory_space<vmem>>, vector<16xi32>,
      %add3A_799 = arith.constant 32 : i32
      %add3A_800 = vector.broadcast %add3A_799 : i32 to vector<16xi32>
      %add3A_801 = arith.addi %add3A_800, %iota3A : vector<16xi32>
      %mul3A_802 = arith.constant 12 : i32
      %mul3A_803 = vector.broadcast %mul3A_802 : i32 to vector<16xi32>
      %mul3A_804 = arith.muli %add3A_801, %mul3A_803 : vector<16xi32>
      %add3A_805 = arith.constant 9 : i32
      %add3A_806 = vector.broadcast %add3A_805 : i32 to vector<16xi32>
      %add3A_807 = arith.addi %mul3A_804, %add3A_806 : vector<16xi32>
      %gather3A_808 = tpu.vector_load_idx %arg6[%add3A_807] : memref<1536xi32, #tpu.memory_space<vmem>>[vector<16xi32>], vector<16xi32>,
      %add3A_809 = arith.constant 1 : i32
      %add3A_810 = vector.broadcast %add3A_809 : i32 to vector<16xi32>
      %add3A_811 = arith.addi %add3A_807, %add3A_810 : vector<16xi32>
      %gather3A_812 = tpu.vector_load_idx %arg6[%add3A_811] : memref<1536xi32, #tpu.memory_space<vmem>>[vector<16xi32>], vector<16xi32>,
      %add3A_813 = arith.constant 2 : i32
      %add3A_814 = vector.broadcast %add3A_813 : i32 to vector<16xi32>
      %add3A_815 = arith.addi %add3A_807, %add3A_814 : vector<16xi32>
      %gather3A_816 = tpu.vector_load_idx %arg6[%add3A_815] : memref<1536xi32, #tpu.memory_space<vmem>>[vector<16xi32>], vector<16xi32>,
      %mul3A_817 = arith.constant 128 : i32
      %mul3A_818 = vector.broadcast %mul3A_817 : i32 to vector<16xi32>
      %mul3A_819 = arith.muli %gather3A_812, %mul3A_818 : vector<16xi32>
      %add3A_820 = arith.addi %mul3A_819, %gather3A_816 : vector<16xi32>
      %swap3A_821 = arith.constant 3 : i64
      %swap3A_822 = arith.index_cast %swap3A_821 : i64 to index
      %swap3A_823 = arith.constant 32 : index
      %swap3A_824 = tpu.vector_load %arg7[%swap3A_822, %swap3A_823] {strides = array<i32>} : memref<4x128xi32, #tpu.memory_space<vmem>>, vector<16xi32>,
      tpu.vector_store %arg7[%swap3A_822, %swap3A_823], %add3A_820 {strides = array<i32>} : memref<4x128xi32, #tpu.memory_space<vmem>>, vector<16xi32>,
      %swap3A_825 = arith.constant 3 : i64
      %swap3A_826 = arith.index_cast %swap3A_825 : i64 to index
      %swap3A_827 = arith.constant 32 : index
      %swap3A_828 = tpu.vector_load %arg8[%swap3A_826, %swap3A_827] {strides = array<i32>} : memref<4x128xi32, #tpu.memory_space<vmem>>, vector<16xi32>,
      tpu.vector_store %arg8[%swap3A_826, %swap3A_827], %gather3A_808 {strides = array<i32>} : memref<4x128xi32, #tpu.memory_space<vmem>>, vector<16xi32>,
      %add3A_829 = arith.constant 48 : i32
      %add3A_830 = vector.broadcast %add3A_829 : i32 to vector<16xi32>
      %add3A_831 = arith.addi %add3A_830, %iota3A : vector<16xi32>
      %mul3A_832 = arith.constant 12 : i32
      %mul3A_833 = vector.broadcast %mul3A_832 : i32 to vector<16xi32>
      %mul3A_834 = arith.muli %add3A_831, %mul3A_833 : vector<16xi32>
      %add3A_835 = arith.constant 9 : i32
      %add3A_836 = vector.broadcast %add3A_835 : i32 to vector<16xi32>
      %add3A_837 = arith.addi %mul3A_834, %add3A_836 : vector<16xi32>
      %gather3A_838 = tpu.vector_load_idx %arg6[%add3A_837] : memref<1536xi32, #tpu.memory_space<vmem>>[vector<16xi32>], vector<16xi32>,
      %add3A_839 = arith.constant 1 : i32
      %add3A_840 = vector.broadcast %add3A_839 : i32 to vector<16xi32>
      %add3A_841 = arith.addi %add3A_837, %add3A_840 : vector<16xi32>
      %gather3A_842 = tpu.vector_load_idx %arg6[%add3A_841] : memref<1536xi32, #tpu.memory_space<vmem>>[vector<16xi32>], vector<16xi32>,
      %add3A_843 = arith.constant 2 : i32
      %add3A_844 = vector.broadcast %add3A_843 : i32 to vector<16xi32>
      %add3A_845 = arith.addi %add3A_837, %add3A_844 : vector<16xi32>
      %gather3A_846 = tpu.vector_load_idx %arg6[%add3A_845] : memref<1536xi32, #tpu.memory_space<vmem>>[vector<16xi32>], vector<16xi32>,
      %mul3A_847 = arith.constant 128 : i32
      %mul3A_848 = vector.broadcast %mul3A_847 : i32 to vector<16xi32>
      %mul3A_849 = arith.muli %gather3A_842, %mul3A_848 : vector<16xi32>
      %add3A_850 = arith.addi %mul3A_849, %gather3A_846 : vector<16xi32>
      %swap3A_851 = arith.constant 3 : i64
      %swap3A_852 = arith.index_cast %swap3A_851 : i64 to index
      %swap3A_853 = arith.constant 48 : index
      %swap3A_854 = tpu.vector_load %arg7[%swap3A_852, %swap3A_853] {strides = array<i32>} : memref<4x128xi32, #tpu.memory_space<vmem>>, vector<16xi32>,
      tpu.vector_store %arg7[%swap3A_852, %swap3A_853], %add3A_850 {strides = array<i32>} : memref<4x128xi32, #tpu.memory_space<vmem>>, vector<16xi32>,
      %swap3A_855 = arith.constant 3 : i64
      %swap3A_856 = arith.index_cast %swap3A_855 : i64 to index
      %swap3A_857 = arith.constant 48 : index
      %swap3A_858 = tpu.vector_load %arg8[%swap3A_856, %swap3A_857] {strides = array<i32>} : memref<4x128xi32, #tpu.memory_space<vmem>>, vector<16xi32>,
      tpu.vector_store %arg8[%swap3A_856, %swap3A_857], %gather3A_838 {strides = array<i32>} : memref<4x128xi32, #tpu.memory_space<vmem>>, vector<16xi32>,
      %add3A_859 = arith.constant 64 : i32
      %add3A_860 = vector.broadcast %add3A_859 : i32 to vector<16xi32>
      %add3A_861 = arith.addi %add3A_860, %iota3A : vector<16xi32>
      %mul3A_862 = arith.constant 12 : i32
      %mul3A_863 = vector.broadcast %mul3A_862 : i32 to vector<16xi32>
      %mul3A_864 = arith.muli %add3A_861, %mul3A_863 : vector<16xi32>
      %add3A_865 = arith.constant 9 : i32
      %add3A_866 = vector.broadcast %add3A_865 : i32 to vector<16xi32>
      %add3A_867 = arith.addi %mul3A_864, %add3A_866 : vector<16xi32>
      %gather3A_868 = tpu.vector_load_idx %arg6[%add3A_867] : memref<1536xi32, #tpu.memory_space<vmem>>[vector<16xi32>], vector<16xi32>,
      %add3A_869 = arith.constant 1 : i32
      %add3A_870 = vector.broadcast %add3A_869 : i32 to vector<16xi32>
      %add3A_871 = arith.addi %add3A_867, %add3A_870 : vector<16xi32>
      %gather3A_872 = tpu.vector_load_idx %arg6[%add3A_871] : memref<1536xi32, #tpu.memory_space<vmem>>[vector<16xi32>], vector<16xi32>,
      %add3A_873 = arith.constant 2 : i32
      %add3A_874 = vector.broadcast %add3A_873 : i32 to vector<16xi32>
      %add3A_875 = arith.addi %add3A_867, %add3A_874 : vector<16xi32>
      %gather3A_876 = tpu.vector_load_idx %arg6[%add3A_875] : memref<1536xi32, #tpu.memory_space<vmem>>[vector<16xi32>], vector<16xi32>,
      %mul3A_877 = arith.constant 128 : i32
      %mul3A_878 = vector.broadcast %mul3A_877 : i32 to vector<16xi32>
      %mul3A_879 = arith.muli %gather3A_872, %mul3A_878 : vector<16xi32>
      %add3A_880 = arith.addi %mul3A_879, %gather3A_876 : vector<16xi32>
      %swap3A_881 = arith.constant 3 : i64
      %swap3A_882 = arith.index_cast %swap3A_881 : i64 to index
      %swap3A_883 = arith.constant 64 : index
      %swap3A_884 = tpu.vector_load %arg7[%swap3A_882, %swap3A_883] {strides = array<i32>} : memref<4x128xi32, #tpu.memory_space<vmem>>, vector<16xi32>,
      tpu.vector_store %arg7[%swap3A_882, %swap3A_883], %add3A_880 {strides = array<i32>} : memref<4x128xi32, #tpu.memory_space<vmem>>, vector<16xi32>,
      %swap3A_885 = arith.constant 3 : i64
      %swap3A_886 = arith.index_cast %swap3A_885 : i64 to index
      %swap3A_887 = arith.constant 64 : index
      %swap3A_888 = tpu.vector_load %arg8[%swap3A_886, %swap3A_887] {strides = array<i32>} : memref<4x128xi32, #tpu.memory_space<vmem>>, vector<16xi32>,
      tpu.vector_store %arg8[%swap3A_886, %swap3A_887], %gather3A_868 {strides = array<i32>} : memref<4x128xi32, #tpu.memory_space<vmem>>, vector<16xi32>,
      %add3A_889 = arith.constant 80 : i32
      %add3A_890 = vector.broadcast %add3A_889 : i32 to vector<16xi32>
      %add3A_891 = arith.addi %add3A_890, %iota3A : vector<16xi32>
      %mul3A_892 = arith.constant 12 : i32
      %mul3A_893 = vector.broadcast %mul3A_892 : i32 to vector<16xi32>
      %mul3A_894 = arith.muli %add3A_891, %mul3A_893 : vector<16xi32>
      %add3A_895 = arith.constant 9 : i32
      %add3A_896 = vector.broadcast %add3A_895 : i32 to vector<16xi32>
      %add3A_897 = arith.addi %mul3A_894, %add3A_896 : vector<16xi32>
      %gather3A_898 = tpu.vector_load_idx %arg6[%add3A_897] : memref<1536xi32, #tpu.memory_space<vmem>>[vector<16xi32>], vector<16xi32>,
      %add3A_899 = arith.constant 1 : i32
      %add3A_900 = vector.broadcast %add3A_899 : i32 to vector<16xi32>
      %add3A_901 = arith.addi %add3A_897, %add3A_900 : vector<16xi32>
      %gather3A_902 = tpu.vector_load_idx %arg6[%add3A_901] : memref<1536xi32, #tpu.memory_space<vmem>>[vector<16xi32>], vector<16xi32>,
      %add3A_903 = arith.constant 2 : i32
      %add3A_904 = vector.broadcast %add3A_903 : i32 to vector<16xi32>
      %add3A_905 = arith.addi %add3A_897, %add3A_904 : vector<16xi32>
      %gather3A_906 = tpu.vector_load_idx %arg6[%add3A_905] : memref<1536xi32, #tpu.memory_space<vmem>>[vector<16xi32>], vector<16xi32>,
      %mul3A_907 = arith.constant 128 : i32
      %mul3A_908 = vector.broadcast %mul3A_907 : i32 to vector<16xi32>
      %mul3A_909 = arith.muli %gather3A_902, %mul3A_908 : vector<16xi32>
      %add3A_910 = arith.addi %mul3A_909, %gather3A_906 : vector<16xi32>
      %swap3A_911 = arith.constant 3 : i64
      %swap3A_912 = arith.index_cast %swap3A_911 : i64 to index
      %swap3A_913 = arith.constant 80 : index
      %swap3A_914 = tpu.vector_load %arg7[%swap3A_912, %swap3A_913] {strides = array<i32>} : memref<4x128xi32, #tpu.memory_space<vmem>>, vector<16xi32>,
      tpu.vector_store %arg7[%swap3A_912, %swap3A_913], %add3A_910 {strides = array<i32>} : memref<4x128xi32, #tpu.memory_space<vmem>>, vector<16xi32>,
      %swap3A_915 = arith.constant 3 : i64
      %swap3A_916 = arith.index_cast %swap3A_915 : i64 to index
      %swap3A_917 = arith.constant 80 : index
      %swap3A_918 = tpu.vector_load %arg8[%swap3A_916, %swap3A_917] {strides = array<i32>} : memref<4x128xi32, #tpu.memory_space<vmem>>, vector<16xi32>,
      tpu.vector_store %arg8[%swap3A_916, %swap3A_917], %gather3A_898 {strides = array<i32>} : memref<4x128xi32, #tpu.memory_space<vmem>>, vector<16xi32>,
      %add3A_919 = arith.constant 96 : i32
      %add3A_920 = vector.broadcast %add3A_919 : i32 to vector<16xi32>
      %add3A_921 = arith.addi %add3A_920, %iota3A : vector<16xi32>
      %mul3A_922 = arith.constant 12 : i32
      %mul3A_923 = vector.broadcast %mul3A_922 : i32 to vector<16xi32>
      %mul3A_924 = arith.muli %add3A_921, %mul3A_923 : vector<16xi32>
      %add3A_925 = arith.constant 9 : i32
      %add3A_926 = vector.broadcast %add3A_925 : i32 to vector<16xi32>
      %add3A_927 = arith.addi %mul3A_924, %add3A_926 : vector<16xi32>
      %gather3A_928 = tpu.vector_load_idx %arg6[%add3A_927] : memref<1536xi32, #tpu.memory_space<vmem>>[vector<16xi32>], vector<16xi32>,
      %add3A_929 = arith.constant 1 : i32
      %add3A_930 = vector.broadcast %add3A_929 : i32 to vector<16xi32>
      %add3A_931 = arith.addi %add3A_927, %add3A_930 : vector<16xi32>
      %gather3A_932 = tpu.vector_load_idx %arg6[%add3A_931] : memref<1536xi32, #tpu.memory_space<vmem>>[vector<16xi32>], vector<16xi32>,
      %add3A_933 = arith.constant 2 : i32
      %add3A_934 = vector.broadcast %add3A_933 : i32 to vector<16xi32>
      %add3A_935 = arith.addi %add3A_927, %add3A_934 : vector<16xi32>
      %gather3A_936 = tpu.vector_load_idx %arg6[%add3A_935] : memref<1536xi32, #tpu.memory_space<vmem>>[vector<16xi32>], vector<16xi32>,
      %mul3A_937 = arith.constant 128 : i32
      %mul3A_938 = vector.broadcast %mul3A_937 : i32 to vector<16xi32>
      %mul3A_939 = arith.muli %gather3A_932, %mul3A_938 : vector<16xi32>
      %add3A_940 = arith.addi %mul3A_939, %gather3A_936 : vector<16xi32>
      %swap3A_941 = arith.constant 3 : i64
      %swap3A_942 = arith.index_cast %swap3A_941 : i64 to index
      %swap3A_943 = arith.constant 96 : index
      %swap3A_944 = tpu.vector_load %arg7[%swap3A_942, %swap3A_943] {strides = array<i32>} : memref<4x128xi32, #tpu.memory_space<vmem>>, vector<16xi32>,
      tpu.vector_store %arg7[%swap3A_942, %swap3A_943], %add3A_940 {strides = array<i32>} : memref<4x128xi32, #tpu.memory_space<vmem>>, vector<16xi32>,
      %swap3A_945 = arith.constant 3 : i64
      %swap3A_946 = arith.index_cast %swap3A_945 : i64 to index
      %swap3A_947 = arith.constant 96 : index
      %swap3A_948 = tpu.vector_load %arg8[%swap3A_946, %swap3A_947] {strides = array<i32>} : memref<4x128xi32, #tpu.memory_space<vmem>>, vector<16xi32>,
      tpu.vector_store %arg8[%swap3A_946, %swap3A_947], %gather3A_928 {strides = array<i32>} : memref<4x128xi32, #tpu.memory_space<vmem>>, vector<16xi32>,
      %add3A_949 = arith.constant 112 : i32
      %add3A_950 = vector.broadcast %add3A_949 : i32 to vector<16xi32>
      %add3A_951 = arith.addi %add3A_950, %iota3A : vector<16xi32>
      %mul3A_952 = arith.constant 12 : i32
      %mul3A_953 = vector.broadcast %mul3A_952 : i32 to vector<16xi32>
      %mul3A_954 = arith.muli %add3A_951, %mul3A_953 : vector<16xi32>
      %add3A_955 = arith.constant 9 : i32
      %add3A_956 = vector.broadcast %add3A_955 : i32 to vector<16xi32>
      %add3A_957 = arith.addi %mul3A_954, %add3A_956 : vector<16xi32>
      %gather3A_958 = tpu.vector_load_idx %arg6[%add3A_957] : memref<1536xi32, #tpu.memory_space<vmem>>[vector<16xi32>], vector<16xi32>,
      %add3A_959 = arith.constant 1 : i32
      %add3A_960 = vector.broadcast %add3A_959 : i32 to vector<16xi32>
      %add3A_961 = arith.addi %add3A_957, %add3A_960 : vector<16xi32>
      %gather3A_962 = tpu.vector_load_idx %arg6[%add3A_961] : memref<1536xi32, #tpu.memory_space<vmem>>[vector<16xi32>], vector<16xi32>,
      %add3A_963 = arith.constant 2 : i32
      %add3A_964 = vector.broadcast %add3A_963 : i32 to vector<16xi32>
      %add3A_965 = arith.addi %add3A_957, %add3A_964 : vector<16xi32>
      %gather3A_966 = tpu.vector_load_idx %arg6[%add3A_965] : memref<1536xi32, #tpu.memory_space<vmem>>[vector<16xi32>], vector<16xi32>,
      %mul3A_967 = arith.constant 128 : i32
      %mul3A_968 = vector.broadcast %mul3A_967 : i32 to vector<16xi32>
      %mul3A_969 = arith.muli %gather3A_962, %mul3A_968 : vector<16xi32>
      %add3A_970 = arith.addi %mul3A_969, %gather3A_966 : vector<16xi32>
      %swap3A_971 = arith.constant 3 : i64
      %swap3A_972 = arith.index_cast %swap3A_971 : i64 to index
      %swap3A_973 = arith.constant 112 : index
      %swap3A_974 = tpu.vector_load %arg7[%swap3A_972, %swap3A_973] {strides = array<i32>} : memref<4x128xi32, #tpu.memory_space<vmem>>, vector<16xi32>,
      tpu.vector_store %arg7[%swap3A_972, %swap3A_973], %add3A_970 {strides = array<i32>} : memref<4x128xi32, #tpu.memory_space<vmem>>, vector<16xi32>,
      %swap3A_975 = arith.constant 3 : i64
      %swap3A_976 = arith.index_cast %swap3A_975 : i64 to index
      %swap3A_977 = arith.constant 112 : index
      %swap3A_978 = tpu.vector_load %arg8[%swap3A_976, %swap3A_977] {strides = array<i32>} : memref<4x128xi32, #tpu.memory_space<vmem>>, vector<16xi32>,
      tpu.vector_store %arg8[%swap3A_976, %swap3A_977], %gather3A_958 {strides = array<i32>} : memref<4x128xi32, #tpu.memory_space<vmem>>, vector<16xi32>,
      %dma_start3A = arith.constant 0 : i32
      %dma_start3A_979 = arith.constant 0 : i32
      %dma_start3A_980 = arith.constant 0 : i32
      %dma_start3A_981 = arith.constant 0 : i32
      %dma_start3A_982 = tpu.memref_slice %arg9[%dma_start3A_979, %dma_start3A_980, %dma_start3A_981] : memref<4x128x128xf32, #tpu.memory_space<vmem>> -> memref<1x128x128xf32, #tpu.memory_space<vmem>>
      %dma_start3A_983 = tpu.memref_squeeze %dma_start3A_982 : memref<1x128x128xf32, #tpu.memory_space<vmem>> -> memref<128x128xf32, #tpu.memory_space<vmem>>
      %dma_start3A_984 = arith.constant 0 : i32
      %dma_start3A_985 = tpu.memref_slice %arg7[%dma_start3A, %dma_start3A_984] : memref<4x128xi32, #tpu.memory_space<vmem>> -> memref<1x128xi32, #tpu.memory_space<vmem>>
      %dma_start3A_986 = tpu.memref_squeeze %dma_start3A_985 : memref<1x128xi32, #tpu.memory_space<vmem>> -> memref<128xi32, #tpu.memory_space<vmem>>
      %dma_start3A_987 = arith.constant 0 : i32
      %dma_start3A_988 = arith.constant 0 : i32
      %dma_start3A_989 = tpu.memref_slice %arg3[%dma_start3A_987, %dma_start3A_988] : memref<16384x128xf32, #tpu.memory_space<hbm>> -> memref<16384x128xf32, #tpu.memory_space<hbm>>
      tpu.enqueue_indirect_dma source(%dma_start3A_989 : memref<16384x128xf32, #tpu.memory_space<hbm>>) target(%dma_start3A_983 : memref<128x128xf32, #tpu.memory_space<vmem>>) offsets(%dma_start3A_986 : memref<128xi32, #tpu.memory_space<vmem>>) semaphore(%arg12 : memref<!tpu.dma_semaphore, #tpu.memory_space<semaphore_mem>>)
      %dma_start3A_990 = arith.constant 1 : i32
      %dma_start3A_991 = arith.constant 1 : i32
      %dma_start3A_992 = arith.constant 0 : i32
      %dma_start3A_993 = arith.constant 0 : i32
      %dma_start3A_994 = tpu.memref_slice %arg9[%dma_start3A_991, %dma_start3A_992, %dma_start3A_993] : memref<4x128x128xf32, #tpu.memory_space<vmem>> -> memref<1x128x128xf32, #tpu.memory_space<vmem>>
      %dma_start3A_995 = tpu.memref_squeeze %dma_start3A_994 : memref<1x128x128xf32, #tpu.memory_space<vmem>> -> memref<128x128xf32, #tpu.memory_space<vmem>>
      %dma_start3A_996 = arith.constant 0 : i32
      %dma_start3A_997 = tpu.memref_slice %arg7[%dma_start3A_990, %dma_start3A_996] : memref<4x128xi32, #tpu.memory_space<vmem>> -> memref<1x128xi32, #tpu.memory_space<vmem>>
      %dma_start3A_998 = tpu.memref_squeeze %dma_start3A_997 : memref<1x128xi32, #tpu.memory_space<vmem>> -> memref<128xi32, #tpu.memory_space<vmem>>
      %dma_start3A_999 = arith.constant 0 : i32
      %dma_start3A_1000 = arith.constant 0 : i32
      %dma_start3A_1001 = tpu.memref_slice %arg3[%dma_start3A_999, %dma_start3A_1000] : memref<16384x128xf32, #tpu.memory_space<hbm>> -> memref<16384x128xf32, #tpu.memory_space<hbm>>
      tpu.enqueue_indirect_dma source(%dma_start3A_1001 : memref<16384x128xf32, #tpu.memory_space<hbm>>) target(%dma_start3A_995 : memref<128x128xf32, #tpu.memory_space<vmem>>) offsets(%dma_start3A_998 : memref<128xi32, #tpu.memory_space<vmem>>) semaphore(%arg12 : memref<!tpu.dma_semaphore, #tpu.memory_space<semaphore_mem>>)
      %dma_start3A_1002 = arith.constant 2 : i32
      %dma_start3A_1003 = arith.constant 2 : i32
      %dma_start3A_1004 = arith.constant 0 : i32
      %dma_start3A_1005 = arith.constant 0 : i32
      %dma_start3A_1006 = tpu.memref_slice %arg9[%dma_start3A_1003, %dma_start3A_1004, %dma_start3A_1005] : memref<4x128x128xf32, #tpu.memory_space<vmem>> -> memref<1x128x128xf32, #tpu.memory_space<vmem>>
      %dma_start3A_1007 = tpu.memref_squeeze %dma_start3A_1006 : memref<1x128x128xf32, #tpu.memory_space<vmem>> -> memref<128x128xf32, #tpu.memory_space<vmem>>
      %dma_start3A_1008 = arith.constant 0 : i32
      %dma_start3A_1009 = tpu.memref_slice %arg7[%dma_start3A_1002, %dma_start3A_1008] : memref<4x128xi32, #tpu.memory_space<vmem>> -> memref<1x128xi32, #tpu.memory_space<vmem>>
      %dma_start3A_1010 = tpu.memref_squeeze %dma_start3A_1009 : memref<1x128xi32, #tpu.memory_space<vmem>> -> memref<128xi32, #tpu.memory_space<vmem>>
      %dma_start3A_1011 = arith.constant 0 : i32
      %dma_start3A_1012 = arith.constant 0 : i32
      %dma_start3A_1013 = tpu.memref_slice %arg3[%dma_start3A_1011, %dma_start3A_1012] : memref<16384x128xf32, #tpu.memory_space<hbm>> -> memref<16384x128xf32, #tpu.memory_space<hbm>>
      tpu.enqueue_indirect_dma source(%dma_start3A_1013 : memref<16384x128xf32, #tpu.memory_space<hbm>>) target(%dma_start3A_1007 : memref<128x128xf32, #tpu.memory_space<vmem>>) offsets(%dma_start3A_1010 : memref<128xi32, #tpu.memory_space<vmem>>) semaphore(%arg12 : memref<!tpu.dma_semaphore, #tpu.memory_space<semaphore_mem>>)
      %dma_start3A_1014 = arith.constant 3 : i32
      %dma_start3A_1015 = arith.constant 3 : i32
      %dma_start3A_1016 = arith.constant 0 : i32
      %dma_start3A_1017 = arith.constant 0 : i32
      %dma_start3A_1018 = tpu.memref_slice %arg9[%dma_start3A_1015, %dma_start3A_1016, %dma_start3A_1017] : memref<4x128x128xf32, #tpu.memory_space<vmem>> -> memref<1x128x128xf32, #tpu.memory_space<vmem>>
      %dma_start3A_1019 = tpu.memref_squeeze %dma_start3A_1018 : memref<1x128x128xf32, #tpu.memory_space<vmem>> -> memref<128x128xf32, #tpu.memory_space<vmem>>
      %dma_start3A_1020 = arith.constant 0 : i32
      %dma_start3A_1021 = tpu.memref_slice %arg7[%dma_start3A_1014, %dma_start3A_1020] : memref<4x128xi32, #tpu.memory_space<vmem>> -> memref<1x128xi32, #tpu.memory_space<vmem>>
      %dma_start3A_1022 = tpu.memref_squeeze %dma_start3A_1021 : memref<1x128xi32, #tpu.memory_space<vmem>> -> memref<128xi32, #tpu.memory_space<vmem>>
      %dma_start3A_1023 = arith.constant 0 : i32
      %dma_start3A_1024 = arith.constant 0 : i32
      %dma_start3A_1025 = tpu.memref_slice %arg3[%dma_start3A_1023, %dma_start3A_1024] : memref<16384x128xf32, #tpu.memory_space<hbm>> -> memref<16384x128xf32, #tpu.memory_space<hbm>>
      tpu.enqueue_indirect_dma source(%dma_start3A_1025 : memref<16384x128xf32, #tpu.memory_space<hbm>>) target(%dma_start3A_1019 : memref<128x128xf32, #tpu.memory_space<vmem>>) offsets(%dma_start3A_1022 : memref<128xi32, #tpu.memory_space<vmem>>) semaphore(%arg12 : memref<!tpu.dma_semaphore, #tpu.memory_space<semaphore_mem>>)
      %dma_wait3A = arith.constant 0 : i32
      %dma_wait3A_1026 = arith.constant 0 : i32
      %dma_wait3A_1027 = arith.constant 0 : i32
      %dma_wait3A_1028 = arith.constant 0 : i32
      %dma_wait3A_1029 = tpu.memref_slice %arg9[%dma_wait3A_1026, %dma_wait3A_1027, %dma_wait3A_1028] : memref<4x128x128xf32, #tpu.memory_space<vmem>> -> memref<1x128x128xf32, #tpu.memory_space<vmem>>
      %dma_wait3A_1030 = tpu.memref_squeeze %dma_wait3A_1029 : memref<1x128x128xf32, #tpu.memory_space<vmem>> -> memref<128x128xf32, #tpu.memory_space<vmem>>
      %dma_wait3A_1031 = arith.constant 0 : i32
      %dma_wait3A_1032 = tpu.memref_slice %arg7[%dma_wait3A, %dma_wait3A_1031] : memref<4x128xi32, #tpu.memory_space<vmem>> -> memref<1x128xi32, #tpu.memory_space<vmem>>
      %dma_wait3A_1033 = tpu.memref_squeeze %dma_wait3A_1032 : memref<1x128xi32, #tpu.memory_space<vmem>> -> memref<128xi32, #tpu.memory_space<vmem>>
      %dma_wait3A_1034 = arith.constant 0 : i32
      %dma_wait3A_1035 = arith.constant 0 : i32
      %dma_wait3A_1036 = tpu.memref_slice %arg3[%dma_wait3A_1034, %dma_wait3A_1035] : memref<16384x128xf32, #tpu.memory_space<hbm>> -> memref<16384x128xf32, #tpu.memory_space<hbm>>
      tpu.wait_indirect_dma semaphore(%arg12 : memref<!tpu.dma_semaphore, #tpu.memory_space<semaphore_mem>>) src(%dma_wait3A_1036 : memref<16384x128xf32, #tpu.memory_space<hbm>>) dst(%dma_wait3A_1030 : memref<128x128xf32, #tpu.memory_space<vmem>>)
      %dma_wait3A_1037 = arith.constant 1 : i32
      %dma_wait3A_1038 = arith.constant 1 : i32
      %dma_wait3A_1039 = arith.constant 0 : i32
      %dma_wait3A_1040 = arith.constant 0 : i32
      %dma_wait3A_1041 = tpu.memref_slice %arg9[%dma_wait3A_1038, %dma_wait3A_1039, %dma_wait3A_1040] : memref<4x128x128xf32, #tpu.memory_space<vmem>> -> memref<1x128x128xf32, #tpu.memory_space<vmem>>
      %dma_wait3A_1042 = tpu.memref_squeeze %dma_wait3A_1041 : memref<1x128x128xf32, #tpu.memory_space<vmem>> -> memref<128x128xf32, #tpu.memory_space<vmem>>
      %dma_wait3A_1043 = arith.constant 0 : i32
      %dma_wait3A_1044 = tpu.memref_slice %arg7[%dma_wait3A_1037, %dma_wait3A_1043] : memref<4x128xi32, #tpu.memory_space<vmem>> -> memref<1x128xi32, #tpu.memory_space<vmem>>
      %dma_wait3A_1045 = tpu.memref_squeeze %dma_wait3A_1044 : memref<1x128xi32, #tpu.memory_space<vmem>> -> memref<128xi32, #tpu.memory_space<vmem>>
      %dma_wait3A_1046 = arith.constant 0 : i32
      %dma_wait3A_1047 = arith.constant 0 : i32
      %dma_wait3A_1048 = tpu.memref_slice %arg3[%dma_wait3A_1046, %dma_wait3A_1047] : memref<16384x128xf32, #tpu.memory_space<hbm>> -> memref<16384x128xf32, #tpu.memory_space<hbm>>
      tpu.wait_indirect_dma semaphore(%arg12 : memref<!tpu.dma_semaphore, #tpu.memory_space<semaphore_mem>>) src(%dma_wait3A_1048 : memref<16384x128xf32, #tpu.memory_space<hbm>>) dst(%dma_wait3A_1042 : memref<128x128xf32, #tpu.memory_space<vmem>>)
      %dma_wait3A_1049 = arith.constant 2 : i32
      %dma_wait3A_1050 = arith.constant 2 : i32
      %dma_wait3A_1051 = arith.constant 0 : i32
      %dma_wait3A_1052 = arith.constant 0 : i32
      %dma_wait3A_1053 = tpu.memref_slice %arg9[%dma_wait3A_1050, %dma_wait3A_1051, %dma_wait3A_1052] : memref<4x128x128xf32, #tpu.memory_space<vmem>> -> memref<1x128x128xf32, #tpu.memory_space<vmem>>
      %dma_wait3A_1054 = tpu.memref_squeeze %dma_wait3A_1053 : memref<1x128x128xf32, #tpu.memory_space<vmem>> -> memref<128x128xf32, #tpu.memory_space<vmem>>
      %dma_wait3A_1055 = arith.constant 0 : i32
      %dma_wait3A_1056 = tpu.memref_slice %arg7[%dma_wait3A_1049, %dma_wait3A_1055] : memref<4x128xi32, #tpu.memory_space<vmem>> -> memref<1x128xi32, #tpu.memory_space<vmem>>
      %dma_wait3A_1057 = tpu.memref_squeeze %dma_wait3A_1056 : memref<1x128xi32, #tpu.memory_space<vmem>> -> memref<128xi32, #tpu.memory_space<vmem>>
      %dma_wait3A_1058 = arith.constant 0 : i32
      %dma_wait3A_1059 = arith.constant 0 : i32
      %dma_wait3A_1060 = tpu.memref_slice %arg3[%dma_wait3A_1058, %dma_wait3A_1059] : memref<16384x128xf32, #tpu.memory_space<hbm>> -> memref<16384x128xf32, #tpu.memory_space<hbm>>
      tpu.wait_indirect_dma semaphore(%arg12 : memref<!tpu.dma_semaphore, #tpu.memory_space<semaphore_mem>>) src(%dma_wait3A_1060 : memref<16384x128xf32, #tpu.memory_space<hbm>>) dst(%dma_wait3A_1054 : memref<128x128xf32, #tpu.memory_space<vmem>>)
      %dma_wait3A_1061 = arith.constant 3 : i32
      %dma_wait3A_1062 = arith.constant 3 : i32
      %dma_wait3A_1063 = arith.constant 0 : i32
      %dma_wait3A_1064 = arith.constant 0 : i32
      %dma_wait3A_1065 = tpu.memref_slice %arg9[%dma_wait3A_1062, %dma_wait3A_1063, %dma_wait3A_1064] : memref<4x128x128xf32, #tpu.memory_space<vmem>> -> memref<1x128x128xf32, #tpu.memory_space<vmem>>
      %dma_wait3A_1066 = tpu.memref_squeeze %dma_wait3A_1065 : memref<1x128x128xf32, #tpu.memory_space<vmem>> -> memref<128x128xf32, #tpu.memory_space<vmem>>
      %dma_wait3A_1067 = arith.constant 0 : i32
      %dma_wait3A_1068 = tpu.memref_slice %arg7[%dma_wait3A_1061, %dma_wait3A_1067] : memref<4x128xi32, #tpu.memory_space<vmem>> -> memref<1x128xi32, #tpu.memory_space<vmem>>
      %dma_wait3A_1069 = tpu.memref_squeeze %dma_wait3A_1068 : memref<1x128xi32, #tpu.memory_space<vmem>> -> memref<128xi32, #tpu.memory_space<vmem>>
      %dma_wait3A_1070 = arith.constant 0 : i32
      %dma_wait3A_1071 = arith.constant 0 : i32
      %dma_wait3A_1072 = tpu.memref_slice %arg3[%dma_wait3A_1070, %dma_wait3A_1071] : memref<16384x128xf32, #tpu.memory_space<hbm>> -> memref<16384x128xf32, #tpu.memory_space<hbm>>
      tpu.wait_indirect_dma semaphore(%arg12 : memref<!tpu.dma_semaphore, #tpu.memory_space<semaphore_mem>>) src(%dma_wait3A_1072 : memref<16384x128xf32, #tpu.memory_space<hbm>>) dst(%dma_wait3A_1066 : memref<128x128xf32, #tpu.memory_space<vmem>>)
      %get3A = arith.constant 0 : index
      %get3A_1073 = tpu.vector_load %arg10[%get3A] {strides = array<i32>} : memref<128xf32, #tpu.memory_space<vmem>>, vector<16xf32>,
      %add3A_1074 = arith.constant 0 : i32
      %add3A_1075 = vector.broadcast %add3A_1074 : i32 to vector<16xi32>
      %add3A_1076 = arith.addi %add3A_1075, %iota3A : vector<16xi32>
      %get3A_1077 = arith.constant 0 : i64
      %get3A_1078 = arith.index_cast %get3A_1077 : i64 to index
      %get3A_1079 = arith.constant 0 : index
      %get3A_1080 = tpu.vector_load %arg8[%get3A_1078, %get3A_1079] {strides = array<i32>} : memref<4x128xi32, #tpu.memory_space<vmem>>, vector<16xi32>,
      %broadcast_in_dim3A = arith.constant 0 : i32
      %broadcast_in_dim3A_1081 = vector.broadcast %broadcast_in_dim3A : i32 to vector<16xi32>
      %gather3A_1082 = tpu.vector_load_idx %arg9[%broadcast_in_dim3A_1081, %add3A_1076, %get3A_1080] : memref<4x128x128xf32, #tpu.memory_space<vmem>>[vector<16xi32>, vector<16xi32>, vector<16xi32>], vector<16xf32>,
      %mul3A_1083 = arith.mulf %get3A_1073, %gather3A_1082 : vector<16xf32>
      %get3A_1084 = arith.constant 1 : i64
      %get3A_1085 = arith.index_cast %get3A_1084 : i64 to index
      %get3A_1086 = arith.constant 0 : index
      %get3A_1087 = tpu.vector_load %arg8[%get3A_1085, %get3A_1086] {strides = array<i32>} : memref<4x128xi32, #tpu.memory_space<vmem>>, vector<16xi32>,
      %broadcast_in_dim3A_1088 = arith.constant 1 : i32
      %broadcast_in_dim3A_1089 = vector.broadcast %broadcast_in_dim3A_1088 : i32 to vector<16xi32>
      %gather3A_1090 = tpu.vector_load_idx %arg9[%broadcast_in_dim3A_1089, %add3A_1076, %get3A_1087] : memref<4x128x128xf32, #tpu.memory_space<vmem>>[vector<16xi32>, vector<16xi32>, vector<16xi32>], vector<16xf32>,
      %mul3A_1091 = arith.mulf %mul3A_1083, %gather3A_1090 : vector<16xf32>
      %get3A_1092 = arith.constant 2 : i64
      %get3A_1093 = arith.index_cast %get3A_1092 : i64 to index
      %get3A_1094 = arith.constant 0 : index
      %get3A_1095 = tpu.vector_load %arg8[%get3A_1093, %get3A_1094] {strides = array<i32>} : memref<4x128xi32, #tpu.memory_space<vmem>>, vector<16xi32>,
      %broadcast_in_dim3A_1096 = arith.constant 2 : i32
      %broadcast_in_dim3A_1097 = vector.broadcast %broadcast_in_dim3A_1096 : i32 to vector<16xi32>
      %gather3A_1098 = tpu.vector_load_idx %arg9[%broadcast_in_dim3A_1097, %add3A_1076, %get3A_1095] : memref<4x128x128xf32, #tpu.memory_space<vmem>>[vector<16xi32>, vector<16xi32>, vector<16xi32>], vector<16xf32>,
      %mul3A_1099 = arith.mulf %mul3A_1091, %gather3A_1098 : vector<16xf32>
      %get3A_1100 = arith.constant 3 : i64
      %get3A_1101 = arith.index_cast %get3A_1100 : i64 to index
      %get3A_1102 = arith.constant 0 : index
      %get3A_1103 = tpu.vector_load %arg8[%get3A_1101, %get3A_1102] {strides = array<i32>} : memref<4x128xi32, #tpu.memory_space<vmem>>, vector<16xi32>,
      %broadcast_in_dim3A_1104 = arith.constant 3 : i32
      %broadcast_in_dim3A_1105 = vector.broadcast %broadcast_in_dim3A_1104 : i32 to vector<16xi32>
      %gather3A_1106 = tpu.vector_load_idx %arg9[%broadcast_in_dim3A_1105, %add3A_1076, %get3A_1103] : memref<4x128x128xf32, #tpu.memory_space<vmem>>[vector<16xi32>, vector<16xi32>, vector<16xi32>], vector<16xf32>,
      %mul3A_1107 = arith.mulf %mul3A_1099, %gather3A_1106 : vector<16xf32>
      %mul3A_1108 = arith.constant 128 : i32
      %mul3A_1109 = arith.muli %while3A_13, %mul3A_1108 : i32
      %add3A_1110 = arith.constant 0 : i32
      %add3A_1111 = arith.addi %mul3A_1109, %add3A_1110 : i32
      %swap3A_1112 = arith.index_cast %add3A_1111 : i32 to index
      %swap3A_1113 = tpu.vector_load %arg11[%swap3A_1112] {strides = array<i32>} : memref<4096xf32, #tpu.memory_space<vmem>>, vector<16xf32>,
      tpu.vector_store %arg11[%swap3A_1112], %mul3A_1107 {strides = array<i32>} : memref<4096xf32, #tpu.memory_space<vmem>>, vector<16xf32>,
      %get3A_1114 = arith.constant 16 : index
      %get3A_1115 = tpu.vector_load %arg10[%get3A_1114] {strides = array<i32>} : memref<128xf32, #tpu.memory_space<vmem>>, vector<16xf32>,
      %add3A_1116 = arith.constant 16 : i32
      %add3A_1117 = vector.broadcast %add3A_1116 : i32 to vector<16xi32>
      %add3A_1118 = arith.addi %add3A_1117, %iota3A : vector<16xi32>
      %get3A_1119 = arith.constant 0 : i64
      %get3A_1120 = arith.index_cast %get3A_1119 : i64 to index
      %get3A_1121 = arith.constant 16 : index
      %get3A_1122 = tpu.vector_load %arg8[%get3A_1120, %get3A_1121] {strides = array<i32>} : memref<4x128xi32, #tpu.memory_space<vmem>>, vector<16xi32>,
      %broadcast_in_dim3A_1123 = arith.constant 0 : i32
      %broadcast_in_dim3A_1124 = vector.broadcast %broadcast_in_dim3A_1123 : i32 to vector<16xi32>
      %gather3A_1125 = tpu.vector_load_idx %arg9[%broadcast_in_dim3A_1124, %add3A_1118, %get3A_1122] : memref<4x128x128xf32, #tpu.memory_space<vmem>>[vector<16xi32>, vector<16xi32>, vector<16xi32>], vector<16xf32>,
      %mul3A_1126 = arith.mulf %get3A_1115, %gather3A_1125 : vector<16xf32>
      %get3A_1127 = arith.constant 1 : i64
      %get3A_1128 = arith.index_cast %get3A_1127 : i64 to index
      %get3A_1129 = arith.constant 16 : index
      %get3A_1130 = tpu.vector_load %arg8[%get3A_1128, %get3A_1129] {strides = array<i32>} : memref<4x128xi32, #tpu.memory_space<vmem>>, vector<16xi32>,
      %broadcast_in_dim3A_1131 = arith.constant 1 : i32
      %broadcast_in_dim3A_1132 = vector.broadcast %broadcast_in_dim3A_1131 : i32 to vector<16xi32>
      %gather3A_1133 = tpu.vector_load_idx %arg9[%broadcast_in_dim3A_1132, %add3A_1118, %get3A_1130] : memref<4x128x128xf32, #tpu.memory_space<vmem>>[vector<16xi32>, vector<16xi32>, vector<16xi32>], vector<16xf32>,
      %mul3A_1134 = arith.mulf %mul3A_1126, %gather3A_1133 : vector<16xf32>
      %get3A_1135 = arith.constant 2 : i64
      %get3A_1136 = arith.index_cast %get3A_1135 : i64 to index
      %get3A_1137 = arith.constant 16 : index
      %get3A_1138 = tpu.vector_load %arg8[%get3A_1136, %get3A_1137] {strides = array<i32>} : memref<4x128xi32, #tpu.memory_space<vmem>>, vector<16xi32>,
      %broadcast_in_dim3A_1139 = arith.constant 2 : i32
      %broadcast_in_dim3A_1140 = vector.broadcast %broadcast_in_dim3A_1139 : i32 to vector<16xi32>
      %gather3A_1141 = tpu.vector_load_idx %arg9[%broadcast_in_dim3A_1140, %add3A_1118, %get3A_1138] : memref<4x128x128xf32, #tpu.memory_space<vmem>>[vector<16xi32>, vector<16xi32>, vector<16xi32>], vector<16xf32>,
      %mul3A_1142 = arith.mulf %mul3A_1134, %gather3A_1141 : vector<16xf32>
      %get3A_1143 = arith.constant 3 : i64
      %get3A_1144 = arith.index_cast %get3A_1143 : i64 to index
      %get3A_1145 = arith.constant 16 : index
      %get3A_1146 = tpu.vector_load %arg8[%get3A_1144, %get3A_1145] {strides = array<i32>} : memref<4x128xi32, #tpu.memory_space<vmem>>, vector<16xi32>,
      %broadcast_in_dim3A_1147 = arith.constant 3 : i32
      %broadcast_in_dim3A_1148 = vector.broadcast %broadcast_in_dim3A_1147 : i32 to vector<16xi32>
      %gather3A_1149 = tpu.vector_load_idx %arg9[%broadcast_in_dim3A_1148, %add3A_1118, %get3A_1146] : memref<4x128x128xf32, #tpu.memory_space<vmem>>[vector<16xi32>, vector<16xi32>, vector<16xi32>], vector<16xf32>,
      %mul3A_1150 = arith.mulf %mul3A_1142, %gather3A_1149 : vector<16xf32>
      %mul3A_1151 = arith.constant 128 : i32
      %mul3A_1152 = arith.muli %while3A_13, %mul3A_1151 : i32
      %add3A_1153 = arith.constant 16 : i32
      %add3A_1154 = arith.addi %mul3A_1152, %add3A_1153 : i32
      %swap3A_1155 = arith.index_cast %add3A_1154 : i32 to index
      %swap3A_1156 = tpu.vector_load %arg11[%swap3A_1155] {strides = array<i32>} : memref<4096xf32, #tpu.memory_space<vmem>>, vector<16xf32>,
      tpu.vector_store %arg11[%swap3A_1155], %mul3A_1150 {strides = array<i32>} : memref<4096xf32, #tpu.memory_space<vmem>>, vector<16xf32>,
      %get3A_1157 = arith.constant 32 : index
      %get3A_1158 = tpu.vector_load %arg10[%get3A_1157] {strides = array<i32>} : memref<128xf32, #tpu.memory_space<vmem>>, vector<16xf32>,
      %add3A_1159 = arith.constant 32 : i32
      %add3A_1160 = vector.broadcast %add3A_1159 : i32 to vector<16xi32>
      %add3A_1161 = arith.addi %add3A_1160, %iota3A : vector<16xi32>
      %get3A_1162 = arith.constant 0 : i64
      %get3A_1163 = arith.index_cast %get3A_1162 : i64 to index
      %get3A_1164 = arith.constant 32 : index
      %get3A_1165 = tpu.vector_load %arg8[%get3A_1163, %get3A_1164] {strides = array<i32>} : memref<4x128xi32, #tpu.memory_space<vmem>>, vector<16xi32>,
      %broadcast_in_dim3A_1166 = arith.constant 0 : i32
      %broadcast_in_dim3A_1167 = vector.broadcast %broadcast_in_dim3A_1166 : i32 to vector<16xi32>
      %gather3A_1168 = tpu.vector_load_idx %arg9[%broadcast_in_dim3A_1167, %add3A_1161, %get3A_1165] : memref<4x128x128xf32, #tpu.memory_space<vmem>>[vector<16xi32>, vector<16xi32>, vector<16xi32>], vector<16xf32>,
      %mul3A_1169 = arith.mulf %get3A_1158, %gather3A_1168 : vector<16xf32>
      %get3A_1170 = arith.constant 1 : i64
      %get3A_1171 = arith.index_cast %get3A_1170 : i64 to index
      %get3A_1172 = arith.constant 32 : index
      %get3A_1173 = tpu.vector_load %arg8[%get3A_1171, %get3A_1172] {strides = array<i32>} : memref<4x128xi32, #tpu.memory_space<vmem>>, vector<16xi32>,
      %broadcast_in_dim3A_1174 = arith.constant 1 : i32
      %broadcast_in_dim3A_1175 = vector.broadcast %broadcast_in_dim3A_1174 : i32 to vector<16xi32>
      %gather3A_1176 = tpu.vector_load_idx %arg9[%broadcast_in_dim3A_1175, %add3A_1161, %get3A_1173] : memref<4x128x128xf32, #tpu.memory_space<vmem>>[vector<16xi32>, vector<16xi32>, vector<16xi32>], vector<16xf32>,
      %mul3A_1177 = arith.mulf %mul3A_1169, %gather3A_1176 : vector<16xf32>
      %get3A_1178 = arith.constant 2 : i64
      %get3A_1179 = arith.index_cast %get3A_1178 : i64 to index
      %get3A_1180 = arith.constant 32 : index
      %get3A_1181 = tpu.vector_load %arg8[%get3A_1179, %get3A_1180] {strides = array<i32>} : memref<4x128xi32, #tpu.memory_space<vmem>>, vector<16xi32>,
      %broadcast_in_dim3A_1182 = arith.constant 2 : i32
      %broadcast_in_dim3A_1183 = vector.broadcast %broadcast_in_dim3A_1182 : i32 to vector<16xi32>
      %gather3A_1184 = tpu.vector_load_idx %arg9[%broadcast_in_dim3A_1183, %add3A_1161, %get3A_1181] : memref<4x128x128xf32, #tpu.memory_space<vmem>>[vector<16xi32>, vector<16xi32>, vector<16xi32>], vector<16xf32>,
      %mul3A_1185 = arith.mulf %mul3A_1177, %gather3A_1184 : vector<16xf32>
      %get3A_1186 = arith.constant 3 : i64
      %get3A_1187 = arith.index_cast %get3A_1186 : i64 to index
      %get3A_1188 = arith.constant 32 : index
      %get3A_1189 = tpu.vector_load %arg8[%get3A_1187, %get3A_1188] {strides = array<i32>} : memref<4x128xi32, #tpu.memory_space<vmem>>, vector<16xi32>,
      %broadcast_in_dim3A_1190 = arith.constant 3 : i32
      %broadcast_in_dim3A_1191 = vector.broadcast %broadcast_in_dim3A_1190 : i32 to vector<16xi32>
      %gather3A_1192 = tpu.vector_load_idx %arg9[%broadcast_in_dim3A_1191, %add3A_1161, %get3A_1189] : memref<4x128x128xf32, #tpu.memory_space<vmem>>[vector<16xi32>, vector<16xi32>, vector<16xi32>], vector<16xf32>,
      %mul3A_1193 = arith.mulf %mul3A_1185, %gather3A_1192 : vector<16xf32>
      %mul3A_1194 = arith.constant 128 : i32
      %mul3A_1195 = arith.muli %while3A_13, %mul3A_1194 : i32
      %add3A_1196 = arith.constant 32 : i32
      %add3A_1197 = arith.addi %mul3A_1195, %add3A_1196 : i32
      %swap3A_1198 = arith.index_cast %add3A_1197 : i32 to index
      %swap3A_1199 = tpu.vector_load %arg11[%swap3A_1198] {strides = array<i32>} : memref<4096xf32, #tpu.memory_space<vmem>>, vector<16xf32>,
      tpu.vector_store %arg11[%swap3A_1198], %mul3A_1193 {strides = array<i32>} : memref<4096xf32, #tpu.memory_space<vmem>>, vector<16xf32>,
      %get3A_1200 = arith.constant 48 : index
      %get3A_1201 = tpu.vector_load %arg10[%get3A_1200] {strides = array<i32>} : memref<128xf32, #tpu.memory_space<vmem>>, vector<16xf32>,
      %add3A_1202 = arith.constant 48 : i32
      %add3A_1203 = vector.broadcast %add3A_1202 : i32 to vector<16xi32>
      %add3A_1204 = arith.addi %add3A_1203, %iota3A : vector<16xi32>
      %get3A_1205 = arith.constant 0 : i64
      %get3A_1206 = arith.index_cast %get3A_1205 : i64 to index
      %get3A_1207 = arith.constant 48 : index
      %get3A_1208 = tpu.vector_load %arg8[%get3A_1206, %get3A_1207] {strides = array<i32>} : memref<4x128xi32, #tpu.memory_space<vmem>>, vector<16xi32>,
      %broadcast_in_dim3A_1209 = arith.constant 0 : i32
      %broadcast_in_dim3A_1210 = vector.broadcast %broadcast_in_dim3A_1209 : i32 to vector<16xi32>
      %gather3A_1211 = tpu.vector_load_idx %arg9[%broadcast_in_dim3A_1210, %add3A_1204, %get3A_1208] : memref<4x128x128xf32, #tpu.memory_space<vmem>>[vector<16xi32>, vector<16xi32>, vector<16xi32>], vector<16xf32>,
      %mul3A_1212 = arith.mulf %get3A_1201, %gather3A_1211 : vector<16xf32>
      %get3A_1213 = arith.constant 1 : i64
      %get3A_1214 = arith.index_cast %get3A_1213 : i64 to index
      %get3A_1215 = arith.constant 48 : index
      %get3A_1216 = tpu.vector_load %arg8[%get3A_1214, %get3A_1215] {strides = array<i32>} : memref<4x128xi32, #tpu.memory_space<vmem>>, vector<16xi32>,
      %broadcast_in_dim3A_1217 = arith.constant 1 : i32
      %broadcast_in_dim3A_1218 = vector.broadcast %broadcast_in_dim3A_1217 : i32 to vector<16xi32>
      %gather3A_1219 = tpu.vector_load_idx %arg9[%broadcast_in_dim3A_1218, %add3A_1204, %get3A_1216] : memref<4x128x128xf32, #tpu.memory_space<vmem>>[vector<16xi32>, vector<16xi32>, vector<16xi32>], vector<16xf32>,
      %mul3A_1220 = arith.mulf %mul3A_1212, %gather3A_1219 : vector<16xf32>
      %get3A_1221 = arith.constant 2 : i64
      %get3A_1222 = arith.index_cast %get3A_1221 : i64 to index
      %get3A_1223 = arith.constant 48 : index
      %get3A_1224 = tpu.vector_load %arg8[%get3A_1222, %get3A_1223] {strides = array<i32>} : memref<4x128xi32, #tpu.memory_space<vmem>>, vector<16xi32>,
      %broadcast_in_dim3A_1225 = arith.constant 2 : i32
      %broadcast_in_dim3A_1226 = vector.broadcast %broadcast_in_dim3A_1225 : i32 to vector<16xi32>
      %gather3A_1227 = tpu.vector_load_idx %arg9[%broadcast_in_dim3A_1226, %add3A_1204, %get3A_1224] : memref<4x128x128xf32, #tpu.memory_space<vmem>>[vector<16xi32>, vector<16xi32>, vector<16xi32>], vector<16xf32>,
      %mul3A_1228 = arith.mulf %mul3A_1220, %gather3A_1227 : vector<16xf32>
      %get3A_1229 = arith.constant 3 : i64
      %get3A_1230 = arith.index_cast %get3A_1229 : i64 to index
      %get3A_1231 = arith.constant 48 : index
      %get3A_1232 = tpu.vector_load %arg8[%get3A_1230, %get3A_1231] {strides = array<i32>} : memref<4x128xi32, #tpu.memory_space<vmem>>, vector<16xi32>,
      %broadcast_in_dim3A_1233 = arith.constant 3 : i32
      %broadcast_in_dim3A_1234 = vector.broadcast %broadcast_in_dim3A_1233 : i32 to vector<16xi32>
      %gather3A_1235 = tpu.vector_load_idx %arg9[%broadcast_in_dim3A_1234, %add3A_1204, %get3A_1232] : memref<4x128x128xf32, #tpu.memory_space<vmem>>[vector<16xi32>, vector<16xi32>, vector<16xi32>], vector<16xf32>,
      %mul3A_1236 = arith.mulf %mul3A_1228, %gather3A_1235 : vector<16xf32>
      %mul3A_1237 = arith.constant 128 : i32
      %mul3A_1238 = arith.muli %while3A_13, %mul3A_1237 : i32
      %add3A_1239 = arith.constant 48 : i32
      %add3A_1240 = arith.addi %mul3A_1238, %add3A_1239 : i32
      %swap3A_1241 = arith.index_cast %add3A_1240 : i32 to index
      %swap3A_1242 = tpu.vector_load %arg11[%swap3A_1241] {strides = array<i32>} : memref<4096xf32, #tpu.memory_space<vmem>>, vector<16xf32>,
      tpu.vector_store %arg11[%swap3A_1241], %mul3A_1236 {strides = array<i32>} : memref<4096xf32, #tpu.memory_space<vmem>>, vector<16xf32>,
      %get3A_1243 = arith.constant 64 : index
      %get3A_1244 = tpu.vector_load %arg10[%get3A_1243] {strides = array<i32>} : memref<128xf32, #tpu.memory_space<vmem>>, vector<16xf32>,
      %add3A_1245 = arith.constant 64 : i32
      %add3A_1246 = vector.broadcast %add3A_1245 : i32 to vector<16xi32>
      %add3A_1247 = arith.addi %add3A_1246, %iota3A : vector<16xi32>
      %get3A_1248 = arith.constant 0 : i64
      %get3A_1249 = arith.index_cast %get3A_1248 : i64 to index
      %get3A_1250 = arith.constant 64 : index
      %get3A_1251 = tpu.vector_load %arg8[%get3A_1249, %get3A_1250] {strides = array<i32>} : memref<4x128xi32, #tpu.memory_space<vmem>>, vector<16xi32>,
      %broadcast_in_dim3A_1252 = arith.constant 0 : i32
      %broadcast_in_dim3A_1253 = vector.broadcast %broadcast_in_dim3A_1252 : i32 to vector<16xi32>
      %gather3A_1254 = tpu.vector_load_idx %arg9[%broadcast_in_dim3A_1253, %add3A_1247, %get3A_1251] : memref<4x128x128xf32, #tpu.memory_space<vmem>>[vector<16xi32>, vector<16xi32>, vector<16xi32>], vector<16xf32>,
      %mul3A_1255 = arith.mulf %get3A_1244, %gather3A_1254 : vector<16xf32>
      %get3A_1256 = arith.constant 1 : i64
      %get3A_1257 = arith.index_cast %get3A_1256 : i64 to index
      %get3A_1258 = arith.constant 64 : index
      %get3A_1259 = tpu.vector_load %arg8[%get3A_1257, %get3A_1258] {strides = array<i32>} : memref<4x128xi32, #tpu.memory_space<vmem>>, vector<16xi32>,
      %broadcast_in_dim3A_1260 = arith.constant 1 : i32
      %broadcast_in_dim3A_1261 = vector.broadcast %broadcast_in_dim3A_1260 : i32 to vector<16xi32>
      %gather3A_1262 = tpu.vector_load_idx %arg9[%broadcast_in_dim3A_1261, %add3A_1247, %get3A_1259] : memref<4x128x128xf32, #tpu.memory_space<vmem>>[vector<16xi32>, vector<16xi32>, vector<16xi32>], vector<16xf32>,
      %mul3A_1263 = arith.mulf %mul3A_1255, %gather3A_1262 : vector<16xf32>
      %get3A_1264 = arith.constant 2 : i64
      %get3A_1265 = arith.index_cast %get3A_1264 : i64 to index
      %get3A_1266 = arith.constant 64 : index
      %get3A_1267 = tpu.vector_load %arg8[%get3A_1265, %get3A_1266] {strides = array<i32>} : memref<4x128xi32, #tpu.memory_space<vmem>>, vector<16xi32>,
      %broadcast_in_dim3A_1268 = arith.constant 2 : i32
      %broadcast_in_dim3A_1269 = vector.broadcast %broadcast_in_dim3A_1268 : i32 to vector<16xi32>
      %gather3A_1270 = tpu.vector_load_idx %arg9[%broadcast_in_dim3A_1269, %add3A_1247, %get3A_1267] : memref<4x128x128xf32, #tpu.memory_space<vmem>>[vector<16xi32>, vector<16xi32>, vector<16xi32>], vector<16xf32>,
      %mul3A_1271 = arith.mulf %mul3A_1263, %gather3A_1270 : vector<16xf32>
      %get3A_1272 = arith.constant 3 : i64
      %get3A_1273 = arith.index_cast %get3A_1272 : i64 to index
      %get3A_1274 = arith.constant 64 : index
      %get3A_1275 = tpu.vector_load %arg8[%get3A_1273, %get3A_1274] {strides = array<i32>} : memref<4x128xi32, #tpu.memory_space<vmem>>, vector<16xi32>,
      %broadcast_in_dim3A_1276 = arith.constant 3 : i32
      %broadcast_in_dim3A_1277 = vector.broadcast %broadcast_in_dim3A_1276 : i32 to vector<16xi32>
      %gather3A_1278 = tpu.vector_load_idx %arg9[%broadcast_in_dim3A_1277, %add3A_1247, %get3A_1275] : memref<4x128x128xf32, #tpu.memory_space<vmem>>[vector<16xi32>, vector<16xi32>, vector<16xi32>], vector<16xf32>,
      %mul3A_1279 = arith.mulf %mul3A_1271, %gather3A_1278 : vector<16xf32>
      %mul3A_1280 = arith.constant 128 : i32
      %mul3A_1281 = arith.muli %while3A_13, %mul3A_1280 : i32
      %add3A_1282 = arith.constant 64 : i32
      %add3A_1283 = arith.addi %mul3A_1281, %add3A_1282 : i32
      %swap3A_1284 = arith.index_cast %add3A_1283 : i32 to index
      %swap3A_1285 = tpu.vector_load %arg11[%swap3A_1284] {strides = array<i32>} : memref<4096xf32, #tpu.memory_space<vmem>>, vector<16xf32>,
      tpu.vector_store %arg11[%swap3A_1284], %mul3A_1279 {strides = array<i32>} : memref<4096xf32, #tpu.memory_space<vmem>>, vector<16xf32>,
      %get3A_1286 = arith.constant 80 : index
      %get3A_1287 = tpu.vector_load %arg10[%get3A_1286] {strides = array<i32>} : memref<128xf32, #tpu.memory_space<vmem>>, vector<16xf32>,
      %add3A_1288 = arith.constant 80 : i32
      %add3A_1289 = vector.broadcast %add3A_1288 : i32 to vector<16xi32>
      %add3A_1290 = arith.addi %add3A_1289, %iota3A : vector<16xi32>
      %get3A_1291 = arith.constant 0 : i64
      %get3A_1292 = arith.index_cast %get3A_1291 : i64 to index
      %get3A_1293 = arith.constant 80 : index
      %get3A_1294 = tpu.vector_load %arg8[%get3A_1292, %get3A_1293] {strides = array<i32>} : memref<4x128xi32, #tpu.memory_space<vmem>>, vector<16xi32>,
      %broadcast_in_dim3A_1295 = arith.constant 0 : i32
      %broadcast_in_dim3A_1296 = vector.broadcast %broadcast_in_dim3A_1295 : i32 to vector<16xi32>
      %gather3A_1297 = tpu.vector_load_idx %arg9[%broadcast_in_dim3A_1296, %add3A_1290, %get3A_1294] : memref<4x128x128xf32, #tpu.memory_space<vmem>>[vector<16xi32>, vector<16xi32>, vector<16xi32>], vector<16xf32>,
      %mul3A_1298 = arith.mulf %get3A_1287, %gather3A_1297 : vector<16xf32>
      %get3A_1299 = arith.constant 1 : i64
      %get3A_1300 = arith.index_cast %get3A_1299 : i64 to index
      %get3A_1301 = arith.constant 80 : index
      %get3A_1302 = tpu.vector_load %arg8[%get3A_1300, %get3A_1301] {strides = array<i32>} : memref<4x128xi32, #tpu.memory_space<vmem>>, vector<16xi32>,
      %broadcast_in_dim3A_1303 = arith.constant 1 : i32
      %broadcast_in_dim3A_1304 = vector.broadcast %broadcast_in_dim3A_1303 : i32 to vector<16xi32>
      %gather3A_1305 = tpu.vector_load_idx %arg9[%broadcast_in_dim3A_1304, %add3A_1290, %get3A_1302] : memref<4x128x128xf32, #tpu.memory_space<vmem>>[vector<16xi32>, vector<16xi32>, vector<16xi32>], vector<16xf32>,
      %mul3A_1306 = arith.mulf %mul3A_1298, %gather3A_1305 : vector<16xf32>
      %get3A_1307 = arith.constant 2 : i64
      %get3A_1308 = arith.index_cast %get3A_1307 : i64 to index
      %get3A_1309 = arith.constant 80 : index
      %get3A_1310 = tpu.vector_load %arg8[%get3A_1308, %get3A_1309] {strides = array<i32>} : memref<4x128xi32, #tpu.memory_space<vmem>>, vector<16xi32>,
      %broadcast_in_dim3A_1311 = arith.constant 2 : i32
      %broadcast_in_dim3A_1312 = vector.broadcast %broadcast_in_dim3A_1311 : i32 to vector<16xi32>
      %gather3A_1313 = tpu.vector_load_idx %arg9[%broadcast_in_dim3A_1312, %add3A_1290, %get3A_1310] : memref<4x128x128xf32, #tpu.memory_space<vmem>>[vector<16xi32>, vector<16xi32>, vector<16xi32>], vector<16xf32>,
      %mul3A_1314 = arith.mulf %mul3A_1306, %gather3A_1313 : vector<16xf32>
      %get3A_1315 = arith.constant 3 : i64
      %get3A_1316 = arith.index_cast %get3A_1315 : i64 to index
      %get3A_1317 = arith.constant 80 : index
      %get3A_1318 = tpu.vector_load %arg8[%get3A_1316, %get3A_1317] {strides = array<i32>} : memref<4x128xi32, #tpu.memory_space<vmem>>, vector<16xi32>,
      %broadcast_in_dim3A_1319 = arith.constant 3 : i32
      %broadcast_in_dim3A_1320 = vector.broadcast %broadcast_in_dim3A_1319 : i32 to vector<16xi32>
      %gather3A_1321 = tpu.vector_load_idx %arg9[%broadcast_in_dim3A_1320, %add3A_1290, %get3A_1318] : memref<4x128x128xf32, #tpu.memory_space<vmem>>[vector<16xi32>, vector<16xi32>, vector<16xi32>], vector<16xf32>,
      %mul3A_1322 = arith.mulf %mul3A_1314, %gather3A_1321 : vector<16xf32>
      %mul3A_1323 = arith.constant 128 : i32
      %mul3A_1324 = arith.muli %while3A_13, %mul3A_1323 : i32
      %add3A_1325 = arith.constant 80 : i32
      %add3A_1326 = arith.addi %mul3A_1324, %add3A_1325 : i32
      %swap3A_1327 = arith.index_cast %add3A_1326 : i32 to index
      %swap3A_1328 = tpu.vector_load %arg11[%swap3A_1327] {strides = array<i32>} : memref<4096xf32, #tpu.memory_space<vmem>>, vector<16xf32>,
      tpu.vector_store %arg11[%swap3A_1327], %mul3A_1322 {strides = array<i32>} : memref<4096xf32, #tpu.memory_space<vmem>>, vector<16xf32>,
      %get3A_1329 = arith.constant 96 : index
      %get3A_1330 = tpu.vector_load %arg10[%get3A_1329] {strides = array<i32>} : memref<128xf32, #tpu.memory_space<vmem>>, vector<16xf32>,
      %add3A_1331 = arith.constant 96 : i32
      %add3A_1332 = vector.broadcast %add3A_1331 : i32 to vector<16xi32>
      %add3A_1333 = arith.addi %add3A_1332, %iota3A : vector<16xi32>
      %get3A_1334 = arith.constant 0 : i64
      %get3A_1335 = arith.index_cast %get3A_1334 : i64 to index
      %get3A_1336 = arith.constant 96 : index
      %get3A_1337 = tpu.vector_load %arg8[%get3A_1335, %get3A_1336] {strides = array<i32>} : memref<4x128xi32, #tpu.memory_space<vmem>>, vector<16xi32>,
      %broadcast_in_dim3A_1338 = arith.constant 0 : i32
      %broadcast_in_dim3A_1339 = vector.broadcast %broadcast_in_dim3A_1338 : i32 to vector<16xi32>
      %gather3A_1340 = tpu.vector_load_idx %arg9[%broadcast_in_dim3A_1339, %add3A_1333, %get3A_1337] : memref<4x128x128xf32, #tpu.memory_space<vmem>>[vector<16xi32>, vector<16xi32>, vector<16xi32>], vector<16xf32>,
      %mul3A_1341 = arith.mulf %get3A_1330, %gather3A_1340 : vector<16xf32>
      %get3A_1342 = arith.constant 1 : i64
      %get3A_1343 = arith.index_cast %get3A_1342 : i64 to index
      %get3A_1344 = arith.constant 96 : index
      %get3A_1345 = tpu.vector_load %arg8[%get3A_1343, %get3A_1344] {strides = array<i32>} : memref<4x128xi32, #tpu.memory_space<vmem>>, vector<16xi32>,
      %broadcast_in_dim3A_1346 = arith.constant 1 : i32
      %broadcast_in_dim3A_1347 = vector.broadcast %broadcast_in_dim3A_1346 : i32 to vector<16xi32>
      %gather3A_1348 = tpu.vector_load_idx %arg9[%broadcast_in_dim3A_1347, %add3A_1333, %get3A_1345] : memref<4x128x128xf32, #tpu.memory_space<vmem>>[vector<16xi32>, vector<16xi32>, vector<16xi32>], vector<16xf32>,
      %mul3A_1349 = arith.mulf %mul3A_1341, %gather3A_1348 : vector<16xf32>
      %get3A_1350 = arith.constant 2 : i64
      %get3A_1351 = arith.index_cast %get3A_1350 : i64 to index
      %get3A_1352 = arith.constant 96 : index
      %get3A_1353 = tpu.vector_load %arg8[%get3A_1351, %get3A_1352] {strides = array<i32>} : memref<4x128xi32, #tpu.memory_space<vmem>>, vector<16xi32>,
      %broadcast_in_dim3A_1354 = arith.constant 2 : i32
      %broadcast_in_dim3A_1355 = vector.broadcast %broadcast_in_dim3A_1354 : i32 to vector<16xi32>
      %gather3A_1356 = tpu.vector_load_idx %arg9[%broadcast_in_dim3A_1355, %add3A_1333, %get3A_1353] : memref<4x128x128xf32, #tpu.memory_space<vmem>>[vector<16xi32>, vector<16xi32>, vector<16xi32>], vector<16xf32>,
      %mul3A_1357 = arith.mulf %mul3A_1349, %gather3A_1356 : vector<16xf32>
      %get3A_1358 = arith.constant 3 : i64
      %get3A_1359 = arith.index_cast %get3A_1358 : i64 to index
      %get3A_1360 = arith.constant 96 : index
      %get3A_1361 = tpu.vector_load %arg8[%get3A_1359, %get3A_1360] {strides = array<i32>} : memref<4x128xi32, #tpu.memory_space<vmem>>, vector<16xi32>,
      %broadcast_in_dim3A_1362 = arith.constant 3 : i32
      %broadcast_in_dim3A_1363 = vector.broadcast %broadcast_in_dim3A_1362 : i32 to vector<16xi32>
      %gather3A_1364 = tpu.vector_load_idx %arg9[%broadcast_in_dim3A_1363, %add3A_1333, %get3A_1361] : memref<4x128x128xf32, #tpu.memory_space<vmem>>[vector<16xi32>, vector<16xi32>, vector<16xi32>], vector<16xf32>,
      %mul3A_1365 = arith.mulf %mul3A_1357, %gather3A_1364 : vector<16xf32>
      %mul3A_1366 = arith.constant 128 : i32
      %mul3A_1367 = arith.muli %while3A_13, %mul3A_1366 : i32
      %add3A_1368 = arith.constant 96 : i32
      %add3A_1369 = arith.addi %mul3A_1367, %add3A_1368 : i32
      %swap3A_1370 = arith.index_cast %add3A_1369 : i32 to index
      %swap3A_1371 = tpu.vector_load %arg11[%swap3A_1370] {strides = array<i32>} : memref<4096xf32, #tpu.memory_space<vmem>>, vector<16xf32>,
      tpu.vector_store %arg11[%swap3A_1370], %mul3A_1365 {strides = array<i32>} : memref<4096xf32, #tpu.memory_space<vmem>>, vector<16xf32>,
      %get3A_1372 = arith.constant 112 : index
      %get3A_1373 = tpu.vector_load %arg10[%get3A_1372] {strides = array<i32>} : memref<128xf32, #tpu.memory_space<vmem>>, vector<16xf32>,
      %add3A_1374 = arith.constant 112 : i32
      %add3A_1375 = vector.broadcast %add3A_1374 : i32 to vector<16xi32>
      %add3A_1376 = arith.addi %add3A_1375, %iota3A : vector<16xi32>
      %get3A_1377 = arith.constant 0 : i64
      %get3A_1378 = arith.index_cast %get3A_1377 : i64 to index
      %get3A_1379 = arith.constant 112 : index
      %get3A_1380 = tpu.vector_load %arg8[%get3A_1378, %get3A_1379] {strides = array<i32>} : memref<4x128xi32, #tpu.memory_space<vmem>>, vector<16xi32>,
      %broadcast_in_dim3A_1381 = arith.constant 0 : i32
      %broadcast_in_dim3A_1382 = vector.broadcast %broadcast_in_dim3A_1381 : i32 to vector<16xi32>
      %gather3A_1383 = tpu.vector_load_idx %arg9[%broadcast_in_dim3A_1382, %add3A_1376, %get3A_1380] : memref<4x128x128xf32, #tpu.memory_space<vmem>>[vector<16xi32>, vector<16xi32>, vector<16xi32>], vector<16xf32>,
      %mul3A_1384 = arith.mulf %get3A_1373, %gather3A_1383 : vector<16xf32>
      %get3A_1385 = arith.constant 1 : i64
      %get3A_1386 = arith.index_cast %get3A_1385 : i64 to index
      %get3A_1387 = arith.constant 112 : index
      %get3A_1388 = tpu.vector_load %arg8[%get3A_1386, %get3A_1387] {strides = array<i32>} : memref<4x128xi32, #tpu.memory_space<vmem>>, vector<16xi32>,
      %broadcast_in_dim3A_1389 = arith.constant 1 : i32
      %broadcast_in_dim3A_1390 = vector.broadcast %broadcast_in_dim3A_1389 : i32 to vector<16xi32>
      %gather3A_1391 = tpu.vector_load_idx %arg9[%broadcast_in_dim3A_1390, %add3A_1376, %get3A_1388] : memref<4x128x128xf32, #tpu.memory_space<vmem>>[vector<16xi32>, vector<16xi32>, vector<16xi32>], vector<16xf32>,
      %mul3A_1392 = arith.mulf %mul3A_1384, %gather3A_1391 : vector<16xf32>
      %get3A_1393 = arith.constant 2 : i64
      %get3A_1394 = arith.index_cast %get3A_1393 : i64 to index
      %get3A_1395 = arith.constant 112 : index
      %get3A_1396 = tpu.vector_load %arg8[%get3A_1394, %get3A_1395] {strides = array<i32>} : memref<4x128xi32, #tpu.memory_space<vmem>>, vector<16xi32>,
      %broadcast_in_dim3A_1397 = arith.constant 2 : i32
      %broadcast_in_dim3A_1398 = vector.broadcast %broadcast_in_dim3A_1397 : i32 to vector<16xi32>
      %gather3A_1399 = tpu.vector_load_idx %arg9[%broadcast_in_dim3A_1398, %add3A_1376, %get3A_1396] : memref<4x128x128xf32, #tpu.memory_space<vmem>>[vector<16xi32>, vector<16xi32>, vector<16xi32>], vector<16xf32>,
      %mul3A_1400 = arith.mulf %mul3A_1392, %gather3A_1399 : vector<16xf32>
      %get3A_1401 = arith.constant 3 : i64
      %get3A_1402 = arith.index_cast %get3A_1401 : i64 to index
      %get3A_1403 = arith.constant 112 : index
      %get3A_1404 = tpu.vector_load %arg8[%get3A_1402, %get3A_1403] {strides = array<i32>} : memref<4x128xi32, #tpu.memory_space<vmem>>, vector<16xi32>,
      %broadcast_in_dim3A_1405 = arith.constant 3 : i32
      %broadcast_in_dim3A_1406 = vector.broadcast %broadcast_in_dim3A_1405 : i32 to vector<16xi32>
      %gather3A_1407 = tpu.vector_load_idx %arg9[%broadcast_in_dim3A_1406, %add3A_1376, %get3A_1404] : memref<4x128x128xf32, #tpu.memory_space<vmem>>[vector<16xi32>, vector<16xi32>, vector<16xi32>], vector<16xf32>,
      %mul3A_1408 = arith.mulf %mul3A_1400, %gather3A_1407 : vector<16xf32>
      %mul3A_1409 = arith.constant 128 : i32
      %mul3A_1410 = arith.muli %while3A_13, %mul3A_1409 : i32
      %add3A_1411 = arith.constant 112 : i32
      %add3A_1412 = arith.addi %mul3A_1410, %add3A_1411 : i32
      %swap3A_1413 = arith.index_cast %add3A_1412 : i32 to index
      %swap3A_1414 = tpu.vector_load %arg11[%swap3A_1413] {strides = array<i32>} : memref<4096xf32, #tpu.memory_space<vmem>>, vector<16xf32>,
      tpu.vector_store %arg11[%swap3A_1413], %mul3A_1408 {strides = array<i32>} : memref<4096xf32, #tpu.memory_space<vmem>>, vector<16xf32>,
    }
    %mul3A_11 = arith.constant 4096 : i32
    %mul3A_12 = arith.muli %add3A, %mul3A_11 : i32
    "tpu.region"() ({
      %run_scoped3A = tpu.sem_alloc : memref<!tpu.dma_semaphore, #tpu.memory_space<semaphore_mem>>
      %dma_start3A = tpu.memref_slice %arg5[%mul3A_12] : memref<131072xf32, #tpu.memory_space<hbm>> -> memref<4096xf32, #tpu.memory_space<hbm>>
      %dma_start3A_13 = tpu.memref_slice %arg5[%mul3A_12] : memref<131072xf32, #tpu.memory_space<hbm>> -> memref<4096xf32, #tpu.memory_space<hbm>>
      tpu.enqueue_dma source(%arg11 : memref<4096xf32, #tpu.memory_space<vmem>>) target(%dma_start3A_13 : memref<4096xf32, #tpu.memory_space<hbm>>) target_semaphore(%run_scoped3A : memref<!tpu.dma_semaphore, #tpu.memory_space<semaphore_mem>>)
      %dma_wait3A = tpu.memref_slice %arg5[%mul3A_12] : memref<131072xf32, #tpu.memory_space<hbm>> -> memref<4096xf32, #tpu.memory_space<hbm>>
      %dma_wait3A_14 = tpu.memref_slice %arg5[%mul3A_12] : memref<131072xf32, #tpu.memory_space<hbm>> -> memref<4096xf32, #tpu.memory_space<hbm>>
      tpu.wait_dma2 semaphore(%run_scoped3A : memref<!tpu.dma_semaphore, #tpu.memory_space<semaphore_mem>>) src(%arg11 : memref<4096xf32, #tpu.memory_space<vmem>>) dst(%dma_wait3A_14 : memref<4096xf32, #tpu.memory_space<hbm>>)
      tpu.yield
    }) : () -> ()
    return
  }
}

module attributes {stable_mosaic.version = 14 : i64} {
  func.func @_table_body(%arg0: i32, %arg1: memref<128x32xf32, #tpu.memory_space<vmem>>, %arg2: memref<16x32xf32, #tpu.memory_space<vmem>>, %arg3: memref<128x32xf32, #tpu.memory_space<vmem>>, %arg4: memref<2048x128xi32, #tpu.memory_space<vmem>>, %arg5: memref<2048x128xf32, #tpu.memory_space<vmem>>) attributes {dimension_semantics = [#tpu.dimension_semantics<arbitrary>], iteration_bounds = array<i64: 8>, scalar_prefetch = 0 : i64, scratch_operands = 0 : i64, tpu.core_type = #tpu.core_type<tc>, window_params = [{pipeline_mode = #tpu.pipeline_mode<synchronous>, transform_indices = @transform_0, window_bounds = array<i64: 128, 32>}, {transform_indices = @transform_1, window_bounds = array<i64: 16, 32>}, {pipeline_mode = #tpu.pipeline_mode<synchronous>, transform_indices = @transform_2, window_bounds = array<i64: 128, 32>}, {transform_indices = @transform_3, window_bounds = array<i64: 2048, 128>}, {transform_indices = @transform_4, window_bounds = array<i64: 2048, 128>}]} {
    %get3A = arith.constant 0 : index
    %get3A_0 = arith.constant 0 : index
    %get3A_1 = vector.load %arg2[%get3A, %get3A_0] : memref<16x32xf32, #tpu.memory_space<vmem>>, vector<16x32xf32>
    %get3A_2 = arith.constant 0 : index
    %get3A_3 = arith.constant 0 : index
    %get3A_4 = vector.load %arg1[%get3A_2, %get3A_3] : memref<128x32xf32, #tpu.memory_space<vmem>>, vector<128x32xf32>
    %broadcast_in_dim3A = vector.shape_cast %get3A_1 : vector<16x32xf32> to vector<16x1x32xf32>
    %broadcast_in_dim3A_5 = vector.shape_cast %get3A_4 : vector<128x32xf32> to vector<1x128x32xf32>
    %mul3A = vector.broadcast %broadcast_in_dim3A : vector<16x1x32xf32> to vector<16x128x32xf32>
    %mul3A_6 = vector.broadcast %broadcast_in_dim3A_5 : vector<1x128x32xf32> to vector<16x128x32xf32>
    %mul3A_7 = arith.mulf %mul3A, %mul3A_6 : vector<16x128x32xf32>
    %reshape3A = vector.shape_cast %mul3A_7 : vector<16x128x32xf32> to vector<2048x32xf32>
    %get3A_8 = arith.constant 0 : index
    %get3A_9 = arith.constant 0 : index
    %get3A_10 = vector.load %arg3[%get3A_8, %get3A_9] : memref<128x32xf32, #tpu.memory_space<vmem>>, vector<128x32xf32>
    %dot_general3A = arith.constant dense<0.000000e+00> : vector<2048x128xf32>
    %dot_general3A_11 = tpu.matmul %reshape3A, %get3A_10, %dot_general3A {dimension_numbers = #tpu.dot_dimension_numbers<[1], [1], [0], [0], [0, 0, 1, 0], [], []>, precision = #tpu.contract_precision<fp32>, transpose_lhs_hint = false} : vector<2048x32xf32>, vector<128x32xf32>, vector<2048x128xf32> -> vector<2048x128xf32>
    %logistic3A = arith.negf %dot_general3A_11 : vector<2048x128xf32>
    %logistic3A_12 = math.exp %logistic3A : vector<2048x128xf32>
    %logistic3A_13 = arith.constant 1.000000e+00 : f32
    %logistic3A_14 = vector.broadcast %logistic3A_13 : f32 to vector<2048x128xf32>
    %logistic3A_15 = arith.addf %logistic3A_14, %logistic3A_12 : vector<2048x128xf32>
    %logistic3A_16 = arith.divf %logistic3A_14, %logistic3A_15 : vector<2048x128xf32>
    %iota3A = tpu.iota {dimensions = array<i32: 1>} : vector<2048x128xi32>
    %get3A_17 = arith.constant 0 : index
    %get3A_18 = arith.constant 0 : index
    %get3A_19 = vector.load %arg4[%get3A_17, %get3A_18] : memref<2048x128xi32, #tpu.memory_space<vmem>>, vector<2048x128xi32>
    %ne3A = arith.constant 0 : i32
    %ne3A_20 = vector.broadcast %ne3A : i32 to vector<2048x128xi32>
    %ne3A_21 = arith.cmpi ne, %get3A_19, %ne3A_20 : vector<2048x128xi32>
    %eq3A = arith.constant 0 : i32
    %eq3A_22 = vector.broadcast %eq3A : i32 to vector<2048x128xi32>
    %eq3A_23 = arith.cmpi eq, %iota3A, %eq3A_22 : vector<2048x128xi32>
    %or3A = arith.ori %ne3A_21, %eq3A_23 : vector<2048x128xi1>
    %jit3A = arith.constant 1.000000e+00 : f32
    %broadcast_in_dim3A_24 = vector.broadcast %jit3A : f32 to vector<2048x128xf32>
    %select_n3A = arith.select %or3A, %broadcast_in_dim3A_24, %logistic3A_16 : vector<2048x128xi1>, vector<2048x128xf32>
    %swap3A = arith.constant 0 : index
    %swap3A_25 = arith.constant 0 : index
    %swap3A_26 = vector.load %arg5[%swap3A, %swap3A_25] : memref<2048x128xf32, #tpu.memory_space<vmem>>, vector<2048x128xf32>
    tpu.vector_store %arg5[%swap3A, %swap3A_25], %select_n3A {strides = array<i32>} : memref<2048x128xf32, #tpu.memory_space<vmem>>, vector<2048x128xf32>,
    return
  }
  func.func @transform_0(%arg0: i32) -> (i32, i32) {
    %c0_i32 = arith.constant 0 : i32
    %c0_i32_0 = arith.constant 0 : i32
    %c0_i32_1 = arith.constant 0 : i32
    return %c0_i32, %c0_i32_0 : i32, i32
  }
  func.func @transform_1(%arg0: i32) -> (i32, i32) {
    %c0_i32 = arith.constant 0 : i32
    %c0_i32_0 = arith.constant 0 : i32
    return %arg0, %c0_i32 : i32, i32
  }
  func.func @transform_2(%arg0: i32) -> (i32, i32) {
    %c0_i32 = arith.constant 0 : i32
    %c0_i32_0 = arith.constant 0 : i32
    %c0_i32_1 = arith.constant 0 : i32
    return %c0_i32, %c0_i32_0 : i32, i32
  }
  func.func @transform_3(%arg0: i32) -> (i32, i32) {
    %c0_i32 = arith.constant 0 : i32
    %c0_i32_0 = arith.constant 0 : i32
    return %arg0, %c0_i32 : i32, i32
  }
  func.func @transform_4(%arg0: i32) -> (i32, i32) {
    %c0_i32 = arith.constant 0 : i32
    %c0_i32_0 = arith.constant 0 : i32
    return %arg0, %c0_i32 : i32, i32
  }
}

</mosaic_0001>

<sc_bundles>
// kernel: gather_offload_async_start.1
scs
__scs_entry_jumppad:
0x0: {  	(pc) =	sbr.rel $0x88, $3  }
0x1: {  	(tag) =	ssettag $0x0;
	lr =	simm.s32 $0x1  }
0x2: {  	[smem:$0x3F9A] =	sst lr;
	_ =	strace $0xD0000000  }
0x3: {  	_ = 	snop  }
0x4: {  	_ = 	snop  }
0x5: {  	_ = 	snop  }
0x6: {  	_ = 	snop  }
0x7: {  	_ = 	snop  }
__scs_overlays_trampoline_lowered:
0x8: {  	[smem:$0x3FA9] =	sst s0  }
0x9: {  	[smem:$0x3FAA] =	sst s1  }
0xa: {  	[smem:$0x3FAB] =	sst s2  }
0xb: {  	[smem:$0x3FAC] =	sst s3  }
0xc: {  	[smem:$0x3FAD] =	sst s4  }
0xd: {  	[smem:$0x3FAE] =	sst s5  }
0xe: {  	[smem:$0x3FAF] =	sst s6  }
0xf: {  	[smem:$0x3FB0] =	sst s7  }
0x10: {  	[smem:$0x3FB1] =	sst s8  }
0x11: {  	[smem:$0x3FB2] =	sst s9;
	s0 =	simm.s32 @!p0 $0x0  }
0x12: {  	s1 =	sld [smem:$0x3F98];
	s0 =	simm.s32 @p0 $0x1  }
0x13: {  	[smem:$0x3FB3] =	sst s0;
	s0 =	simm.s32 @!p1 $0x0  }
0x14: {  	s2 =	sld [smem:$0x3F97];
	s0 =	simm.s32 @p1 $0x1  }
0x15: {  	[smem:$0x3FB4] =	sst s0;
	s0 =	simm.s32 @!p2 $0x0  }
0x16: {  	s3 =	sld [smem:$0x3FDB];
	s0 =	simm.s32 @p2 $0x1  }
0x17: {  	s4 =	simm.s32 $0x1BF5;
	[smem:$0x3FB6] =	sst s0  }
0x18: {  	s0 =	sld [smem:$0x3F99];
	_ =	swait.ge [sflag:s4], $0x0  }
0x19: {  	s7 =	sld [smem:$0x3F9A]  }
0x1a: {  	s8 =	sadd.s32 $0xFFFFE003, lr  }
0x1b: {  	s9 =	sadd.s32 $0xFFFFFEF7, lr;
	s5 =	simm.s32 $0xFFFFFFFF;
	p2 =	slt.u32 s8, $0xFFFFF086  }
0x1c: {  	p1 =	slt.u32 s9, $0xF7A;
	s5 =	simm.s32 @!p2 $0x0  }
0x1d: {  	s5 =	simm.s32 @p1 $0x1;
	p0 =	seq.s32 s7, s2  }
0x1e: {  	s7 =	smul.u32 @!p0 $0xF7A, s2;
	p2 =	seq.s32 @!p0 s5, $0x0  }
0x1f: {  	s9 =	smul.u32 $0xF7A, s1;
	s8 =	simm.s32 @!p0 $0x1BF5;
	p2 =	por !p2, p0  }
0x20: {  	[sflag:s8] =	ssyncset.s32 @!p0 $0xFFFFF086;
	s6 =	sadd.s32 @!p0 s3, s7;
	s7 =	simm.s32 @!p0 $0x108  }
0x21: {  	s3 =	sadd.s32 s3, s9;
	s6 =	sadd.s32 @!p0 $0x88, s6;
	s7 =	simm.s32 @p2 $0x1082  }
0x22: {  	[simem:s7], [sflag:s8] =	dma.local @!p0 [hbm:s6], $0xF7A  }
0x23: {  	s9 =	sor.u32 $0xD0000000, s2;
	s6 =	simm.s32 $0x108;
	_ =	swait.ge @!p0 [sflag:s8], $0x0  }
0x24: {  	s3 =	sadd.s32 $0x88, s3;
	s6 =	simm.s32 @!p1 $0x1082;
	[sflag:s4] =	ssyncset.s32 $0xFFFFF086  }
0x25: {  	[simem:s6], [sflag:s4] =	dma.local [hbm:s3], $0xF7A  }
0x26: {  	[smem:$0x3F9A] =	sst s1;
	(tag) =	ssettag s2;
	_ =	strace s9  }
0x27: {  	s1 =	sld [smem:$0x3FAA]  }
0x28: {  	s2 =	sld [smem:$0x3FAB]  }
0x29: {  	s4 =	sld [smem:$0x3FAD]  }
0x2a: {  	p0 =	seq.s32 s5, $0x0;
	s5 =	sld [smem:$0x3FAE]  }
0x2b: {  	s6 =	sld [smem:$0x3FAF]  }
0x2c: {  	s7 =	sld [smem:$0x3FB0]  }
0x2d: {  	s3 =	simm.s32 $0x108;
	s8 =	sld [smem:$0x3FB1]  }
0x2e: {  	s3 =	simm.s32 @!p0 $0x1082;
	s9 =	sld [smem:$0x3FB2]  }
0x2f: {  	lr =	sadd.s32 s0, s3;
	s0 =	sld [smem:$0x3FA9]  }
0x30: {  	s3 =	sld [smem:$0x3FAC]  }
0x31: {  	[smem:$0x3FB5] =	sst s10  }
0x32: {  	s10 =	sld [smem:$0x3FB3];
	_ =	sdelay $0x3  }
0x33: {  	p0 =	seq.s32 s10, $0x1;
	s10 =	sld [smem:$0x3FB5];
	_ =	sdelay $0x3  }
0x34: {  	[smem:$0x3FB5] =	sst s10  }
0x35: {  	s10 =	sld [smem:$0x3FB4];
	_ =	sdelay $0x3  }
0x36: {  	p1 =	seq.s32 s10, $0x1;
	s10 =	sld [smem:$0x3FB5];
	_ =	sdelay $0x3  }
0x37: {  	[smem:$0x3FB5] =	sst s10  }
0x38: {  	s10 =	sld [smem:$0x3FB6]  }
0x39: {  	_ = 	snop;
	(pc) =	sbr.ind lr, $3  }
0x3a: {  	_ = 	snop  }
0x3b: {  	_ = 	snop  }
0x3c: {  	p2 =	seq.s32 s10, $0x1;
	s10 =	sld [smem:$0x3FB5]  }
0x3d: {  	_ =	shalt  }
0x3e: {  	_ =	shalt  }
0x3f: {  	_ =	shalt  }
0x40: {  	_ =	shalt  }
0x41: {  	_ =	shalt  }
0x42: {  	_ =	shalt  }
0x43: {  	_ =	shalt  }
0x44: {  	_ =	shalt  }
0x45: {  	_ =	shalt  }
0x46: {  	_ =	shalt  }
0x47: {  	_ =	shalt  }
0x48: {  	_ =	shalt  }
0x49: {  	_ =	shalt  }
0x4a: {  	_ =	shalt  }
0x4b: {  	_ =	shalt  }
0x4c: {  	_ =	shalt  }
0x4d: {  	_ =	shalt  }
0x4e: {  	_ =	shalt  }
0x4f: {  	_ =	shalt  }
0x50: {  	_ =	shalt  }
0x51: {  	_ =	shalt  }
0x52: {  	_ =	shalt  }
0x53: {  	_ =	shalt  }
0x54: {  	_ =	shalt  }
0x55: {  	_ =	shalt  }
0x56: {  	_ =	shalt  }
0x57: {  	_ =	shalt  }
0x58: {  	_ =	shalt  }
0x59: {  	_ =	shalt  }
0x5a: {  	_ =	shalt  }
0x5b: {  	_ =	shalt  }
0x5c: {  	_ =	shalt  }
0x5d: {  	_ =	shalt  }
0x5e: {  	_ =	shalt  }
0x5f: {  	_ =	shalt  }
0x60: {  	_ =	shalt  }
0x61: {  	_ =	shalt  }
0x62: {  	_ =	shalt  }
0x63: {  	_ =	shalt  }
0x64: {  	_ =	shalt  }
0x65: {  	_ =	shalt  }
0x66: {  	_ =	shalt  }
0x67: {  	_ =	shalt  }
0x68: {  	_ =	shalt  }
0x69: {  	_ =	shalt  }
0x6a: {  	_ =	shalt  }
0x6b: {  	_ =	shalt  }
0x6c: {  	_ =	shalt  }
0x6d: {  	_ =	shalt  }
0x6e: {  	_ =	shalt  }
0x6f: {  	_ =	shalt  }
0x70: {  	_ =	shalt  }
0x71: {  	_ =	shalt  }
0x72: {  	_ =	shalt  }
0x73: {  	_ =	shalt  }
0x74: {  	_ =	shalt  }
0x75: {  	_ =	shalt  }
0x76: {  	_ =	shalt  }
0x77: {  	_ =	shalt  }
0x78: {  	_ =	shalt  }
0x79: {  	_ =	shalt  }
0x7a: {  	_ =	shalt  }
0x7b: {  	_ =	shalt  }
0x7c: {  	_ =	shalt  }
0x7d: {  	_ =	shalt  }
0x7e: {  	_ =	shalt  }
0x7f: {  	_ =	shalt  }
0x80: {  	_ =	shalt  }
0x81: {  	_ =	shalt  }
0x82: {  	_ =	shalt  }
0x83: {  	_ =	shalt  }
0x84: {  	_ =	shalt  }
0x85: {  	_ =	shalt  }
0x86: {  	_ =	shalt  }
0x87: {  	_ =	shalt  }
.Lfunc_end0:
.L_simem_size_0:
called_computation.1_lowered:
.L_overlay_start_0:
0x88: {  	s2 =	sld [smem:$0x3FD9]  }
0x89: {  	s3 =	sld [smem:$0x3FFE];
	_ =	sdelay $0x1  }
0x8a: {  	s1 =	srdreg.scid  }
0x8b: {  	s0 =	sand.u32 $0x1, s1  }
0x8c: {  	s14 =	sshll.u32 s0, $0xA;
	s2 =	sadd.s32 s3, s2  }
0x8d: {  	s2 =	sadd.s32 s2, s14  }
0x8e: {  	[smem:$0x3FC1] =	sst s2  }
0x8f: {  	_ = 	snop  }
0x90: {  	s2 =	sld [smem:$0x3FD0];
	_ =	sdelay $0x2  }
0x91: {  	s15 =	simm.s32 $0xA;
	s4 =	simm.s32 $0x10  }
0x92: {  	[smem:s4], [sflag:s15] =	dma.local [hbm:s2], $0x1  }
0x93: {  	_ =	swait.eq [sflag:s15], $0x1  }
0x94: {  	[sflag:s15] =	ssyncset.done $0x0  }
0x95: {  	[sflag:s15] =	ssyncadd.s32 $0xFFFFFFFF  }
0x96: {  	s16 =	sld [smem:$0x12];
	(tm) =	ssettm $0x1  }
0x97: {  	s17 =	sld [smem:$0x3FFB];
	_ =	sdelay $0x3  }
0x98: {  	_ =	strace s17  }
0x99: {  	s3 =	sld [smem:$0x3FFC];
	_ =	sdelay $0x3  }
0x9a: {  	_ =	strace s3  }
0x9b: {  	s3 =	sld [smem:$0x3FFD];
	_ =	sdelay $0x3  }
0x9c: {  	_ =	strace s3  }
0x9d: {  	_ =	strace $0x8FFFFFFF  }
0x9e: {  	s18 =	sld [smem:$0x3FDB];
	_ =	sdelay $0x1  }
0x9f: {  	s19 =	simm.s32 $_scs_section_size  }
0xa0: {  	s5 =	simm.s32 $_size__tile_overlayer_lowered;
	s6 =	simm.s32 $_tile_overlayer_lowered  }
0xa1: {  	s22 =	simm.s32 $0x1BFF;
	s21 =	sshll.u32 s6, $0x1;
	s3 =	sadd.s32 s19, s18  }
0xa2: {  	s7 =	simm.s32 $0x0;
	s20 =	sshll.u32 s5, $0x1;
	s5 =	sadd.s32 s21, s3  }
0xa3: {  	[timem:s7], [sflag:s22] =	dma.local [hbm:s5], s20  }
0xa4: {  	_ =	swait.ge [sflag:s22], s20  }
0xa5: {  	s4 =	ssub.s32 $0x0, s20;
	[sflag:s22] =	ssyncset.done $0x0  }
0xa6: {  	[sflag:s22] =	ssyncadd.s32 s4;
	_ =	sdelay $0x1  }
0xa7: {  	s23 =	simm.s32 $0x1B8B  }
0xa8: {  	_ =	swait.ge [sflag:s23], $0x1  }
0xa9: {  	[sflag:s23] =	ssyncset.done $0x0  }
0xaa: {  	s25 =	simm.s32 $0x1B8E;
	s24 =	sld [smem:$0x3FFE];
	[sflag:s23] =	ssyncadd.s32 $0xFFFFFFFF  }
0xab: {  	s26 =	simm.s32 $execute0_lowered;
	[smem:$0x3FD2] =	sst s25  }
0xac: {  	s5 =	sshll.u32 s26, $0x1;
	_ =	strace $0x8000004F;
	[dreg:$0x1] =	wrdreg $0xFFFFFFFF  }
0xad: {  	s28 =	simm.s32 $_size_execute0_lowered;
	s3 =	sadd.s32 s3, s5;
	[dreg:$0x0] =	wrdreg $0x0  }
0xae: {  	s5 =	sshll.u32 s28, $0x1;
	[dreg:$0x2] =	wrdreg s3  }
0xaf: {  	[dreg:$0x3] =	wrdreg s5  }
0xb0: {  	[dreg:$0x4] =	wrdreg $0xC0  }
0xb1: {  	_ =	task [dreg:s7], $0x5FFFF  }
0xb2: {  	[dreg:$0x1] =	wrdreg $0xFFFFFFFF  }
0xb3: {  	[dreg:$0x0] =	wrdreg $0x60  }
0xb4: {  	[dreg:$0x2] =	wrdreg s24  }
0xb5: {  	[dreg:$0x3] =	wrdreg s16  }
0xb6: {  	[dreg:$0x4] =	wrdreg $0x9  }
0xb7: {  	_ =	task.clear_ibuf [dreg:s7], $0x5FFFF;
	_ =	strace $0x9000004F  }
0xb8: {  	s29 =	simm.s32 $0x9;
	_ =	strace $0x80000051  }
0xb9: {  	_ =	swait.ge [sflag:s29], $0x1  }
0xba: {  	[sflag:s29] =	ssyncadd.s32 $0xFFFFFFFF  }
0xbb: {  	_ =	strace $0x90000051  }
0xbc: {  	_ =	sfence  }
0xbd: {  	s30 =	sld [smem:$0x0];
	_ =	sdelay $0x2  }
0xbe: {  	s31 =	sshll.u32 s1, $0xD;
	s1 =	sshrl.u32 s1, $0x2  }
0xbf: {  	s3 =	sand.u32 $0x4000, s31;
	s1 =	sadd.s32 s1, s30  }
0xc0: {  	s0 =	sor.u32 s3, s0;
	s1 =	sshll.u32 s1, $0x11  }
0xc1: {  	s0 =	sor.u32 s1, s0  }
0xc2: {  	s0 =	sadd.s32 $0x8F2B, s0  }
0xc3: {  	[sflag:s0] =	ssyncadd.remote.s32 $0x1  }
0xc4: {  	_ =	sfence.sel $0xFFFF  }
0xc5: {  	[dreg:$0x0] =	wrdreg $0xFFFFFFFF;
	(pc) =	sbr.abs _section_cstart, $3  }
0xc6: {  	[dreg:$0x1] =	wrdreg $0xFFFFFFFF  }
0xc7: {  	_ =	task.clear_ibuf [dreg:s7], $0x2FFFF;
	_ =	strace $0x9FFFFFFF  }
0xc8: {  	(tm) =	ssettm $0x7FFFFFFF  }
0xc9: {  	_ =	shalt  }
tec
execute0_lowered:
.L_overlay_start_1:
0x0: {  	(tag) =	ssettag $0x1  }
0x1: {  	s1 =	srdreg.scid;
	s5 =	rddreg [dreg:$0x0]  }
0x2: {  	s0 =	stileid.u32;
	s2 =	rddreg [dreg:$0x1];
	s6 =	simm.s32 $0x1  }
0x3: {  	s9 =	simm.s32 $0x1;
	s10 =	simm.s32 $0x3;
	s1 =	sshll.u32 s1, $0x8  }
0x4: {  	s13 =	simm.s32 $0x0;
	s3 =	sshll.u32 s0, $0x9;
	s4 =	sand.u32 $0x100, s1  }
0x5: {  	s12 =	simm.s32 $0x0;
	s1 =	rddreg [dreg:$0x2];
	s3 =	sor.u32 s3, s4  }
0x6: {  	_ =	strace $0x80000050;
	s4 =	sadd.s32 $0x7A600, s5;
	s8 =	ssub.s32 $0x4000, s3  }
.Ltmp0:
0x7: {  	s5 =	sadd.s32 $0x200, s5;
	s7 =	sand.u32 $0x1F00, s8;
	(pc) =	sbr.rel .LBB2_1-.Ltmp0, $4  }
0x8: {  	[sflag:s6] =	ssyncpa.u1 $0x0;
	s11 =	smov.u32 s3;
	p0 =	sne.s32 s7, $0x0  }
0x9: {  	s8 =	sshrl.u32 s8, $0xD;
	s7 =	simm.s32 $0x2;
	s9 =	simm.s32 @!p0 $0x0  }
0xa: {  	[sflag:s7] =	ssyncpa.u1 $0x0;
	p0 =	por $0x0, $0x0;
	s8 =	sadd.s32 s9, s8  }
0xb: {  	vm0 =	vmmov $0xffff;
	[sflag:s10] =	ssyncpa.u1 $0x0;
	s10 =	simm.s32 $0x0;
	s9 =	sadd.s32 $0x1, s8  }
.LBB2_4:
0xc: {  	vm1 =	veq.s32 v0, $0x80000000;
	v63 =	vand.u32 $0xF, v0;
	v2 =	vand.u32 $0x1FFF, v2  }
0xd: {  	v0 =	vsel vm1, $0xFFFFFFFF, v63;
	v2 =	vsel vm1, $0xFFFFFFFF, v2  }
0xe: {  	v3 =	vshll.u32 v0, $0xD;
	v4 =	vshll.u32 v2, $0x3  }
0xf: {  	v0 =	vshll.u32 v0, $0x7;
	v3 =	vand.u32 $0xFFFF0000, v3;
	v4 =	vand.u32 $0xFFFFFC00, v4  }
0x10: {  	v0 =	vand.u32 $0x380, v0;
	v3 =	vadd.s32 v3, v4  }
0x11: {  	v2 =	vand.u32 $0x7F, v2;
	v0 =	vor.u32 v0, v3  }
0x12: {  	v0 =	vor.u32 v2, v0;
	_ =	sdelay $0x1  }
0x13: {  	(ifvalue) =	ssetifvalue $0x7FFFFFFF;
	s14 =	sadd.s32 $0x10, s14  }
0x14: {  	[tilespmem:s14], [sflag:$0x1] =	stream.indirect_vreg.gather [hbm4b:s4+s10], $0x1, v1, vm0, $0x4038;
	[tilespmem:$0x400] =	vst v63  }
0x15: {  	(ifvalue) =	ssetifvalue $0x7FFFFFFF;
	s14 =	sadd.s32 $0x10, s14  }
0x16: {  	[tilespmem:s14], [sflag:$0x1] =	stream.indirect_vreg.gather [hbm4b:s4+s10], $0x1, v0, vm0, $0x4038;
	[tilespmem:$0x400] =	vst v63  }
0x17: {  	_ =	swait.ge [sflag:s6], $0x100  }
0x18: {  	s30 =	sshrl.u32 s13, $0x3;
	[sflag:s6] =	ssyncset.done $0x0  }
0x19: {  	s31 =	sand.u32 $0x7, s13;
	s14 =	sadd.s32 s5, s30;
	[sflag:s6] =	ssyncadd.s32 $0xFFFFFF00  }
0x1a: {  	[hbm4b:s14+s31] =	stream.linear.scatter [tilespmem:s15], [sflag:$0x3], $0x100, $0x38;
	[tilespmem:$0x400] =	vst v63  }
.LBB2_5:
0x1b: {  	s15 =	sadd.s32 $0x2000, s11  }
0x1c: {  	p2 =	sgt.s32 s15, $0x3FFF  }
0x1d: {  	s15 =	smov.u32 @p2 s3;
	p2 =	sne.s32 s12, s9  }
.Ltmp1:
0x1e: {  	p1 =	slt.u32 s12, $0x2;
	(pc) =	sbr.rel @!p2 .LBB2_6-.Ltmp1, $4  }
0x1f: {  	s14 =	simm.s32 @!p1 $0x3  }
0x20: {  	s16 =	sadd.s32 $0x1, s12;
	_ =	swait.ge @!p1 [sflag:s14], $0x100  }
0x21: {  	s13 =	smov.u32 s11;
	p0 =	por !p0, !p0;
	[sflag:s14] =	ssyncset.done @!p1 $0x0  }
0x22: {  	s12 =	smov.u32 s16;
	s11 =	smov.u32 s15;
	[sflag:s14] =	ssyncadd.s32 @!p1 $0xFFFFFF00  }
.LBB2_1:
0x23: {  	p1 =	sge.u32 s12, s8  }
0x24: {  	s14 =	sxor.u32 @!p1 $0xFFFFFFFF, s12  }
0x25: {  	s31 =	sadd.s32 $0xFFFFFFFF, s12;
	s15 =	sshrl.u32 @!p1 s11, $0x3;
	s14 =	sshll.u32 @!p1 s14, $0x8  }
0x26: {  	s16 =	sand.u32 @!p1 $0x7, s11;
	s15 =	sadd.s32 @!p1 s2, s15;
	s14 =	sand.u32 @!p1 $0x100, s14  }
0x27: {  	[tilespmem:s14], [sflag:$0x2] =	stream.linear.gather @!p1 [hbm4b:s15+s16], $0x100, $0x38;
	[tilespmem:$0x400] =	vst v63  }
0x28: {  	p1 =	sge.u32 s31, s8  }
.Ltmp2:
0x29: {  	_ = 	snop;
	(pc) =	sbr.rel @p1 .LBB2_5-.Ltmp2, $1  }
0x2a: {  	_ =	sdelay $0x3  }
0x2b: {  	s14 =	simm.s32 $0x1  }
0x2c: {  	_ =	swait.ge [sflag:s7], $0x100;
	s14 =	simm.s32 @!p0 $0x0  }
0x2d: {  	[sflag:s7] =	ssyncset.done $0x0;
	s14 =	sshll.u32 s14, $0x8  }
0x2e: {  	[sflag:s7] =	ssyncadd.s32 $0xFFFFFF00;
	(ifvalue) =	ssetifvalue $0x7FFFFFFF;
	v0 =	vld.msk [tilespmem:s14+$0x0 ss:$0x1], $0xffff;
	_ =	sdelay $0x3  }
0x2f: {  	s15 =	sadd.s32 $0x10, s14  }
0x30: {  	v2 =	vld.msk [tilespmem:s15+$0x0 ss:$0x1], $0xffff;
	v1 =	vshrl.u32 v0, $0x4  }
0x31: {  	vm1 =	veq.s32 v0, $0x80000000;
	v0 =	vand.u32 $0xF, v0;
	v1 =	vand.u32 $0x1FFF, v1  }
0x32: {  	v0 =	vsel vm1, $0xFFFFFFFF, v0;
	v1 =	vsel vm1, $0xFFFFFFFF, v1  }
0x33: {  	v3 =	vshll.u32 v0, $0xD;
	v4 =	vshll.u32 v1, $0x3  }
0x34: {  	v0 =	vshll.u32 v0, $0x7;
	v3 =	vand.u32 $0xFFFF0000, v3;
	v4 =	vand.u32 $0xFFFFFC00, v4  }
0x35: {  	vm1 =	veq.s32 v2, $0x80000000;
	v0 =	vand.u32 $0x380, v0;
	v3 =	vadd.s32 v3, v4  }
0x36: {  	v1 =	vand.u32 $0x7F, v1;
	v0 =	vor.u32 v0, v3;
	v3 =	vshrl.u32 v2, $0x4  }
0x37: {  	s17 =	sadd.s32 $0x10, s15;
	v2 =	vand.u32 $0xF, v2;
	v1 =	vor.u32 v1, v0;
	v3 =	vand.u32 $0x1FFF, v3  }
0x38: {  	v0 =	vld.msk [tilespmem:s17+$0x0 ss:$0x1], $0xffff;
	v2 =	vsel vm1, $0xFFFFFFFF, v2;
	v3 =	vsel vm1, $0xFFFFFFFF, v3  }
0x39: {  	v63 =	vshll.u32 v2, $0xD;
	v5 =	vshll.u32 v3, $0x3  }
0x3a: {  	s31 =	sshll.u32 s12, $0x8;
	v2 =	vshll.u32 v2, $0x7;
	v4 =	vand.u32 $0xFFFF0000, v63;
	v5 =	vand.u32 $0xFFFFFC00, v5  }
0x3b: {  	s14 =	sor.u32 $0x200, s14;
	s15 =	sand.u32 $0x100, s31;
	(ifvalue) =	ssetifvalue $0x7FFFFFFF;
	v2 =	vand.u32 $0x380, v2;
	v4 =	vadd.s32 v4, v5  }
0x3c: {  	[tilespmem:s14], [sflag:$0x1] =	stream.indirect_vreg.gather [hbm4b:s4+s10], $0x1, v1, vm0, $0x4038;
	v1 =	vand.u32 $0x7F, v3;
	v3 =	vor.u32 v2, v4;
	[tilespmem:$0x400] =	vst v63  }
0x3d: {  	s16 =	simm.s32 $0x20;
	s15 =	sor.u32 $0x200, s15;
	s17 =	sadd.s32 $0x10, s17;
	v2 =	vshrl.u32 v0, $0x4;
	v1 =	vor.u32 v1, v3  }
.LBB2_3:
0x3e: {  	s16 =	sadd.s32 $0x10, s16;
	vm1 =	veq.s32 v0, $0x80000000;
	v3 =	vand.u32 $0xF, v0;
	v0 =	vld.msk [tilespmem:s17+$0x0 ss:$0x1], $0xffff;
	v2 =	vand.u32 $0x1FFF, v2  }
0x3f: {  	p1 =	slt.u32 s16, $0xF0;
	v3 =	vsel vm1, $0xFFFFFFFF, v3;
	v2 =	vsel vm1, $0xFFFFFFFF, v2  }
.Ltmp3:
0x40: {  	v4 =	vshll.u32 v3, $0xD;
	v5 =	vshll.u32 v2, $0x3;
	(pc) =	sbr.rel @p1 .LBB2_3-.Ltmp3, $4  }
0x41: {  	s14 =	sadd.s32 $0x10, s14;
	v3 =	vshll.u32 v3, $0x7;
	v4 =	vand.u32 $0xFFFF0000, v4;
	v5 =	vand.u32 $0xFFFFFC00, v5;
	(ifvalue) =	ssetifvalue $0x7FFFFFFF  }
0x42: {  	v3 =	vand.u32 $0x380, v3;
	v4 =	vadd.s32 v4, v5;
	[tilespmem:s14], [sflag:$0x1] =	stream.indirect_vreg.gather [hbm4b:s4+s10], $0x1, v1, vm0, $0x4038;
	[tilespmem:$0x400] =	vst v63  }
0x43: {  	v1 =	vand.u32 $0x7F, v2;
	v3 =	vor.u32 v3, v4  }
0x44: {  	s17 =	sadd.s32 $0x10, s17;
	v2 =	vshrl.u32 v0, $0x4;
	v1 =	vor.u32 v1, v3  }
.Ltmp4:
0x45: {  	_ = 	snop;
	(pc) =	sbr.rel .LBB2_4-.Ltmp4, $1  }
0x46: {  	_ =	sdelay $0x3  }
.LBB2_6:
0x47: {  	_ =	sfence.sel $0x180000  }
0x48: {  	s2 =	simm.s32 $0x2;
	[bflag:$0x0] =	sbarrier.arrive $0xFFFF  }
0x49: {  	s30 =	simm.s32 $0x3;
	[sflag:s2] =	ssyncpa.u1 $0x1  }
0x4a: {  	s31 =	simm.s32 $0x1;
	[sflag:s30] =	ssyncpa.u1 $0x1  }
0x4b: {  	[sflag:s31] =	ssyncpa.u1 $0x1  }
0x4c: {  	p0 =	sne.s32 s0, $0x0;
	_ =	strace $0x90000050  }
0x4d: {  	s0 =	sadd.s32 @!p0 $0x100000, s1;
	[bflag:$0x2] =	sbarrier.arrive $0xFFFF  }
0x4e: {  	[sflag:s0] =	ssyncadd.tile.s32 @!p0 $0x1;
	_ =	shalt  }
.Lfunc_end2:
_tile_overlayer_lowered:
.L_overlay_start_2:
0x4f: {  	(tag) =	ssettag $0x2  }
0x50: {  	s0 =	rddreg [dreg:$0x0];
	s2 =	stileid.u32  }
0x51: {  	s1 =	rddreg [dreg:$0x1];
	p0 =	sne.s32 s2, $0x0  }
0x52: {  	s3 =	rddreg [dreg:$0x2];
	[bflag:$0x3] =	sbarrier.arrive $0xFFFF;
	s2 =	simm.s32 @!p0 $0x1C01  }
0x53: {  	[timem:s3], [sflag:s2] =	dma.local @!p0 [hbm:s0], s1  }
0x54: {  	s0 =	simm.s32 @!p0 $0x1  }
0x55: {  	_ =	swait.ge @!p0 [sflag:s0], s1  }
0x56: {  	s1 =	ssub.s32 @!p0 $0x0, s1;
	[sflag:s0] =	ssyncset.done @!p0 $0x0  }
0x57: {  	[sflag:s0] =	ssyncadd.s32 @!p0 s1  }
0x58: {  	[bflag:$0x3] =	sbarrier.arrive $0xFFFF  }
0x59: {  	_ =	shalt  }

// kernel: gather_offload_async_start.2
scs
__scs_entry_jumppad:
0x0: {  	(pc) =	sbr.rel $0x88, $3  }
0x1: {  	(tag) =	ssettag $0x0;
	lr =	simm.s32 $0x1  }
0x2: {  	[smem:$0x3F9A] =	sst lr;
	_ =	strace $0xD0000000  }
0x3: {  	_ = 	snop  }
0x4: {  	_ = 	snop  }
0x5: {  	_ = 	snop  }
0x6: {  	_ = 	snop  }
0x7: {  	_ = 	snop  }
__scs_overlays_trampoline_lowered:
0x8: {  	[smem:$0x3FA9] =	sst s0  }
0x9: {  	[smem:$0x3FAA] =	sst s1  }
0xa: {  	[smem:$0x3FAB] =	sst s2  }
0xb: {  	[smem:$0x3FAC] =	sst s3  }
0xc: {  	[smem:$0x3FAD] =	sst s4  }
0xd: {  	[smem:$0x3FAE] =	sst s5  }
0xe: {  	[smem:$0x3FAF] =	sst s6  }
0xf: {  	[smem:$0x3FB0] =	sst s7  }
0x10: {  	[smem:$0x3FB1] =	sst s8  }
0x11: {  	[smem:$0x3FB2] =	sst s9;
	s0 =	simm.s32 @!p0 $0x0  }
0x12: {  	s1 =	sld [smem:$0x3F98];
	s0 =	simm.s32 @p0 $0x1  }
0x13: {  	[smem:$0x3FB3] =	sst s0;
	s0 =	simm.s32 @!p1 $0x0  }
0x14: {  	s2 =	sld [smem:$0x3F97];
	s0 =	simm.s32 @p1 $0x1  }
0x15: {  	[smem:$0x3FB4] =	sst s0;
	s0 =	simm.s32 @!p2 $0x0  }
0x16: {  	s3 =	sld [smem:$0x3FDB];
	s0 =	simm.s32 @p2 $0x1  }
0x17: {  	s4 =	simm.s32 $0x1BF5;
	[smem:$0x3FB6] =	sst s0  }
0x18: {  	s0 =	sld [smem:$0x3F99];
	_ =	swait.ge [sflag:s4], $0x0  }
0x19: {  	s7 =	sld [smem:$0x3F9A]  }
0x1a: {  	s8 =	sadd.s32 $0xFFFFE003, lr  }
0x1b: {  	s9 =	sadd.s32 $0xFFFFFEF7, lr;
	s5 =	simm.s32 $0xFFFFFFFF;
	p2 =	slt.u32 s8, $0xFFFFF086  }
0x1c: {  	p1 =	slt.u32 s9, $0xF7A;
	s5 =	simm.s32 @!p2 $0x0  }
0x1d: {  	s5 =	simm.s32 @p1 $0x1;
	p0 =	seq.s32 s7, s2  }
0x1e: {  	s7 =	smul.u32 @!p0 $0xF7A, s2;
	p2 =	seq.s32 @!p0 s5, $0x0  }
0x1f: {  	s9 =	smul.u32 $0xF7A, s1;
	s8 =	simm.s32 @!p0 $0x1BF5;
	p2 =	por !p2, p0  }
0x20: {  	[sflag:s8] =	ssyncset.s32 @!p0 $0xFFFFF086;
	s6 =	sadd.s32 @!p0 s3, s7;
	s7 =	simm.s32 @!p0 $0x108  }
0x21: {  	s3 =	sadd.s32 s3, s9;
	s6 =	sadd.s32 @!p0 $0x88, s6;
	s7 =	simm.s32 @p2 $0x1082  }
0x22: {  	[simem:s7], [sflag:s8] =	dma.local @!p0 [hbm:s6], $0xF7A  }
0x23: {  	s9 =	sor.u32 $0xD0000000, s2;
	s6 =	simm.s32 $0x108;
	_ =	swait.ge @!p0 [sflag:s8], $0x0  }
0x24: {  	s3 =	sadd.s32 $0x88, s3;
	s6 =	simm.s32 @!p1 $0x1082;
	[sflag:s4] =	ssyncset.s32 $0xFFFFF086  }
0x25: {  	[simem:s6], [sflag:s4] =	dma.local [hbm:s3], $0xF7A  }
0x26: {  	[smem:$0x3F9A] =	sst s1;
	(tag) =	ssettag s2;
	_ =	strace s9  }
0x27: {  	s1 =	sld [smem:$0x3FAA]  }
0x28: {  	s2 =	sld [smem:$0x3FAB]  }
0x29: {  	s4 =	sld [smem:$0x3FAD]  }
0x2a: {  	p0 =	seq.s32 s5, $0x0;
	s5 =	sld [smem:$0x3FAE]  }
0x2b: {  	s6 =	sld [smem:$0x3FAF]  }
0x2c: {  	s7 =	sld [smem:$0x3FB0]  }
0x2d: {  	s3 =	simm.s32 $0x108;
	s8 =	sld [smem:$0x3FB1]  }
0x2e: {  	s3 =	simm.s32 @!p0 $0x1082;
	s9 =	sld [smem:$0x3FB2]  }
0x2f: {  	lr =	sadd.s32 s0, s3;
	s0 =	sld [smem:$0x3FA9]  }
0x30: {  	s3 =	sld [smem:$0x3FAC]  }
0x31: {  	[smem:$0x3FB5] =	sst s10  }
0x32: {  	s10 =	sld [smem:$0x3FB3];
	_ =	sdelay $0x3  }
0x33: {  	p0 =	seq.s32 s10, $0x1;
	s10 =	sld [smem:$0x3FB5];
	_ =	sdelay $0x3  }
0x34: {  	[smem:$0x3FB5] =	sst s10  }
0x35: {  	s10 =	sld [smem:$0x3FB4];
	_ =	sdelay $0x3  }
0x36: {  	p1 =	seq.s32 s10, $0x1;
	s10 =	sld [smem:$0x3FB5];
	_ =	sdelay $0x3  }
0x37: {  	[smem:$0x3FB5] =	sst s10  }
0x38: {  	s10 =	sld [smem:$0x3FB6]  }
0x39: {  	_ = 	snop;
	(pc) =	sbr.ind lr, $3  }
0x3a: {  	_ = 	snop  }
0x3b: {  	_ = 	snop  }
0x3c: {  	p2 =	seq.s32 s10, $0x1;
	s10 =	sld [smem:$0x3FB5]  }
0x3d: {  	_ =	shalt  }
0x3e: {  	_ =	shalt  }
0x3f: {  	_ =	shalt  }
0x40: {  	_ =	shalt  }
0x41: {  	_ =	shalt  }
0x42: {  	_ =	shalt  }
0x43: {  	_ =	shalt  }
0x44: {  	_ =	shalt  }
0x45: {  	_ =	shalt  }
0x46: {  	_ =	shalt  }
0x47: {  	_ =	shalt  }
0x48: {  	_ =	shalt  }
0x49: {  	_ =	shalt  }
0x4a: {  	_ =	shalt  }
0x4b: {  	_ =	shalt  }
0x4c: {  	_ =	shalt  }
0x4d: {  	_ =	shalt  }
0x4e: {  	_ =	shalt  }
0x4f: {  	_ =	shalt  }
0x50: {  	_ =	shalt  }
0x51: {  	_ =	shalt  }
0x52: {  	_ =	shalt  }
0x53: {  	_ =	shalt  }
0x54: {  	_ =	shalt  }
0x55: {  	_ =	shalt  }
0x56: {  	_ =	shalt  }
0x57: {  	_ =	shalt  }
0x58: {  	_ =	shalt  }
0x59: {  	_ =	shalt  }
0x5a: {  	_ =	shalt  }
0x5b: {  	_ =	shalt  }
0x5c: {  	_ =	shalt  }
0x5d: {  	_ =	shalt  }
0x5e: {  	_ =	shalt  }
0x5f: {  	_ =	shalt  }
0x60: {  	_ =	shalt  }
0x61: {  	_ =	shalt  }
0x62: {  	_ =	shalt  }
0x63: {  	_ =	shalt  }
0x64: {  	_ =	shalt  }
0x65: {  	_ =	shalt  }
0x66: {  	_ =	shalt  }
0x67: {  	_ =	shalt  }
0x68: {  	_ =	shalt  }
0x69: {  	_ =	shalt  }
0x6a: {  	_ =	shalt  }
0x6b: {  	_ =	shalt  }
0x6c: {  	_ =	shalt  }
0x6d: {  	_ =	shalt  }
0x6e: {  	_ =	shalt  }
0x6f: {  	_ =	shalt  }
0x70: {  	_ =	shalt  }
0x71: {  	_ =	shalt  }
0x72: {  	_ =	shalt  }
0x73: {  	_ =	shalt  }
0x74: {  	_ =	shalt  }
0x75: {  	_ =	shalt  }
0x76: {  	_ =	shalt  }
0x77: {  	_ =	shalt  }
0x78: {  	_ =	shalt  }
0x79: {  	_ =	shalt  }
0x7a: {  	_ =	shalt  }
0x7b: {  	_ =	shalt  }
0x7c: {  	_ =	shalt  }
0x7d: {  	_ =	shalt  }
0x7e: {  	_ =	shalt  }
0x7f: {  	_ =	shalt  }
0x80: {  	_ =	shalt  }
0x81: {  	_ =	shalt  }
0x82: {  	_ =	shalt  }
0x83: {  	_ =	shalt  }
0x84: {  	_ =	shalt  }
0x85: {  	_ =	shalt  }
0x86: {  	_ =	shalt  }
0x87: {  	_ =	shalt  }
.Lfunc_end0:
.L_simem_size_0:
called_computation.2_lowered:
.L_overlay_start_0:
0x88: {  	s2 =	sld [smem:$0x3FD9]  }
0x89: {  	s3 =	sld [smem:$0x3FFE];
	_ =	sdelay $0x1  }
0x8a: {  	s1 =	srdreg.scid  }
0x8b: {  	s0 =	sand.u32 $0x1, s1  }
0x8c: {  	s14 =	sshll.u32 s0, $0xA;
	s2 =	sadd.s32 s3, s2  }
0x8d: {  	s2 =	sadd.s32 s2, s14  }
0x8e: {  	[smem:$0x3FC1] =	sst s2  }
0x8f: {  	_ = 	snop  }
0x90: {  	s2 =	sld [smem:$0x3FD0];
	_ =	sdelay $0x2  }
0x91: {  	s15 =	simm.s32 $0xA;
	s4 =	simm.s32 $0x10  }
0x92: {  	[smem:s4], [sflag:s15] =	dma.local [hbm:s2], $0x1  }
0x93: {  	_ =	swait.eq [sflag:s15], $0x1  }
0x94: {  	[sflag:s15] =	ssyncset.done $0x0  }
0x95: {  	[sflag:s15] =	ssyncadd.s32 $0xFFFFFFFF  }
0x96: {  	s16 =	sld [smem:$0x12];
	(tm) =	ssettm $0x1  }
0x97: {  	s17 =	sld [smem:$0x3FFB];
	_ =	sdelay $0x3  }
0x98: {  	_ =	strace s17  }
0x99: {  	s3 =	sld [smem:$0x3FFC];
	_ =	sdelay $0x3  }
0x9a: {  	_ =	strace s3  }
0x9b: {  	s3 =	sld [smem:$0x3FFD];
	_ =	sdelay $0x3  }
0x9c: {  	_ =	strace s3  }
0x9d: {  	_ =	strace $0x8FFFFFFF  }
0x9e: {  	s18 =	sld [smem:$0x3FDB];
	_ =	sdelay $0x1  }
0x9f: {  	s19 =	simm.s32 $_scs_section_size  }
0xa0: {  	s5 =	simm.s32 $_size__tile_overlayer_lowered;
	s6 =	simm.s32 $_tile_overlayer_lowered  }
0xa1: {  	s22 =	simm.s32 $0x1BFF;
	s21 =	sshll.u32 s6, $0x1;
	s3 =	sadd.s32 s19, s18  }
0xa2: {  	s7 =	simm.s32 $0x0;
	s20 =	sshll.u32 s5, $0x1;
	s5 =	sadd.s32 s21, s3  }
0xa3: {  	[timem:s7], [sflag:s22] =	dma.local [hbm:s5], s20  }
0xa4: {  	_ =	swait.ge [sflag:s22], s20  }
0xa5: {  	s4 =	ssub.s32 $0x0, s20;
	[sflag:s22] =	ssyncset.done $0x0  }
0xa6: {  	[sflag:s22] =	ssyncadd.s32 s4;
	_ =	sdelay $0x1  }
0xa7: {  	s23 =	simm.s32 $0x1B8B  }
0xa8: {  	_ =	swait.ge [sflag:s23], $0x1  }
0xa9: {  	[sflag:s23] =	ssyncset.done $0x0  }
0xaa: {  	s25 =	simm.s32 $0x1B8E;
	s24 =	sld [smem:$0x3FFE];
	[sflag:s23] =	ssyncadd.s32 $0xFFFFFFFF  }
0xab: {  	s26 =	simm.s32 $execute0_lowered;
	[smem:$0x3FD2] =	sst s25  }
0xac: {  	s5 =	sshll.u32 s26, $0x1;
	_ =	strace $0x80000049;
	[dreg:$0x1] =	wrdreg $0xFFFFFFFF  }
0xad: {  	s28 =	simm.s32 $_size_execute0_lowered;
	s3 =	sadd.s32 s3, s5;
	[dreg:$0x0] =	wrdreg $0x0  }
0xae: {  	s5 =	sshll.u32 s28, $0x1;
	[dreg:$0x2] =	wrdreg s3  }
0xaf: {  	[dreg:$0x3] =	wrdreg s5  }
0xb0: {  	[dreg:$0x4] =	wrdreg $0xC0  }
0xb1: {  	_ =	task [dreg:s7], $0x5FFFF  }
0xb2: {  	[dreg:$0x1] =	wrdreg $0xFFFFFFFF  }
0xb3: {  	[dreg:$0x0] =	wrdreg $0x60  }
0xb4: {  	[dreg:$0x2] =	wrdreg s24  }
0xb5: {  	[dreg:$0x3] =	wrdreg s16  }
0xb6: {  	[dreg:$0x4] =	wrdreg $0x9  }
0xb7: {  	_ =	task.clear_ibuf [dreg:s7], $0x5FFFF;
	_ =	strace $0x90000049  }
0xb8: {  	s29 =	simm.s32 $0x9;
	_ =	strace $0x8000004B  }
0xb9: {  	_ =	swait.ge [sflag:s29], $0x1  }
0xba: {  	[sflag:s29] =	ssyncadd.s32 $0xFFFFFFFF  }
0xbb: {  	_ =	strace $0x9000004B  }
0xbc: {  	_ =	sfence  }
0xbd: {  	s30 =	sld [smem:$0x0];
	_ =	sdelay $0x2  }
0xbe: {  	s31 =	sshll.u32 s1, $0xD;
	s1 =	sshrl.u32 s1, $0x2  }
0xbf: {  	s3 =	sand.u32 $0x4000, s31;
	s1 =	sadd.s32 s1, s30  }
0xc0: {  	s0 =	sor.u32 s3, s0;
	s1 =	sshll.u32 s1, $0x11  }
0xc1: {  	s0 =	sor.u32 s1, s0  }
0xc2: {  	s0 =	sadd.s32 $0x8F2B, s0  }
0xc3: {  	[sflag:s0] =	ssyncadd.remote.s32 $0x1  }
0xc4: {  	_ =	sfence.sel $0xFFFF  }
0xc5: {  	[dreg:$0x0] =	wrdreg $0xFFFFFFFF;
	(pc) =	sbr.abs _section_cstart, $3  }
0xc6: {  	[dreg:$0x1] =	wrdreg $0xFFFFFFFF  }
0xc7: {  	_ =	task.clear_ibuf [dreg:s7], $0x2FFFF;
	_ =	strace $0x9FFFFFFF  }
0xc8: {  	(tm) =	ssettm $0x7FFFFFFF  }
0xc9: {  	_ =	shalt  }
tec
execute0_lowered:
.L_overlay_start_1:
0x0: {  	(tag) =	ssettag $0x1  }
0x1: {  	s1 =	srdreg.scid;
	s5 =	rddreg [dreg:$0x0]  }
0x2: {  	s0 =	stileid.u32;
	s2 =	rddreg [dreg:$0x1];
	s6 =	simm.s32 $0x1  }
0x3: {  	s9 =	simm.s32 $0x1;
	s10 =	simm.s32 $0x3;
	s1 =	sshll.u32 s1, $0x8  }
0x4: {  	s13 =	simm.s32 $0x0;
	s3 =	sshll.u32 s0, $0x9;
	s4 =	sand.u32 $0x100, s1  }
0x5: {  	s12 =	simm.s32 $0x0;
	s1 =	rddreg [dreg:$0x2];
	s3 =	sor.u32 s3, s4  }
0x6: {  	_ =	strace $0x8000004A;
	s4 =	sadd.s32 $0x76600, s5;
	s8 =	ssub.s32 $0x4000, s3  }
.Ltmp0:
0x7: {  	s5 =	sadd.s32 $0x200, s5;
	s7 =	sand.u32 $0x1F00, s8;
	(pc) =	sbr.rel .LBB2_1-.Ltmp0, $4  }
0x8: {  	[sflag:s6] =	ssyncpa.u1 $0x0;
	s11 =	smov.u32 s3;
	p0 =	sne.s32 s7, $0x0  }
0x9: {  	s8 =	sshrl.u32 s8, $0xD;
	s7 =	simm.s32 $0x2;
	s9 =	simm.s32 @!p0 $0x0  }
0xa: {  	[sflag:s7] =	ssyncpa.u1 $0x0;
	p0 =	por $0x0, $0x0;
	s8 =	sadd.s32 s9, s8  }
0xb: {  	vm0 =	vmmov $0xffff;
	[sflag:s10] =	ssyncpa.u1 $0x0;
	s10 =	simm.s32 $0x0;
	s9 =	sadd.s32 $0x1, s8  }
.LBB2_4:
0xc: {  	vm1 =	veq.s32 v0, $0x80000000;
	v63 =	vand.u32 $0xF, v0;
	v2 =	vand.u32 $0x1FFF, v2  }
0xd: {  	v0 =	vsel vm1, $0xFFFFFFFF, v63;
	v2 =	vsel vm1, $0xFFFFFFFF, v2  }
0xe: {  	v3 =	vshll.u32 v0, $0xD;
	v4 =	vshll.u32 v2, $0x3  }
0xf: {  	v0 =	vshll.u32 v0, $0x7;
	v3 =	vand.u32 $0xFFFF0000, v3;
	v4 =	vand.u32 $0xFFFFFC00, v4  }
0x10: {  	v0 =	vand.u32 $0x380, v0;
	v3 =	vadd.s32 v3, v4  }
0x11: {  	v2 =	vand.u32 $0x7F, v2;
	v0 =	vor.u32 v0, v3  }
0x12: {  	v0 =	vor.u32 v2, v0;
	_ =	sdelay $0x1  }
0x13: {  	(ifvalue) =	ssetifvalue $0x7FFFFFFF;
	s14 =	sadd.s32 $0x10, s14  }
0x14: {  	[tilespmem:s14], [sflag:$0x1] =	stream.indirect_vreg.gather [hbm4b:s4+s10], $0x1, v1, vm0, $0x4038;
	[tilespmem:$0x400] =	vst v63  }
0x15: {  	(ifvalue) =	ssetifvalue $0x7FFFFFFF;
	s14 =	sadd.s32 $0x10, s14  }
0x16: {  	[tilespmem:s14], [sflag:$0x1] =	stream.indirect_vreg.gather [hbm4b:s4+s10], $0x1, v0, vm0, $0x4038;
	[tilespmem:$0x400] =	vst v63  }
0x17: {  	_ =	swait.ge [sflag:s6], $0x100  }
0x18: {  	s30 =	sshrl.u32 s13, $0x3;
	[sflag:s6] =	ssyncset.done $0x0  }
0x19: {  	s31 =	sand.u32 $0x7, s13;
	s14 =	sadd.s32 s5, s30;
	[sflag:s6] =	ssyncadd.s32 $0xFFFFFF00  }
0x1a: {  	[hbm4b:s14+s31] =	stream.linear.scatter [tilespmem:s15], [sflag:$0x3], $0x100, $0x38;
	[tilespmem:$0x400] =	vst v63  }
.LBB2_5:
0x1b: {  	s15 =	sadd.s32 $0x2000, s11  }
0x1c: {  	p2 =	sgt.s32 s15, $0x3FFF  }
0x1d: {  	s15 =	smov.u32 @p2 s3;
	p2 =	sne.s32 s12, s9  }
.Ltmp1:
0x1e: {  	p1 =	slt.u32 s12, $0x2;
	(pc) =	sbr.rel @!p2 .LBB2_6-.Ltmp1, $4  }
0x1f: {  	s14 =	simm.s32 @!p1 $0x3  }
0x20: {  	s16 =	sadd.s32 $0x1, s12;
	_ =	swait.ge @!p1 [sflag:s14], $0x100  }
0x21: {  	s13 =	smov.u32 s11;
	p0 =	por !p0, !p0;
	[sflag:s14] =	ssyncset.done @!p1 $0x0  }
0x22: {  	s12 =	smov.u32 s16;
	s11 =	smov.u32 s15;
	[sflag:s14] =	ssyncadd.s32 @!p1 $0xFFFFFF00  }
.LBB2_1:
0x23: {  	p1 =	sge.u32 s12, s8  }
0x24: {  	s14 =	sxor.u32 @!p1 $0xFFFFFFFF, s12  }
0x25: {  	s31 =	sadd.s32 $0xFFFFFFFF, s12;
	s15 =	sshrl.u32 @!p1 s11, $0x3;
	s14 =	sshll.u32 @!p1 s14, $0x8  }
0x26: {  	s16 =	sand.u32 @!p1 $0x7, s11;
	s15 =	sadd.s32 @!p1 s2, s15;
	s14 =	sand.u32 @!p1 $0x100, s14  }
0x27: {  	[tilespmem:s14], [sflag:$0x2] =	stream.linear.gather @!p1 [hbm4b:s15+s16], $0x100, $0x38;
	[tilespmem:$0x400] =	vst v63  }
0x28: {  	p1 =	sge.u32 s31, s8  }
.Ltmp2:
0x29: {  	_ = 	snop;
	(pc) =	sbr.rel @p1 .LBB2_5-.Ltmp2, $1  }
0x2a: {  	_ =	sdelay $0x3  }
0x2b: {  	s14 =	simm.s32 $0x1  }
0x2c: {  	_ =	swait.ge [sflag:s7], $0x100;
	s14 =	simm.s32 @!p0 $0x0  }
0x2d: {  	[sflag:s7] =	ssyncset.done $0x0;
	s14 =	sshll.u32 s14, $0x8  }
0x2e: {  	[sflag:s7] =	ssyncadd.s32 $0xFFFFFF00;
	(ifvalue) =	ssetifvalue $0x7FFFFFFF;
	v0 =	vld.msk [tilespmem:s14+$0x0 ss:$0x1], $0xffff;
	_ =	sdelay $0x3  }
0x2f: {  	s15 =	sadd.s32 $0x10, s14  }
0x30: {  	v2 =	vld.msk [tilespmem:s15+$0x0 ss:$0x1], $0xffff;
	v1 =	vshrl.u32 v0, $0x4  }
0x31: {  	vm1 =	veq.s32 v0, $0x80000000;
	v0 =	vand.u32 $0xF, v0;
	v1 =	vand.u32 $0x1FFF, v1  }
0x32: {  	v0 =	vsel vm1, $0xFFFFFFFF, v0;
	v1 =	vsel vm1, $0xFFFFFFFF, v1  }
0x33: {  	v3 =	vshll.u32 v0, $0xD;
	v4 =	vshll.u32 v1, $0x3  }
0x34: {  	v0 =	vshll.u32 v0, $0x7;
	v3 =	vand.u32 $0xFFFF0000, v3;
	v4 =	vand.u32 $0xFFFFFC00, v4  }
0x35: {  	vm1 =	veq.s32 v2, $0x80000000;
	v0 =	vand.u32 $0x380, v0;
	v3 =	vadd.s32 v3, v4  }
0x36: {  	v1 =	vand.u32 $0x7F, v1;
	v0 =	vor.u32 v0, v3;
	v3 =	vshrl.u32 v2, $0x4  }
0x37: {  	s17 =	sadd.s32 $0x10, s15;
	v2 =	vand.u32 $0xF, v2;
	v1 =	vor.u32 v1, v0;
	v3 =	vand.u32 $0x1FFF, v3  }
0x38: {  	v0 =	vld.msk [tilespmem:s17+$0x0 ss:$0x1], $0xffff;
	v2 =	vsel vm1, $0xFFFFFFFF, v2;
	v3 =	vsel vm1, $0xFFFFFFFF, v3  }
0x39: {  	v63 =	vshll.u32 v2, $0xD;
	v5 =	vshll.u32 v3, $0x3  }
0x3a: {  	s31 =	sshll.u32 s12, $0x8;
	v2 =	vshll.u32 v2, $0x7;
	v4 =	vand.u32 $0xFFFF0000, v63;
	v5 =	vand.u32 $0xFFFFFC00, v5  }
0x3b: {  	s14 =	sor.u32 $0x200, s14;
	s15 =	sand.u32 $0x100, s31;
	(ifvalue) =	ssetifvalue $0x7FFFFFFF;
	v2 =	vand.u32 $0x380, v2;
	v4 =	vadd.s32 v4, v5  }
0x3c: {  	[tilespmem:s14], [sflag:$0x1] =	stream.indirect_vreg.gather [hbm4b:s4+s10], $0x1, v1, vm0, $0x4038;
	v1 =	vand.u32 $0x7F, v3;
	v3 =	vor.u32 v2, v4;
	[tilespmem:$0x400] =	vst v63  }
0x3d: {  	s16 =	simm.s32 $0x20;
	s15 =	sor.u32 $0x200, s15;
	s17 =	sadd.s32 $0x10, s17;
	v2 =	vshrl.u32 v0, $0x4;
	v1 =	vor.u32 v1, v3  }
.LBB2_3:
0x3e: {  	s16 =	sadd.s32 $0x10, s16;
	vm1 =	veq.s32 v0, $0x80000000;
	v3 =	vand.u32 $0xF, v0;
	v0 =	vld.msk [tilespmem:s17+$0x0 ss:$0x1], $0xffff;
	v2 =	vand.u32 $0x1FFF, v2  }
0x3f: {  	p1 =	slt.u32 s16, $0xF0;
	v3 =	vsel vm1, $0xFFFFFFFF, v3;
	v2 =	vsel vm1, $0xFFFFFFFF, v2  }
.Ltmp3:
0x40: {  	v4 =	vshll.u32 v3, $0xD;
	v5 =	vshll.u32 v2, $0x3;
	(pc) =	sbr.rel @p1 .LBB2_3-.Ltmp3, $4  }
0x41: {  	s14 =	sadd.s32 $0x10, s14;
	v3 =	vshll.u32 v3, $0x7;
	v4 =	vand.u32 $0xFFFF0000, v4;
	v5 =	vand.u32 $0xFFFFFC00, v5;
	(ifvalue) =	ssetifvalue $0x7FFFFFFF  }
0x42: {  	v3 =	vand.u32 $0x380, v3;
	v4 =	vadd.s32 v4, v5;
	[tilespmem:s14], [sflag:$0x1] =	stream.indirect_vreg.gather [hbm4b:s4+s10], $0x1, v1, vm0, $0x4038;
	[tilespmem:$0x400] =	vst v63  }
0x43: {  	v1 =	vand.u32 $0x7F, v2;
	v3 =	vor.u32 v3, v4  }
0x44: {  	s17 =	sadd.s32 $0x10, s17;
	v2 =	vshrl.u32 v0, $0x4;
	v1 =	vor.u32 v1, v3  }
.Ltmp4:
0x45: {  	_ = 	snop;
	(pc) =	sbr.rel .LBB2_4-.Ltmp4, $1  }
0x46: {  	_ =	sdelay $0x3  }
.LBB2_6:
0x47: {  	_ =	sfence.sel $0x180000  }
0x48: {  	s2 =	simm.s32 $0x2;
	[bflag:$0x0] =	sbarrier.arrive $0xFFFF  }
0x49: {  	s30 =	simm.s32 $0x3;
	[sflag:s2] =	ssyncpa.u1 $0x1  }
0x4a: {  	s31 =	simm.s32 $0x1;
	[sflag:s30] =	ssyncpa.u1 $0x1  }
0x4b: {  	[sflag:s31] =	ssyncpa.u1 $0x1  }
0x4c: {  	p0 =	sne.s32 s0, $0x0;
	_ =	strace $0x9000004A  }
0x4d: {  	s0 =	sadd.s32 @!p0 $0x100000, s1;
	[bflag:$0x2] =	sbarrier.arrive $0xFFFF  }
0x4e: {  	[sflag:s0] =	ssyncadd.tile.s32 @!p0 $0x1;
	_ =	shalt  }
.Lfunc_end2:
_tile_overlayer_lowered:
.L_overlay_start_2:
0x4f: {  	(tag) =	ssettag $0x2  }
0x50: {  	s0 =	rddreg [dreg:$0x0];
	s2 =	stileid.u32  }
0x51: {  	s1 =	rddreg [dreg:$0x1];
	p0 =	sne.s32 s2, $0x0  }
0x52: {  	s3 =	rddreg [dreg:$0x2];
	[bflag:$0x3] =	sbarrier.arrive $0xFFFF;
	s2 =	simm.s32 @!p0 $0x1C01  }
0x53: {  	[timem:s3], [sflag:s2] =	dma.local @!p0 [hbm:s0], s1  }
0x54: {  	s0 =	simm.s32 @!p0 $0x1  }
0x55: {  	_ =	swait.ge @!p0 [sflag:s0], s1  }
0x56: {  	s1 =	ssub.s32 @!p0 $0x0, s1;
	[sflag:s0] =	ssyncset.done @!p0 $0x0  }
0x57: {  	[sflag:s0] =	ssyncadd.s32 @!p0 s1  }
0x58: {  	[bflag:$0x3] =	sbarrier.arrive $0xFFFF  }
0x59: {  	_ =	shalt  }

// kernel: gather_offload_async_start
scs
__scs_entry_jumppad:
0x0: {  	(pc) =	sbr.rel $0x88, $3  }
0x1: {  	(tag) =	ssettag $0x0;
	lr =	simm.s32 $0x1  }
0x2: {  	[smem:$0x3F9A] =	sst lr;
	_ =	strace $0xD0000000  }
0x3: {  	_ = 	snop  }
0x4: {  	_ = 	snop  }
0x5: {  	_ = 	snop  }
0x6: {  	_ = 	snop  }
0x7: {  	_ = 	snop  }
__scs_overlays_trampoline_lowered:
0x8: {  	[smem:$0x3FA9] =	sst s0  }
0x9: {  	[smem:$0x3FAA] =	sst s1  }
0xa: {  	[smem:$0x3FAB] =	sst s2  }
0xb: {  	[smem:$0x3FAC] =	sst s3  }
0xc: {  	[smem:$0x3FAD] =	sst s4  }
0xd: {  	[smem:$0x3FAE] =	sst s5  }
0xe: {  	[smem:$0x3FAF] =	sst s6  }
0xf: {  	[smem:$0x3FB0] =	sst s7  }
0x10: {  	[smem:$0x3FB1] =	sst s8  }
0x11: {  	[smem:$0x3FB2] =	sst s9;
	s0 =	simm.s32 @!p0 $0x0  }
0x12: {  	s1 =	sld [smem:$0x3F98];
	s0 =	simm.s32 @p0 $0x1  }
0x13: {  	[smem:$0x3FB3] =	sst s0;
	s0 =	simm.s32 @!p1 $0x0  }
0x14: {  	s2 =	sld [smem:$0x3F97];
	s0 =	simm.s32 @p1 $0x1  }
0x15: {  	[smem:$0x3FB4] =	sst s0;
	s0 =	simm.s32 @!p2 $0x0  }
0x16: {  	s3 =	sld [smem:$0x3FDB];
	s0 =	simm.s32 @p2 $0x1  }
0x17: {  	s4 =	simm.s32 $0x1BF5;
	[smem:$0x3FB6] =	sst s0  }
0x18: {  	s0 =	sld [smem:$0x3F99];
	_ =	swait.ge [sflag:s4], $0x0  }
0x19: {  	s7 =	sld [smem:$0x3F9A]  }
0x1a: {  	s8 =	sadd.s32 $0xFFFFE003, lr  }
0x1b: {  	s9 =	sadd.s32 $0xFFFFFEF7, lr;
	s5 =	simm.s32 $0xFFFFFFFF;
	p2 =	slt.u32 s8, $0xFFFFF086  }
0x1c: {  	p1 =	slt.u32 s9, $0xF7A;
	s5 =	simm.s32 @!p2 $0x0  }
0x1d: {  	s5 =	simm.s32 @p1 $0x1;
	p0 =	seq.s32 s7, s2  }
0x1e: {  	s7 =	smul.u32 @!p0 $0xF7A, s2;
	p2 =	seq.s32 @!p0 s5, $0x0  }
0x1f: {  	s9 =	smul.u32 $0xF7A, s1;
	s8 =	simm.s32 @!p0 $0x1BF5;
	p2 =	por !p2, p0  }
0x20: {  	[sflag:s8] =	ssyncset.s32 @!p0 $0xFFFFF086;
	s6 =	sadd.s32 @!p0 s3, s7;
	s7 =	simm.s32 @!p0 $0x108  }
0x21: {  	s3 =	sadd.s32 s3, s9;
	s6 =	sadd.s32 @!p0 $0x88, s6;
	s7 =	simm.s32 @p2 $0x1082  }
0x22: {  	[simem:s7], [sflag:s8] =	dma.local @!p0 [hbm:s6], $0xF7A  }
0x23: {  	s9 =	sor.u32 $0xD0000000, s2;
	s6 =	simm.s32 $0x108;
	_ =	swait.ge @!p0 [sflag:s8], $0x0  }
0x24: {  	s3 =	sadd.s32 $0x88, s3;
	s6 =	simm.s32 @!p1 $0x1082;
	[sflag:s4] =	ssyncset.s32 $0xFFFFF086  }
0x25: {  	[simem:s6], [sflag:s4] =	dma.local [hbm:s3], $0xF7A  }
0x26: {  	[smem:$0x3F9A] =	sst s1;
	(tag) =	ssettag s2;
	_ =	strace s9  }
0x27: {  	s1 =	sld [smem:$0x3FAA]  }
0x28: {  	s2 =	sld [smem:$0x3FAB]  }
0x29: {  	s4 =	sld [smem:$0x3FAD]  }
0x2a: {  	p0 =	seq.s32 s5, $0x0;
	s5 =	sld [smem:$0x3FAE]  }
0x2b: {  	s6 =	sld [smem:$0x3FAF]  }
0x2c: {  	s7 =	sld [smem:$0x3FB0]  }
0x2d: {  	s3 =	simm.s32 $0x108;
	s8 =	sld [smem:$0x3FB1]  }
0x2e: {  	s3 =	simm.s32 @!p0 $0x1082;
	s9 =	sld [smem:$0x3FB2]  }
0x2f: {  	lr =	sadd.s32 s0, s3;
	s0 =	sld [smem:$0x3FA9]  }
0x30: {  	s3 =	sld [smem:$0x3FAC]  }
0x31: {  	[smem:$0x3FB5] =	sst s10  }
0x32: {  	s10 =	sld [smem:$0x3FB3];
	_ =	sdelay $0x3  }
0x33: {  	p0 =	seq.s32 s10, $0x1;
	s10 =	sld [smem:$0x3FB5];
	_ =	sdelay $0x3  }
0x34: {  	[smem:$0x3FB5] =	sst s10  }
0x35: {  	s10 =	sld [smem:$0x3FB4];
	_ =	sdelay $0x3  }
0x36: {  	p1 =	seq.s32 s10, $0x1;
	s10 =	sld [smem:$0x3FB5];
	_ =	sdelay $0x3  }
0x37: {  	[smem:$0x3FB5] =	sst s10  }
0x38: {  	s10 =	sld [smem:$0x3FB6]  }
0x39: {  	_ = 	snop;
	(pc) =	sbr.ind lr, $3  }
0x3a: {  	_ = 	snop  }
0x3b: {  	_ = 	snop  }
0x3c: {  	p2 =	seq.s32 s10, $0x1;
	s10 =	sld [smem:$0x3FB5]  }
0x3d: {  	_ =	shalt  }
0x3e: {  	_ =	shalt  }
0x3f: {  	_ =	shalt  }
0x40: {  	_ =	shalt  }
0x41: {  	_ =	shalt  }
0x42: {  	_ =	shalt  }
0x43: {  	_ =	shalt  }
0x44: {  	_ =	shalt  }
0x45: {  	_ =	shalt  }
0x46: {  	_ =	shalt  }
0x47: {  	_ =	shalt  }
0x48: {  	_ =	shalt  }
0x49: {  	_ =	shalt  }
0x4a: {  	_ =	shalt  }
0x4b: {  	_ =	shalt  }
0x4c: {  	_ =	shalt  }
0x4d: {  	_ =	shalt  }
0x4e: {  	_ =	shalt  }
0x4f: {  	_ =	shalt  }
0x50: {  	_ =	shalt  }
0x51: {  	_ =	shalt  }
0x52: {  	_ =	shalt  }
0x53: {  	_ =	shalt  }
0x54: {  	_ =	shalt  }
0x55: {  	_ =	shalt  }
0x56: {  	_ =	shalt  }
0x57: {  	_ =	shalt  }
0x58: {  	_ =	shalt  }
0x59: {  	_ =	shalt  }
0x5a: {  	_ =	shalt  }
0x5b: {  	_ =	shalt  }
0x5c: {  	_ =	shalt  }
0x5d: {  	_ =	shalt  }
0x5e: {  	_ =	shalt  }
0x5f: {  	_ =	shalt  }
0x60: {  	_ =	shalt  }
0x61: {  	_ =	shalt  }
0x62: {  	_ =	shalt  }
0x63: {  	_ =	shalt  }
0x64: {  	_ =	shalt  }
0x65: {  	_ =	shalt  }
0x66: {  	_ =	shalt  }
0x67: {  	_ =	shalt  }
0x68: {  	_ =	shalt  }
0x69: {  	_ =	shalt  }
0x6a: {  	_ =	shalt  }
0x6b: {  	_ =	shalt  }
0x6c: {  	_ =	shalt  }
0x6d: {  	_ =	shalt  }
0x6e: {  	_ =	shalt  }
0x6f: {  	_ =	shalt  }
0x70: {  	_ =	shalt  }
0x71: {  	_ =	shalt  }
0x72: {  	_ =	shalt  }
0x73: {  	_ =	shalt  }
0x74: {  	_ =	shalt  }
0x75: {  	_ =	shalt  }
0x76: {  	_ =	shalt  }
0x77: {  	_ =	shalt  }
0x78: {  	_ =	shalt  }
0x79: {  	_ =	shalt  }
0x7a: {  	_ =	shalt  }
0x7b: {  	_ =	shalt  }
0x7c: {  	_ =	shalt  }
0x7d: {  	_ =	shalt  }
0x7e: {  	_ =	shalt  }
0x7f: {  	_ =	shalt  }
0x80: {  	_ =	shalt  }
0x81: {  	_ =	shalt  }
0x82: {  	_ =	shalt  }
0x83: {  	_ =	shalt  }
0x84: {  	_ =	shalt  }
0x85: {  	_ =	shalt  }
0x86: {  	_ =	shalt  }
0x87: {  	_ =	shalt  }
.Lfunc_end0:
.L_simem_size_0:
called_computation_lowered:
.L_overlay_start_0:
0x88: {  	s2 =	sld [smem:$0x3FD9]  }
0x89: {  	s3 =	sld [smem:$0x3FFE];
	_ =	sdelay $0x1  }
0x8a: {  	s1 =	srdreg.scid  }
0x8b: {  	s0 =	sand.u32 $0x1, s1  }
0x8c: {  	s15 =	sshll.u32 s0, $0xA;
	s2 =	sadd.s32 s3, s2  }
0x8d: {  	s2 =	sadd.s32 s2, s15  }
0x8e: {  	[smem:$0x3FC1] =	sst s2  }
0x8f: {  	_ = 	snop  }
0x90: {  	s2 =	sld [smem:$0x3FD0];
	_ =	sdelay $0x2  }
0x91: {  	s4 =	simm.s32 $0xA;
	s5 =	simm.s32 $0x10;
	s16 =	sld [smem:$0x3FC8]  }
0x92: {  	[smem:s5], [sflag:s4] =	dma.local [hbm:s2], $0x1  }
0x93: {  	_ =	swait.eq [sflag:s4], $0x1  }
0x94: {  	[sflag:s4] =	ssyncset.done $0x0  }
0x95: {  	s17 =	sld [smem:$0x11];
	[sflag:s4] =	ssyncadd.s32 $0xFFFFFFFF  }
0x96: {  	s18 =	sld [smem:$0x12];
	(tm) =	ssettm $0x1  }
0x97: {  	s19 =	sld [smem:$0x3FFB];
	_ =	sdelay $0x3  }
0x98: {  	_ =	strace s19  }
0x99: {  	s5 =	sld [smem:$0x3FFC];
	_ =	sdelay $0x3  }
0x9a: {  	_ =	strace s5  }
0x9b: {  	s5 =	sld [smem:$0x3FFD];
	_ =	sdelay $0x3  }
0x9c: {  	_ =	strace s5  }
0x9d: {  	_ =	strace $0x8FFFFFFF  }
0x9e: {  	s20 =	sld [smem:$0x3FDB];
	_ =	sdelay $0x1  }
0x9f: {  	s6 =	simm.s32 $_scs_section_size  }
0xa0: {  	s7 =	simm.s32 $_size__tile_overlayer_lowered;
	s8 =	simm.s32 $_tile_overlayer_lowered  }
0xa1: {  	s23 =	simm.s32 $0x1BFF;
	s22 =	sshll.u32 s8, $0x1;
	s5 =	sadd.s32 s6, s20  }
0xa2: {  	s9 =	simm.s32 $0x0;
	s21 =	sshll.u32 s7, $0x1;
	s7 =	sadd.s32 s22, s5  }
0xa3: {  	[timem:s9], [sflag:s23] =	dma.local [hbm:s7], s21  }
0xa4: {  	_ =	swait.ge [sflag:s23], s21  }
0xa5: {  	s6 =	ssub.s32 $0x0, s21;
	[sflag:s23] =	ssyncset.done $0x0  }
0xa6: {  	[sflag:s23] =	ssyncadd.s32 s6;
	_ =	sdelay $0x1  }
0xa7: {  	s24 =	simm.s32 $0x1B8B  }
0xa8: {  	_ =	swait.ge [sflag:s24], $0x1  }
0xa9: {  	[sflag:s24] =	ssyncset.done $0x0  }
0xaa: {  	s25 =	simm.s32 $0x1B8E;
	[sflag:s24] =	ssyncadd.s32 $0xFFFFFFFF  }
0xab: {  	s26 =	simm.s32 $execute0_lowered;
	[smem:$0x3FD2] =	sst s25  }
0xac: {  	s6 =	sshll.u32 s26, $0x1;
	_ =	strace $0x8000004C;
	[dreg:$0x1] =	wrdreg $0xFFFFFFFF  }
0xad: {  	s28 =	simm.s32 $_size_execute0_lowered;
	s5 =	sadd.s32 s5, s6;
	[dreg:$0x0] =	wrdreg $0x0  }
0xae: {  	s6 =	sshll.u32 s28, $0x1;
	[dreg:$0x2] =	wrdreg s5  }
0xaf: {  	[dreg:$0x3] =	wrdreg s6  }
0xb0: {  	[dreg:$0x4] =	wrdreg $0xC0  }
0xb1: {  	_ =	task [dreg:s9], $0x5FFFF  }
0xb2: {  	[dreg:$0x1] =	wrdreg $0xFFFFFFFF  }
0xb3: {  	[dreg:$0x0] =	wrdreg $0x60  }
0xb4: {  	[dreg:$0x2] =	wrdreg s16  }
0xb5: {  	[dreg:$0x3] =	wrdreg s18  }
0xb6: {  	[dreg:$0x4] =	wrdreg s17  }
0xb7: {  	[dreg:$0x5] =	wrdreg $0x9  }
0xb8: {  	_ =	task.clear_ibuf [dreg:s9], $0x6FFFF;
	_ =	strace $0x9000004C  }
0xb9: {  	s29 =	simm.s32 $0x9;
	_ =	strace $0x8000004E  }
0xba: {  	_ =	swait.ge [sflag:s29], $0x1  }
0xbb: {  	[sflag:s29] =	ssyncadd.s32 $0xFFFFFFFF  }
0xbc: {  	_ =	strace $0x9000004E  }
0xbd: {  	_ =	sfence  }
0xbe: {  	s30 =	sld [smem:$0x0];
	_ =	sdelay $0x2  }
0xbf: {  	s31 =	sshll.u32 s1, $0xD;
	s1 =	sshrl.u32 s1, $0x2  }
0xc0: {  	s3 =	sand.u32 $0x4000, s31;
	s1 =	sadd.s32 s1, s30  }
0xc1: {  	s0 =	sor.u32 s3, s0;
	s1 =	sshll.u32 s1, $0x11  }
0xc2: {  	s0 =	sor.u32 s1, s0  }
0xc3: {  	s0 =	sadd.s32 $0x8F2B, s0  }
0xc4: {  	[sflag:s0] =	ssyncadd.remote.s32 $0x1  }
0xc5: {  	_ =	sfence.sel $0xFFFF  }
0xc6: {  	[dreg:$0x0] =	wrdreg $0xFFFFFFFF;
	(pc) =	sbr.abs _section_cstart, $3  }
0xc7: {  	[dreg:$0x1] =	wrdreg $0xFFFFFFFF  }
0xc8: {  	_ =	task.clear_ibuf [dreg:s9], $0x2FFFF;
	_ =	strace $0x9FFFFFFF  }
0xc9: {  	(tm) =	ssettm $0x7FFFFFFF  }
tec
execute0_lowered:
.L_overlay_start_1:
0x0: {  	(tag) =	ssettag $0x1  }
0x1: {  	s2 =	rddreg [dreg:$0x0]  }
0x2: {  	s3 =	rddreg [dreg:$0x1]  }
0x3: {  	s4 =	rddreg [dreg:$0x2]  }
0x4: {  	s0 =	rddreg [dreg:$0x3];
	_ =	strace $0x8000004D  }
0x5: {  	s1 =	simm.s32 $0x1;
	s5 =	srdreg.scid;
	s9 =	simm.s32 $0x4  }
0x6: {  	s13 =	simm.s32 $0x0;
	[sflag:s1] =	ssyncpa.u1 $0x0;
	s5 =	sshll.u32 s5, $0x4  }
.Ltmp0:
0x7: {  	s1 =	stileid.u32;
	s6 =	sand.u32 $0x10, s5;
	(pc) =	sbr.rel .LBB2_1-.Ltmp0, $4  }
0x8: {  	s10 =	simm.s32 $0x0;
	s5 =	simm.s32 $0x2;
	s7 =	sor.u32 s1, s6  }
0x9: {  	[sflag:s5] =	ssyncpa.u1 $0x0;
	s6 =	simm.s32 $0x3;
	s7 =	sshll.u32 s7, $0x9  }
0xa: {  	s11 =	simm.s32 $0x0;
	[sflag:s6] =	ssyncpa.u1 $0x0;
	s8 =	sadd.s32 $0x200, s7  }
0xb: {  	v0 =	vlaneseq.u32;
	vm0 =	vmmov $0xffff;
	[sflag:s9] =	ssyncpa.u1 $0x0;
	s9 =	simm.s32 $0x0;
	s12 =	smov.u32 s7  }
.LBB2_3:
0xc: {  	s13 =	sshrl.u32 s12, $0x3  }
0xd: {  	s14 =	sand.u32 $0x7, s12;
	s13 =	sadd.s32 s3, s13  }
0xe: {  	[tilespmem:s9], [sflag:$0x2] =	stream.linear.gather [hbm4b:s13+s14], $0x200, $0x38;
	[tilespmem:$0xB00] =	vst v63  }
.LBB2_8:
0xf: {  	s14 =	sadd.s32 $0x200, s12  }
0x10: {  	s15 =	smov.u32 s7;
	p0 =	slt.s32 s14, s8  }
0x11: {  	s13 =	smov.u32 s10;
	s15 =	smov.u32 @p0 s14  }
0x12: {  	s10 =	smov.u32 s12;
	s11 =	sadd.s32 $0x1, s11;
	s12 =	smov.u32 s15  }
.LBB2_1:
0x13: {  	p0 =	sgt.s32 s11, $0x1  }
.Ltmp1:
0x14: {  	_ = 	snop;
	(pc) =	sbr.rel @p0 .LBB2_9-.Ltmp1, $1  }
0x15: {  	_ =	sdelay $0x3  }
0x16: {  	p0 =	seq.s32 s11, $0x0  }
.Ltmp2:
0x17: {  	_ = 	snop;
	(pc) =	sbr.rel @p0 .LBB2_3-.Ltmp2, $1  }
0x18: {  	_ =	sdelay $0x3  }
0x19: {  	_ =	swait.ge [sflag:s5], $0x200  }
0x1a: {  	s15 =	simm.s32 $0x0;
	[sflag:s5] =	ssyncset.done $0x0  }
0x1b: {  	[sflag:s5] =	ssyncadd.s32 $0xFFFFFE00;
	(ifvalue) =	ssetifvalue $0x7FFFFFFF;
	v1 =	vld.msk [tilespmem:s15+$0x0 ss:$0x1], $0xffff;
	_ =	sdelay $0x3  }
0x1c: {  	s16 =	ssub.s32 $0x4000, s10  }
0x1d: {  	p0 =	slt.s32 s16, $0x200;
	v2 =	vshrl.u32 v1, $0x4  }
0x1e: {  	s13 =	simm.s32 $0x10;
	s16 =	simm.s32 @!p0 $0x200;
	vm1 =	veq.s32 v1, $0x80000000;
	v1 =	vand.u32 $0xF, v1;
	v2 =	vand.u32 $0x1FFF, v2  }
0x1f: {  	p0 =	sgt.s32 s16, $0x0;
	s14 =	smov.u32 s16;
	v3 =	vsel vm1, $0xFFFFFFFF, v1;
	v1 =	vsel vm1, $0xFFFFFFFF, v2;
	v2 =	vld.msk [tilespmem:s13+$0x0 ss:$0x1], $0xffff  }
0x20: {  	s14 =	simm.s32 @!p0 $0x0;
	v4 =	vshll.u32 v3, $0xD;
	v6 =	vshll.u32 v3, $0x7;
	v5 =	vshll.u32 v1, $0x3  }
0x21: {  	s14 =	smin.u32 s14, $0x10;
	v4 =	vand.u32 $0xFFFF0000, v4;
	v1 =	vshll.u32 v1, $0x2;
	v5 =	vand.u32 $0xFFFFFC00, v5  }
0x22: {  	v4 =	vadd.s32 v4, v5;
	v5 =	vand.u32 $0x200, v6;
	v6 =	vmov s14  }
0x23: {  	v1 =	vand.u32 $0x1FC, v1;
	v4 =	vor.u32 v5, v4;
	vm1 =	vgt.u32 v6, v0  }
0x24: {  	v1 =	vor.u32 v1, v4;
	vm2 =	veq.s32 v2, $0x80000000;
	v4 =	vshrl.u32 v2, $0x4  }
0x25: {  	v2 =	vand.u32 $0xF, v2;
	v1 =	vshrl.u32 v1, $0x2;
	v4 =	vand.u32 $0x1FFF, v4  }
0x26: {  	s16 =	sadd.s32 $0xFFFFFFF0, s16;
	s14 =	simm.s32 $0x20;
	v5 =	vnsel vm1, $0x7FFFFFFF, v1;
	v1 =	vsel vm2, $0xFFFFFFFF, v2;
	v2 =	vsel vm2, $0xFFFFFFFF, v4  }
0x27: {  	p0 =	sgt.s32 s16, $0x0;
	s17 =	smov.u32 s16;
	v3 =	vand.u32 $0x3, v3;
	v4 =	vld.msk [tilespmem:s14+$0x0 ss:$0x1], $0xffff;
	v6 =	vshll.u32 v1, $0xD;
	v7 =	vshll.u32 v2, $0x3  }
0x28: {  	s17 =	simm.s32 @!p0 $0x0;
	v8 =	vshll.u32 v1, $0x7;
	v6 =	vand.u32 $0xFFFF0000, v6;
	v7 =	vand.u32 $0xFFFFFC00, v7  }
0x29: {  	s17 =	smin.u32 s17, $0x10;
	v2 =	vshll.u32 v2, $0x2;
	v6 =	vadd.s32 v6, v7;
	v7 =	vand.u32 $0x200, v8  }
0x2a: {  	[tilespmem:s15+$0x0] =	vst v3;
	v3 =	vmov s17;
	v2 =	vand.u32 $0x1FC, v2;
	v6 =	vor.u32 v7, v6  }
0x2b: {  	s15 =	simm.s32 $0x600;
	(ifvalue) =	ssetifvalue $0x7FFFFFFF;
	vm2 =	vgt.u32 v3, v0;
	v2 =	vor.u32 v2, v6  }
0x2c: {  	[tilespmem:s15], [sflag:$0x3] =	stream.indirect_vreg.gather [hbm4b:s2+s9], $0x1, v5, vm0, $0x4038;
	vm1 =	veq.s32 v4, $0x80000000;
	v5 =	vshrl.u32 v4, $0x4;
	v2 =	vshrl.u32 v2, $0x2;
	[tilespmem:$0xB00] =	vst v63  }
0x2d: {  	s18 =	simm.s32 $0x30;
	s17 =	simm.s32 $0x20;
	v3 =	vand.u32 $0xF, v4;
	v4 =	vand.u32 $0x1FFF, v5;
	v2 =	vnsel vm2, $0x7FFFFFFF, v2  }
.LBB2_5:
0x2e: {  	v5 =	vld.msk [tilespmem:s18+$0x0 ss:$0x1], $0xffff;
	s17 =	sadd.s32 $0x10, s17;
	v3 =	vsel vm1, $0xFFFFFFFF, v3;
	v4 =	vsel vm1, $0xFFFFFFFF, v4;
	s16 =	sadd.s32 $0xFFFFFFF0, s16  }
0x2f: {  	v8 =	vand.u32 $0x3, v1;
	p0 =	slt.u32 s17, $0x1F0;
	p1 =	sgt.s32 s16, $0x0;
	v6 =	vshll.u32 v3, $0xD;
	v7 =	vshll.u32 v4, $0x3;
	v1 =	vmovc v3;
	s19 =	smov.u32 s16  }
0x30: {  	s15 =	sadd.s32 $0x10, s15;
	s19 =	simm.s32 @!p1 $0x0;
	v3 =	vand.u32 $0xFFFF0000, v6;
	v6 =	vand.u32 $0xFFFFFC00, v7;
	v7 =	vshll.u32 v1, $0x7  }
.Ltmp3:
0x31: {  	v4 =	vshll.u32 v4, $0x2;
	s19 =	smin.u32 s19, $0x10;
	v3 =	vadd.s32 v3, v6;
	v6 =	vand.u32 $0x200, v7;
	[tilespmem:s13+$0x0] =	vst v8;
	(ifvalue) =	ssetifvalue $0x7FFFFFFF;
	(pc) =	sbr.rel @p0 .LBB2_5-.Ltmp3, $4  }
0x32: {  	v4 =	vand.u32 $0x1FC, v4;
	v7 =	vmov s19;
	v3 =	vor.u32 v6, v3;
	[tilespmem:s15], [sflag:$0x3] =	stream.indirect_vreg.gather [hbm4b:s2+s9], $0x1, v2, vm0, $0x4038;
	[tilespmem:$0xB00] =	vst v63  }
0x33: {  	s13 =	smov.u32 s14;
	s14 =	smov.u32 s18;
	vm2 =	vgt.u32 v7, v0;
	v2 =	vor.u32 v4, v3  }
0x34: {  	vm1 =	veq.s32 v5, $0x80000000;
	v4 =	vshrl.u32 v5, $0x4;
	v2 =	vshrl.u32 v2, $0x2  }
0x35: {  	s18 =	sadd.s32 $0x10, s18;
	v3 =	vand.u32 $0xF, v5;
	v4 =	vand.u32 $0x1FFF, v4;
	v2 =	vnsel vm2, $0x7FFFFFFF, v2  }
0x36: {  	v3 =	vsel vm1, $0xFFFFFFFF, v3;
	v4 =	vsel vm1, $0xFFFFFFFF, v4  }
0x37: {  	s16 =	sadd.s32 $0xFFFFFFF0, s16;
	v5 =	vshll.u32 v3, $0xD;
	v6 =	vshll.u32 v4, $0x3  }
0x38: {  	p0 =	sgt.s32 s16, $0x0;
	v7 =	vshll.u32 v3, $0x7;
	v5 =	vand.u32 $0xFFFF0000, v5;
	v6 =	vand.u32 $0xFFFFFC00, v6  }
0x39: {  	v4 =	vshll.u32 v4, $0x2;
	s16 =	simm.s32 @!p0 $0x0;
	v62 =	vand.u32 $0x200, v7;
	v5 =	vadd.s32 v5, v6  }
0x3a: {  	v4 =	vand.u32 $0x1FC, v4;
	s16 =	smin.u32 s16, $0x10;
	v5 =	vor.u32 v62, v5  }
0x3b: {  	v63 =	vmov s16;
	v4 =	vor.u32 v4, v5  }
0x3c: {  	vm1 =	vgt.u32 v63, v0;
	v4 =	vshrl.u32 v4, $0x2  }
0x3d: {  	v4 =	vnsel vm1, $0x7FFFFFFF, v4  }
.Ltmp4:
0x3e: {  	v1 =	vand.u32 $0x3, v1;
	(pc) =	sbr.rel .LBB2_8-.Ltmp4, $4  }
0x3f: {  	s31 =	sadd.s32 $0x10, s15;
	[tilespmem:s13+$0x0] =	vst v1;
	(ifvalue) =	ssetifvalue $0x7FFFFFFF  }
0x40: {  	v1 =	vand.u32 $0x3, v3;
	[tilespmem:s31], [sflag:$0x3] =	stream.indirect_vreg.gather [hbm4b:s2+s9], $0x1, v2, vm0, $0x4038;
	[tilespmem:$0xB00] =	vst v63  }
0x41: {  	s13 =	sadd.s32 $0x10, s31;
	[tilespmem:s14+$0x0] =	vst v1;
	(ifvalue) =	ssetifvalue $0x7FFFFFFF  }
0x42: {  	[tilespmem:s13], [sflag:$0x3] =	stream.indirect_vreg.gather [hbm4b:s2+s9], $0x1, v4, vm0, $0x4038;
	[tilespmem:$0xB00] =	vst v63  }
.LBB2_9:
0x43: {  	p0 =	seq.s32 s11, $0x2  }
.Ltmp5:
0x44: {  	_ = 	snop;
	(pc) =	sbr.rel @!p0 .LBB2_10-.Ltmp5, $1  }
0x45: {  	_ =	sdelay $0x3  }
0x46: {  	_ =	swait.ge [sflag:s6], $0x200  }
0x47: {  	s16 =	sand.u32 $0x1, s11;
	[sflag:s6] =	ssyncset.done $0x0  }
0x48: {  	s15 =	sshll.u32 s11, $0xB;
	s14 =	sshll.u32 s16, $0x9;
	[sflag:s6] =	ssyncadd.s32 $0xFFFFFE00  }
0x49: {  	s15 =	sshra.s32 s15, $0x2;
	v1 =	vld [tilespmem:s14+$0x600]  }
0x4a: {  	v2 =	vld [tilespmem:s15+$0xFFFFFC00]  }
0x4b: {  	v3 =	vld [tilespmem:s14+$0x680]  }
0x4c: {  	v4 =	vld [tilespmem:s15+$0xFFFFFC80]  }
0x4d: {  	v5 =	vld [tilespmem:s15+$0xFFFFFD00]  }
0x4e: {  	v6 =	vld [tilespmem:s14+$0x700]  }
0x4f: {  	v7 =	vld [tilespmem:s15+$0xFFFFFD80];
	_ =	sdelay $0x1  }
0x50: {  	v8 =	vld [tilespmem:s14+$0x780]  }
0x51: {  	v2 =	vshll.u32 v2, $0x3;
	v4 =	vshll.u32 v4, $0x3  }
0x52: {  	v1 =	vshrl.u32 v1, v2;
	v2 =	vshrl.u32 v3, v4;
	v3 =	vshll.u32 v5, $0x3  }
0x53: {  	v21 =	vshll.u32 v7, $0x3;
	v2 =	vshll.u32 v2, $0x8;
	v3 =	vshrl.u32 v6, v3  }
0x54: {  	v1 =	vand.u32 $0xFF, v1;
	v2 =	vand.u32 $0xFF00, v2;
	v3 =	vshll.u32 v3, $0x10  }
0x55: {  	v1 =	vor.u32 v1, v2;
	v2 =	vand.u32 $0xFF0000, v3;
	v3 =	vshrl.u32 v8, v21  }
0x56: {  	v1 =	vor.u32 v2, v1;
	v2 =	vshll.u32 v3, $0x18  }
0x57: {  	s16 =	sshll.u32 s16, $0x7;
	v1 =	vor.u32 v2, v1  }
0x58: {  	[tilespmem:s16+$0xA00] =	vst v1  }
0x59: {  	v1 =	vld [tilespmem:s14+$0x610]  }
0x5a: {  	v2 =	vld [tilespmem:s15+$0xFFFFFC10]  }
0x5b: {  	v3 =	vld [tilespmem:s14+$0x690]  }
0x5c: {  	v22 =	vld [tilespmem:s15+$0xFFFFFC90]  }
0x5d: {  	v23 =	vld [tilespmem:s15+$0xFFFFFD10]  }
0x5e: {  	v24 =	vld [tilespmem:s14+$0x710]  }
0x5f: {  	v25 =	vld [tilespmem:s15+$0xFFFFFD90];
	_ =	sdelay $0x1  }
0x60: {  	v26 =	vld [tilespmem:s14+$0x790]  }
0x61: {  	v2 =	vshll.u32 v2, $0x3;
	v4 =	vshll.u32 v22, $0x3  }
0x62: {  	v1 =	vshrl.u32 v1, v2;
	v2 =	vshrl.u32 v3, v4;
	v3 =	vshll.u32 v23, $0x3  }
0x63: {  	v27 =	vshll.u32 v25, $0x3;
	v2 =	vshll.u32 v2, $0x8;
	v3 =	vshrl.u32 v24, v3  }
0x64: {  	v1 =	vand.u32 $0xFF, v1;
	v2 =	vand.u32 $0xFF00, v2;
	v3 =	vshll.u32 v3, $0x10  }
0x65: {  	v1 =	vor.u32 v1, v2;
	v2 =	vand.u32 $0xFF0000, v3;
	v3 =	vshrl.u32 v26, v27  }
0x66: {  	v1 =	vor.u32 v2, v1;
	v2 =	vshll.u32 v3, $0x18  }
0x67: {  	v1 =	vor.u32 v2, v1  }
0x68: {  	[tilespmem:s16+$0xA10] =	vst v1  }
0x69: {  	v1 =	vld [tilespmem:s14+$0x620]  }
0x6a: {  	v2 =	vld [tilespmem:s15+$0xFFFFFC20]  }
0x6b: {  	v3 =	vld [tilespmem:s14+$0x6A0]  }
0x6c: {  	v28 =	vld [tilespmem:s15+$0xFFFFFCA0]  }
0x6d: {  	v29 =	vld [tilespmem:s15+$0xFFFFFD20]  }
0x6e: {  	v30 =	vld [tilespmem:s14+$0x720]  }
0x6f: {  	v31 =	vld [tilespmem:s15+$0xFFFFFDA0];
	_ =	sdelay $0x1  }
0x70: {  	v32 =	vld [tilespmem:s14+$0x7A0]  }
0x71: {  	v2 =	vshll.u32 v2, $0x3;
	v4 =	vshll.u32 v28, $0x3  }
0x72: {  	v1 =	vshrl.u32 v1, v2;
	v2 =	vshrl.u32 v3, v4;
	v3 =	vshll.u32 v29, $0x3  }
0x73: {  	v33 =	vshll.u32 v31, $0x3;
	v2 =	vshll.u32 v2, $0x8;
	v3 =	vshrl.u32 v30, v3  }
0x74: {  	v1 =	vand.u32 $0xFF, v1;
	v2 =	vand.u32 $0xFF00, v2;
	v3 =	vshll.u32 v3, $0x10  }
0x75: {  	v1 =	vor.u32 v1, v2;
	v2 =	vand.u32 $0xFF0000, v3;
	v3 =	vshrl.u32 v32, v33  }
0x76: {  	v1 =	vor.u32 v2, v1;
	v2 =	vshll.u32 v3, $0x18  }
0x77: {  	v1 =	vor.u32 v2, v1  }
0x78: {  	[tilespmem:s16+$0xA20] =	vst v1  }
0x79: {  	v1 =	vld [tilespmem:s14+$0x630]  }
0x7a: {  	v2 =	vld [tilespmem:s15+$0xFFFFFC30]  }
0x7b: {  	v3 =	vld [tilespmem:s14+$0x6B0]  }
0x7c: {  	v34 =	vld [tilespmem:s15+$0xFFFFFCB0]  }
0x7d: {  	v35 =	vld [tilespmem:s15+$0xFFFFFD30]  }
0x7e: {  	v36 =	vld [tilespmem:s14+$0x730]  }
0x7f: {  	v37 =	vld [tilespmem:s15+$0xFFFFFDB0];
	_ =	sdelay $0x1  }
0x80: {  	v38 =	vld [tilespmem:s14+$0x7B0]  }
0x81: {  	v2 =	vshll.u32 v2, $0x3;
	v4 =	vshll.u32 v34, $0x3  }
0x82: {  	v1 =	vshrl.u32 v1, v2;
	v2 =	vshrl.u32 v3, v4;
	v3 =	vshll.u32 v35, $0x3  }
0x83: {  	v39 =	vshll.u32 v37, $0x3;
	v2 =	vshll.u32 v2, $0x8;
	v3 =	vshrl.u32 v36, v3  }
0x84: {  	v1 =	vand.u32 $0xFF, v1;
	v2 =	vand.u32 $0xFF00, v2;
	v3 =	vshll.u32 v3, $0x10  }
0x85: {  	v1 =	vor.u32 v1, v2;
	v2 =	vand.u32 $0xFF0000, v3;
	v3 =	vshrl.u32 v38, v39  }
0x86: {  	v1 =	vor.u32 v2, v1;
	v2 =	vshll.u32 v3, $0x18  }
0x87: {  	v1 =	vor.u32 v2, v1  }
0x88: {  	[tilespmem:s16+$0xA30] =	vst v1  }
0x89: {  	v1 =	vld [tilespmem:s14+$0x640]  }
0x8a: {  	v2 =	vld [tilespmem:s15+$0xFFFFFC40]  }
0x8b: {  	v3 =	vld [tilespmem:s14+$0x6C0]  }
0x8c: {  	v40 =	vld [tilespmem:s15+$0xFFFFFCC0]  }
0x8d: {  	v41 =	vld [tilespmem:s15+$0xFFFFFD40]  }
0x8e: {  	v42 =	vld [tilespmem:s14+$0x740]  }
0x8f: {  	v43 =	vld [tilespmem:s15+$0xFFFFFDC0];
	_ =	sdelay $0x1  }
0x90: {  	v44 =	vld [tilespmem:s14+$0x7C0]  }
0x91: {  	v2 =	vshll.u32 v2, $0x3;
	v4 =	vshll.u32 v40, $0x3  }
0x92: {  	v1 =	vshrl.u32 v1, v2;
	v2 =	vshrl.u32 v3, v4;
	v3 =	vshll.u32 v41, $0x3  }
0x93: {  	v45 =	vshll.u32 v43, $0x3;
	v2 =	vshll.u32 v2, $0x8;
	v3 =	vshrl.u32 v42, v3  }
0x94: {  	v1 =	vand.u32 $0xFF, v1;
	v2 =	vand.u32 $0xFF00, v2;
	v3 =	vshll.u32 v3, $0x10  }
0x95: {  	v1 =	vor.u32 v1, v2;
	v2 =	vand.u32 $0xFF0000, v3;
	v3 =	vshrl.u32 v44, v45  }
0x96: {  	v1 =	vor.u32 v2, v1;
	v2 =	vshll.u32 v3, $0x18  }
0x97: {  	v1 =	vor.u32 v2, v1  }
0x98: {  	[tilespmem:s16+$0xA40] =	vst v1  }
0x99: {  	v1 =	vld [tilespmem:s14+$0x650]  }
0x9a: {  	v2 =	vld [tilespmem:s15+$0xFFFFFC50]  }
0x9b: {  	v3 =	vld [tilespmem:s14+$0x6D0]  }
0x9c: {  	v46 =	vld [tilespmem:s15+$0xFFFFFCD0]  }
0x9d: {  	v47 =	vld [tilespmem:s15+$0xFFFFFD50]  }
0x9e: {  	v48 =	vld [tilespmem:s14+$0x750]  }
0x9f: {  	v49 =	vld [tilespmem:s15+$0xFFFFFDD0];
	_ =	sdelay $0x1  }
0xa0: {  	v50 =	vld [tilespmem:s14+$0x7D0]  }
0xa1: {  	v2 =	vshll.u32 v2, $0x3;
	v4 =	vshll.u32 v46, $0x3  }
0xa2: {  	v1 =	vshrl.u32 v1, v2;
	v2 =	vshrl.u32 v3, v4;
	v3 =	vshll.u32 v47, $0x3  }
0xa3: {  	v51 =	vshll.u32 v49, $0x3;
	v2 =	vshll.u32 v2, $0x8;
	v3 =	vshrl.u32 v48, v3  }
0xa4: {  	v1 =	vand.u32 $0xFF, v1;
	v2 =	vand.u32 $0xFF00, v2;
	v3 =	vshll.u32 v3, $0x10  }
0xa5: {  	v1 =	vor.u32 v1, v2;
	v2 =	vand.u32 $0xFF0000, v3;
	v3 =	vshrl.u32 v50, v51  }
0xa6: {  	v1 =	vor.u32 v2, v1;
	v2 =	vshll.u32 v3, $0x18  }
0xa7: {  	v1 =	vor.u32 v2, v1  }
0xa8: {  	[tilespmem:s16+$0xA50] =	vst v1  }
0xa9: {  	v1 =	vld [tilespmem:s14+$0x660]  }
0xaa: {  	v2 =	vld [tilespmem:s15+$0xFFFFFC60]  }
0xab: {  	v3 =	vld [tilespmem:s14+$0x6E0]  }
0xac: {  	v52 =	vld [tilespmem:s15+$0xFFFFFCE0]  }
0xad: {  	v53 =	vld [tilespmem:s15+$0xFFFFFD60]  }
0xae: {  	v54 =	vld [tilespmem:s14+$0x760]  }
0xaf: {  	v55 =	vld [tilespmem:s15+$0xFFFFFDE0];
	_ =	sdelay $0x1  }
0xb0: {  	v56 =	vld [tilespmem:s14+$0x7E0]  }
0xb1: {  	v2 =	vshll.u32 v2, $0x3;
	v4 =	vshll.u32 v52, $0x3  }
0xb2: {  	v1 =	vshrl.u32 v1, v2;
	v2 =	vshrl.u32 v3, v4;
	v3 =	vshll.u32 v53, $0x3  }
0xb3: {  	v57 =	vshll.u32 v55, $0x3;
	v2 =	vshll.u32 v2, $0x8;
	v3 =	vshrl.u32 v54, v3  }
0xb4: {  	v1 =	vand.u32 $0xFF, v1;
	v2 =	vand.u32 $0xFF00, v2;
	v3 =	vshll.u32 v3, $0x10  }
0xb5: {  	v1 =	vor.u32 v1, v2;
	v2 =	vand.u32 $0xFF0000, v3;
	v3 =	vshrl.u32 v56, v57  }
0xb6: {  	v1 =	vor.u32 v2, v1;
	v2 =	vshll.u32 v3, $0x18  }
0xb7: {  	v1 =	vor.u32 v2, v1  }
0xb8: {  	[tilespmem:s16+$0xA60] =	vst v1  }
0xb9: {  	v1 =	vld [tilespmem:s14+$0x670]  }
0xba: {  	v2 =	vld [tilespmem:s15+$0xFFFFFC70]  }
0xbb: {  	v3 =	vld [tilespmem:s14+$0x6F0]  }
0xbc: {  	v58 =	vld [tilespmem:s15+$0xFFFFFCF0]  }
0xbd: {  	v59 =	vld [tilespmem:s15+$0xFFFFFD70]  }
0xbe: {  	v60 =	vld [tilespmem:s14+$0x770]  }
0xbf: {  	v61 =	vld [tilespmem:s15+$0xFFFFFDF0];
	_ =	sdelay $0x1  }
0xc0: {  	v62 =	vld [tilespmem:s14+$0x7F0]  }
0xc1: {  	v2 =	vshll.u32 v2, $0x3;
	v4 =	vshll.u32 v58, $0x3  }
0xc2: {  	v1 =	vshrl.u32 v1, v2;
	v2 =	vshrl.u32 v3, v4;
	v3 =	vshll.u32 v59, $0x3  }
0xc3: {  	v63 =	vshll.u32 v61, $0x3;
	v3 =	vshrl.u32 v60, v3;
	v2 =	vshll.u32 v2, $0x8  }
0xc4: {  	v1 =	vand.u32 $0xFF, v1;
	v2 =	vand.u32 $0xFF00, v2;
	v3 =	vshll.u32 v3, $0x10  }
.Ltmp6:
0xc5: {  	v1 =	vor.u32 v1, v2;
	v2 =	vshrl.u32 v62, v63;
	v3 =	vand.u32 $0xFF0000, v3;
	(pc) =	sbr.rel .LBB2_8-.Ltmp6, $4  }
0xc6: {  	v1 =	vor.u32 v3, v1;
	v2 =	vshll.u32 v2, $0x18  }
0xc7: {  	s29 =	sshrl.u32 s13, $0x2;
	s30 =	sshrl.u32 s13, $0x5;
	v1 =	vor.u32 v2, v1  }
0xc8: {  	s13 =	sadd.s32 s30, s4;
	s31 =	sor.u32 $0xA00, s16;
	s14 =	sand.u32 $0x7, s29;
	[tilespmem:s16+$0xA70] =	vst v1  }
0xc9: {  	[hbm4b:s13+s14] =	stream.linear.scatter [tilespmem:s31], [sflag:$0x4], $0x80, $0x38;
	[tilespmem:$0xB00] =	vst v63  }
.LBB2_10:
0xca: {  	s2 =	simm.s32 $0x4  }
0xcb: {  	_ =	swait.ge [sflag:s2], $0x80  }
0xcc: {  	[sflag:s2] =	ssyncset.done $0x0  }
0xcd: {  	[sflag:s2] =	ssyncadd.s32 $0xFFFFFF80  }
0xce: {  	_ =	sfence.sel $0x180000  }
0xcf: {  	s3 =	simm.s32 $0x2;
	[bflag:$0x0] =	sbarrier.arrive $0xFFFF  }
0xd0: {  	s30 =	simm.s32 $0x3;
	[sflag:s3] =	ssyncpa.u1 $0x1  }
0xd1: {  	[sflag:s30] =	ssyncpa.u1 $0x1  }
0xd2: {  	s31 =	simm.s32 $0x1;
	[sflag:s2] =	ssyncpa.u1 $0x1  }
0xd3: {  	[sflag:s31] =	ssyncpa.u1 $0x1  }
0xd4: {  	p0 =	sne.s32 s1, $0x0;
	_ =	strace $0x9000004D  }
0xd5: {  	s0 =	sadd.s32 @!p0 $0x100000, s0;
	[bflag:$0x2] =	sbarrier.arrive $0xFFFF  }
0xd6: {  	[sflag:s0] =	ssyncadd.tile.s32 @!p0 $0x1;
	_ =	shalt  }
.Lfunc_end2:
_tile_overlayer_lowered:
.L_overlay_start_2:
0xd7: {  	(tag) =	ssettag $0x2  }
0xd8: {  	s0 =	rddreg [dreg:$0x0];
	s2 =	stileid.u32  }
0xd9: {  	s1 =	rddreg [dreg:$0x1];
	p0 =	sne.s32 s2, $0x0  }
0xda: {  	s3 =	rddreg [dreg:$0x2];
	[bflag:$0x3] =	sbarrier.arrive $0xFFFF;
	s2 =	simm.s32 @!p0 $0x1C01  }
0xdb: {  	[timem:s3], [sflag:s2] =	dma.local @!p0 [hbm:s0], s1  }
0xdc: {  	s0 =	simm.s32 @!p0 $0x1  }
0xdd: {  	_ =	swait.ge @!p0 [sflag:s0], s1  }
0xde: {  	s1 =	ssub.s32 @!p0 $0x0, s1;
	[sflag:s0] =	ssyncset.done @!p0 $0x0  }
0xdf: {  	[sflag:s0] =	ssyncadd.s32 @!p0 s1  }
0xe0: {  	[bflag:$0x3] =	sbarrier.arrive $0xFFFF  }
0xe1: {  	_ =	shalt  }

// kernel: kernel.4.cloned.1.call-start
scs
__scs_entry_jumppad:
0x0: {  	(pc) =	sbr.rel $0x88, $3  }
0x1: {  	(tag) =	ssettag $0x0;
	lr =	simm.s32 $0x1  }
0x2: {  	[smem:$0x3F9A] =	sst lr;
	_ =	strace $0xD0000000  }
0x3: {  	_ = 	snop  }
0x4: {  	_ = 	snop  }
0x5: {  	_ = 	snop  }
0x6: {  	_ = 	snop  }
0x7: {  	_ = 	snop  }
__scs_overlays_trampoline_lowered:
0x8: {  	[smem:$0x3FA9] =	sst s0  }
0x9: {  	[smem:$0x3FAA] =	sst s1  }
0xa: {  	[smem:$0x3FAB] =	sst s2  }
0xb: {  	[smem:$0x3FAC] =	sst s3  }
0xc: {  	[smem:$0x3FAD] =	sst s4  }
0xd: {  	[smem:$0x3FAE] =	sst s5  }
0xe: {  	[smem:$0x3FAF] =	sst s6  }
0xf: {  	[smem:$0x3FB0] =	sst s7  }
0x10: {  	[smem:$0x3FB1] =	sst s8  }
0x11: {  	[smem:$0x3FB2] =	sst s9;
	s0 =	simm.s32 @!p0 $0x0  }
0x12: {  	s1 =	sld [smem:$0x3F98];
	s0 =	simm.s32 @p0 $0x1  }
0x13: {  	[smem:$0x3FB3] =	sst s0;
	s0 =	simm.s32 @!p1 $0x0  }
0x14: {  	s2 =	sld [smem:$0x3F97];
	s0 =	simm.s32 @p1 $0x1  }
0x15: {  	[smem:$0x3FB4] =	sst s0;
	s0 =	simm.s32 @!p2 $0x0  }
0x16: {  	s3 =	sld [smem:$0x3FDB];
	s0 =	simm.s32 @p2 $0x1  }
0x17: {  	s4 =	simm.s32 $0x1BF5;
	[smem:$0x3FB6] =	sst s0  }
0x18: {  	s0 =	sld [smem:$0x3F99];
	_ =	swait.ge [sflag:s4], $0x0  }
0x19: {  	s7 =	sld [smem:$0x3F9A]  }
0x1a: {  	s8 =	sadd.s32 $0xFFFFE003, lr  }
0x1b: {  	s9 =	sadd.s32 $0xFFFFFEF7, lr;
	s5 =	simm.s32 $0xFFFFFFFF;
	p2 =	slt.u32 s8, $0xFFFFF086  }
0x1c: {  	p1 =	slt.u32 s9, $0xF7A;
	s5 =	simm.s32 @!p2 $0x0  }
0x1d: {  	s5 =	simm.s32 @p1 $0x1;
	p0 =	seq.s32 s7, s2  }
0x1e: {  	s7 =	smul.u32 @!p0 $0xF7A, s2;
	p2 =	seq.s32 @!p0 s5, $0x0  }
0x1f: {  	s9 =	smul.u32 $0xF7A, s1;
	s8 =	simm.s32 @!p0 $0x1BF5;
	p2 =	por !p2, p0  }
0x20: {  	[sflag:s8] =	ssyncset.s32 @!p0 $0xFFFFF086;
	s6 =	sadd.s32 @!p0 s3, s7;
	s7 =	simm.s32 @!p0 $0x108  }
0x21: {  	s3 =	sadd.s32 s3, s9;
	s6 =	sadd.s32 @!p0 $0x88, s6;
	s7 =	simm.s32 @p2 $0x1082  }
0x22: {  	[simem:s7], [sflag:s8] =	dma.local @!p0 [hbm:s6], $0xF7A  }
0x23: {  	s9 =	sor.u32 $0xD0000000, s2;
	s6 =	simm.s32 $0x108;
	_ =	swait.ge @!p0 [sflag:s8], $0x0  }
0x24: {  	s3 =	sadd.s32 $0x88, s3;
	s6 =	simm.s32 @!p1 $0x1082;
	[sflag:s4] =	ssyncset.s32 $0xFFFFF086  }
0x25: {  	[simem:s6], [sflag:s4] =	dma.local [hbm:s3], $0xF7A  }
0x26: {  	[smem:$0x3F9A] =	sst s1;
	(tag) =	ssettag s2;
	_ =	strace s9  }
0x27: {  	s1 =	sld [smem:$0x3FAA]  }
0x28: {  	s2 =	sld [smem:$0x3FAB]  }
0x29: {  	s4 =	sld [smem:$0x3FAD]  }
0x2a: {  	p0 =	seq.s32 s5, $0x0;
	s5 =	sld [smem:$0x3FAE]  }
0x2b: {  	s6 =	sld [smem:$0x3FAF]  }
0x2c: {  	s7 =	sld [smem:$0x3FB0]  }
0x2d: {  	s3 =	simm.s32 $0x108;
	s8 =	sld [smem:$0x3FB1]  }
0x2e: {  	s3 =	simm.s32 @!p0 $0x1082;
	s9 =	sld [smem:$0x3FB2]  }
0x2f: {  	lr =	sadd.s32 s0, s3;
	s0 =	sld [smem:$0x3FA9]  }
0x30: {  	s3 =	sld [smem:$0x3FAC]  }
0x31: {  	[smem:$0x3FB5] =	sst s10  }
0x32: {  	s10 =	sld [smem:$0x3FB3];
	_ =	sdelay $0x3  }
0x33: {  	p0 =	seq.s32 s10, $0x1;
	s10 =	sld [smem:$0x3FB5];
	_ =	sdelay $0x3  }
0x34: {  	[smem:$0x3FB5] =	sst s10  }
0x35: {  	s10 =	sld [smem:$0x3FB4];
	_ =	sdelay $0x3  }
0x36: {  	p1 =	seq.s32 s10, $0x1;
	s10 =	sld [smem:$0x3FB5];
	_ =	sdelay $0x3  }
0x37: {  	[smem:$0x3FB5] =	sst s10  }
0x38: {  	s10 =	sld [smem:$0x3FB6]  }
0x39: {  	_ = 	snop;
	(pc) =	sbr.ind lr, $3  }
0x3a: {  	_ = 	snop  }
0x3b: {  	_ = 	snop  }
0x3c: {  	p2 =	seq.s32 s10, $0x1;
	s10 =	sld [smem:$0x3FB5]  }
0x3d: {  	_ =	shalt  }
0x3e: {  	_ =	shalt  }
0x3f: {  	_ =	shalt  }
0x40: {  	_ =	shalt  }
0x41: {  	_ =	shalt  }
0x42: {  	_ =	shalt  }
0x43: {  	_ =	shalt  }
0x44: {  	_ =	shalt  }
0x45: {  	_ =	shalt  }
0x46: {  	_ =	shalt  }
0x47: {  	_ =	shalt  }
0x48: {  	_ =	shalt  }
0x49: {  	_ =	shalt  }
0x4a: {  	_ =	shalt  }
0x4b: {  	_ =	shalt  }
0x4c: {  	_ =	shalt  }
0x4d: {  	_ =	shalt  }
0x4e: {  	_ =	shalt  }
0x4f: {  	_ =	shalt  }
0x50: {  	_ =	shalt  }
0x51: {  	_ =	shalt  }
0x52: {  	_ =	shalt  }
0x53: {  	_ =	shalt  }
0x54: {  	_ =	shalt  }
0x55: {  	_ =	shalt  }
0x56: {  	_ =	shalt  }
0x57: {  	_ =	shalt  }
0x58: {  	_ =	shalt  }
0x59: {  	_ =	shalt  }
0x5a: {  	_ =	shalt  }
0x5b: {  	_ =	shalt  }
0x5c: {  	_ =	shalt  }
0x5d: {  	_ =	shalt  }
0x5e: {  	_ =	shalt  }
0x5f: {  	_ =	shalt  }
0x60: {  	_ =	shalt  }
0x61: {  	_ =	shalt  }
0x62: {  	_ =	shalt  }
0x63: {  	_ =	shalt  }
0x64: {  	_ =	shalt  }
0x65: {  	_ =	shalt  }
0x66: {  	_ =	shalt  }
0x67: {  	_ =	shalt  }
0x68: {  	_ =	shalt  }
0x69: {  	_ =	shalt  }
0x6a: {  	_ =	shalt  }
0x6b: {  	_ =	shalt  }
0x6c: {  	_ =	shalt  }
0x6d: {  	_ =	shalt  }
0x6e: {  	_ =	shalt  }
0x6f: {  	_ =	shalt  }
0x70: {  	_ =	shalt  }
0x71: {  	_ =	shalt  }
0x72: {  	_ =	shalt  }
0x73: {  	_ =	shalt  }
0x74: {  	_ =	shalt  }
0x75: {  	_ =	shalt  }
0x76: {  	_ =	shalt  }
0x77: {  	_ =	shalt  }
0x78: {  	_ =	shalt  }
0x79: {  	_ =	shalt  }
0x7a: {  	_ =	shalt  }
0x7b: {  	_ =	shalt  }
0x7c: {  	_ =	shalt  }
0x7d: {  	_ =	shalt  }
0x7e: {  	_ =	shalt  }
0x7f: {  	_ =	shalt  }
0x80: {  	_ =	shalt  }
0x81: {  	_ =	shalt  }
0x82: {  	_ =	shalt  }
0x83: {  	_ =	shalt  }
0x84: {  	_ =	shalt  }
0x85: {  	_ =	shalt  }
0x86: {  	_ =	shalt  }
0x87: {  	_ =	shalt  }
.Lfunc_end0:
.L_simem_size_0:
called_computation.3_lowered:
.L_overlay_start_0:
0x88: {  	s2 =	sld [smem:$0x3FD9]  }
0x89: {  	s3 =	sld [smem:$0x3FFE];
	_ =	sdelay $0x1  }
0x8a: {  	s1 =	srdreg.scid  }
0x8b: {  	s0 =	sand.u32 $0x1, s1  }
0x8c: {  	s14 =	sshll.u32 s0, $0xA;
	s2 =	sadd.s32 s3, s2  }
0x8d: {  	s2 =	sadd.s32 s2, s14  }
0x8e: {  	[smem:$0x3FC1] =	sst s2  }
0x8f: {  	_ = 	snop  }
0x90: {  	s2 =	sld [smem:$0x3FD0];
	_ =	sdelay $0x2  }
0x91: {  	s15 =	simm.s32 $0xA;
	s4 =	simm.s32 $0x10  }
0x92: {  	[smem:s4], [sflag:s15] =	dma.local [hbm:s2], $0x1  }
0x93: {  	_ =	swait.eq [sflag:s15], $0x1  }
0x94: {  	[sflag:s15] =	ssyncset.done $0x0  }
0x95: {  	[sflag:s15] =	ssyncadd.s32 $0xFFFFFFFF  }
0x96: {  	s16 =	sld [smem:$0x10];
	(tm) =	ssettm $0x1  }
0x97: {  	s17 =	sld [smem:$0x3FFB];
	_ =	sdelay $0x3  }
0x98: {  	_ =	strace s17  }
0x99: {  	s3 =	sld [smem:$0x3FFC];
	_ =	sdelay $0x3  }
0x9a: {  	_ =	strace s3  }
0x9b: {  	s3 =	sld [smem:$0x3FFD];
	_ =	sdelay $0x3  }
0x9c: {  	_ =	strace s3  }
0x9d: {  	_ =	strace $0x8FFFFFFF  }
0x9e: {  	s18 =	sld [smem:$0x3FDB];
	_ =	sdelay $0x1  }
0x9f: {  	s19 =	simm.s32 $_scs_section_size  }
0xa0: {  	s5 =	simm.s32 $_size__tile_overlayer_lowered;
	s6 =	simm.s32 $_tile_overlayer_lowered  }
0xa1: {  	s22 =	simm.s32 $0x1BFF;
	s21 =	sshll.u32 s6, $0x1;
	s3 =	sadd.s32 s19, s18  }
0xa2: {  	s7 =	simm.s32 $0x0;
	s20 =	sshll.u32 s5, $0x1;
	s5 =	sadd.s32 s21, s3  }
0xa3: {  	[timem:s7], [sflag:s22] =	dma.local [hbm:s5], s20  }
0xa4: {  	_ =	swait.ge [sflag:s22], s20  }
0xa5: {  	s4 =	ssub.s32 $0x0, s20;
	[sflag:s22] =	ssyncset.done $0x0  }
0xa6: {  	[sflag:s22] =	ssyncadd.s32 s4;
	_ =	sdelay $0x1  }
0xa7: {  	s23 =	simm.s32 $0x1B8B  }
0xa8: {  	_ =	swait.ge [sflag:s23], $0x1  }
0xa9: {  	[sflag:s23] =	ssyncset.done $0x0  }
0xaa: {  	s25 =	simm.s32 $0x1B8E;
	s24 =	sld [smem:$0x3FFE];
	[sflag:s23] =	ssyncadd.s32 $0xFFFFFFFF  }
0xab: {  	s26 =	simm.s32 $execute0_lowered;
	[smem:$0x3FD2] =	sst s25  }
0xac: {  	s5 =	sshll.u32 s26, $0x1;
	_ =	strace $0x80000046;
	[dreg:$0x1] =	wrdreg $0xFFFFFFFF  }
0xad: {  	s28 =	simm.s32 $_size_execute0_lowered;
	s3 =	sadd.s32 s3, s5;
	[dreg:$0x0] =	wrdreg $0x0  }
0xae: {  	s5 =	sshll.u32 s28, $0x1;
	[dreg:$0x2] =	wrdreg s3  }
0xaf: {  	[dreg:$0x3] =	wrdreg s5  }
0xb0: {  	[dreg:$0x4] =	wrdreg $0xC0  }
0xb1: {  	_ =	task [dreg:s7], $0x5FFFF  }
0xb2: {  	[dreg:$0x1] =	wrdreg $0xFFFFFFFF  }
0xb3: {  	[dreg:$0x0] =	wrdreg $0x60  }
0xb4: {  	[dreg:$0x2] =	wrdreg s24  }
0xb5: {  	[dreg:$0x3] =	wrdreg s16  }
0xb6: {  	[dreg:$0x4] =	wrdreg $0x9  }
0xb7: {  	_ =	task.clear_ibuf [dreg:s7], $0x5FFFF;
	_ =	strace $0x90000046  }
0xb8: {  	s29 =	simm.s32 $0x9;
	_ =	strace $0x80000048  }
0xb9: {  	_ =	swait.ge [sflag:s29], $0x1  }
0xba: {  	[sflag:s29] =	ssyncadd.s32 $0xFFFFFFFF  }
0xbb: {  	_ =	strace $0x90000048  }
0xbc: {  	_ =	sfence  }
0xbd: {  	s30 =	sld [smem:$0x0];
	_ =	sdelay $0x2  }
0xbe: {  	s31 =	sshll.u32 s1, $0xD;
	s1 =	sshrl.u32 s1, $0x2  }
0xbf: {  	s3 =	sand.u32 $0x4000, s31;
	s1 =	sadd.s32 s1, s30  }
0xc0: {  	s0 =	sor.u32 s3, s0;
	s1 =	sshll.u32 s1, $0x11  }
0xc1: {  	s0 =	sor.u32 s1, s0  }
0xc2: {  	s0 =	sadd.s32 $0x8F2B, s0  }
0xc3: {  	[sflag:s0] =	ssyncadd.remote.s32 $0x1  }
0xc4: {  	_ =	sfence.sel $0xFFFF  }
0xc5: {  	[dreg:$0x0] =	wrdreg $0xFFFFFFFF;
	(pc) =	sbr.abs _section_cstart, $3  }
0xc6: {  	[dreg:$0x1] =	wrdreg $0xFFFFFFFF  }
0xc7: {  	_ =	task.clear_ibuf [dreg:s7], $0x2FFFF;
	_ =	strace $0x9FFFFFFF  }
0xc8: {  	(tm) =	ssettm $0x7FFFFFFF  }
0xc9: {  	_ =	shalt  }
tec
execute0_lowered:
.L_overlay_start_1:
0x0: {  	(tag) =	ssettag $0x1  }
0x1: {  	v6 =	vlaneseq.u32  }
0x2: {  	v1 =	vmul.u32 $0xC, v6;
	_ =	sdelay $0x1  }
0x3: {  	v0 =	vor.u32 $0x1, v1;
	v2 =	vor.u32 $0x2, v1  }
0x4: {  	v5 =	vadd.s32 $0xC0, v1;
	v9 =	vadd.s32 $0xC1, v1;
	v11 =	vadd.s32 $0xC2, v1  }
0x5: {  	v13 =	vadd.s32 $0x180, v1;
	v14 =	vadd.s32 $0x181, v1;
	v15 =	vadd.s32 $0x182, v1  }
0x6: {  	v16 =	vadd.s32 $0x240, v1;
	v17 =	vadd.s32 $0x241, v1;
	v18 =	vadd.s32 $0x242, v1  }
0x7: {  	v19 =	vor.u32 $0x300, v1;
	v20 =	vor.u32 $0x301, v1;
	v21 =	vor.u32 $0x302, v1  }
0x8: {  	v22 =	vadd.s32 $0x3C0, v1;
	v23 =	vadd.s32 $0x3C1, v1;
	v24 =	vadd.s32 $0x3C2, v1  }
0x9: {  	s1 =	srdreg.scid;
	s4 =	rddreg [dreg:$0x0];
	v25 =	vadd.s32 $0x480, v1;
	v26 =	vadd.s32 $0x481, v1;
	v27 =	vadd.s32 $0x482, v1  }
0xa: {  	s0 =	stileid.u32;
	s7 =	rddreg [dreg:$0x1];
	s2 =	simm.s32 $0x0;
	v28 =	vadd.s32 $0x540, v1;
	v29 =	vadd.s32 $0x541, v1;
	v30 =	vadd.s32 $0x542, v1  }
0xb: {  	s11 =	simm.s32 $0x600;
	s12 =	simm.s32 $0xA00;
	s13 =	simm.s32 $0x680;
	v31 =	vor.u32 $0x3, v1;
	v32 =	vadd.s32 $0x4, v1;
	v33 =	vadd.s32 $0x5, v1  }
0xc: {  	s14 =	simm.s32 $0x4A00;
	s15 =	simm.s32 $0x700;
	s16 =	simm.s32 $0x8A00;
	v34 =	vadd.s32 $0xC3, v1;
	v35 =	vadd.s32 $0xC4, v1;
	v36 =	vadd.s32 $0xC5, v1  }
0xd: {  	s17 =	simm.s32 $0x780;
	s18 =	simm.s32 $0xCA00;
	s19 =	simm.s32 $0x1;
	v37 =	vadd.s32 $0x183, v1;
	v38 =	vadd.s32 $0x184, v1;
	v39 =	vadd.s32 $0x185, v1  }
0xe: {  	s20 =	simm.s32 $0x10A80;
	s5 =	sand.u32 $0x1, s1;
	s1 =	rddreg [dreg:$0x2];
	v40 =	vadd.s32 $0x243, v1;
	v41 =	vadd.s32 $0x244, v1;
	v42 =	vadd.s32 $0x245, v1  }
0xf: {  	s21 =	simm.s32 $0x0;
	s3 =	smul.u32 $0x18000, s0;
	[smem:$0x7FF] =	sst s2;
	v43 =	vor.u32 $0x303, v1;
	v44 =	vadd.s32 $0x304, v1;
	v45 =	vadd.s32 $0x305, v1  }
0x10: {  	s28 =	sshll.u32 s0, $0xA;
	s10 =	sshll.u32 s0, $0xD;
	s6 =	smul.u32 $0xC000, s5;
	v46 =	vadd.s32 $0x3C3, v1;
	v47 =	vadd.s32 $0x3C4, v1;
	v48 =	vadd.s32 $0x3C5, v1  }
0x11: {  	s8 =	sshll.u32 s5, $0x9;
	s29 =	ssub.s32 $0x2, s5;
	s5 =	sshll.u32 s5, $0xC;
	v49 =	vadd.s32 $0x483, v1;
	v50 =	vadd.s32 $0x484, v1;
	v3 =	vadd.s32 $0x308, v1  }
0x12: {  	_ =	strace $0x80000047;
	s30 =	sshrl.u32 s29, $0x1;
	s31 =	sor.u32 s5, s10;
	v51 =	vadd.s32 $0x485, v1;
	v52 =	vadd.s32 $0x543, v1;
	v53 =	vadd.s32 $0x544, v1;
	[tilespmem:$0x1FFA0] =	vst v3  }
0x13: {  	v54 =	vadd.s32 $0x545, v1;
	v55 =	vadd.s32 $0x6, v1;
	v56 =	vadd.s32 $0x7, v1;
	s3 =	sadd.s32 s6, s3;
	s6 =	sor.u32 s8, s28;
	s8 =	sshrl.u32 s31, $0x3;
	[tilespmem:$0x1FFB0] =	vst v0  }
0x14: {  	v58 =	vadd.s32 $0xC6, v1;
	v59 =	vadd.s32 $0xC7, v1;
	v60 =	vadd.s32 $0xC8, v1;
	s10 =	simm.s32 $0x80;
	[tilespmem:$0x1FFC0] =	vst v2;
	s3 =	sshrl.u32 s3, $0x3;
	s7 =	sadd.s32 s8, s7  }
0x15: {  	v61 =	vadd.s32 $0x186, v1;
	v62 =	vadd.s32 $0x187, v1;
	v63 =	vadd.s32 $0x188, v1;
	[tilespmem:$0x1FFD0] =	vst v5;
	s9 =	sadd.s32 s3, s4;
	s3 =	sadd.s32 $0x32600, s4;
	s4 =	sadd.s32 s6, s4  }
0x16: {  	v8 =	vadd.s32 $0x246, v1;
	v4 =	vadd.s32 $0x247, v1;
	v7 =	vadd.s32 $0x248, v1;
	[tilespmem:$0x1FFE0] =	vst v9;
	s8 =	simm.s32 $0x2;
	s6 =	ssub.s32 s29, s30;
	s4 =	sadd.s32 $0x72600, s4  }
0x17: {  	v57 =	vadd.s32 $0x8, v1;
	v10 =	vadd.s32 $0x306, v1;
	v12 =	vadd.s32 $0x307, v1;
	[tilespmem:$0x1FFF0] =	vst v11;
	s5 =	smax.u32 s6, $0x1;
	s6 =	sadd.s32 $0x832600, s9;
	s9 =	simm.s32 $0x10A00  }
.LBB2_1:
0x18: {  	s22 =	simm.s32 $0x10AC0;
	s23 =	smov.u32 s6;
	s24 =	simm.s32 $0x0  }
.LBB2_2:
0x19: {  	[tilespmem:s2], [sflag:$0x2] =	stream.linear.gather [hbm4b:s23+s2], $0x600, $0x38;
	[tilespmem:$0x11A80] =	vst v63  }
0x1a: {  	_ =	swait.ge [sflag:s8], $0x600  }
0x1b: {  	[sflag:s8] =	ssyncset.done $0x0  }
0x1c: {  	s25 =	sadd.s32 s24, s7;
	[sflag:s8] =	ssyncadd.s32 $0xFFFFFA00  }
0x1d: {  	[tilespmem:s9], [sflag:$0x2] =	stream.linear.gather [hbm4b:s25+s2], $0x80, $0x38;
	[tilespmem:$0x11A80] =	vst v63  }
0x1e: {  	_ =	swait.ge [sflag:s8], $0x80  }
0x1f: {  	v0 =	vld [tilespmem:$0x1FFB0]  }
0x20: {  	v2 =	vld [tilespmem:$0x1FFC0];
	_ =	sdelay $0x3  }
0x21: {  	[sflag:s8] =	ssyncset.done $0x0  }
0x22: {  	[sflag:s8] =	ssyncadd.s32 $0xFFFFFF80  }
0x23: {  	v3 =	vld.idx.msk [tilespmem:v1+s2+$0x0], $0xffff  }
0x24: {  	v0 =	vld.idx.msk [tilespmem:v0+s2+$0x0], $0xffff  }
0x25: {  	v2 =	vld.idx.msk [tilespmem:v2+s2+$0x0], $0xffff;
	_ =	sdelay $0x3  }
0x26: {  	v0 =	vshll.u32 v0, $0x7  }
0x27: {  	[tilespmem:$0x800] =	vst v3;
	v0 =	vadd.s32 v2, v0  }
0x28: {  	[tilespmem:$0x600] =	vst v0  }
0x29: {  	v0 =	vld.idx.msk [tilespmem:v9+s2+$0x0], $0xffff  }
0x2a: {  	v2 =	vld.idx.msk [tilespmem:v11+s2+$0x0], $0xffff  }
0x2b: {  	v3 =	vld.idx.msk [tilespmem:v5+s2+$0x0], $0xffff;
	_ =	sdelay $0x3  }
0x2c: {  	v0 =	vshll.u32 v0, $0x7  }
0x2d: {  	[tilespmem:$0x810] =	vst v3;
	v0 =	vadd.s32 v2, v0  }
0x2e: {  	[tilespmem:$0x610] =	vst v0  }
0x2f: {  	v0 =	vld.idx.msk [tilespmem:v14+s2+$0x0], $0xffff  }
0x30: {  	v2 =	vld.idx.msk [tilespmem:v15+s2+$0x0], $0xffff  }
0x31: {  	v3 =	vld.idx.msk [tilespmem:v13+s2+$0x0], $0xffff;
	_ =	sdelay $0x3  }
0x32: {  	v0 =	vshll.u32 v0, $0x7  }
0x33: {  	[tilespmem:$0x820] =	vst v3;
	v0 =	vadd.s32 v2, v0  }
0x34: {  	[tilespmem:$0x620] =	vst v0  }
0x35: {  	v0 =	vld.idx.msk [tilespmem:v17+s2+$0x0], $0xffff  }
0x36: {  	v2 =	vld.idx.msk [tilespmem:v18+s2+$0x0], $0xffff  }
0x37: {  	v3 =	vld.idx.msk [tilespmem:v16+s2+$0x0], $0xffff;
	_ =	sdelay $0x3  }
0x38: {  	v0 =	vshll.u32 v0, $0x7  }
0x39: {  	[tilespmem:$0x830] =	vst v3;
	v0 =	vadd.s32 v2, v0  }
0x3a: {  	[tilespmem:$0x630] =	vst v0  }
0x3b: {  	v0 =	vld.idx.msk [tilespmem:v20+s2+$0x0], $0xffff  }
0x3c: {  	v2 =	vld.idx.msk [tilespmem:v21+s2+$0x0], $0xffff  }
0x3d: {  	v3 =	vld.idx.msk [tilespmem:v19+s2+$0x0], $0xffff;
	_ =	sdelay $0x3  }
0x3e: {  	v0 =	vshll.u32 v0, $0x7  }
0x3f: {  	[tilespmem:$0x840] =	vst v3;
	v0 =	vadd.s32 v2, v0  }
0x40: {  	[tilespmem:$0x640] =	vst v0  }
0x41: {  	v0 =	vld.idx.msk [tilespmem:v23+s2+$0x0], $0xffff  }
0x42: {  	v2 =	vld.idx.msk [tilespmem:v24+s2+$0x0], $0xffff  }
0x43: {  	v3 =	vld.idx.msk [tilespmem:v22+s2+$0x0], $0xffff;
	_ =	sdelay $0x3  }
0x44: {  	v0 =	vshll.u32 v0, $0x7  }
0x45: {  	[tilespmem:$0x850] =	vst v3;
	v0 =	vadd.s32 v2, v0  }
0x46: {  	[tilespmem:$0x650] =	vst v0  }
0x47: {  	v0 =	vld.idx.msk [tilespmem:v26+s2+$0x0], $0xffff  }
0x48: {  	v2 =	vld.idx.msk [tilespmem:v27+s2+$0x0], $0xffff  }
0x49: {  	v3 =	vld.idx.msk [tilespmem:v25+s2+$0x0], $0xffff;
	_ =	sdelay $0x3  }
0x4a: {  	v0 =	vshll.u32 v0, $0x7  }
0x4b: {  	[tilespmem:$0x860] =	vst v3;
	v0 =	vadd.s32 v2, v0  }
0x4c: {  	[tilespmem:$0x660] =	vst v0  }
0x4d: {  	v0 =	vld.idx.msk [tilespmem:v29+s2+$0x0], $0xffff  }
0x4e: {  	v2 =	vld.idx.msk [tilespmem:v30+s2+$0x0], $0xffff  }
0x4f: {  	v3 =	vld.idx.msk [tilespmem:v28+s2+$0x0], $0xffff;
	_ =	sdelay $0x3  }
0x50: {  	v0 =	vshll.u32 v0, $0x7  }
0x51: {  	[tilespmem:$0x870] =	vst v3;
	v0 =	vadd.s32 v2, v0  }
0x52: {  	[tilespmem:$0x670] =	vst v0  }
0x53: {  	v0 =	vld.idx.msk [tilespmem:v32+s2+$0x0], $0xffff  }
0x54: {  	v2 =	vld.idx.msk [tilespmem:v33+s2+$0x0], $0xffff  }
0x55: {  	v3 =	vld.idx.msk [tilespmem:v31+s2+$0x0], $0xffff;
	_ =	sdelay $0x3  }
0x56: {  	v0 =	vshll.u32 v0, $0x7  }
0x57: {  	[tilespmem:$0x880] =	vst v3;
	v0 =	vadd.s32 v2, v0  }
0x58: {  	[tilespmem:$0x680] =	vst v0  }
0x59: {  	v0 =	vld.idx.msk [tilespmem:v35+s2+$0x0], $0xffff  }
0x5a: {  	v2 =	vld.idx.msk [tilespmem:v36+s2+$0x0], $0xffff  }
0x5b: {  	v3 =	vld.idx.msk [tilespmem:v34+s2+$0x0], $0xffff;
	_ =	sdelay $0x3  }
0x5c: {  	v0 =	vshll.u32 v0, $0x7  }
0x5d: {  	[tilespmem:$0x890] =	vst v3;
	v0 =	vadd.s32 v2, v0  }
0x5e: {  	[tilespmem:$0x690] =	vst v0  }
0x5f: {  	v0 =	vld.idx.msk [tilespmem:v38+s2+$0x0], $0xffff  }
0x60: {  	v2 =	vld.idx.msk [tilespmem:v39+s2+$0x0], $0xffff  }
0x61: {  	v3 =	vld.idx.msk [tilespmem:v37+s2+$0x0], $0xffff;
	_ =	sdelay $0x3  }
0x62: {  	v0 =	vshll.u32 v0, $0x7  }
0x63: {  	[tilespmem:$0x8A0] =	vst v3;
	v0 =	vadd.s32 v2, v0  }
0x64: {  	[tilespmem:$0x6A0] =	vst v0  }
0x65: {  	v0 =	vld.idx.msk [tilespmem:v41+s2+$0x0], $0xffff  }
0x66: {  	v2 =	vld.idx.msk [tilespmem:v42+s2+$0x0], $0xffff  }
0x67: {  	v3 =	vld.idx.msk [tilespmem:v40+s2+$0x0], $0xffff;
	_ =	sdelay $0x3  }
0x68: {  	v0 =	vshll.u32 v0, $0x7  }
0x69: {  	[tilespmem:$0x8B0] =	vst v3;
	v0 =	vadd.s32 v2, v0  }
0x6a: {  	[tilespmem:$0x6B0] =	vst v0  }
0x6b: {  	v0 =	vld.idx.msk [tilespmem:v44+s2+$0x0], $0xffff  }
0x6c: {  	v2 =	vld.idx.msk [tilespmem:v45+s2+$0x0], $0xffff  }
0x6d: {  	v3 =	vld.idx.msk [tilespmem:v43+s2+$0x0], $0xffff;
	_ =	sdelay $0x3  }
0x6e: {  	v0 =	vshll.u32 v0, $0x7  }
0x6f: {  	[tilespmem:$0x8C0] =	vst v3;
	v0 =	vadd.s32 v2, v0  }
0x70: {  	[tilespmem:$0x6C0] =	vst v0  }
0x71: {  	v0 =	vld.idx.msk [tilespmem:v47+s2+$0x0], $0xffff  }
0x72: {  	v2 =	vld.idx.msk [tilespmem:v48+s2+$0x0], $0xffff  }
0x73: {  	v3 =	vld.idx.msk [tilespmem:v46+s2+$0x0], $0xffff;
	_ =	sdelay $0x3  }
0x74: {  	v0 =	vshll.u32 v0, $0x7  }
0x75: {  	[tilespmem:$0x8D0] =	vst v3;
	v0 =	vadd.s32 v2, v0  }
0x76: {  	[tilespmem:$0x6D0] =	vst v0  }
0x77: {  	v0 =	vld.idx.msk [tilespmem:v50+s2+$0x0], $0xffff  }
0x78: {  	v2 =	vld.idx.msk [tilespmem:v51+s2+$0x0], $0xffff  }
0x79: {  	v3 =	vld.idx.msk [tilespmem:v49+s2+$0x0], $0xffff;
	_ =	sdelay $0x3  }
0x7a: {  	v0 =	vshll.u32 v0, $0x7  }
0x7b: {  	[tilespmem:$0x8E0] =	vst v3;
	v0 =	vadd.s32 v2, v0  }
0x7c: {  	[tilespmem:$0x6E0] =	vst v0  }
0x7d: {  	v0 =	vld.idx.msk [tilespmem:v53+s2+$0x0], $0xffff  }
0x7e: {  	v2 =	vld.idx.msk [tilespmem:v54+s2+$0x0], $0xffff  }
0x7f: {  	v3 =	vld.idx.msk [tilespmem:v52+s2+$0x0], $0xffff;
	_ =	sdelay $0x3  }
0x80: {  	v0 =	vshll.u32 v0, $0x7  }
0x81: {  	[tilespmem:$0x8F0] =	vst v3;
	v0 =	vadd.s32 v2, v0  }
0x82: {  	[tilespmem:$0x6F0] =	vst v0  }
0x83: {  	v0 =	vld.idx.msk [tilespmem:v56+s2+$0x0], $0xffff  }
0x84: {  	v2 =	vld.idx.msk [tilespmem:v57+s2+$0x0], $0xffff  }
0x85: {  	v3 =	vld.idx.msk [tilespmem:v55+s2+$0x0], $0xffff;
	_ =	sdelay $0x3  }
0x86: {  	v0 =	vshll.u32 v0, $0x7  }
0x87: {  	[tilespmem:$0x900] =	vst v3;
	v0 =	vadd.s32 v2, v0  }
0x88: {  	[tilespmem:$0x700] =	vst v0  }
0x89: {  	v0 =	vld.idx.msk [tilespmem:v59+s2+$0x0], $0xffff  }
0x8a: {  	v2 =	vld.idx.msk [tilespmem:v60+s2+$0x0], $0xffff  }
0x8b: {  	v3 =	vld.idx.msk [tilespmem:v58+s2+$0x0], $0xffff;
	_ =	sdelay $0x3  }
0x8c: {  	v0 =	vshll.u32 v0, $0x7  }
0x8d: {  	[tilespmem:$0x910] =	vst v3;
	v0 =	vadd.s32 v2, v0  }
0x8e: {  	[tilespmem:$0x710] =	vst v0  }
0x8f: {  	v0 =	vld.idx.msk [tilespmem:v62+s2+$0x0], $0xffff  }
0x90: {  	v2 =	vld.idx.msk [tilespmem:v63+s2+$0x0], $0xffff  }
0x91: {  	v3 =	vld.idx.msk [tilespmem:v61+s2+$0x0], $0xffff;
	_ =	sdelay $0x3  }
0x92: {  	v0 =	vshll.u32 v0, $0x7  }
0x93: {  	[tilespmem:$0x920] =	vst v3;
	v0 =	vadd.s32 v2, v0  }
0x94: {  	[tilespmem:$0x720] =	vst v0  }
0x95: {  	v0 =	vld.idx.msk [tilespmem:v4+s2+$0x0], $0xffff  }
0x96: {  	v2 =	vld.idx.msk [tilespmem:v7+s2+$0x0], $0xffff;
	_ =	sdelay $0x3  }
0x97: {  	v3 =	vld.idx.msk [tilespmem:v8+s2+$0x0], $0xffff;
	v0 =	vshll.u32 v0, $0x7  }
0x98: {  	v0 =	vadd.s32 v2, v0;
	v2 =	vld [tilespmem:$0x1FFA0];
	_ =	sdelay $0x4  }
0x99: {  	[tilespmem:$0x930] =	vst v3  }
0x9a: {  	[tilespmem:$0x730] =	vst v0  }
0x9b: {  	v0 =	vld.idx.msk [tilespmem:v12+s2+$0x0], $0xffff  }
0x9c: {  	v2 =	vld.idx.msk [tilespmem:v2+s2+$0x0], $0xffff;
	_ =	sdelay $0x1  }
0x9d: {  	v3 =	vld.idx.msk [tilespmem:v10+s2+$0x0], $0xffff  }
0x9e: {  	v9 =	vmov v4;
	v4 =	vadd.s32 $0x3C7, v1  }
0x9f: {  	v5 =	vadd.s32 $0x3C8, v1;
	v0 =	vshll.u32 v0, $0x7  }
0xa0: {  	v0 =	vadd.s32 v2, v0  }
0xa1: {  	[tilespmem:$0x740] =	vst v0;
	v0 =	vadd.s32 $0x3C6, v1  }
0xa2: {  	[tilespmem:$0x940] =	vst v3  }
0xa3: {  	v2 =	vld.idx.msk [tilespmem:v4+s2+$0x0], $0xffff  }
0xa4: {  	v3 =	vld.idx.msk [tilespmem:v5+s2+$0x0], $0xffff;
	_ =	sdelay $0x1  }
0xa5: {  	v0 =	vld.idx.msk [tilespmem:v0+s2+$0x0], $0xffff  }
0xa6: {  	v4 =	vadd.s32 $0x487, v1  }
0xa7: {  	v5 =	vadd.s32 $0x488, v1;
	v2 =	vshll.u32 v2, $0x7  }
0xa8: {  	v2 =	vadd.s32 v3, v2  }
0xa9: {  	[tilespmem:$0x750] =	vst v2;
	v2 =	vadd.s32 $0x486, v1  }
0xaa: {  	[tilespmem:$0x950] =	vst v0  }
0xab: {  	v0 =	vld.idx.msk [tilespmem:v4+s2+$0x0], $0xffff  }
0xac: {  	v3 =	vld.idx.msk [tilespmem:v5+s2+$0x0], $0xffff;
	_ =	sdelay $0x1  }
0xad: {  	v2 =	vld.idx.msk [tilespmem:v2+s2+$0x0], $0xffff  }
0xae: {  	v4 =	vadd.s32 $0x547, v1  }
0xaf: {  	v5 =	vadd.s32 $0x548, v1;
	v0 =	vshll.u32 v0, $0x7  }
0xb0: {  	v0 =	vadd.s32 v3, v0  }
0xb1: {  	[tilespmem:$0x760] =	vst v0;
	v0 =	vadd.s32 $0x546, v1  }
0xb2: {  	[tilespmem:$0x960] =	vst v2  }
0xb3: {  	v2 =	vld.idx.msk [tilespmem:v4+s2+$0x0], $0xffff  }
0xb4: {  	v3 =	vld.idx.msk [tilespmem:v5+s2+$0x0], $0xffff;
	_ =	sdelay $0x1  }
0xb5: {  	v0 =	vld.idx.msk [tilespmem:v0+s2+$0x0], $0xffff  }
0xb6: {  	v4 =	vadd.s32 $0xA, v1  }
0xb7: {  	v5 =	vadd.s32 $0xB, v1;
	v2 =	vshll.u32 v2, $0x7  }
0xb8: {  	v2 =	vadd.s32 v3, v2  }
0xb9: {  	[tilespmem:$0x770] =	vst v2;
	v2 =	vadd.s32 $0x9, v1  }
0xba: {  	[tilespmem:$0x970] =	vst v0  }
0xbb: {  	v0 =	vld.idx.msk [tilespmem:v4+s2+$0x0], $0xffff  }
0xbc: {  	v3 =	vld.idx.msk [tilespmem:v5+s2+$0x0], $0xffff;
	_ =	sdelay $0x1  }
0xbd: {  	v2 =	vld.idx.msk [tilespmem:v2+s2+$0x0], $0xffff  }
0xbe: {  	v4 =	vadd.s32 $0xCA, v1  }
0xbf: {  	v5 =	vadd.s32 $0xCB, v1;
	v0 =	vshll.u32 v0, $0x7  }
0xc0: {  	v0 =	vadd.s32 v3, v0  }
0xc1: {  	[tilespmem:$0x780] =	vst v0;
	v0 =	vadd.s32 $0xC9, v1  }
0xc2: {  	[tilespmem:$0x980] =	vst v2  }
0xc3: {  	v2 =	vld.idx.msk [tilespmem:v4+s2+$0x0], $0xffff  }
0xc4: {  	v3 =	vld.idx.msk [tilespmem:v5+s2+$0x0], $0xffff;
	_ =	sdelay $0x1  }
0xc5: {  	v0 =	vld.idx.msk [tilespmem:v0+s2+$0x0], $0xffff  }
0xc6: {  	v4 =	vadd.s32 $0x18A, v1  }
0xc7: {  	v5 =	vadd.s32 $0x18B, v1;
	v2 =	vshll.u32 v2, $0x7  }
0xc8: {  	v2 =	vadd.s32 v3, v2  }
0xc9: {  	[tilespmem:$0x790] =	vst v2;
	v2 =	vadd.s32 $0x189, v1  }
0xca: {  	[tilespmem:$0x990] =	vst v0  }
0xcb: {  	v0 =	vld.idx.msk [tilespmem:v4+s2+$0x0], $0xffff  }
0xcc: {  	v3 =	vld.idx.msk [tilespmem:v5+s2+$0x0], $0xffff;
	_ =	sdelay $0x1  }
0xcd: {  	v2 =	vld.idx.msk [tilespmem:v2+s2+$0x0], $0xffff  }
0xce: {  	v4 =	vadd.s32 $0x24A, v1  }
0xcf: {  	v5 =	vadd.s32 $0x24B, v1;
	v0 =	vshll.u32 v0, $0x7  }
0xd0: {  	v0 =	vadd.s32 v3, v0  }
0xd1: {  	[tilespmem:$0x7A0] =	vst v0;
	v0 =	vadd.s32 $0x249, v1  }
0xd2: {  	[tilespmem:$0x9A0] =	vst v2  }
0xd3: {  	v2 =	vld.idx.msk [tilespmem:v4+s2+$0x0], $0xffff  }
0xd4: {  	v3 =	vld.idx.msk [tilespmem:v5+s2+$0x0], $0xffff;
	_ =	sdelay $0x1  }
0xd5: {  	v0 =	vld.idx.msk [tilespmem:v0+s2+$0x0], $0xffff  }
0xd6: {  	v4 =	vadd.s32 $0x30A, v1  }
0xd7: {  	v5 =	vadd.s32 $0x30B, v1;
	v2 =	vshll.u32 v2, $0x7  }
0xd8: {  	v2 =	vadd.s32 v3, v2  }
0xd9: {  	[tilespmem:$0x7B0] =	vst v2;
	v2 =	vadd.s32 $0x309, v1  }
0xda: {  	[tilespmem:$0x9B0] =	vst v0  }
0xdb: {  	v0 =	vld.idx.msk [tilespmem:v4+s2+$0x0], $0xffff  }
0xdc: {  	v3 =	vld.idx.msk [tilespmem:v5+s2+$0x0], $0xffff;
	_ =	sdelay $0x1  }
0xdd: {  	v2 =	vld.idx.msk [tilespmem:v2+s2+$0x0], $0xffff  }
0xde: {  	v4 =	vadd.s32 $0x3CA, v1  }
0xdf: {  	v5 =	vadd.s32 $0x3CB, v1;
	v0 =	vshll.u32 v0, $0x7  }
0xe0: {  	v0 =	vadd.s32 v3, v0  }
0xe1: {  	[tilespmem:$0x7C0] =	vst v0;
	v0 =	vadd.s32 $0x3C9, v1  }
0xe2: {  	[tilespmem:$0x9C0] =	vst v2  }
0xe3: {  	v2 =	vld.idx.msk [tilespmem:v4+s2+$0x0], $0xffff  }
0xe4: {  	v3 =	vld.idx.msk [tilespmem:v5+s2+$0x0], $0xffff;
	_ =	sdelay $0x1  }
0xe5: {  	v0 =	vld.idx.msk [tilespmem:v0+s2+$0x0], $0xffff  }
0xe6: {  	v4 =	vadd.s32 $0x48A, v1  }
0xe7: {  	v5 =	vadd.s32 $0x48B, v1;
	v2 =	vshll.u32 v2, $0x7  }
0xe8: {  	v2 =	vadd.s32 v3, v2  }
0xe9: {  	[tilespmem:$0x7D0] =	vst v2;
	v2 =	vadd.s32 $0x489, v1  }
0xea: {  	[tilespmem:$0x9D0] =	vst v0  }
0xeb: {  	v0 =	vld.idx.msk [tilespmem:v4+s2+$0x0], $0xffff  }
0xec: {  	v3 =	vld.idx.msk [tilespmem:v5+s2+$0x0], $0xffff;
	_ =	sdelay $0x1  }
0xed: {  	v2 =	vld.idx.msk [tilespmem:v2+s2+$0x0], $0xffff  }
0xee: {  	v4 =	vadd.s32 $0x54A, v1  }
0xef: {  	v5 =	vadd.s32 $0x54B, v1;
	v0 =	vshll.u32 v0, $0x7  }
0xf0: {  	v0 =	vadd.s32 v3, v0  }
0xf1: {  	[tilespmem:$0x7E0] =	vst v0;
	v0 =	vadd.s32 $0x549, v1  }
0xf2: {  	[tilespmem:$0x9E0] =	vst v2  }
0xf3: {  	v2 =	vld.idx.msk [tilespmem:v4+s2+$0x0], $0xffff  }
0xf4: {  	v3 =	vld.idx.msk [tilespmem:v5+s2+$0x0], $0xffff;
	_ =	sdelay $0x1  }
0xf5: {  	v0 =	vld.idx.msk [tilespmem:v0+s2+$0x0], $0xffff;
	_ =	sdelay $0x1  }
0xf6: {  	v2 =	vshll.u32 v2, $0x7  }
0xf7: {  	v2 =	vadd.s32 v3, v2  }
0xf8: {  	[tilespmem:$0x7F0] =	vst v2  }
0xf9: {  	[tilespmem:$0x9F0] =	vst v0  }
0xfa: {  	[tilespmem:s12], [sflag:$0x1] =	stream.indirect.gather [hbm4b:s3+s10], $0x80, s11, s10, $0xb8;
	[tilespmem:$0x11A80] =	vst v63  }
0xfb: {  	_ = 	snop  }
0xfc: {  	[tilespmem:s14], [sflag:$0x1] =	stream.indirect.gather [hbm4b:s3+s10], $0x80, s13, s10, $0xb8;
	[tilespmem:$0x11A80] =	vst v63  }
0xfd: {  	_ = 	snop  }
0xfe: {  	[tilespmem:s16], [sflag:$0x1] =	stream.indirect.gather [hbm4b:s3+s10], $0x80, s15, s10, $0xb8;
	[tilespmem:$0x11A80] =	vst v63  }
0xff: {  	_ = 	snop  }
0x100: {  	[tilespmem:s18], [sflag:$0x1] =	stream.indirect.gather [hbm4b:s3+s10], $0x80, s17, s10, $0xb8;
	[tilespmem:$0x11A80] =	vst v63  }
0x101: {  	_ =	swait.ge [sflag:s19], $0x4000  }
0x102: {  	[sflag:s19] =	ssyncset.done $0x0  }
0x103: {  	[sflag:s19] =	ssyncadd.s32 $0xFFFFC000  }
0x104: {  	_ =	swait.ge [sflag:s19], $0x4000  }
0x105: {  	[sflag:s19] =	ssyncset.done $0x0  }
0x106: {  	[sflag:s19] =	ssyncadd.s32 $0xFFFFC000  }
0x107: {  	_ =	swait.ge [sflag:s19], $0x4000  }
0x108: {  	[sflag:s19] =	ssyncset.done $0x0  }
0x109: {  	[sflag:s19] =	ssyncadd.s32 $0xFFFFC000  }
0x10a: {  	_ =	swait.ge [sflag:s19], $0x4000  }
0x10b: {  	[sflag:s19] =	ssyncset.done $0x0  }
0x10c: {  	[sflag:s19] =	ssyncadd.s32 $0xFFFFC000  }
0x10d: {  	v2 =	vld [tilespmem:$0x800];
	_ =	sdelay $0x1  }
0x10e: {  	v3 =	vld [tilespmem:$0x880]  }
0x10f: {  	v0 =	vmul.u32 $0x80, v6  }
0x110: {  	v4 =	vld [tilespmem:$0x900]  }
0x111: {  	v2 =	vadd.s32 v0, v2  }
0x112: {  	v5 =	vor.u32 $0x4000, v0;
	v6 =	vld [tilespmem:$0x980]  }
0x113: {  	v3 =	vadd.s32 v5, v3  }
0x114: {  	v5 =	vor.u32 $0x8000, v0  }
0x115: {  	v11 =	vmov v8;
	v8 =	vmov v7;
	v7 =	vld [tilespmem:$0x10A00];
	v4 =	vadd.s32 v5, v4  }
0x116: {  	v5 =	vor.u32 $0xC000, v0;
	v2 =	vld.idx.msk [tilespmem:v2+s12+$0x0], $0xffff  }
0x117: {  	v5 =	vadd.s32 v5, v6  }
0x118: {  	v3 =	vld.idx.msk [tilespmem:v3+s12+$0x0], $0xffff;
	_ =	sdelay $0x1  }
0x119: {  	v4 =	vld.idx.msk [tilespmem:v4+s12+$0x0], $0xffff  }
0x11a: {  	v2 =	vmul.f32 v2, v7  }
0x11b: {  	v5 =	vld.idx.msk [tilespmem:v5+s12+$0x0], $0xffff  }
0x11c: {  	v2 =	vmul.f32 v3, v2;
	_ =	sdelay $0x1  }
0x11d: {  	v2 =	vmul.f32 v4, v2;
	_ =	sdelay $0x1  }
0x11e: {  	v2 =	vmul.f32 v5, v2;
	_ =	sdelay $0x1  }
0x11f: {  	[tilespmem:s22+$0xFFFFFFC0] =	vst v2  }
0x120: {  	v2 =	vld [tilespmem:$0x810];
	_ =	sdelay $0x1  }
0x121: {  	v3 =	vld [tilespmem:$0x890];
	_ =	sdelay $0x1  }
0x122: {  	v4 =	vor.u32 $0x800, v0;
	v5 =	vld [tilespmem:$0x910]  }
0x123: {  	v2 =	vadd.s32 v4, v2  }
0x124: {  	v6 =	vld [tilespmem:$0x990];
	v4 =	vor.u32 $0x4800, v0  }
0x125: {  	v3 =	vadd.s32 v4, v3  }
0x126: {  	v4 =	vor.u32 $0x8800, v0  }
0x127: {  	v7 =	vld [tilespmem:$0x10A10];
	v4 =	vadd.s32 v4, v5  }
0x128: {  	v5 =	vor.u32 $0xC800, v0;
	v2 =	vld.idx.msk [tilespmem:v2+s12+$0x0], $0xffff  }
0x129: {  	v5 =	vadd.s32 v5, v6  }
0x12a: {  	v3 =	vld.idx.msk [tilespmem:v3+s12+$0x0], $0xffff;
	_ =	sdelay $0x1  }
0x12b: {  	v4 =	vld.idx.msk [tilespmem:v4+s12+$0x0], $0xffff  }
0x12c: {  	v2 =	vmul.f32 v2, v7  }
0x12d: {  	v5 =	vld.idx.msk [tilespmem:v5+s12+$0x0], $0xffff  }
0x12e: {  	v2 =	vmul.f32 v3, v2;
	_ =	sdelay $0x1  }
0x12f: {  	v2 =	vmul.f32 v4, v2;
	_ =	sdelay $0x1  }
0x130: {  	v2 =	vmul.f32 v5, v2;
	_ =	sdelay $0x1  }
0x131: {  	[tilespmem:s22+$0xFFFFFFD0] =	vst v2  }
0x132: {  	v2 =	vld [tilespmem:$0x820];
	_ =	sdelay $0x1  }
0x133: {  	v3 =	vld [tilespmem:$0x8A0];
	_ =	sdelay $0x1  }
0x134: {  	v4 =	vor.u32 $0x1000, v0;
	v5 =	vld [tilespmem:$0x920]  }
0x135: {  	v2 =	vadd.s32 v4, v2  }
0x136: {  	v6 =	vld [tilespmem:$0x9A0];
	v4 =	vor.u32 $0x5000, v0  }
0x137: {  	v3 =	vadd.s32 v4, v3  }
0x138: {  	v4 =	vor.u32 $0x9000, v0  }
0x139: {  	v7 =	vld [tilespmem:$0x10A20];
	v4 =	vadd.s32 v4, v5  }
0x13a: {  	v5 =	vor.u32 $0xD000, v0;
	v2 =	vld.idx.msk [tilespmem:v2+s12+$0x0], $0xffff  }
0x13b: {  	v5 =	vadd.s32 v5, v6  }
0x13c: {  	v3 =	vld.idx.msk [tilespmem:v3+s12+$0x0], $0xffff;
	_ =	sdelay $0x1  }
0x13d: {  	v4 =	vld.idx.msk [tilespmem:v4+s12+$0x0], $0xffff  }
0x13e: {  	v2 =	vmul.f32 v2, v7  }
0x13f: {  	v5 =	vld.idx.msk [tilespmem:v5+s12+$0x0], $0xffff  }
0x140: {  	v2 =	vmul.f32 v3, v2;
	_ =	sdelay $0x1  }
0x141: {  	v2 =	vmul.f32 v4, v2;
	_ =	sdelay $0x1  }
0x142: {  	v2 =	vmul.f32 v5, v2;
	_ =	sdelay $0x1  }
0x143: {  	[tilespmem:s22+$0xFFFFFFE0] =	vst v2  }
0x144: {  	v2 =	vld [tilespmem:$0x830];
	_ =	sdelay $0x1  }
0x145: {  	v3 =	vld [tilespmem:$0x8B0];
	_ =	sdelay $0x1  }
0x146: {  	v4 =	vor.u32 $0x1800, v0;
	v5 =	vld [tilespmem:$0x930]  }
0x147: {  	v2 =	vadd.s32 v4, v2  }
0x148: {  	v6 =	vld [tilespmem:$0x9B0];
	v4 =	vor.u32 $0x5800, v0  }
0x149: {  	v3 =	vadd.s32 v4, v3  }
0x14a: {  	v4 =	vor.u32 $0x9800, v0  }
0x14b: {  	v7 =	vld [tilespmem:$0x10A30];
	v4 =	vadd.s32 v4, v5  }
0x14c: {  	v5 =	vor.u32 $0xD800, v0;
	v2 =	vld.idx.msk [tilespmem:v2+s12+$0x0], $0xffff  }
0x14d: {  	v5 =	vadd.s32 v5, v6  }
0x14e: {  	v3 =	vld.idx.msk [tilespmem:v3+s12+$0x0], $0xffff;
	_ =	sdelay $0x1  }
0x14f: {  	v4 =	vld.idx.msk [tilespmem:v4+s12+$0x0], $0xffff  }
0x150: {  	v2 =	vmul.f32 v2, v7  }
0x151: {  	v5 =	vld.idx.msk [tilespmem:v5+s12+$0x0], $0xffff  }
0x152: {  	v2 =	vmul.f32 v3, v2;
	_ =	sdelay $0x1  }
0x153: {  	v2 =	vmul.f32 v4, v2;
	_ =	sdelay $0x1  }
0x154: {  	v2 =	vmul.f32 v5, v2;
	_ =	sdelay $0x1  }
0x155: {  	[tilespmem:s22+$0xFFFFFFF0] =	vst v2  }
0x156: {  	v2 =	vld [tilespmem:$0x840];
	_ =	sdelay $0x1  }
0x157: {  	v3 =	vld [tilespmem:$0x8C0];
	_ =	sdelay $0x1  }
0x158: {  	v4 =	vor.u32 $0x2000, v0;
	v5 =	vld [tilespmem:$0x940]  }
0x159: {  	v2 =	vadd.s32 v4, v2  }
0x15a: {  	v6 =	vld [tilespmem:$0x9C0];
	v4 =	vor.u32 $0x6000, v0  }
0x15b: {  	v3 =	vadd.s32 v4, v3  }
0x15c: {  	v4 =	vor.u32 $0xA000, v0  }
0x15d: {  	v7 =	vld [tilespmem:$0x10A40];
	v4 =	vadd.s32 v4, v5  }
0x15e: {  	v5 =	vor.u32 $0xE000, v0;
	v2 =	vld.idx.msk [tilespmem:v2+s12+$0x0], $0xffff  }
0x15f: {  	v5 =	vadd.s32 v5, v6  }
0x160: {  	v3 =	vld.idx.msk [tilespmem:v3+s12+$0x0], $0xffff;
	_ =	sdelay $0x1  }
0x161: {  	v4 =	vld.idx.msk [tilespmem:v4+s12+$0x0], $0xffff  }
0x162: {  	v2 =	vmul.f32 v2, v7  }
0x163: {  	v5 =	vld.idx.msk [tilespmem:v5+s12+$0x0], $0xffff  }
0x164: {  	v2 =	vmul.f32 v3, v2;
	_ =	sdelay $0x1  }
0x165: {  	v2 =	vmul.f32 v4, v2;
	_ =	sdelay $0x1  }
0x166: {  	v2 =	vmul.f32 v5, v2;
	_ =	sdelay $0x1  }
0x167: {  	[tilespmem:s22+$0x0] =	vst v2  }
0x168: {  	v2 =	vld [tilespmem:$0x850];
	_ =	sdelay $0x1  }
0x169: {  	v3 =	vld [tilespmem:$0x8D0];
	_ =	sdelay $0x1  }
0x16a: {  	v4 =	vor.u32 $0x2800, v0;
	v5 =	vld [tilespmem:$0x950]  }
0x16b: {  	v2 =	vadd.s32 v4, v2  }
0x16c: {  	v6 =	vld [tilespmem:$0x9D0];
	v4 =	vor.u32 $0x6800, v0  }
0x16d: {  	v3 =	vadd.s32 v4, v3  }
0x16e: {  	v4 =	vor.u32 $0xA800, v0  }
0x16f: {  	v7 =	vld [tilespmem:$0x10A50];
	v4 =	vadd.s32 v4, v5  }
0x170: {  	v5 =	vor.u32 $0xE800, v0;
	v2 =	vld.idx.msk [tilespmem:v2+s12+$0x0], $0xffff  }
0x171: {  	v5 =	vadd.s32 v5, v6  }
0x172: {  	v3 =	vld.idx.msk [tilespmem:v3+s12+$0x0], $0xffff;
	_ =	sdelay $0x1  }
0x173: {  	v4 =	vld.idx.msk [tilespmem:v4+s12+$0x0], $0xffff  }
0x174: {  	v2 =	vmul.f32 v2, v7  }
0x175: {  	v5 =	vld.idx.msk [tilespmem:v5+s12+$0x0], $0xffff  }
0x176: {  	v2 =	vmul.f32 v3, v2;
	_ =	sdelay $0x1  }
0x177: {  	v2 =	vmul.f32 v4, v2;
	_ =	sdelay $0x1  }
0x178: {  	v2 =	vmul.f32 v5, v2;
	_ =	sdelay $0x1  }
0x179: {  	[tilespmem:s22+$0x10] =	vst v2  }
0x17a: {  	v2 =	vld [tilespmem:$0x860];
	_ =	sdelay $0x1  }
0x17b: {  	v3 =	vld [tilespmem:$0x8E0];
	_ =	sdelay $0x1  }
0x17c: {  	v4 =	vor.u32 $0x3000, v0;
	v5 =	vld [tilespmem:$0x960]  }
0x17d: {  	v2 =	vadd.s32 v4, v2  }
0x17e: {  	v6 =	vld [tilespmem:$0x9E0];
	v4 =	vor.u32 $0x7000, v0  }
0x17f: {  	v3 =	vadd.s32 v4, v3  }
0x180: {  	v4 =	vor.u32 $0xB000, v0  }
0x181: {  	v7 =	vld [tilespmem:$0x10A60];
	v4 =	vadd.s32 v4, v5  }
0x182: {  	v5 =	vor.u32 $0xF000, v0;
	v2 =	vld.idx.msk [tilespmem:v2+s12+$0x0], $0xffff  }
0x183: {  	v5 =	vadd.s32 v5, v6  }
0x184: {  	v3 =	vld.idx.msk [tilespmem:v3+s12+$0x0], $0xffff;
	_ =	sdelay $0x1  }
0x185: {  	v4 =	vld.idx.msk [tilespmem:v4+s12+$0x0], $0xffff  }
0x186: {  	v2 =	vmul.f32 v2, v7  }
0x187: {  	v5 =	vld.idx.msk [tilespmem:v5+s12+$0x0], $0xffff  }
0x188: {  	v2 =	vmul.f32 v3, v2;
	_ =	sdelay $0x1  }
0x189: {  	v2 =	vmul.f32 v4, v2;
	_ =	sdelay $0x1  }
0x18a: {  	v2 =	vmul.f32 v5, v2;
	_ =	sdelay $0x1  }
0x18b: {  	[tilespmem:s22+$0x20] =	vst v2  }
0x18c: {  	v2 =	vld [tilespmem:$0x870];
	_ =	sdelay $0x1  }
0x18d: {  	v3 =	vld [tilespmem:$0x8F0];
	_ =	sdelay $0x1  }
0x18e: {  	v4 =	vor.u32 $0x3800, v0;
	v5 =	vld [tilespmem:$0x970]  }
0x18f: {  	v2 =	vadd.s32 v4, v2  }
0x190: {  	v6 =	vld [tilespmem:$0x9F0];
	v4 =	vor.u32 $0x7800, v0  }
0x191: {  	v3 =	vadd.s32 v4, v3  }
0x192: {  	v4 =	vor.u32 $0xB800, v0  }
0x193: {  	v4 =	vadd.s32 v4, v5;
	v5 =	vld [tilespmem:$0x10A70]  }
0x194: {  	v0 =	vor.u32 $0xF800, v0;
	v2 =	vld.idx.msk [tilespmem:v2+s12+$0x0], $0xffff  }
0x195: {  	v0 =	vadd.s32 v0, v6  }
0x196: {  	v3 =	vld.idx.msk [tilespmem:v3+s12+$0x0], $0xffff;
	_ =	sdelay $0x1  }
0x197: {  	v4 =	vld.idx.msk [tilespmem:v4+s12+$0x0], $0xffff  }
0x198: {  	v2 =	vmul.f32 v2, v5  }
0x199: {  	v0 =	vld.idx.msk [tilespmem:v0+s12+$0x0], $0xffff  }
0x19a: {  	v2 =	vmul.f32 v3, v2  }
0x19b: {  	p0 =	sne.s32 s24, $0x1F0  }
.Ltmp0:
0x19c: {  	v2 =	vmul.f32 v4, v2;
	(pc) =	sbr.rel @p0 .LBB2_2-.Ltmp0, $4  }
0x19d: {  	_ = 	snop  }
0x19e: {  	v7 =	vmov v8;
	v8 =	vmov v11;
	v11 =	vld [tilespmem:$0x1FFF0];
	v0 =	vmul.f32 v0, v2  }
0x19f: {  	v5 =	vld [tilespmem:$0x1FFD0]  }
0x1a0: {  	s23 =	sadd.s32 $0xC0, s23;
	s24 =	sadd.s32 $0x10, s24;
	v6 =	vlaneseq.u32;
	v4 =	vmov v9;
	v9 =	vld [tilespmem:$0x1FFE0];
	[tilespmem:s22+$0x30] =	vst v0;
	s22 =	sadd.s32 $0x80, s22  }
0x1a1: {  	s21 =	sadd.s32 $0x1, s21  }
0x1a2: {  	p0 =	sne.s32 s21, s5  }
.Ltmp1:
0x1a3: {  	_ = 	snop;
	(pc) =	sbr.rel @p0 .LBB2_1-.Ltmp1, $4  }
0x1a4: {  	[hbm4b:s4+s2] =	stream.linear.scatter [tilespmem:s20], [sflag:$0x2], $0x1000, $0x38;
	[tilespmem:$0x11A80] =	vst v63  }
0x1a5: {  	_ =	swait.ge [sflag:s8], $0x1000  }
0x1a6: {  	[sflag:s8] =	ssyncset.done $0x0  }
0x1a7: {  	[sflag:s8] =	ssyncadd.s32 $0xFFFFF000  }
0x1a8: {  	_ =	sfence.sel $0x180000  }
0x1a9: {  	[bflag:$0x0] =	sbarrier.arrive $0xFFFF  }
0x1aa: {  	p0 =	sne.s32 s0, $0x0;
	_ =	strace $0x90000047  }
0x1ab: {  	s0 =	sadd.s32 @!p0 $0x100000, s1;
	[bflag:$0x2] =	sbarrier.arrive $0xFFFF  }
0x1ac: {  	[sflag:s0] =	ssyncadd.tile.s32 @!p0 $0x1;
	_ =	shalt  }
.Lfunc_end2:
_tile_overlayer_lowered:
.L_overlay_start_2:
0x1ad: {  	(tag) =	ssettag $0x2  }
0x1ae: {  	s0 =	rddreg [dreg:$0x0];
	s2 =	stileid.u32  }
0x1af: {  	s1 =	rddreg [dreg:$0x1];
	p0 =	sne.s32 s2, $0x0  }
0x1b0: {  	s3 =	rddreg [dreg:$0x2];
	[bflag:$0x3] =	sbarrier.arrive $0xFFFF;
	s2 =	simm.s32 @!p0 $0x1C02  }
0x1b1: {  	[timem:s3], [sflag:s2] =	dma.local @!p0 [hbm:s0], s1  }
0x1b2: {  	s0 =	simm.s32 @!p0 $0x2  }
0x1b3: {  	_ =	swait.ge @!p0 [sflag:s0], s1  }
0x1b4: {  	s1 =	ssub.s32 @!p0 $0x0, s1;
	[sflag:s0] =	ssyncset.done @!p0 $0x0  }
0x1b5: {  	[sflag:s0] =	ssyncadd.s32 @!p0 s1  }
0x1b6: {  	[bflag:$0x3] =	sbarrier.arrive $0xFFFF  }
0x1b7: {  	_ =	shalt  }

</sc_bundles>
